<compile_context>
chip_gen: v7x
topology: tpu7x:2x2x1
jax: 0.10.2.dev20260603
libtpu: 0.0.44.dev20260713+nightly
codegen_flags: <defaults>
</compile_context>

<pallas_src>
import functools

import jax
import jax.numpy as jnp
from jax import lax
from jax.experimental import pallas as pl
from jax.experimental.pallas import tpu as pltpu
from jax.experimental.pallas import tpu_sc as plsc

N = 10000
NP = 10240
E = 320000
D_IN = 128
HID = 256
HALF = 128

EC = 128
SUP = 2
NSUP = (E // EC) // SUP
NSUB = 16
RPS = NP // NSUB
BLK = 16
NBLK = 10
CPS = BLK * NBLK
EP = CPS * NSUB * EC
CHT = EP // EC

_MESH = plsc.VectorSubcoreMesh(core_axis_name="c", subcore_axis_name="s")


@functools.partial(
    pl.kernel,
    out_type=(
        jax.ShapeDtypeStruct((NP, HALF), jnp.float32),
        jax.ShapeDtypeStruct((NP, HALF), jnp.float32),
        jax.ShapeDtypeStruct((NP, HALF), jnp.float32),
        jax.ShapeDtypeStruct((NP, HALF), jnp.float32),
    ),
    mesh=_MESH,
    scratch_types=(
        pltpu.VMEM((SUP, 2, EC), jnp.int32),
        pltpu.VMEM((SUP * EC, HALF), jnp.float32),
        pltpu.VMEM_SHARED((NP, HALF), jnp.float32),
        pltpu.SemaphoreType.DMA,
    ),
)
def _sc_layer(hs_l, hs_r, ha_l, ha_r, sd_sa, sd_as, zrows,
              agg_a_l, agg_a_r, agg_s_l, agg_s_r, idx_v, rows_v, acc, gsem):
    c = lax.axis_index("c")
    s = lax.axis_index("s")
    slab = pl.ds(s * RPS, RPS)

    def accumulate(tab, sd3d):
        def step(i, carry):
            base = (i * NSUB + s) * SUP
            pltpu.sync_copy(sd3d.at[pl.ds(base, SUP)], idx_v)
            cps = [
                pltpu.async_copy(tab.at[idx_v.at[j, 0]],
                                 rows_v.at[pl.ds(j * EC, EC)], gsem)
                for j in range(SUP)
            ]
            for cp in cps:
                cp.wait()
            for j in range(SUP):
                pltpu.sync_copy(rows_v.at[pl.ds(j * EC, EC)],
                                acc.at[idx_v.at[j, 1]], add=True)
            return carry

        lax.fori_loop(0, (NSUP - s + NSUB - 1) // NSUB, step, 0)

    def phase(tab_l, tab_r, sd3d, out_l, out_r):
        pltpu.sync_copy(zrows, acc.at[slab])
        plsc.subcore_barrier()

        @pl.when(c == 0)
        def _():
            accumulate(tab_l, sd3d)

        @pl.when(c == 1)
        def _():
            accumulate(tab_r, sd3d)

        plsc.subcore_barrier()

        @pl.when(c == 0)
        def _():
            pltpu.sync_copy(acc.at[slab], out_l.at[slab])

        @pl.when(c == 1)
        def _():
            pltpu.sync_copy(acc.at[slab], out_r.at[slab])

    phase(hs_l, hs_r, sd_sa, agg_a_l, agg_a_r)
    phase(ha_l, ha_r, sd_as, agg_s_l, agg_s_r)


@functools.partial(
    pl.kernel,
    out_type=(
        jax.ShapeDtypeStruct((NP, HALF), jnp.float32),
        jax.ShapeDtypeStruct((NP, HALF), jnp.float32),
    ),
    mesh=_MESH,
    scratch_types=(
        pltpu.VMEM((BLK, EC), jnp.int32),
        pltpu.VMEM((EC, HALF), jnp.float32),
        pltpu.VMEM_SHARED((NP, HALF), jnp.float32),
        pltpu.SemaphoreType.DMA,
    ),
)
def _sc_edge_counts(dst_sa, dst_as, zcnt, ones_hbm,
                    cnt_a, cnt_s, di_blk, ones_v, csh, sem):
    c = lax.axis_index("c")
    s = lax.axis_index("s")
    slab = pl.ds(s * RPS, RPS)
    pltpu.sync_copy(ones_hbm, ones_v)
    pltpu.sync_copy(zcnt, csh.at[slab])
    plsc.subcore_barrier()

    def accumulate(dst2d):
        def block(bi, carry):
            base = (s * NBLK + bi) * BLK
            pltpu.sync_copy(dst2d.at[pl.ds(base, BLK)], di_blk)
            cs = [pltpu.async_copy(ones_v, csh.at[di_blk.at[k]], sem,
                                   add=True)
                  for k in range(BLK)]
            for cp in cs:
                cp.wait()
            return carry

        lax.fori_loop(0, NBLK, block, 0)

    @pl.when(c == 0)
    def _():
        accumulate(dst_sa)

    @pl.when(c == 1)
    def _():
        accumulate(dst_as)

    plsc.subcore_barrier()

    @pl.when(c == 0)
    def _():
        pltpu.sync_copy(csh.at[slab], cnt_a.at[slab])

    @pl.when(c == 1)
    def _():
        pltpu.sync_copy(csh.at[slab], cnt_s.at[slab])


_B = 2048


def _dot(a, b):
    return jnp.dot(a.astype(jnp.bfloat16), b.astype(jnp.bfloat16),
                   preferred_element_type=jnp.float32)


def _inproj_body(x_ref, w_ref, b_ref, ol_ref, or_ref):
    h = jnp.maximum(_dot(x_ref[...], w_ref[...]) + b_ref[...], 0.0)
    ol_ref[...] = h[:, :HALF]
    or_ref[...] = h[:, HALF:]


_inproj = pl.pallas_call(
    _inproj_body,
    grid=(NP // _B,),
    in_specs=[
        pl.BlockSpec((_B, D_IN), lambda i: (i, 0)),
        pl.BlockSpec((D_IN, HID), lambda i: (0, 0)),
        pl.BlockSpec((1, HID), lambda i: (0, 0)),
    ],
    out_specs=[
        pl.BlockSpec((_B, HALF), lambda i: (i, 0)),
        pl.BlockSpec((_B, HALF), lambda i: (i, 0)),
    ],
    out_shape=[
        jax.ShapeDtypeStruct((NP, HALF), jnp.float32),
        jax.ShapeDtypeStruct((NP, HALF), jnp.float32),
    ],
)


def _combine_body(al_ref, ar_ref, cnt_ref, hl_ref, hr_ref,
                  wl_ref, bl_ref, wr_ref, g_ref, b_ref, ol_ref, or_ref):
    agg = jnp.concatenate([al_ref[...], ar_ref[...]], axis=1)
    h = jnp.concatenate([hl_ref[...], hr_ref[...]], axis=1)
    mean = agg / jnp.maximum(cnt_ref[...][:, :1], 1.0)
    new = _dot(mean, wl_ref[...]) + _dot(h, wr_ref[...]) + bl_ref[...]
    m = jnp.mean(new, axis=1, keepdims=True)
    v = jnp.mean((new - m) * (new - m), axis=1, keepdims=True)
    y = (new - m) / jnp.sqrt(v + 1e-5) * g_ref[...] + b_ref[...]
    y = jnp.maximum(y, 0.0)
    ol_ref[...] = y[:, :HALF]
    or_ref[...] = y[:, HALF:]


_combine = pl.pallas_call(
    _combine_body,
    grid=(NP // _B,),
    in_specs=[
        pl.BlockSpec((_B, HALF), lambda i: (i, 0)),
        pl.BlockSpec((_B, HALF), lambda i: (i, 0)),
        pl.BlockSpec((_B, HALF), lambda i: (i, 0)),
        pl.BlockSpec((_B, HALF), lambda i: (i, 0)),
        pl.BlockSpec((_B, HALF), lambda i: (i, 0)),
        pl.BlockSpec((HID, HID), lambda i: (0, 0)),
        pl.BlockSpec((1, HID), lambda i: (0, 0)),
        pl.BlockSpec((HID, HID), lambda i: (0, 0)),
        pl.BlockSpec((1, HID), lambda i: (0, 0)),
        pl.BlockSpec((1, HID), lambda i: (0, 0)),
    ],
    out_specs=[
        pl.BlockSpec((_B, HALF), lambda i: (i, 0)),
        pl.BlockSpec((_B, HALF), lambda i: (i, 0)),
    ],
    out_shape=[
        jax.ShapeDtypeStruct((NP, HALF), jnp.float32),
        jax.ShapeDtypeStruct((NP, HALF), jnp.float32),
    ],
)


def _head_body(hl_ref, hr_ref, w_ref, bias_ref, hid_ref, pred_ref):
    h = jnp.concatenate([hl_ref[...], hr_ref[...]], axis=1)
    hid_ref[...] = h
    wrow = jnp.reshape(w_ref[...], (1, HID))
    h16 = h.astype(jnp.bfloat16).astype(jnp.float32)
    w16 = wrow.astype(jnp.bfloat16).astype(jnp.float32)
    pred_ref[...] = (jnp.sum(h16 * w16, axis=1, keepdims=True)
                     + bias_ref[...])


_head = pl.pallas_call(
    _head_body,
    grid=(NP // _B,),
    in_specs=[
        pl.BlockSpec((_B, HALF), lambda i: (i, 0)),
        pl.BlockSpec((_B, HALF), lambda i: (i, 0)),
        pl.BlockSpec((HID, 1), lambda i: (0, 0)),
        pl.BlockSpec((1, 1), lambda i: (0, 0)),
    ],
    out_specs=[
        pl.BlockSpec((_B, HID), lambda i: (i, 0)),
        pl.BlockSpec((_B, 1), lambda i: (i, 0)),
    ],
    out_shape=[
        jax.ShapeDtypeStruct((NP, HID), jnp.float32),
        jax.ShapeDtypeStruct((NP, 1), jnp.float32),
    ],
)


def kernel(x_assignments, x_students, edge_index_sa, edge_index_as, params):
    p = params

    def pad_idx(e, fill):
        return jnp.concatenate(
            [e, jnp.full((EP - E,), fill, jnp.int32)]).reshape(CHT, EC)

    sd_sa = jnp.stack([edge_index_sa[0].reshape(E // EC, EC),
                       edge_index_sa[1].reshape(E // EC, EC)], axis=1)
    sd_as = jnp.stack([edge_index_as[0].reshape(E // EC, EC),
                       edge_index_as[1].reshape(E // EC, EC)], axis=1)
    dst_sa_p = pad_idx(edge_index_sa[1], NP - 1)
    dst_as_p = pad_idx(edge_index_as[1], NP - 1)

    zrows = jnp.zeros((RPS, HALF), jnp.float32)
    zcnt = jnp.zeros((RPS, HALF), jnp.float32)
    ones16 = jnp.ones((EC, HALF), jnp.float32)

    xa = jnp.pad(x_assignments, ((0, NP - N), (0, 0)))
    xs = jnp.pad(x_students, ((0, NP - N), (0, 0)))
    ha_l, ha_r = _inproj(xa, p['in_W_a'], p['in_b_a'].reshape(1, HID))
    hs_l, hs_r = _inproj(xs, p['in_W_s'], p['in_b_s'].reshape(1, HID))

    cnt_a, cnt_s = _sc_edge_counts(dst_sa_p, dst_as_p, zcnt, ones16)

    for lp in p['layers']:
        agg_a_l, agg_a_r, agg_s_l, agg_s_r = _sc_layer(
            hs_l, hs_r, ha_l, ha_r, sd_sa, sd_as, zrows)
        ha_l, ha_r = _combine(agg_a_l, agg_a_r, cnt_a, ha_l, ha_r,
                              lp['sa_Wl'], lp['sa_bl'].reshape(1, HID),
                              lp['sa_Wr'], lp['ln_a_g'].reshape(1, HID),
                              lp['ln_a_b'].reshape(1, HID))
        hs_l, hs_r = _combine(agg_s_l, agg_s_r, cnt_s, hs_l, hs_r,
                              lp['as_Wl'], lp['as_bl'].reshape(1, HID),
                              lp['as_Wr'], lp['ln_s_g'].reshape(1, HID),
                              lp['ln_s_b'].reshape(1, HID))

    bias = (p['out_b'][0] + p['base']).reshape(1, 1)
    hidden, pred = _head(ha_l, ha_r, p['out_W'], bias)
    return (hidden[:N], pred[:N, 0])

# --- scband reference (transcript-rebuilt; emitter-appended) ---
"""Pipeline reference for scband-hetero-sageregressor-last-hidden-82265803587698 (READ-ONLY COPY).

The authoritative reference and input builder live on the scoring server;
editing this copy changes nothing except your own understanding.
"""

import jax, jax.numpy as jnp
import numpy as np

N_A = 10000
N_S = 10000
E = 320000
D_IN = 128
HID = 256
NUM_LAYERS = 2


def setup_inputs(seed: int = 0) -> dict:
    key = jax.random.key(seed)
    c = [0]

    def rnd(shape, scale=0.05):
        c[0] += 1
        return jax.random.normal(jax.random.fold_in(key, c[0]), shape, dtype=jnp.float32) * scale

    def rint(shape, hi):
        c[0] += 1
        return jax.random.randint(jax.random.fold_in(key, c[0]), shape, 0, hi, dtype=jnp.int32)

    x_assignments = rnd((N_A, D_IN), 1.0)
    x_students = rnd((N_S, D_IN), 1.0)
    edge_index_sa = jnp.stack([rint((E,), N_S), rint((E,), N_A)])  # students -> assignments
    edge_index_as = jnp.stack([rint((E,), N_A), rint((E,), N_S)])  # assignments -> students

    layers = []
    for _ in range(NUM_LAYERS):
        layers.append({
            'sa_Wl': rnd((HID, HID)), 'sa_bl': jnp.zeros((HID,), jnp.float32), 'sa_Wr': rnd((HID, HID)),
            'as_Wl': rnd((HID, HID)), 'as_bl': jnp.zeros((HID,), jnp.float32), 'as_Wr': rnd((HID, HID)),
            'ln_a_g': jnp.ones((HID,), jnp.float32), 'ln_a_b': jnp.zeros((HID,), jnp.float32),
            'ln_s_g': jnp.ones((HID,), jnp.float32), 'ln_s_b': jnp.zeros((HID,), jnp.float32),
        })
    params = {
        'in_W_a': rnd((D_IN, HID)), 'in_b_a': jnp.zeros((HID,), jnp.float32),
        'in_W_s': rnd((D_IN, HID)), 'in_b_s': jnp.zeros((HID,), jnp.float32),
        'layers': layers,
        'out_W': rnd((HID, 1)), 'out_b': jnp.zeros((1,), jnp.float32),
        'base': jnp.zeros((), jnp.float32),
    }
    return {'x_assignments': x_assignments, 'x_students': x_students,
            'edge_index_sa': edge_index_sa, 'edge_index_as': edge_index_as,
            'params': params}


def _layer_norm(v, g, b):
    m = jnp.mean(v, axis=-1, keepdims=True)
    var = jnp.var(v, axis=-1, keepdims=True)
    return (v - m) / jnp.sqrt(var + 1e-5) * g + b


def _sage_conv(x_src, x_dst, edge_index, Wl, bl, Wr, n_dst):
    src = edge_index[0]
    dst = edge_index[1]
    msg = jnp.take(x_src, src, axis=0)
    agg = jax.ops.segment_sum(msg, dst, num_segments=n_dst)
    cnt = jax.ops.segment_sum(jnp.ones((edge_index.shape[1],), jnp.float32), dst, num_segments=n_dst)
    mean = agg / jnp.maximum(cnt, 1.0)[:, None]
    return mean @ Wl + bl + x_dst @ Wr


def reference(x_assignments, x_students, edge_index_sa, edge_index_as, params):
    h_a = jax.nn.relu(x_assignments @ params['in_W_a'] + params['in_b_a'])
    h_s = jax.nn.relu(x_students @ params['in_W_s'] + params['in_b_s'])
    for lp in params['layers']:
        new_a = _sage_conv(h_s, h_a, edge_index_sa, lp['sa_Wl'], lp['sa_bl'], lp['sa_Wr'], N_A)
        new_s = _sage_conv(h_a, h_s, edge_index_as, lp['as_Wl'], lp['as_bl'], lp['as_Wr'], N_S)
        h_a = jax.nn.relu(_layer_norm(new_a, lp['ln_a_g'], lp['ln_a_b']))
        h_s = jax.nn.relu(_layer_norm(new_s, lp['ln_s_g'], lp['ln_s_b']))
    last_hidden = h_a
    pred = params['base'] + (last_hidden @ params['out_W'] + params['out_b'])[:, 0]
    return (last_hidden, pred)

if __name__ == "__main__":
    import jax
    _d = setup_inputs()
    print(jax.jit(kernel)(*tuple(_d.values())))

</pallas_src>

<mosaic_0001>
#map = affine_map<(d0, d1) -> (0, 0)>
#map1 = affine_map<(d0, d1) -> (0, 0, 0)>
module attributes {stable_mosaic.version = 14 : i64} {
  func.func @_sc_layer(%arg0: i32, %arg1: i32, %arg2: memref<10240x128xf32, #tpu.memory_space<hbm>>, %arg3: memref<10240x128xf32, #tpu.memory_space<hbm>>, %arg4: memref<10240x128xf32, #tpu.memory_space<hbm>>, %arg5: memref<10240x128xf32, #tpu.memory_space<hbm>>, %arg6: memref<2500x2x128xi32, #tpu.memory_space<hbm>>, %arg7: memref<2500x2x128xi32, #tpu.memory_space<hbm>>, %arg8: memref<640x128xf32, #tpu.memory_space<hbm>>, %arg9: memref<10240x128xf32, #tpu.memory_space<hbm>>, %arg10: memref<10240x128xf32, #tpu.memory_space<hbm>>, %arg11: memref<10240x128xf32, #tpu.memory_space<hbm>>, %arg12: memref<10240x128xf32, #tpu.memory_space<hbm>>, %arg13: memref<2x2x128xi32, #tpu.memory_space<vmem>>, %arg14: memref<256x128xf32, #tpu.memory_space<vmem>>, %arg15: memref<10240x128xf32, #tpu.memory_space<vmem_shared>>, %arg16: memref<!tpu.dma_semaphore, #tpu.memory_space<semaphore_mem>>) attributes {dimension_semantics = [#tpu.dimension_semantics<core_parallel>, #tpu.dimension_semantics<subcore_parallel>], iteration_bounds = array<i64: 2, 16>, scalar_prefetch = 0 : i64, scratch_operands = 4 : i64, tpu.core_type = #tpu.core_type<sc_vector_subcore>, window_params = [{transform_indices = #map}, {transform_indices = #map}, {transform_indices = #map}, {transform_indices = #map}, {transform_indices = #map1}, {transform_indices = #map1}, {transform_indices = #map}, {transform_indices = #map}, {transform_indices = #map}, {transform_indices = #map}, {transform_indices = #map}]} {
    %mul3A = arith.constant 640 : i32
    %mul3A_0 = arith.muli %arg1, %mul3A : i32
    "tpu.region"() ({
      %run_scoped3A = tpu.sem_alloc : memref<!tpu.dma_semaphore, #tpu.memory_space<semaphore_mem>>
      %dma_start3A = arith.constant 0 : i32
      %dma_start3A_41 = tpu.memref_slice %arg15[%mul3A_0, %dma_start3A] : memref<10240x128xf32, #tpu.memory_space<vmem_shared>> -> memref<640x128xf32, #tpu.memory_space<vmem_shared>>
      tpu.enqueue_dma source(%arg8 : memref<640x128xf32, #tpu.memory_space<hbm>>) target(%dma_start3A_41 : memref<640x128xf32, #tpu.memory_space<vmem_shared>>) target_semaphore(%run_scoped3A : memref<!tpu.dma_semaphore, #tpu.memory_space<semaphore_mem>>)
      %dma_wait3A = arith.constant 0 : i32
      %dma_wait3A_42 = tpu.memref_slice %arg15[%mul3A_0, %dma_wait3A] : memref<10240x128xf32, #tpu.memory_space<vmem_shared>> -> memref<640x128xf32, #tpu.memory_space<vmem_shared>>
      tpu.wait_dma2 semaphore(%run_scoped3A : memref<!tpu.dma_semaphore, #tpu.memory_space<semaphore_mem>>) src(%arg8 : memref<640x128xf32, #tpu.memory_space<hbm>>) dst(%dma_wait3A_42 : memref<640x128xf32, #tpu.memory_space<vmem_shared>>)
      tpu.yield
    }) : () -> ()
    %barrier3A = arith.constant 0 : index
    tpu.barrier barrier_id(%barrier3A)
    %eq3A = arith.constant 0 : i32
    %eq3A_1 = arith.cmpi eq, %arg0, %eq3A : i32
    %convert_element_type3A = arith.extui %eq3A_1 : i1 to i32
    %cond3A = arith.constant 0 : i32
    %cond3A_2 = arith.cmpi ne, %convert_element_type3A, %cond3A : i32
    scf.if %cond3A_2 {
      %sub3A = arith.constant 1250 : i32
      %sub3A_41 = arith.subi %sub3A, %arg1 : i32
      %add3A = arith.constant 16 : i32
      %add3A_42 = arith.addi %sub3A_41, %add3A : i32
      %sub3A_43 = arith.constant 1 : i32
      %sub3A_44 = arith.subi %add3A_42, %sub3A_43 : i32
      %jit3A = arith.constant 16 : i32
      %div3A = arith.divsi %sub3A_44, %jit3A : i32
      %sign3A = arith.constant 0 : i32
      %sign3A_45 = arith.cmpi sgt, %sub3A_44, %sign3A : i32
      %sign3A_46 = arith.extui %sign3A_45 : i1 to i32
      %sign3A_47 = arith.constant 0 : i32
      %sign3A_48 = arith.cmpi slt, %sub3A_44, %sign3A_47 : i32
      %sign3A_49 = arith.extui %sign3A_48 : i1 to i32
      %sign3A_50 = arith.subi %sign3A_46, %sign3A_49 : i32
      %sign3A_51 = arith.constant 0 : i32
      %sign3A_52 = arith.cmpi sgt, %jit3A, %sign3A_51 : i32
      %sign3A_53 = arith.extui %sign3A_52 : i1 to i32
      %sign3A_54 = arith.constant 0 : i32
      %sign3A_55 = arith.cmpi slt, %jit3A, %sign3A_54 : i32
      %sign3A_56 = arith.extui %sign3A_55 : i1 to i32
      %sign3A_57 = arith.subi %sign3A_53, %sign3A_56 : i32
      %ne3A = arith.cmpi ne, %sign3A_50, %sign3A_57 : i32
      %rem3A = arith.remsi %sub3A_44, %jit3A : i32
      %ne3A_58 = arith.constant 0 : i32
      %ne3A_59 = arith.cmpi ne, %rem3A, %ne3A_58 : i32
      %and3A = arith.andi %ne3A, %ne3A_59 : i1
      %sub3A_60 = arith.constant 1 : i32
      %sub3A_61 = arith.subi %div3A, %sub3A_60 : i32
      %select_n3A = arith.select %and3A, %sub3A_61, %div3A : i32
      %while3A = arith.constant 0 : i32
      %while3A_62 = arith.constant 0 : i32
      %while3A_63 = arith.subi %select_n3A, %while3A_62 : i32
      %while3A_64 = arith.addi %while3A_62, %while3A_63 : i32
      %while3A_65 = arith.constant 1 : i32
      %while3A_66 = arith.divsi %while3A_63, %while3A_65 : i32
      %while3A_67 = arith.muli %while3A_66, %while3A_65 : i32
      %while3A_68 = arith.addi %while3A_62, %while3A_67 : i32
      %while3A_69 = arith.constant 1 : i32
      scf.for %while3A_71 = %while3A_62 to %while3A_68 step %while3A_69  : i32 {
        %mul3A_72 = arith.constant 16 : i32
        %mul3A_73 = arith.muli %while3A_71, %mul3A_72 : i32
        %add3A_74 = arith.addi %mul3A_73, %arg1 : i32
        %mul3A_75 = arith.constant 2 : i32
        %mul3A_76 = arith.muli %add3A_74, %mul3A_75 : i32
        "tpu.region"() ({
          %run_scoped3A_122 = tpu.sem_alloc : memref<!tpu.dma_semaphore, #tpu.memory_space<semaphore_mem>>
          %dma_start3A_123 = arith.constant 0 : i32
          %dma_start3A_124 = arith.constant 0 : i32
          %dma_start3A_125 = tpu.memref_slice %arg6[%mul3A_76, %dma_start3A_123, %dma_start3A_124] : memref<2500x2x128xi32, #tpu.memory_space<hbm>> -> memref<2x2x128xi32, #tpu.memory_space<hbm>>
          %dma_start3A_126 = arith.constant 0 : i32
          %dma_start3A_127 = arith.constant 0 : i32
          %dma_start3A_128 = tpu.memref_slice %arg6[%mul3A_76, %dma_start3A_126, %dma_start3A_127] : memref<2500x2x128xi32, #tpu.memory_space<hbm>> -> memref<2x2x128xi32, #tpu.memory_space<hbm>>
          tpu.enqueue_dma source(%dma_start3A_128 : memref<2x2x128xi32, #tpu.memory_space<hbm>>) target(%arg13 : memref<2x2x128xi32, #tpu.memory_space<vmem>>) target_semaphore(%run_scoped3A_122 : memref<!tpu.dma_semaphore, #tpu.memory_space<semaphore_mem>>)
          %dma_wait3A_129 = arith.constant 0 : i32
          %dma_wait3A_130 = arith.constant 0 : i32
          %dma_wait3A_131 = tpu.memref_slice %arg6[%mul3A_76, %dma_wait3A_129, %dma_wait3A_130] : memref<2500x2x128xi32, #tpu.memory_space<hbm>> -> memref<2x2x128xi32, #tpu.memory_space<hbm>>
          %dma_wait3A_132 = arith.constant 0 : i32
          %dma_wait3A_133 = arith.constant 0 : i32
          %dma_wait3A_134 = tpu.memref_slice %arg6[%mul3A_76, %dma_wait3A_132, %dma_wait3A_133] : memref<2500x2x128xi32, #tpu.memory_space<hbm>> -> memref<2x2x128xi32, #tpu.memory_space<hbm>>
          tpu.wait_dma2 semaphore(%run_scoped3A_122 : memref<!tpu.dma_semaphore, #tpu.memory_space<semaphore_mem>>) src(%dma_wait3A_134 : memref<2x2x128xi32, #tpu.memory_space<hbm>>) dst(%arg13 : memref<2x2x128xi32, #tpu.memory_space<vmem>>)
          tpu.yield
        }) : () -> ()
        %dma_start3A = arith.constant 0 : i32
        %dma_start3A_77 = arith.constant 0 : i32
        %dma_start3A_78 = arith.constant 0 : i32
        %dma_start3A_79 = arith.constant 0 : i32
        %dma_start3A_80 = tpu.memref_slice %arg14[%dma_start3A_78, %dma_start3A_79] : memref<256x128xf32, #tpu.memory_space<vmem>> -> memref<128x128xf32, #tpu.memory_space<vmem>>
        %dma_start3A_81 = arith.constant 0 : i32
        %dma_start3A_82 = tpu.memref_slice %arg13[%dma_start3A, %dma_start3A_77, %dma_start3A_81] : memref<2x2x128xi32, #tpu.memory_space<vmem>> -> memref<1x1x128xi32, #tpu.memory_space<vmem>>
        %dma_start3A_83 = tpu.memref_squeeze %dma_start3A_82 : memref<1x1x128xi32, #tpu.memory_space<vmem>> -> memref<128xi32, #tpu.memory_space<vmem>>
        %dma_start3A_84 = arith.constant 0 : i32
        %dma_start3A_85 = arith.constant 0 : i32
        %dma_start3A_86 = tpu.memref_slice %arg2[%dma_start3A_84, %dma_start3A_85] : memref<10240x128xf32, #tpu.memory_space<hbm>> -> memref<10240x128xf32, #tpu.memory_space<hbm>>
        tpu.enqueue_indirect_dma source(%dma_start3A_86 : memref<10240x128xf32, #tpu.memory_space<hbm>>) target(%dma_start3A_80 : memref<128x128xf32, #tpu.memory_space<vmem>>) offsets(%dma_start3A_83 : memref<128xi32, #tpu.memory_space<vmem>>) semaphore(%arg16 : memref<!tpu.dma_semaphore, #tpu.memory_space<semaphore_mem>>)
        %dma_start3A_87 = arith.constant 1 : i32
        %dma_start3A_88 = arith.constant 0 : i32
        %dma_start3A_89 = arith.constant 128 : i32
        %dma_start3A_90 = arith.constant 0 : i32
        %dma_start3A_91 = tpu.memref_slice %arg14[%dma_start3A_89, %dma_start3A_90] : memref<256x128xf32, #tpu.memory_space<vmem>> -> memref<128x128xf32, #tpu.memory_space<vmem>>
        %dma_start3A_92 = arith.constant 0 : i32
        %dma_start3A_93 = tpu.memref_slice %arg13[%dma_start3A_87, %dma_start3A_88, %dma_start3A_92] : memref<2x2x128xi32, #tpu.memory_space<vmem>> -> memref<1x1x128xi32, #tpu.memory_space<vmem>>
        %dma_start3A_94 = tpu.memref_squeeze %dma_start3A_93 : memref<1x1x128xi32, #tpu.memory_space<vmem>> -> memref<128xi32, #tpu.memory_space<vmem>>
        %dma_start3A_95 = arith.constant 0 : i32
        %dma_start3A_96 = arith.constant 0 : i32
        %dma_start3A_97 = tpu.memref_slice %arg2[%dma_start3A_95, %dma_start3A_96] : memref<10240x128xf32, #tpu.memory_space<hbm>> -> memref<10240x128xf32, #tpu.memory_space<hbm>>
        tpu.enqueue_indirect_dma source(%dma_start3A_97 : memref<10240x128xf32, #tpu.memory_space<hbm>>) target(%dma_start3A_91 : memref<128x128xf32, #tpu.memory_space<vmem>>) offsets(%dma_start3A_94 : memref<128xi32, #tpu.memory_space<vmem>>) semaphore(%arg16 : memref<!tpu.dma_semaphore, #tpu.memory_space<semaphore_mem>>)
        %dma_wait3A = arith.constant 0 : i32
        %dma_wait3A_98 = arith.constant 0 : i32
        %dma_wait3A_99 = arith.constant 0 : i32
        %dma_wait3A_100 = arith.constant 0 : i32
        %dma_wait3A_101 = tpu.memref_slice %arg14[%dma_wait3A_99, %dma_wait3A_100] : memref<256x128xf32, #tpu.memory_space<vmem>> -> memref<128x128xf32, #tpu.memory_space<vmem>>
        %dma_wait3A_102 = arith.constant 0 : i32
        %dma_wait3A_103 = tpu.memref_slice %arg13[%dma_wait3A, %dma_wait3A_98, %dma_wait3A_102] : memref<2x2x128xi32, #tpu.memory_space<vmem>> -> memref<1x1x128xi32, #tpu.memory_space<vmem>>
        %dma_wait3A_104 = tpu.memref_squeeze %dma_wait3A_103 : memref<1x1x128xi32, #tpu.memory_space<vmem>> -> memref<128xi32, #tpu.memory_space<vmem>>
        %dma_wait3A_105 = arith.constant 0 : i32
        %dma_wait3A_106 = arith.constant 0 : i32
        %dma_wait3A_107 = tpu.memref_slice %arg2[%dma_wait3A_105, %dma_wait3A_106] : memref<10240x128xf32, #tpu.memory_space<hbm>> -> memref<10240x128xf32, #tpu.memory_space<hbm>>
        tpu.wait_indirect_dma semaphore(%arg16 : memref<!tpu.dma_semaphore, #tpu.memory_space<semaphore_mem>>) src(%dma_wait3A_107 : memref<10240x128xf32, #tpu.memory_space<hbm>>) dst(%dma_wait3A_101 : memref<128x128xf32, #tpu.memory_space<vmem>>)
        %dma_wait3A_108 = arith.constant 1 : i32
        %dma_wait3A_109 = arith.constant 0 : i32
        %dma_wait3A_110 = arith.constant 128 : i32
        %dma_wait3A_111 = arith.constant 0 : i32
        %dma_wait3A_112 = tpu.memref_slice %arg14[%dma_wait3A_110, %dma_wait3A_111] : memref<256x128xf32, #tpu.memory_space<vmem>> -> memref<128x128xf32, #tpu.memory_space<vmem>>
        %dma_wait3A_113 = arith.constant 0 : i32
        %dma_wait3A_114 = tpu.memref_slice %arg13[%dma_wait3A_108, %dma_wait3A_109, %dma_wait3A_113] : memref<2x2x128xi32, #tpu.memory_space<vmem>> -> memref<1x1x128xi32, #tpu.memory_space<vmem>>
        %dma_wait3A_115 = tpu.memref_squeeze %dma_wait3A_114 : memref<1x1x128xi32, #tpu.memory_space<vmem>> -> memref<128xi32, #tpu.memory_space<vmem>>
        %dma_wait3A_116 = arith.constant 0 : i32
        %dma_wait3A_117 = arith.constant 0 : i32
        %dma_wait3A_118 = tpu.memref_slice %arg2[%dma_wait3A_116, %dma_wait3A_117] : memref<10240x128xf32, #tpu.memory_space<hbm>> -> memref<10240x128xf32, #tpu.memory_space<hbm>>
        tpu.wait_indirect_dma semaphore(%arg16 : memref<!tpu.dma_semaphore, #tpu.memory_space<semaphore_mem>>) src(%dma_wait3A_118 : memref<10240x128xf32, #tpu.memory_space<hbm>>) dst(%dma_wait3A_112 : memref<128x128xf32, #tpu.memory_space<vmem>>)
        %run_scoped3A = arith.constant 0 : i32
        %run_scoped3A_119 = arith.constant 1 : i32
        "tpu.region"() ({
          %run_scoped3A_122 = tpu.sem_alloc : memref<!tpu.dma_semaphore, #tpu.memory_space<semaphore_mem>>
          %dma_start3A_123 = arith.constant 0 : i32
          %dma_start3A_124 = arith.constant 0 : i32
          %dma_start3A_125 = tpu.memref_slice %arg14[%dma_start3A_123, %dma_start3A_124] : memref<256x128xf32, #tpu.memory_space<vmem>> -> memref<128x128xf32, #tpu.memory_space<vmem>>
          %dma_start3A_126 = arith.constant 0 : i32
          %dma_start3A_127 = tpu.memref_slice %arg13[%run_scoped3A, %run_scoped3A_119, %dma_start3A_126] : memref<2x2x128xi32, #tpu.memory_space<vmem>> -> memref<1x1x128xi32, #tpu.memory_space<vmem>>
          %dma_start3A_128 = tpu.memref_squeeze %dma_start3A_127 : memref<1x1x128xi32, #tpu.memory_space<vmem>> -> memref<128xi32, #tpu.memory_space<vmem>>
          %dma_start3A_129 = arith.constant 0 : i32
          %dma_start3A_130 = arith.constant 0 : i32
          %dma_start3A_131 = tpu.memref_slice %arg15[%dma_start3A_129, %dma_start3A_130] : memref<10240x128xf32, #tpu.memory_space<vmem_shared>> -> memref<10240x128xf32, #tpu.memory_space<vmem_shared>>
          tpu.enqueue_indirect_dma source(%dma_start3A_125 : memref<128x128xf32, #tpu.memory_space<vmem>>) target(%dma_start3A_131 : memref<10240x128xf32, #tpu.memory_space<vmem_shared>>) offsets(%dma_start3A_128 : memref<128xi32, #tpu.memory_space<vmem>>) semaphore(%run_scoped3A_122 : memref<!tpu.dma_semaphore, #tpu.memory_space<semaphore_mem>>) {add = true}
          %dma_wait3A_132 = arith.constant 0 : i32
          %dma_wait3A_133 = arith.constant 0 : i32
          %dma_wait3A_134 = tpu.memref_slice %arg14[%dma_wait3A_132, %dma_wait3A_133] : memref<256x128xf32, #tpu.memory_space<vmem>> -> memref<128x128xf32, #tpu.memory_space<vmem>>
          %dma_wait3A_135 = arith.constant 0 : i32
          %dma_wait3A_136 = tpu.memref_slice %arg13[%run_scoped3A, %run_scoped3A_119, %dma_wait3A_135] : memref<2x2x128xi32, #tpu.memory_space<vmem>> -> memref<1x1x128xi32, #tpu.memory_space<vmem>>
          %dma_wait3A_137 = tpu.memref_squeeze %dma_wait3A_136 : memref<1x1x128xi32, #tpu.memory_space<vmem>> -> memref<128xi32, #tpu.memory_space<vmem>>
          %dma_wait3A_138 = arith.constant 0 : i32
          %dma_wait3A_139 = arith.constant 0 : i32
          %dma_wait3A_140 = tpu.memref_slice %arg15[%dma_wait3A_138, %dma_wait3A_139] : memref<10240x128xf32, #tpu.memory_space<vmem_shared>> -> memref<10240x128xf32, #tpu.memory_space<vmem_shared>>
          tpu.wait_indirect_dma semaphore(%run_scoped3A_122 : memref<!tpu.dma_semaphore, #tpu.memory_space<semaphore_mem>>) src(%dma_wait3A_134 : memref<128x128xf32, #tpu.memory_space<vmem>>) dst(%dma_wait3A_140 : memref<10240x128xf32, #tpu.memory_space<vmem_shared>>)
          tpu.yield
        }) : () -> ()
        %run_scoped3A_120 = arith.constant 1 : i32
        %run_scoped3A_121 = arith.constant 1 : i32
        "tpu.region"() ({
          %run_scoped3A_122 = tpu.sem_alloc : memref<!tpu.dma_semaphore, #tpu.memory_space<semaphore_mem>>
          %dma_start3A_123 = arith.constant 128 : i32
          %dma_start3A_124 = arith.constant 0 : i32
          %dma_start3A_125 = tpu.memref_slice %arg14[%dma_start3A_123, %dma_start3A_124] : memref<256x128xf32, #tpu.memory_space<vmem>> -> memref<128x128xf32, #tpu.memory_space<vmem>>
          %dma_start3A_126 = arith.constant 0 : i32
          %dma_start3A_127 = tpu.memref_slice %arg13[%run_scoped3A_120, %run_scoped3A_121, %dma_start3A_126] : memref<2x2x128xi32, #tpu.memory_space<vmem>> -> memref<1x1x128xi32, #tpu.memory_space<vmem>>
          %dma_start3A_128 = tpu.memref_squeeze %dma_start3A_127 : memref<1x1x128xi32, #tpu.memory_space<vmem>> -> memref<128xi32, #tpu.memory_space<vmem>>
          %dma_start3A_129 = arith.constant 0 : i32
          %dma_start3A_130 = arith.constant 0 : i32
          %dma_start3A_131 = tpu.memref_slice %arg15[%dma_start3A_129, %dma_start3A_130] : memref<10240x128xf32, #tpu.memory_space<vmem_shared>> -> memref<10240x128xf32, #tpu.memory_space<vmem_shared>>
          tpu.enqueue_indirect_dma source(%dma_start3A_125 : memref<128x128xf32, #tpu.memory_space<vmem>>) target(%dma_start3A_131 : memref<10240x128xf32, #tpu.memory_space<vmem_shared>>) offsets(%dma_start3A_128 : memref<128xi32, #tpu.memory_space<vmem>>) semaphore(%run_scoped3A_122 : memref<!tpu.dma_semaphore, #tpu.memory_space<semaphore_mem>>) {add = true}
          %dma_wait3A_132 = arith.constant 128 : i32
          %dma_wait3A_133 = arith.constant 0 : i32
          %dma_wait3A_134 = tpu.memref_slice %arg14[%dma_wait3A_132, %dma_wait3A_133] : memref<256x128xf32, #tpu.memory_space<vmem>> -> memref<128x128xf32, #tpu.memory_space<vmem>>
          %dma_wait3A_135 = arith.constant 0 : i32
          %dma_wait3A_136 = tpu.memref_slice %arg13[%run_scoped3A_120, %run_scoped3A_121, %dma_wait3A_135] : memref<2x2x128xi32, #tpu.memory_space<vmem>> -> memref<1x1x128xi32, #tpu.memory_space<vmem>>
          %dma_wait3A_137 = tpu.memref_squeeze %dma_wait3A_136 : memref<1x1x128xi32, #tpu.memory_space<vmem>> -> memref<128xi32, #tpu.memory_space<vmem>>
          %dma_wait3A_138 = arith.constant 0 : i32
          %dma_wait3A_139 = arith.constant 0 : i32
          %dma_wait3A_140 = tpu.memref_slice %arg15[%dma_wait3A_138, %dma_wait3A_139] : memref<10240x128xf32, #tpu.memory_space<vmem_shared>> -> memref<10240x128xf32, #tpu.memory_space<vmem_shared>>
          tpu.wait_indirect_dma semaphore(%run_scoped3A_122 : memref<!tpu.dma_semaphore, #tpu.memory_space<semaphore_mem>>) src(%dma_wait3A_134 : memref<128x128xf32, #tpu.memory_space<vmem>>) dst(%dma_wait3A_140 : memref<10240x128xf32, #tpu.memory_space<vmem_shared>>)
          tpu.yield
        }) : () -> ()
      }
      %while3A_70 = arith.constant 1 : i32
      scf.for %while3A_71 = %while3A_68 to %while3A_64 step %while3A_70  : i32 {
        %mul3A_72 = arith.constant 16 : i32
        %mul3A_73 = arith.muli %while3A_71, %mul3A_72 : i32
        %add3A_74 = arith.addi %mul3A_73, %arg1 : i32
        %mul3A_75 = arith.constant 2 : i32
        %mul3A_76 = arith.muli %add3A_74, %mul3A_75 : i32
        "tpu.region"() ({
          %run_scoped3A_122 = tpu.sem_alloc : memref<!tpu.dma_semaphore, #tpu.memory_space<semaphore_mem>>
          %dma_start3A_123 = arith.constant 0 : i32
          %dma_start3A_124 = arith.constant 0 : i32
          %dma_start3A_125 = tpu.memref_slice %arg6[%mul3A_76, %dma_start3A_123, %dma_start3A_124] : memref<2500x2x128xi32, #tpu.memory_space<hbm>> -> memref<2x2x128xi32, #tpu.memory_space<hbm>>
          %dma_start3A_126 = arith.constant 0 : i32
          %dma_start3A_127 = arith.constant 0 : i32
          %dma_start3A_128 = tpu.memref_slice %arg6[%mul3A_76, %dma_start3A_126, %dma_start3A_127] : memref<2500x2x128xi32, #tpu.memory_space<hbm>> -> memref<2x2x128xi32, #tpu.memory_space<hbm>>
          tpu.enqueue_dma source(%dma_start3A_128 : memref<2x2x128xi32, #tpu.memory_space<hbm>>) target(%arg13 : memref<2x2x128xi32, #tpu.memory_space<vmem>>) target_semaphore(%run_scoped3A_122 : memref<!tpu.dma_semaphore, #tpu.memory_space<semaphore_mem>>)
          %dma_wait3A_129 = arith.constant 0 : i32
          %dma_wait3A_130 = arith.constant 0 : i32
          %dma_wait3A_131 = tpu.memref_slice %arg6[%mul3A_76, %dma_wait3A_129, %dma_wait3A_130] : memref<2500x2x128xi32, #tpu.memory_space<hbm>> -> memref<2x2x128xi32, #tpu.memory_space<hbm>>
          %dma_wait3A_132 = arith.constant 0 : i32
          %dma_wait3A_133 = arith.constant 0 : i32
          %dma_wait3A_134 = tpu.memref_slice %arg6[%mul3A_76, %dma_wait3A_132, %dma_wait3A_133] : memref<2500x2x128xi32, #tpu.memory_space<hbm>> -> memref<2x2x128xi32, #tpu.memory_space<hbm>>
          tpu.wait_dma2 semaphore(%run_scoped3A_122 : memref<!tpu.dma_semaphore, #tpu.memory_space<semaphore_mem>>) src(%dma_wait3A_134 : memref<2x2x128xi32, #tpu.memory_space<hbm>>) dst(%arg13 : memref<2x2x128xi32, #tpu.memory_space<vmem>>)
          tpu.yield
        }) : () -> ()
        %dma_start3A = arith.constant 0 : i32
        %dma_start3A_77 = arith.constant 0 : i32
        %dma_start3A_78 = arith.constant 0 : i32
        %dma_start3A_79 = arith.constant 0 : i32
        %dma_start3A_80 = tpu.memref_slice %arg14[%dma_start3A_78, %dma_start3A_79] : memref<256x128xf32, #tpu.memory_space<vmem>> -> memref<128x128xf32, #tpu.memory_space<vmem>>
        %dma_start3A_81 = arith.constant 0 : i32
        %dma_start3A_82 = tpu.memref_slice %arg13[%dma_start3A, %dma_start3A_77, %dma_start3A_81] : memref<2x2x128xi32, #tpu.memory_space<vmem>> -> memref<1x1x128xi32, #tpu.memory_space<vmem>>
        %dma_start3A_83 = tpu.memref_squeeze %dma_start3A_82 : memref<1x1x128xi32, #tpu.memory_space<vmem>> -> memref<128xi32, #tpu.memory_space<vmem>>
        %dma_start3A_84 = arith.constant 0 : i32
        %dma_start3A_85 = arith.constant 0 : i32
        %dma_start3A_86 = tpu.memref_slice %arg2[%dma_start3A_84, %dma_start3A_85] : memref<10240x128xf32, #tpu.memory_space<hbm>> -> memref<10240x128xf32, #tpu.memory_space<hbm>>
        tpu.enqueue_indirect_dma source(%dma_start3A_86 : memref<10240x128xf32, #tpu.memory_space<hbm>>) target(%dma_start3A_80 : memref<128x128xf32, #tpu.memory_space<vmem>>) offsets(%dma_start3A_83 : memref<128xi32, #tpu.memory_space<vmem>>) semaphore(%arg16 : memref<!tpu.dma_semaphore, #tpu.memory_space<semaphore_mem>>)
        %dma_start3A_87 = arith.constant 1 : i32
        %dma_start3A_88 = arith.constant 0 : i32
        %dma_start3A_89 = arith.constant 128 : i32
        %dma_start3A_90 = arith.constant 0 : i32
        %dma_start3A_91 = tpu.memref_slice %arg14[%dma_start3A_89, %dma_start3A_90] : memref<256x128xf32, #tpu.memory_space<vmem>> -> memref<128x128xf32, #tpu.memory_space<vmem>>
        %dma_start3A_92 = arith.constant 0 : i32
        %dma_start3A_93 = tpu.memref_slice %arg13[%dma_start3A_87, %dma_start3A_88, %dma_start3A_92] : memref<2x2x128xi32, #tpu.memory_space<vmem>> -> memref<1x1x128xi32, #tpu.memory_space<vmem>>
        %dma_start3A_94 = tpu.memref_squeeze %dma_start3A_93 : memref<1x1x128xi32, #tpu.memory_space<vmem>> -> memref<128xi32, #tpu.memory_space<vmem>>
        %dma_start3A_95 = arith.constant 0 : i32
        %dma_start3A_96 = arith.constant 0 : i32
        %dma_start3A_97 = tpu.memref_slice %arg2[%dma_start3A_95, %dma_start3A_96] : memref<10240x128xf32, #tpu.memory_space<hbm>> -> memref<10240x128xf32, #tpu.memory_space<hbm>>
        tpu.enqueue_indirect_dma source(%dma_start3A_97 : memref<10240x128xf32, #tpu.memory_space<hbm>>) target(%dma_start3A_91 : memref<128x128xf32, #tpu.memory_space<vmem>>) offsets(%dma_start3A_94 : memref<128xi32, #tpu.memory_space<vmem>>) semaphore(%arg16 : memref<!tpu.dma_semaphore, #tpu.memory_space<semaphore_mem>>)
        %dma_wait3A = arith.constant 0 : i32
        %dma_wait3A_98 = arith.constant 0 : i32
        %dma_wait3A_99 = arith.constant 0 : i32
        %dma_wait3A_100 = arith.constant 0 : i32
        %dma_wait3A_101 = tpu.memref_slice %arg14[%dma_wait3A_99, %dma_wait3A_100] : memref<256x128xf32, #tpu.memory_space<vmem>> -> memref<128x128xf32, #tpu.memory_space<vmem>>
        %dma_wait3A_102 = arith.constant 0 : i32
        %dma_wait3A_103 = tpu.memref_slice %arg13[%dma_wait3A, %dma_wait3A_98, %dma_wait3A_102] : memref<2x2x128xi32, #tpu.memory_space<vmem>> -> memref<1x1x128xi32, #tpu.memory_space<vmem>>
        %dma_wait3A_104 = tpu.memref_squeeze %dma_wait3A_103 : memref<1x1x128xi32, #tpu.memory_space<vmem>> -> memref<128xi32, #tpu.memory_space<vmem>>
        %dma_wait3A_105 = arith.constant 0 : i32
        %dma_wait3A_106 = arith.constant 0 : i32
        %dma_wait3A_107 = tpu.memref_slice %arg2[%dma_wait3A_105, %dma_wait3A_106] : memref<10240x128xf32, #tpu.memory_space<hbm>> -> memref<10240x128xf32, #tpu.memory_space<hbm>>
        tpu.wait_indirect_dma semaphore(%arg16 : memref<!tpu.dma_semaphore, #tpu.memory_space<semaphore_mem>>) src(%dma_wait3A_107 : memref<10240x128xf32, #tpu.memory_space<hbm>>) dst(%dma_wait3A_101 : memref<128x128xf32, #tpu.memory_space<vmem>>)
        %dma_wait3A_108 = arith.constant 1 : i32
        %dma_wait3A_109 = arith.constant 0 : i32
        %dma_wait3A_110 = arith.constant 128 : i32
        %dma_wait3A_111 = arith.constant 0 : i32
        %dma_wait3A_112 = tpu.memref_slice %arg14[%dma_wait3A_110, %dma_wait3A_111] : memref<256x128xf32, #tpu.memory_space<vmem>> -> memref<128x128xf32, #tpu.memory_space<vmem>>
        %dma_wait3A_113 = arith.constant 0 : i32
        %dma_wait3A_114 = tpu.memref_slice %arg13[%dma_wait3A_108, %dma_wait3A_109, %dma_wait3A_113] : memref<2x2x128xi32, #tpu.memory_space<vmem>> -> memref<1x1x128xi32, #tpu.memory_space<vmem>>
        %dma_wait3A_115 = tpu.memref_squeeze %dma_wait3A_114 : memref<1x1x128xi32, #tpu.memory_space<vmem>> -> memref<128xi32, #tpu.memory_space<vmem>>
        %dma_wait3A_116 = arith.constant 0 : i32
        %dma_wait3A_117 = arith.constant 0 : i32
        %dma_wait3A_118 = tpu.memref_slice %arg2[%dma_wait3A_116, %dma_wait3A_117] : memref<10240x128xf32, #tpu.memory_space<hbm>> -> memref<10240x128xf32, #tpu.memory_space<hbm>>
        tpu.wait_indirect_dma semaphore(%arg16 : memref<!tpu.dma_semaphore, #tpu.memory_space<semaphore_mem>>) src(%dma_wait3A_118 : memref<10240x128xf32, #tpu.memory_space<hbm>>) dst(%dma_wait3A_112 : memref<128x128xf32, #tpu.memory_space<vmem>>)
        %run_scoped3A = arith.constant 0 : i32
        %run_scoped3A_119 = arith.constant 1 : i32
        "tpu.region"() ({
          %run_scoped3A_122 = tpu.sem_alloc : memref<!tpu.dma_semaphore, #tpu.memory_space<semaphore_mem>>
          %dma_start3A_123 = arith.constant 0 : i32
          %dma_start3A_124 = arith.constant 0 : i32
          %dma_start3A_125 = tpu.memref_slice %arg14[%dma_start3A_123, %dma_start3A_124] : memref<256x128xf32, #tpu.memory_space<vmem>> -> memref<128x128xf32, #tpu.memory_space<vmem>>
          %dma_start3A_126 = arith.constant 0 : i32
          %dma_start3A_127 = tpu.memref_slice %arg13[%run_scoped3A, %run_scoped3A_119, %dma_start3A_126] : memref<2x2x128xi32, #tpu.memory_space<vmem>> -> memref<1x1x128xi32, #tpu.memory_space<vmem>>
          %dma_start3A_128 = tpu.memref_squeeze %dma_start3A_127 : memref<1x1x128xi32, #tpu.memory_space<vmem>> -> memref<128xi32, #tpu.memory_space<vmem>>
          %dma_start3A_129 = arith.constant 0 : i32
          %dma_start3A_130 = arith.constant 0 : i32
          %dma_start3A_131 = tpu.memref_slice %arg15[%dma_start3A_129, %dma_start3A_130] : memref<10240x128xf32, #tpu.memory_space<vmem_shared>> -> memref<10240x128xf32, #tpu.memory_space<vmem_shared>>
          tpu.enqueue_indirect_dma source(%dma_start3A_125 : memref<128x128xf32, #tpu.memory_space<vmem>>) target(%dma_start3A_131 : memref<10240x128xf32, #tpu.memory_space<vmem_shared>>) offsets(%dma_start3A_128 : memref<128xi32, #tpu.memory_space<vmem>>) semaphore(%run_scoped3A_122 : memref<!tpu.dma_semaphore, #tpu.memory_space<semaphore_mem>>) {add = true}
          %dma_wait3A_132 = arith.constant 0 : i32
          %dma_wait3A_133 = arith.constant 0 : i32
          %dma_wait3A_134 = tpu.memref_slice %arg14[%dma_wait3A_132, %dma_wait3A_133] : memref<256x128xf32, #tpu.memory_space<vmem>> -> memref<128x128xf32, #tpu.memory_space<vmem>>
          %dma_wait3A_135 = arith.constant 0 : i32
          %dma_wait3A_136 = tpu.memref_slice %arg13[%run_scoped3A, %run_scoped3A_119, %dma_wait3A_135] : memref<2x2x128xi32, #tpu.memory_space<vmem>> -> memref<1x1x128xi32, #tpu.memory_space<vmem>>
          %dma_wait3A_137 = tpu.memref_squeeze %dma_wait3A_136 : memref<1x1x128xi32, #tpu.memory_space<vmem>> -> memref<128xi32, #tpu.memory_space<vmem>>
          %dma_wait3A_138 = arith.constant 0 : i32
          %dma_wait3A_139 = arith.constant 0 : i32
          %dma_wait3A_140 = tpu.memref_slice %arg15[%dma_wait3A_138, %dma_wait3A_139] : memref<10240x128xf32, #tpu.memory_space<vmem_shared>> -> memref<10240x128xf32, #tpu.memory_space<vmem_shared>>
          tpu.wait_indirect_dma semaphore(%run_scoped3A_122 : memref<!tpu.dma_semaphore, #tpu.memory_space<semaphore_mem>>) src(%dma_wait3A_134 : memref<128x128xf32, #tpu.memory_space<vmem>>) dst(%dma_wait3A_140 : memref<10240x128xf32, #tpu.memory_space<vmem_shared>>)
          tpu.yield
        }) : () -> ()
        %run_scoped3A_120 = arith.constant 1 : i32
        %run_scoped3A_121 = arith.constant 1 : i32
        "tpu.region"() ({
          %run_scoped3A_122 = tpu.sem_alloc : memref<!tpu.dma_semaphore, #tpu.memory_space<semaphore_mem>>
          %dma_start3A_123 = arith.constant 128 : i32
          %dma_start3A_124 = arith.constant 0 : i32
          %dma_start3A_125 = tpu.memref_slice %arg14[%dma_start3A_123, %dma_start3A_124] : memref<256x128xf32, #tpu.memory_space<vmem>> -> memref<128x128xf32, #tpu.memory_space<vmem>>
          %dma_start3A_126 = arith.constant 0 : i32
          %dma_start3A_127 = tpu.memref_slice %arg13[%run_scoped3A_120, %run_scoped3A_121, %dma_start3A_126] : memref<2x2x128xi32, #tpu.memory_space<vmem>> -> memref<1x1x128xi32, #tpu.memory_space<vmem>>
          %dma_start3A_128 = tpu.memref_squeeze %dma_start3A_127 : memref<1x1x128xi32, #tpu.memory_space<vmem>> -> memref<128xi32, #tpu.memory_space<vmem>>
          %dma_start3A_129 = arith.constant 0 : i32
          %dma_start3A_130 = arith.constant 0 : i32
          %dma_start3A_131 = tpu.memref_slice %arg15[%dma_start3A_129, %dma_start3A_130] : memref<10240x128xf32, #tpu.memory_space<vmem_shared>> -> memref<10240x128xf32, #tpu.memory_space<vmem_shared>>
          tpu.enqueue_indirect_dma source(%dma_start3A_125 : memref<128x128xf32, #tpu.memory_space<vmem>>) target(%dma_start3A_131 : memref<10240x128xf32, #tpu.memory_space<vmem_shared>>) offsets(%dma_start3A_128 : memref<128xi32, #tpu.memory_space<vmem>>) semaphore(%run_scoped3A_122 : memref<!tpu.dma_semaphore, #tpu.memory_space<semaphore_mem>>) {add = true}
          %dma_wait3A_132 = arith.constant 128 : i32
          %dma_wait3A_133 = arith.constant 0 : i32
          %dma_wait3A_134 = tpu.memref_slice %arg14[%dma_wait3A_132, %dma_wait3A_133] : memref<256x128xf32, #tpu.memory_space<vmem>> -> memref<128x128xf32, #tpu.memory_space<vmem>>
          %dma_wait3A_135 = arith.constant 0 : i32
          %dma_wait3A_136 = tpu.memref_slice %arg13[%run_scoped3A_120, %run_scoped3A_121, %dma_wait3A_135] : memref<2x2x128xi32, #tpu.memory_space<vmem>> -> memref<1x1x128xi32, #tpu.memory_space<vmem>>
          %dma_wait3A_137 = tpu.memref_squeeze %dma_wait3A_136 : memref<1x1x128xi32, #tpu.memory_space<vmem>> -> memref<128xi32, #tpu.memory_space<vmem>>
          %dma_wait3A_138 = arith.constant 0 : i32
          %dma_wait3A_139 = arith.constant 0 : i32
          %dma_wait3A_140 = tpu.memref_slice %arg15[%dma_wait3A_138, %dma_wait3A_139] : memref<10240x128xf32, #tpu.memory_space<vmem_shared>> -> memref<10240x128xf32, #tpu.memory_space<vmem_shared>>
          tpu.wait_indirect_dma semaphore(%run_scoped3A_122 : memref<!tpu.dma_semaphore, #tpu.memory_space<semaphore_mem>>) src(%dma_wait3A_134 : memref<128x128xf32, #tpu.memory_space<vmem>>) dst(%dma_wait3A_140 : memref<10240x128xf32, #tpu.memory_space<vmem_shared>>)
          tpu.yield
        }) : () -> ()
      }
    } else {
    }
    %eq3A_3 = arith.constant 1 : i32
    %eq3A_4 = arith.cmpi eq, %arg0, %eq3A_3 : i32
    %convert_element_type3A_5 = arith.extui %eq3A_4 : i1 to i32
    %cond3A_6 = arith.constant 0 : i32
    %cond3A_7 = arith.cmpi ne, %convert_element_type3A_5, %cond3A_6 : i32
    scf.if %cond3A_7 {
      %sub3A = arith.constant 1250 : i32
      %sub3A_41 = arith.subi %sub3A, %arg1 : i32
      %add3A = arith.constant 16 : i32
      %add3A_42 = arith.addi %sub3A_41, %add3A : i32
      %sub3A_43 = arith.constant 1 : i32
      %sub3A_44 = arith.subi %add3A_42, %sub3A_43 : i32
      %jit3A = arith.constant 16 : i32
      %div3A = arith.divsi %sub3A_44, %jit3A : i32
      %sign3A = arith.constant 0 : i32
      %sign3A_45 = arith.cmpi sgt, %sub3A_44, %sign3A : i32
      %sign3A_46 = arith.extui %sign3A_45 : i1 to i32
      %sign3A_47 = arith.constant 0 : i32
      %sign3A_48 = arith.cmpi slt, %sub3A_44, %sign3A_47 : i32
      %sign3A_49 = arith.extui %sign3A_48 : i1 to i32
      %sign3A_50 = arith.subi %sign3A_46, %sign3A_49 : i32
      %sign3A_51 = arith.constant 0 : i32
      %sign3A_52 = arith.cmpi sgt, %jit3A, %sign3A_51 : i32
      %sign3A_53 = arith.extui %sign3A_52 : i1 to i32
      %sign3A_54 = arith.constant 0 : i32
      %sign3A_55 = arith.cmpi slt, %jit3A, %sign3A_54 : i32
      %sign3A_56 = arith.extui %sign3A_55 : i1 to i32
      %sign3A_57 = arith.subi %sign3A_53, %sign3A_56 : i32
      %ne3A = arith.cmpi ne, %sign3A_50, %sign3A_57 : i32
      %rem3A = arith.remsi %sub3A_44, %jit3A : i32
      %ne3A_58 = arith.constant 0 : i32
      %ne3A_59 = arith.cmpi ne, %rem3A, %ne3A_58 : i32
      %and3A = arith.andi %ne3A, %ne3A_59 : i1
      %sub3A_60 = arith.constant 1 : i32
      %sub3A_61 = arith.subi %div3A, %sub3A_60 : i32
      %select_n3A = arith.select %and3A, %sub3A_61, %div3A : i32
      %while3A = arith.constant 0 : i32
      %while3A_62 = arith.constant 0 : i32
      %while3A_63 = arith.subi %select_n3A, %while3A_62 : i32
      %while3A_64 = arith.addi %while3A_62, %while3A_63 : i32
      %while3A_65 = arith.constant 1 : i32
      %while3A_66 = arith.divsi %while3A_63, %while3A_65 : i32
      %while3A_67 = arith.muli %while3A_66, %while3A_65 : i32
      %while3A_68 = arith.addi %while3A_62, %while3A_67 : i32
      %while3A_69 = arith.constant 1 : i32
      scf.for %while3A_71 = %while3A_62 to %while3A_68 step %while3A_69  : i32 {
        %mul3A_72 = arith.constant 16 : i32
        %mul3A_73 = arith.muli %while3A_71, %mul3A_72 : i32
        %add3A_74 = arith.addi %mul3A_73, %arg1 : i32
        %mul3A_75 = arith.constant 2 : i32
        %mul3A_76 = arith.muli %add3A_74, %mul3A_75 : i32
        "tpu.region"() ({
          %run_scoped3A_122 = tpu.sem_alloc : memref<!tpu.dma_semaphore, #tpu.memory_space<semaphore_mem>>
          %dma_start3A_123 = arith.constant 0 : i32
          %dma_start3A_124 = arith.constant 0 : i32
          %dma_start3A_125 = tpu.memref_slice %arg6[%mul3A_76, %dma_start3A_123, %dma_start3A_124] : memref<2500x2x128xi32, #tpu.memory_space<hbm>> -> memref<2x2x128xi32, #tpu.memory_space<hbm>>
          %dma_start3A_126 = arith.constant 0 : i32
          %dma_start3A_127 = arith.constant 0 : i32
          %dma_start3A_128 = tpu.memref_slice %arg6[%mul3A_76, %dma_start3A_126, %dma_start3A_127] : memref<2500x2x128xi32, #tpu.memory_space<hbm>> -> memref<2x2x128xi32, #tpu.memory_space<hbm>>
          tpu.enqueue_dma source(%dma_start3A_128 : memref<2x2x128xi32, #tpu.memory_space<hbm>>) target(%arg13 : memref<2x2x128xi32, #tpu.memory_space<vmem>>) target_semaphore(%run_scoped3A_122 : memref<!tpu.dma_semaphore, #tpu.memory_space<semaphore_mem>>)
          %dma_wait3A_129 = arith.constant 0 : i32
          %dma_wait3A_130 = arith.constant 0 : i32
          %dma_wait3A_131 = tpu.memref_slice %arg6[%mul3A_76, %dma_wait3A_129, %dma_wait3A_130] : memref<2500x2x128xi32, #tpu.memory_space<hbm>> -> memref<2x2x128xi32, #tpu.memory_space<hbm>>
          %dma_wait3A_132 = arith.constant 0 : i32
          %dma_wait3A_133 = arith.constant 0 : i32
          %dma_wait3A_134 = tpu.memref_slice %arg6[%mul3A_76, %dma_wait3A_132, %dma_wait3A_133] : memref<2500x2x128xi32, #tpu.memory_space<hbm>> -> memref<2x2x128xi32, #tpu.memory_space<hbm>>
          tpu.wait_dma2 semaphore(%run_scoped3A_122 : memref<!tpu.dma_semaphore, #tpu.memory_space<semaphore_mem>>) src(%dma_wait3A_134 : memref<2x2x128xi32, #tpu.memory_space<hbm>>) dst(%arg13 : memref<2x2x128xi32, #tpu.memory_space<vmem>>)
          tpu.yield
        }) : () -> ()
        %dma_start3A = arith.constant 0 : i32
        %dma_start3A_77 = arith.constant 0 : i32
        %dma_start3A_78 = arith.constant 0 : i32
        %dma_start3A_79 = arith.constant 0 : i32
        %dma_start3A_80 = tpu.memref_slice %arg14[%dma_start3A_78, %dma_start3A_79] : memref<256x128xf32, #tpu.memory_space<vmem>> -> memref<128x128xf32, #tpu.memory_space<vmem>>
        %dma_start3A_81 = arith.constant 0 : i32
        %dma_start3A_82 = tpu.memref_slice %arg13[%dma_start3A, %dma_start3A_77, %dma_start3A_81] : memref<2x2x128xi32, #tpu.memory_space<vmem>> -> memref<1x1x128xi32, #tpu.memory_space<vmem>>
        %dma_start3A_83 = tpu.memref_squeeze %dma_start3A_82 : memref<1x1x128xi32, #tpu.memory_space<vmem>> -> memref<128xi32, #tpu.memory_space<vmem>>
        %dma_start3A_84 = arith.constant 0 : i32
        %dma_start3A_85 = arith.constant 0 : i32
        %dma_start3A_86 = tpu.memref_slice %arg3[%dma_start3A_84, %dma_start3A_85] : memref<10240x128xf32, #tpu.memory_space<hbm>> -> memref<10240x128xf32, #tpu.memory_space<hbm>>
        tpu.enqueue_indirect_dma source(%dma_start3A_86 : memref<10240x128xf32, #tpu.memory_space<hbm>>) target(%dma_start3A_80 : memref<128x128xf32, #tpu.memory_space<vmem>>) offsets(%dma_start3A_83 : memref<128xi32, #tpu.memory_space<vmem>>) semaphore(%arg16 : memref<!tpu.dma_semaphore, #tpu.memory_space<semaphore_mem>>)
        %dma_start3A_87 = arith.constant 1 : i32
        %dma_start3A_88 = arith.constant 0 : i32
        %dma_start3A_89 = arith.constant 128 : i32
        %dma_start3A_90 = arith.constant 0 : i32
        %dma_start3A_91 = tpu.memref_slice %arg14[%dma_start3A_89, %dma_start3A_90] : memref<256x128xf32, #tpu.memory_space<vmem>> -> memref<128x128xf32, #tpu.memory_space<vmem>>
        %dma_start3A_92 = arith.constant 0 : i32
        %dma_start3A_93 = tpu.memref_slice %arg13[%dma_start3A_87, %dma_start3A_88, %dma_start3A_92] : memref<2x2x128xi32, #tpu.memory_space<vmem>> -> memref<1x1x128xi32, #tpu.memory_space<vmem>>
        %dma_start3A_94 = tpu.memref_squeeze %dma_start3A_93 : memref<1x1x128xi32, #tpu.memory_space<vmem>> -> memref<128xi32, #tpu.memory_space<vmem>>
        %dma_start3A_95 = arith.constant 0 : i32
        %dma_start3A_96 = arith.constant 0 : i32
        %dma_start3A_97 = tpu.memref_slice %arg3[%dma_start3A_95, %dma_start3A_96] : memref<10240x128xf32, #tpu.memory_space<hbm>> -> memref<10240x128xf32, #tpu.memory_space<hbm>>
        tpu.enqueue_indirect_dma source(%dma_start3A_97 : memref<10240x128xf32, #tpu.memory_space<hbm>>) target(%dma_start3A_91 : memref<128x128xf32, #tpu.memory_space<vmem>>) offsets(%dma_start3A_94 : memref<128xi32, #tpu.memory_space<vmem>>) semaphore(%arg16 : memref<!tpu.dma_semaphore, #tpu.memory_space<semaphore_mem>>)
        %dma_wait3A = arith.constant 0 : i32
        %dma_wait3A_98 = arith.constant 0 : i32
        %dma_wait3A_99 = arith.constant 0 : i32
        %dma_wait3A_100 = arith.constant 0 : i32
        %dma_wait3A_101 = tpu.memref_slice %arg14[%dma_wait3A_99, %dma_wait3A_100] : memref<256x128xf32, #tpu.memory_space<vmem>> -> memref<128x128xf32, #tpu.memory_space<vmem>>
        %dma_wait3A_102 = arith.constant 0 : i32
        %dma_wait3A_103 = tpu.memref_slice %arg13[%dma_wait3A, %dma_wait3A_98, %dma_wait3A_102] : memref<2x2x128xi32, #tpu.memory_space<vmem>> -> memref<1x1x128xi32, #tpu.memory_space<vmem>>
        %dma_wait3A_104 = tpu.memref_squeeze %dma_wait3A_103 : memref<1x1x128xi32, #tpu.memory_space<vmem>> -> memref<128xi32, #tpu.memory_space<vmem>>
        %dma_wait3A_105 = arith.constant 0 : i32
        %dma_wait3A_106 = arith.constant 0 : i32
        %dma_wait3A_107 = tpu.memref_slice %arg3[%dma_wait3A_105, %dma_wait3A_106] : memref<10240x128xf32, #tpu.memory_space<hbm>> -> memref<10240x128xf32, #tpu.memory_space<hbm>>
        tpu.wait_indirect_dma semaphore(%arg16 : memref<!tpu.dma_semaphore, #tpu.memory_space<semaphore_mem>>) src(%dma_wait3A_107 : memref<10240x128xf32, #tpu.memory_space<hbm>>) dst(%dma_wait3A_101 : memref<128x128xf32, #tpu.memory_space<vmem>>)
        %dma_wait3A_108 = arith.constant 1 : i32
        %dma_wait3A_109 = arith.constant 0 : i32
        %dma_wait3A_110 = arith.constant 128 : i32
        %dma_wait3A_111 = arith.constant 0 : i32
        %dma_wait3A_112 = tpu.memref_slice %arg14[%dma_wait3A_110, %dma_wait3A_111] : memref<256x128xf32, #tpu.memory_space<vmem>> -> memref<128x128xf32, #tpu.memory_space<vmem>>
        %dma_wait3A_113 = arith.constant 0 : i32
        %dma_wait3A_114 = tpu.memref_slice %arg13[%dma_wait3A_108, %dma_wait3A_109, %dma_wait3A_113] : memref<2x2x128xi32, #tpu.memory_space<vmem>> -> memref<1x1x128xi32, #tpu.memory_space<vmem>>
        %dma_wait3A_115 = tpu.memref_squeeze %dma_wait3A_114 : memref<1x1x128xi32, #tpu.memory_space<vmem>> -> memref<128xi32, #tpu.memory_space<vmem>>
        %dma_wait3A_116 = arith.constant 0 : i32
        %dma_wait3A_117 = arith.constant 0 : i32
        %dma_wait3A_118 = tpu.memref_slice %arg3[%dma_wait3A_116, %dma_wait3A_117] : memref<10240x128xf32, #tpu.memory_space<hbm>> -> memref<10240x128xf32, #tpu.memory_space<hbm>>
        tpu.wait_indirect_dma semaphore(%arg16 : memref<!tpu.dma_semaphore, #tpu.memory_space<semaphore_mem>>) src(%dma_wait3A_118 : memref<10240x128xf32, #tpu.memory_space<hbm>>) dst(%dma_wait3A_112 : memref<128x128xf32, #tpu.memory_space<vmem>>)
        %run_scoped3A = arith.constant 0 : i32
        %run_scoped3A_119 = arith.constant 1 : i32
        "tpu.region"() ({
          %run_scoped3A_122 = tpu.sem_alloc : memref<!tpu.dma_semaphore, #tpu.memory_space<semaphore_mem>>
          %dma_start3A_123 = arith.constant 0 : i32
          %dma_start3A_124 = arith.constant 0 : i32
          %dma_start3A_125 = tpu.memref_slice %arg14[%dma_start3A_123, %dma_start3A_124] : memref<256x128xf32, #tpu.memory_space<vmem>> -> memref<128x128xf32, #tpu.memory_space<vmem>>
          %dma_start3A_126 = arith.constant 0 : i32
          %dma_start3A_127 = tpu.memref_slice %arg13[%run_scoped3A, %run_scoped3A_119, %dma_start3A_126] : memref<2x2x128xi32, #tpu.memory_space<vmem>> -> memref<1x1x128xi32, #tpu.memory_space<vmem>>
          %dma_start3A_128 = tpu.memref_squeeze %dma_start3A_127 : memref<1x1x128xi32, #tpu.memory_space<vmem>> -> memref<128xi32, #tpu.memory_space<vmem>>
          %dma_start3A_129 = arith.constant 0 : i32
          %dma_start3A_130 = arith.constant 0 : i32
          %dma_start3A_131 = tpu.memref_slice %arg15[%dma_start3A_129, %dma_start3A_130] : memref<10240x128xf32, #tpu.memory_space<vmem_shared>> -> memref<10240x128xf32, #tpu.memory_space<vmem_shared>>
          tpu.enqueue_indirect_dma source(%dma_start3A_125 : memref<128x128xf32, #tpu.memory_space<vmem>>) target(%dma_start3A_131 : memref<10240x128xf32, #tpu.memory_space<vmem_shared>>) offsets(%dma_start3A_128 : memref<128xi32, #tpu.memory_space<vmem>>) semaphore(%run_scoped3A_122 : memref<!tpu.dma_semaphore, #tpu.memory_space<semaphore_mem>>) {add = true}
          %dma_wait3A_132 = arith.constant 0 : i32
          %dma_wait3A_133 = arith.constant 0 : i32
          %dma_wait3A_134 = tpu.memref_slice %arg14[%dma_wait3A_132, %dma_wait3A_133] : memref<256x128xf32, #tpu.memory_space<vmem>> -> memref<128x128xf32, #tpu.memory_space<vmem>>
          %dma_wait3A_135 = arith.constant 0 : i32
          %dma_wait3A_136 = tpu.memref_slice %arg13[%run_scoped3A, %run_scoped3A_119, %dma_wait3A_135] : memref<2x2x128xi32, #tpu.memory_space<vmem>> -> memref<1x1x128xi32, #tpu.memory_space<vmem>>
          %dma_wait3A_137 = tpu.memref_squeeze %dma_wait3A_136 : memref<1x1x128xi32, #tpu.memory_space<vmem>> -> memref<128xi32, #tpu.memory_space<vmem>>
          %dma_wait3A_138 = arith.constant 0 : i32
          %dma_wait3A_139 = arith.constant 0 : i32
          %dma_wait3A_140 = tpu.memref_slice %arg15[%dma_wait3A_138, %dma_wait3A_139] : memref<10240x128xf32, #tpu.memory_space<vmem_shared>> -> memref<10240x128xf32, #tpu.memory_space<vmem_shared>>
          tpu.wait_indirect_dma semaphore(%run_scoped3A_122 : memref<!tpu.dma_semaphore, #tpu.memory_space<semaphore_mem>>) src(%dma_wait3A_134 : memref<128x128xf32, #tpu.memory_space<vmem>>) dst(%dma_wait3A_140 : memref<10240x128xf32, #tpu.memory_space<vmem_shared>>)
          tpu.yield
        }) : () -> ()
        %run_scoped3A_120 = arith.constant 1 : i32
        %run_scoped3A_121 = arith.constant 1 : i32
        "tpu.region"() ({
          %run_scoped3A_122 = tpu.sem_alloc : memref<!tpu.dma_semaphore, #tpu.memory_space<semaphore_mem>>
          %dma_start3A_123 = arith.constant 128 : i32
          %dma_start3A_124 = arith.constant 0 : i32
          %dma_start3A_125 = tpu.memref_slice %arg14[%dma_start3A_123, %dma_start3A_124] : memref<256x128xf32, #tpu.memory_space<vmem>> -> memref<128x128xf32, #tpu.memory_space<vmem>>
          %dma_start3A_126 = arith.constant 0 : i32
          %dma_start3A_127 = tpu.memref_slice %arg13[%run_scoped3A_120, %run_scoped3A_121, %dma_start3A_126] : memref<2x2x128xi32, #tpu.memory_space<vmem>> -> memref<1x1x128xi32, #tpu.memory_space<vmem>>
          %dma_start3A_128 = tpu.memref_squeeze %dma_start3A_127 : memref<1x1x128xi32, #tpu.memory_space<vmem>> -> memref<128xi32, #tpu.memory_space<vmem>>
          %dma_start3A_129 = arith.constant 0 : i32
          %dma_start3A_130 = arith.constant 0 : i32
          %dma_start3A_131 = tpu.memref_slice %arg15[%dma_start3A_129, %dma_start3A_130] : memref<10240x128xf32, #tpu.memory_space<vmem_shared>> -> memref<10240x128xf32, #tpu.memory_space<vmem_shared>>
          tpu.enqueue_indirect_dma source(%dma_start3A_125 : memref<128x128xf32, #tpu.memory_space<vmem>>) target(%dma_start3A_131 : memref<10240x128xf32, #tpu.memory_space<vmem_shared>>) offsets(%dma_start3A_128 : memref<128xi32, #tpu.memory_space<vmem>>) semaphore(%run_scoped3A_122 : memref<!tpu.dma_semaphore, #tpu.memory_space<semaphore_mem>>) {add = true}
          %dma_wait3A_132 = arith.constant 128 : i32
          %dma_wait3A_133 = arith.constant 0 : i32
          %dma_wait3A_134 = tpu.memref_slice %arg14[%dma_wait3A_132, %dma_wait3A_133] : memref<256x128xf32, #tpu.memory_space<vmem>> -> memref<128x128xf32, #tpu.memory_space<vmem>>
          %dma_wait3A_135 = arith.constant 0 : i32
          %dma_wait3A_136 = tpu.memref_slice %arg13[%run_scoped3A_120, %run_scoped3A_121, %dma_wait3A_135] : memref<2x2x128xi32, #tpu.memory_space<vmem>> -> memref<1x1x128xi32, #tpu.memory_space<vmem>>
          %dma_wait3A_137 = tpu.memref_squeeze %dma_wait3A_136 : memref<1x1x128xi32, #tpu.memory_space<vmem>> -> memref<128xi32, #tpu.memory_space<vmem>>
          %dma_wait3A_138 = arith.constant 0 : i32
          %dma_wait3A_139 = arith.constant 0 : i32
          %dma_wait3A_140 = tpu.memref_slice %arg15[%dma_wait3A_138, %dma_wait3A_139] : memref<10240x128xf32, #tpu.memory_space<vmem_shared>> -> memref<10240x128xf32, #tpu.memory_space<vmem_shared>>
          tpu.wait_indirect_dma semaphore(%run_scoped3A_122 : memref<!tpu.dma_semaphore, #tpu.memory_space<semaphore_mem>>) src(%dma_wait3A_134 : memref<128x128xf32, #tpu.memory_space<vmem>>) dst(%dma_wait3A_140 : memref<10240x128xf32, #tpu.memory_space<vmem_shared>>)
          tpu.yield
        }) : () -> ()
      }
      %while3A_70 = arith.constant 1 : i32
      scf.for %while3A_71 = %while3A_68 to %while3A_64 step %while3A_70  : i32 {
        %mul3A_72 = arith.constant 16 : i32
        %mul3A_73 = arith.muli %while3A_71, %mul3A_72 : i32
        %add3A_74 = arith.addi %mul3A_73, %arg1 : i32
        %mul3A_75 = arith.constant 2 : i32
        %mul3A_76 = arith.muli %add3A_74, %mul3A_75 : i32
        "tpu.region"() ({
          %run_scoped3A_122 = tpu.sem_alloc : memref<!tpu.dma_semaphore, #tpu.memory_space<semaphore_mem>>
          %dma_start3A_123 = arith.constant 0 : i32
          %dma_start3A_124 = arith.constant 0 : i32
          %dma_start3A_125 = tpu.memref_slice %arg6[%mul3A_76, %dma_start3A_123, %dma_start3A_124] : memref<2500x2x128xi32, #tpu.memory_space<hbm>> -> memref<2x2x128xi32, #tpu.memory_space<hbm>>
          %dma_start3A_126 = arith.constant 0 : i32
          %dma_start3A_127 = arith.constant 0 : i32
          %dma_start3A_128 = tpu.memref_slice %arg6[%mul3A_76, %dma_start3A_126, %dma_start3A_127] : memref<2500x2x128xi32, #tpu.memory_space<hbm>> -> memref<2x2x128xi32, #tpu.memory_space<hbm>>
          tpu.enqueue_dma source(%dma_start3A_128 : memref<2x2x128xi32, #tpu.memory_space<hbm>>) target(%arg13 : memref<2x2x128xi32, #tpu.memory_space<vmem>>) target_semaphore(%run_scoped3A_122 : memref<!tpu.dma_semaphore, #tpu.memory_space<semaphore_mem>>)
          %dma_wait3A_129 = arith.constant 0 : i32
          %dma_wait3A_130 = arith.constant 0 : i32
          %dma_wait3A_131 = tpu.memref_slice %arg6[%mul3A_76, %dma_wait3A_129, %dma_wait3A_130] : memref<2500x2x128xi32, #tpu.memory_space<hbm>> -> memref<2x2x128xi32, #tpu.memory_space<hbm>>
          %dma_wait3A_132 = arith.constant 0 : i32
          %dma_wait3A_133 = arith.constant 0 : i32
          %dma_wait3A_134 = tpu.memref_slice %arg6[%mul3A_76, %dma_wait3A_132, %dma_wait3A_133] : memref<2500x2x128xi32, #tpu.memory_space<hbm>> -> memref<2x2x128xi32, #tpu.memory_space<hbm>>
          tpu.wait_dma2 semaphore(%run_scoped3A_122 : memref<!tpu.dma_semaphore, #tpu.memory_space<semaphore_mem>>) src(%dma_wait3A_134 : memref<2x2x128xi32, #tpu.memory_space<hbm>>) dst(%arg13 : memref<2x2x128xi32, #tpu.memory_space<vmem>>)
          tpu.yield
        }) : () -> ()
        %dma_start3A = arith.constant 0 : i32
        %dma_start3A_77 = arith.constant 0 : i32
        %dma_start3A_78 = arith.constant 0 : i32
        %dma_start3A_79 = arith.constant 0 : i32
        %dma_start3A_80 = tpu.memref_slice %arg14[%dma_start3A_78, %dma_start3A_79] : memref<256x128xf32, #tpu.memory_space<vmem>> -> memref<128x128xf32, #tpu.memory_space<vmem>>
        %dma_start3A_81 = arith.constant 0 : i32
        %dma_start3A_82 = tpu.memref_slice %arg13[%dma_start3A, %dma_start3A_77, %dma_start3A_81] : memref<2x2x128xi32, #tpu.memory_space<vmem>> -> memref<1x1x128xi32, #tpu.memory_space<vmem>>
        %dma_start3A_83 = tpu.memref_squeeze %dma_start3A_82 : memref<1x1x128xi32, #tpu.memory_space<vmem>> -> memref<128xi32, #tpu.memory_space<vmem>>
        %dma_start3A_84 = arith.constant 0 : i32
        %dma_start3A_85 = arith.constant 0 : i32
        %dma_start3A_86 = tpu.memref_slice %arg3[%dma_start3A_84, %dma_start3A_85] : memref<10240x128xf32, #tpu.memory_space<hbm>> -> memref<10240x128xf32, #tpu.memory_space<hbm>>
        tpu.enqueue_indirect_dma source(%dma_start3A_86 : memref<10240x128xf32, #tpu.memory_space<hbm>>) target(%dma_start3A_80 : memref<128x128xf32, #tpu.memory_space<vmem>>) offsets(%dma_start3A_83 : memref<128xi32, #tpu.memory_space<vmem>>) semaphore(%arg16 : memref<!tpu.dma_semaphore, #tpu.memory_space<semaphore_mem>>)
        %dma_start3A_87 = arith.constant 1 : i32
        %dma_start3A_88 = arith.constant 0 : i32
        %dma_start3A_89 = arith.constant 128 : i32
        %dma_start3A_90 = arith.constant 0 : i32
        %dma_start3A_91 = tpu.memref_slice %arg14[%dma_start3A_89, %dma_start3A_90] : memref<256x128xf32, #tpu.memory_space<vmem>> -> memref<128x128xf32, #tpu.memory_space<vmem>>
        %dma_start3A_92 = arith.constant 0 : i32
        %dma_start3A_93 = tpu.memref_slice %arg13[%dma_start3A_87, %dma_start3A_88, %dma_start3A_92] : memref<2x2x128xi32, #tpu.memory_space<vmem>> -> memref<1x1x128xi32, #tpu.memory_space<vmem>>
        %dma_start3A_94 = tpu.memref_squeeze %dma_start3A_93 : memref<1x1x128xi32, #tpu.memory_space<vmem>> -> memref<128xi32, #tpu.memory_space<vmem>>
        %dma_start3A_95 = arith.constant 0 : i32
        %dma_start3A_96 = arith.constant 0 : i32
        %dma_start3A_97 = tpu.memref_slice %arg3[%dma_start3A_95, %dma_start3A_96] : memref<10240x128xf32, #tpu.memory_space<hbm>> -> memref<10240x128xf32, #tpu.memory_space<hbm>>
        tpu.enqueue_indirect_dma source(%dma_start3A_97 : memref<10240x128xf32, #tpu.memory_space<hbm>>) target(%dma_start3A_91 : memref<128x128xf32, #tpu.memory_space<vmem>>) offsets(%dma_start3A_94 : memref<128xi32, #tpu.memory_space<vmem>>) semaphore(%arg16 : memref<!tpu.dma_semaphore, #tpu.memory_space<semaphore_mem>>)
        %dma_wait3A = arith.constant 0 : i32
        %dma_wait3A_98 = arith.constant 0 : i32
        %dma_wait3A_99 = arith.constant 0 : i32
        %dma_wait3A_100 = arith.constant 0 : i32
        %dma_wait3A_101 = tpu.memref_slice %arg14[%dma_wait3A_99, %dma_wait3A_100] : memref<256x128xf32, #tpu.memory_space<vmem>> -> memref<128x128xf32, #tpu.memory_space<vmem>>
        %dma_wait3A_102 = arith.constant 0 : i32
        %dma_wait3A_103 = tpu.memref_slice %arg13[%dma_wait3A, %dma_wait3A_98, %dma_wait3A_102] : memref<2x2x128xi32, #tpu.memory_space<vmem>> -> memref<1x1x128xi32, #tpu.memory_space<vmem>>
        %dma_wait3A_104 = tpu.memref_squeeze %dma_wait3A_103 : memref<1x1x128xi32, #tpu.memory_space<vmem>> -> memref<128xi32, #tpu.memory_space<vmem>>
        %dma_wait3A_105 = arith.constant 0 : i32
        %dma_wait3A_106 = arith.constant 0 : i32
        %dma_wait3A_107 = tpu.memref_slice %arg3[%dma_wait3A_105, %dma_wait3A_106] : memref<10240x128xf32, #tpu.memory_space<hbm>> -> memref<10240x128xf32, #tpu.memory_space<hbm>>
        tpu.wait_indirect_dma semaphore(%arg16 : memref<!tpu.dma_semaphore, #tpu.memory_space<semaphore_mem>>) src(%dma_wait3A_107 : memref<10240x128xf32, #tpu.memory_space<hbm>>) dst(%dma_wait3A_101 : memref<128x128xf32, #tpu.memory_space<vmem>>)
        %dma_wait3A_108 = arith.constant 1 : i32
        %dma_wait3A_109 = arith.constant 0 : i32
        %dma_wait3A_110 = arith.constant 128 : i32
        %dma_wait3A_111 = arith.constant 0 : i32
        %dma_wait3A_112 = tpu.memref_slice %arg14[%dma_wait3A_110, %dma_wait3A_111] : memref<256x128xf32, #tpu.memory_space<vmem>> -> memref<128x128xf32, #tpu.memory_space<vmem>>
        %dma_wait3A_113 = arith.constant 0 : i32
        %dma_wait3A_114 = tpu.memref_slice %arg13[%dma_wait3A_108, %dma_wait3A_109, %dma_wait3A_113] : memref<2x2x128xi32, #tpu.memory_space<vmem>> -> memref<1x1x128xi32, #tpu.memory_space<vmem>>
        %dma_wait3A_115 = tpu.memref_squeeze %dma_wait3A_114 : memref<1x1x128xi32, #tpu.memory_space<vmem>> -> memref<128xi32, #tpu.memory_space<vmem>>
        %dma_wait3A_116 = arith.constant 0 : i32
        %dma_wait3A_117 = arith.constant 0 : i32
        %dma_wait3A_118 = tpu.memref_slice %arg3[%dma_wait3A_116, %dma_wait3A_117] : memref<10240x128xf32, #tpu.memory_space<hbm>> -> memref<10240x128xf32, #tpu.memory_space<hbm>>
        tpu.wait_indirect_dma semaphore(%arg16 : memref<!tpu.dma_semaphore, #tpu.memory_space<semaphore_mem>>) src(%dma_wait3A_118 : memref<10240x128xf32, #tpu.memory_space<hbm>>) dst(%dma_wait3A_112 : memref<128x128xf32, #tpu.memory_space<vmem>>)
        %run_scoped3A = arith.constant 0 : i32
        %run_scoped3A_119 = arith.constant 1 : i32
        "tpu.region"() ({
          %run_scoped3A_122 = tpu.sem_alloc : memref<!tpu.dma_semaphore, #tpu.memory_space<semaphore_mem>>
          %dma_start3A_123 = arith.constant 0 : i32
          %dma_start3A_124 = arith.constant 0 : i32
          %dma_start3A_125 = tpu.memref_slice %arg14[%dma_start3A_123, %dma_start3A_124] : memref<256x128xf32, #tpu.memory_space<vmem>> -> memref<128x128xf32, #tpu.memory_space<vmem>>
          %dma_start3A_126 = arith.constant 0 : i32
          %dma_start3A_127 = tpu.memref_slice %arg13[%run_scoped3A, %run_scoped3A_119, %dma_start3A_126] : memref<2x2x128xi32, #tpu.memory_space<vmem>> -> memref<1x1x128xi32, #tpu.memory_space<vmem>>
          %dma_start3A_128 = tpu.memref_squeeze %dma_start3A_127 : memref<1x1x128xi32, #tpu.memory_space<vmem>> -> memref<128xi32, #tpu.memory_space<vmem>>
          %dma_start3A_129 = arith.constant 0 : i32
          %dma_start3A_130 = arith.constant 0 : i32
          %dma_start3A_131 = tpu.memref_slice %arg15[%dma_start3A_129, %dma_start3A_130] : memref<10240x128xf32, #tpu.memory_space<vmem_shared>> -> memref<10240x128xf32, #tpu.memory_space<vmem_shared>>
          tpu.enqueue_indirect_dma source(%dma_start3A_125 : memref<128x128xf32, #tpu.memory_space<vmem>>) target(%dma_start3A_131 : memref<10240x128xf32, #tpu.memory_space<vmem_shared>>) offsets(%dma_start3A_128 : memref<128xi32, #tpu.memory_space<vmem>>) semaphore(%run_scoped3A_122 : memref<!tpu.dma_semaphore, #tpu.memory_space<semaphore_mem>>) {add = true}
          %dma_wait3A_132 = arith.constant 0 : i32
          %dma_wait3A_133 = arith.constant 0 : i32
          %dma_wait3A_134 = tpu.memref_slice %arg14[%dma_wait3A_132, %dma_wait3A_133] : memref<256x128xf32, #tpu.memory_space<vmem>> -> memref<128x128xf32, #tpu.memory_space<vmem>>
          %dma_wait3A_135 = arith.constant 0 : i32
          %dma_wait3A_136 = tpu.memref_slice %arg13[%run_scoped3A, %run_scoped3A_119, %dma_wait3A_135] : memref<2x2x128xi32, #tpu.memory_space<vmem>> -> memref<1x1x128xi32, #tpu.memory_space<vmem>>
          %dma_wait3A_137 = tpu.memref_squeeze %dma_wait3A_136 : memref<1x1x128xi32, #tpu.memory_space<vmem>> -> memref<128xi32, #tpu.memory_space<vmem>>
          %dma_wait3A_138 = arith.constant 0 : i32
          %dma_wait3A_139 = arith.constant 0 : i32
          %dma_wait3A_140 = tpu.memref_slice %arg15[%dma_wait3A_138, %dma_wait3A_139] : memref<10240x128xf32, #tpu.memory_space<vmem_shared>> -> memref<10240x128xf32, #tpu.memory_space<vmem_shared>>
          tpu.wait_indirect_dma semaphore(%run_scoped3A_122 : memref<!tpu.dma_semaphore, #tpu.memory_space<semaphore_mem>>) src(%dma_wait3A_134 : memref<128x128xf32, #tpu.memory_space<vmem>>) dst(%dma_wait3A_140 : memref<10240x128xf32, #tpu.memory_space<vmem_shared>>)
          tpu.yield
        }) : () -> ()
        %run_scoped3A_120 = arith.constant 1 : i32
        %run_scoped3A_121 = arith.constant 1 : i32
        "tpu.region"() ({
          %run_scoped3A_122 = tpu.sem_alloc : memref<!tpu.dma_semaphore, #tpu.memory_space<semaphore_mem>>
          %dma_start3A_123 = arith.constant 128 : i32
          %dma_start3A_124 = arith.constant 0 : i32
          %dma_start3A_125 = tpu.memref_slice %arg14[%dma_start3A_123, %dma_start3A_124] : memref<256x128xf32, #tpu.memory_space<vmem>> -> memref<128x128xf32, #tpu.memory_space<vmem>>
          %dma_start3A_126 = arith.constant 0 : i32
          %dma_start3A_127 = tpu.memref_slice %arg13[%run_scoped3A_120, %run_scoped3A_121, %dma_start3A_126] : memref<2x2x128xi32, #tpu.memory_space<vmem>> -> memref<1x1x128xi32, #tpu.memory_space<vmem>>
          %dma_start3A_128 = tpu.memref_squeeze %dma_start3A_127 : memref<1x1x128xi32, #tpu.memory_space<vmem>> -> memref<128xi32, #tpu.memory_space<vmem>>
          %dma_start3A_129 = arith.constant 0 : i32
          %dma_start3A_130 = arith.constant 0 : i32
          %dma_start3A_131 = tpu.memref_slice %arg15[%dma_start3A_129, %dma_start3A_130] : memref<10240x128xf32, #tpu.memory_space<vmem_shared>> -> memref<10240x128xf32, #tpu.memory_space<vmem_shared>>
          tpu.enqueue_indirect_dma source(%dma_start3A_125 : memref<128x128xf32, #tpu.memory_space<vmem>>) target(%dma_start3A_131 : memref<10240x128xf32, #tpu.memory_space<vmem_shared>>) offsets(%dma_start3A_128 : memref<128xi32, #tpu.memory_space<vmem>>) semaphore(%run_scoped3A_122 : memref<!tpu.dma_semaphore, #tpu.memory_space<semaphore_mem>>) {add = true}
          %dma_wait3A_132 = arith.constant 128 : i32
          %dma_wait3A_133 = arith.constant 0 : i32
          %dma_wait3A_134 = tpu.memref_slice %arg14[%dma_wait3A_132, %dma_wait3A_133] : memref<256x128xf32, #tpu.memory_space<vmem>> -> memref<128x128xf32, #tpu.memory_space<vmem>>
          %dma_wait3A_135 = arith.constant 0 : i32
          %dma_wait3A_136 = tpu.memref_slice %arg13[%run_scoped3A_120, %run_scoped3A_121, %dma_wait3A_135] : memref<2x2x128xi32, #tpu.memory_space<vmem>> -> memref<1x1x128xi32, #tpu.memory_space<vmem>>
          %dma_wait3A_137 = tpu.memref_squeeze %dma_wait3A_136 : memref<1x1x128xi32, #tpu.memory_space<vmem>> -> memref<128xi32, #tpu.memory_space<vmem>>
          %dma_wait3A_138 = arith.constant 0 : i32
          %dma_wait3A_139 = arith.constant 0 : i32
          %dma_wait3A_140 = tpu.memref_slice %arg15[%dma_wait3A_138, %dma_wait3A_139] : memref<10240x128xf32, #tpu.memory_space<vmem_shared>> -> memref<10240x128xf32, #tpu.memory_space<vmem_shared>>
          tpu.wait_indirect_dma semaphore(%run_scoped3A_122 : memref<!tpu.dma_semaphore, #tpu.memory_space<semaphore_mem>>) src(%dma_wait3A_134 : memref<128x128xf32, #tpu.memory_space<vmem>>) dst(%dma_wait3A_140 : memref<10240x128xf32, #tpu.memory_space<vmem_shared>>)
          tpu.yield
        }) : () -> ()
      }
    } else {
    }
    %barrier3A_8 = arith.constant 0 : index
    tpu.barrier barrier_id(%barrier3A_8)
    %eq3A_9 = arith.constant 0 : i32
    %eq3A_10 = arith.cmpi eq, %arg0, %eq3A_9 : i32
    %convert_element_type3A_11 = arith.extui %eq3A_10 : i1 to i32
    %cond3A_12 = arith.constant 0 : i32
    %cond3A_13 = arith.cmpi ne, %convert_element_type3A_11, %cond3A_12 : i32
    scf.if %cond3A_13 {
      "tpu.region"() ({
        %run_scoped3A = tpu.sem_alloc : memref<!tpu.dma_semaphore, #tpu.memory_space<semaphore_mem>>
        %dma_start3A = arith.constant 0 : i32
        %dma_start3A_41 = tpu.memref_slice %arg9[%mul3A_0, %dma_start3A] : memref<10240x128xf32, #tpu.memory_space<hbm>> -> memref<640x128xf32, #tpu.memory_space<hbm>>
        %dma_start3A_42 = arith.constant 0 : i32
        %dma_start3A_43 = tpu.memref_slice %arg15[%mul3A_0, %dma_start3A_42] : memref<10240x128xf32, #tpu.memory_space<vmem_shared>> -> memref<640x128xf32, #tpu.memory_space<vmem_shared>>
        tpu.enqueue_dma source(%dma_start3A_43 : memref<640x128xf32, #tpu.memory_space<vmem_shared>>) target(%dma_start3A_41 : memref<640x128xf32, #tpu.memory_space<hbm>>) target_semaphore(%run_scoped3A : memref<!tpu.dma_semaphore, #tpu.memory_space<semaphore_mem>>)
        %dma_wait3A = arith.constant 0 : i32
        %dma_wait3A_44 = tpu.memref_slice %arg9[%mul3A_0, %dma_wait3A] : memref<10240x128xf32, #tpu.memory_space<hbm>> -> memref<640x128xf32, #tpu.memory_space<hbm>>
        %dma_wait3A_45 = arith.constant 0 : i32
        %dma_wait3A_46 = tpu.memref_slice %arg15[%mul3A_0, %dma_wait3A_45] : memref<10240x128xf32, #tpu.memory_space<vmem_shared>> -> memref<640x128xf32, #tpu.memory_space<vmem_shared>>
        tpu.wait_dma2 semaphore(%run_scoped3A : memref<!tpu.dma_semaphore, #tpu.memory_space<semaphore_mem>>) src(%dma_wait3A_46 : memref<640x128xf32, #tpu.memory_space<vmem_shared>>) dst(%dma_wait3A_44 : memref<640x128xf32, #tpu.memory_space<hbm>>)
        tpu.yield
      }) : () -> ()
    } else {
    }
    %eq3A_14 = arith.constant 1 : i32
    %eq3A_15 = arith.cmpi eq, %arg0, %eq3A_14 : i32
    %convert_element_type3A_16 = arith.extui %eq3A_15 : i1 to i32
    %cond3A_17 = arith.constant 0 : i32
    %cond3A_18 = arith.cmpi ne, %convert_element_type3A_16, %cond3A_17 : i32
    scf.if %cond3A_18 {
      "tpu.region"() ({
        %run_scoped3A = tpu.sem_alloc : memref<!tpu.dma_semaphore, #tpu.memory_space<semaphore_mem>>
        %dma_start3A = arith.constant 0 : i32
        %dma_start3A_41 = tpu.memref_slice %arg10[%mul3A_0, %dma_start3A] : memref<10240x128xf32, #tpu.memory_space<hbm>> -> memref<640x128xf32, #tpu.memory_space<hbm>>
        %dma_start3A_42 = arith.constant 0 : i32
        %dma_start3A_43 = tpu.memref_slice %arg15[%mul3A_0, %dma_start3A_42] : memref<10240x128xf32, #tpu.memory_space<vmem_shared>> -> memref<640x128xf32, #tpu.memory_space<vmem_shared>>
        tpu.enqueue_dma source(%dma_start3A_43 : memref<640x128xf32, #tpu.memory_space<vmem_shared>>) target(%dma_start3A_41 : memref<640x128xf32, #tpu.memory_space<hbm>>) target_semaphore(%run_scoped3A : memref<!tpu.dma_semaphore, #tpu.memory_space<semaphore_mem>>)
        %dma_wait3A = arith.constant 0 : i32
        %dma_wait3A_44 = tpu.memref_slice %arg10[%mul3A_0, %dma_wait3A] : memref<10240x128xf32, #tpu.memory_space<hbm>> -> memref<640x128xf32, #tpu.memory_space<hbm>>
        %dma_wait3A_45 = arith.constant 0 : i32
        %dma_wait3A_46 = tpu.memref_slice %arg15[%mul3A_0, %dma_wait3A_45] : memref<10240x128xf32, #tpu.memory_space<vmem_shared>> -> memref<640x128xf32, #tpu.memory_space<vmem_shared>>
        tpu.wait_dma2 semaphore(%run_scoped3A : memref<!tpu.dma_semaphore, #tpu.memory_space<semaphore_mem>>) src(%dma_wait3A_46 : memref<640x128xf32, #tpu.memory_space<vmem_shared>>) dst(%dma_wait3A_44 : memref<640x128xf32, #tpu.memory_space<hbm>>)
        tpu.yield
      }) : () -> ()
    } else {
    }
    "tpu.region"() ({
      %run_scoped3A = tpu.sem_alloc : memref<!tpu.dma_semaphore, #tpu.memory_space<semaphore_mem>>
      %dma_start3A = arith.constant 0 : i32
      %dma_start3A_41 = tpu.memref_slice %arg15[%mul3A_0, %dma_start3A] : memref<10240x128xf32, #tpu.memory_space<vmem_shared>> -> memref<640x128xf32, #tpu.memory_space<vmem_shared>>
      tpu.enqueue_dma source(%arg8 : memref<640x128xf32, #tpu.memory_space<hbm>>) target(%dma_start3A_41 : memref<640x128xf32, #tpu.memory_space<vmem_shared>>) target_semaphore(%run_scoped3A : memref<!tpu.dma_semaphore, #tpu.memory_space<semaphore_mem>>)
      %dma_wait3A = arith.constant 0 : i32
      %dma_wait3A_42 = tpu.memref_slice %arg15[%mul3A_0, %dma_wait3A] : memref<10240x128xf32, #tpu.memory_space<vmem_shared>> -> memref<640x128xf32, #tpu.memory_space<vmem_shared>>
      tpu.wait_dma2 semaphore(%run_scoped3A : memref<!tpu.dma_semaphore, #tpu.memory_space<semaphore_mem>>) src(%arg8 : memref<640x128xf32, #tpu.memory_space<hbm>>) dst(%dma_wait3A_42 : memref<640x128xf32, #tpu.memory_space<vmem_shared>>)
      tpu.yield
    }) : () -> ()
    %barrier3A_19 = arith.constant 0 : index
    tpu.barrier barrier_id(%barrier3A_19)
    %eq3A_20 = arith.constant 0 : i32
    %eq3A_21 = arith.cmpi eq, %arg0, %eq3A_20 : i32
    %convert_element_type3A_22 = arith.extui %eq3A_21 : i1 to i32
    %cond3A_23 = arith.constant 0 : i32
    %cond3A_24 = arith.cmpi ne, %convert_element_type3A_22, %cond3A_23 : i32
    scf.if %cond3A_24 {
      %sub3A = arith.constant 1250 : i32
      %sub3A_41 = arith.subi %sub3A, %arg1 : i32
      %add3A = arith.constant 16 : i32
      %add3A_42 = arith.addi %sub3A_41, %add3A : i32
      %sub3A_43 = arith.constant 1 : i32
      %sub3A_44 = arith.subi %add3A_42, %sub3A_43 : i32
      %jit3A = arith.constant 16 : i32
      %div3A = arith.divsi %sub3A_44, %jit3A : i32
      %sign3A = arith.constant 0 : i32
      %sign3A_45 = arith.cmpi sgt, %sub3A_44, %sign3A : i32
      %sign3A_46 = arith.extui %sign3A_45 : i1 to i32
      %sign3A_47 = arith.constant 0 : i32
      %sign3A_48 = arith.cmpi slt, %sub3A_44, %sign3A_47 : i32
      %sign3A_49 = arith.extui %sign3A_48 : i1 to i32
      %sign3A_50 = arith.subi %sign3A_46, %sign3A_49 : i32
      %sign3A_51 = arith.constant 0 : i32
      %sign3A_52 = arith.cmpi sgt, %jit3A, %sign3A_51 : i32
      %sign3A_53 = arith.extui %sign3A_52 : i1 to i32
      %sign3A_54 = arith.constant 0 : i32
      %sign3A_55 = arith.cmpi slt, %jit3A, %sign3A_54 : i32
      %sign3A_56 = arith.extui %sign3A_55 : i1 to i32
      %sign3A_57 = arith.subi %sign3A_53, %sign3A_56 : i32
      %ne3A = arith.cmpi ne, %sign3A_50, %sign3A_57 : i32
      %rem3A = arith.remsi %sub3A_44, %jit3A : i32
      %ne3A_58 = arith.constant 0 : i32
      %ne3A_59 = arith.cmpi ne, %rem3A, %ne3A_58 : i32
      %and3A = arith.andi %ne3A, %ne3A_59 : i1
      %sub3A_60 = arith.constant 1 : i32
      %sub3A_61 = arith.subi %div3A, %sub3A_60 : i32
      %select_n3A = arith.select %and3A, %sub3A_61, %div3A : i32
      %while3A = arith.constant 0 : i32
      %while3A_62 = arith.constant 0 : i32
      %while3A_63 = arith.subi %select_n3A, %while3A_62 : i32
      %while3A_64 = arith.addi %while3A_62, %while3A_63 : i32
      %while3A_65 = arith.constant 1 : i32
      %while3A_66 = arith.divsi %while3A_63, %while3A_65 : i32
      %while3A_67 = arith.muli %while3A_66, %while3A_65 : i32
      %while3A_68 = arith.addi %while3A_62, %while3A_67 : i32
      %while3A_69 = arith.constant 1 : i32
      scf.for %while3A_71 = %while3A_62 to %while3A_68 step %while3A_69  : i32 {
        %mul3A_72 = arith.constant 16 : i32
        %mul3A_73 = arith.muli %while3A_71, %mul3A_72 : i32
        %add3A_74 = arith.addi %mul3A_73, %arg1 : i32
        %mul3A_75 = arith.constant 2 : i32
        %mul3A_76 = arith.muli %add3A_74, %mul3A_75 : i32
        "tpu.region"() ({
          %run_scoped3A_122 = tpu.sem_alloc : memref<!tpu.dma_semaphore, #tpu.memory_space<semaphore_mem>>
          %dma_start3A_123 = arith.constant 0 : i32
          %dma_start3A_124 = arith.constant 0 : i32
          %dma_start3A_125 = tpu.memref_slice %arg7[%mul3A_76, %dma_start3A_123, %dma_start3A_124] : memref<2500x2x128xi32, #tpu.memory_space<hbm>> -> memref<2x2x128xi32, #tpu.memory_space<hbm>>
          %dma_start3A_126 = arith.constant 0 : i32
          %dma_start3A_127 = arith.constant 0 : i32
          %dma_start3A_128 = tpu.memref_slice %arg7[%mul3A_76, %dma_start3A_126, %dma_start3A_127] : memref<2500x2x128xi32, #tpu.memory_space<hbm>> -> memref<2x2x128xi32, #tpu.memory_space<hbm>>
          tpu.enqueue_dma source(%dma_start3A_128 : memref<2x2x128xi32, #tpu.memory_space<hbm>>) target(%arg13 : memref<2x2x128xi32, #tpu.memory_space<vmem>>) target_semaphore(%run_scoped3A_122 : memref<!tpu.dma_semaphore, #tpu.memory_space<semaphore_mem>>)
          %dma_wait3A_129 = arith.constant 0 : i32
          %dma_wait3A_130 = arith.constant 0 : i32
          %dma_wait3A_131 = tpu.memref_slice %arg7[%mul3A_76, %dma_wait3A_129, %dma_wait3A_130] : memref<2500x2x128xi32, #tpu.memory_space<hbm>> -> memref<2x2x128xi32, #tpu.memory_space<hbm>>
          %dma_wait3A_132 = arith.constant 0 : i32
          %dma_wait3A_133 = arith.constant 0 : i32
          %dma_wait3A_134 = tpu.memref_slice %arg7[%mul3A_76, %dma_wait3A_132, %dma_wait3A_133] : memref<2500x2x128xi32, #tpu.memory_space<hbm>> -> memref<2x2x128xi32, #tpu.memory_space<hbm>>
          tpu.wait_dma2 semaphore(%run_scoped3A_122 : memref<!tpu.dma_semaphore, #tpu.memory_space<semaphore_mem>>) src(%dma_wait3A_134 : memref<2x2x128xi32, #tpu.memory_space<hbm>>) dst(%arg13 : memref<2x2x128xi32, #tpu.memory_space<vmem>>)
          tpu.yield
        }) : () -> ()
        %dma_start3A = arith.constant 0 : i32
        %dma_start3A_77 = arith.constant 0 : i32
        %dma_start3A_78 = arith.constant 0 : i32
        %dma_start3A_79 = arith.constant 0 : i32
        %dma_start3A_80 = tpu.memref_slice %arg14[%dma_start3A_78, %dma_start3A_79] : memref<256x128xf32, #tpu.memory_space<vmem>> -> memref<128x128xf32, #tpu.memory_space<vmem>>
        %dma_start3A_81 = arith.constant 0 : i32
        %dma_start3A_82 = tpu.memref_slice %arg13[%dma_start3A, %dma_start3A_77, %dma_start3A_81] : memref<2x2x128xi32, #tpu.memory_space<vmem>> -> memref<1x1x128xi32, #tpu.memory_space<vmem>>
        %dma_start3A_83 = tpu.memref_squeeze %dma_start3A_82 : memref<1x1x128xi32, #tpu.memory_space<vmem>> -> memref<128xi32, #tpu.memory_space<vmem>>
        %dma_start3A_84 = arith.constant 0 : i32
        %dma_start3A_85 = arith.constant 0 : i32
        %dma_start3A_86 = tpu.memref_slice %arg4[%dma_start3A_84, %dma_start3A_85] : memref<10240x128xf32, #tpu.memory_space<hbm>> -> memref<10240x128xf32, #tpu.memory_space<hbm>>
        tpu.enqueue_indirect_dma source(%dma_start3A_86 : memref<10240x128xf32, #tpu.memory_space<hbm>>) target(%dma_start3A_80 : memref<128x128xf32, #tpu.memory_space<vmem>>) offsets(%dma_start3A_83 : memref<128xi32, #tpu.memory_space<vmem>>) semaphore(%arg16 : memref<!tpu.dma_semaphore, #tpu.memory_space<semaphore_mem>>)
        %dma_start3A_87 = arith.constant 1 : i32
        %dma_start3A_88 = arith.constant 0 : i32
        %dma_start3A_89 = arith.constant 128 : i32
        %dma_start3A_90 = arith.constant 0 : i32
        %dma_start3A_91 = tpu.memref_slice %arg14[%dma_start3A_89, %dma_start3A_90] : memref<256x128xf32, #tpu.memory_space<vmem>> -> memref<128x128xf32, #tpu.memory_space<vmem>>
        %dma_start3A_92 = arith.constant 0 : i32
        %dma_start3A_93 = tpu.memref_slice %arg13[%dma_start3A_87, %dma_start3A_88, %dma_start3A_92] : memref<2x2x128xi32, #tpu.memory_space<vmem>> -> memref<1x1x128xi32, #tpu.memory_space<vmem>>
        %dma_start3A_94 = tpu.memref_squeeze %dma_start3A_93 : memref<1x1x128xi32, #tpu.memory_space<vmem>> -> memref<128xi32, #tpu.memory_space<vmem>>
        %dma_start3A_95 = arith.constant 0 : i32
        %dma_start3A_96 = arith.constant 0 : i32
        %dma_start3A_97 = tpu.memref_slice %arg4[%dma_start3A_95, %dma_start3A_96] : memref<10240x128xf32, #tpu.memory_space<hbm>> -> memref<10240x128xf32, #tpu.memory_space<hbm>>
        tpu.enqueue_indirect_dma source(%dma_start3A_97 : memref<10240x128xf32, #tpu.memory_space<hbm>>) target(%dma_start3A_91 : memref<128x128xf32, #tpu.memory_space<vmem>>) offsets(%dma_start3A_94 : memref<128xi32, #tpu.memory_space<vmem>>) semaphore(%arg16 : memref<!tpu.dma_semaphore, #tpu.memory_space<semaphore_mem>>)
        %dma_wait3A = arith.constant 0 : i32
        %dma_wait3A_98 = arith.constant 0 : i32
        %dma_wait3A_99 = arith.constant 0 : i32
        %dma_wait3A_100 = arith.constant 0 : i32
        %dma_wait3A_101 = tpu.memref_slice %arg14[%dma_wait3A_99, %dma_wait3A_100] : memref<256x128xf32, #tpu.memory_space<vmem>> -> memref<128x128xf32, #tpu.memory_space<vmem>>
        %dma_wait3A_102 = arith.constant 0 : i32
        %dma_wait3A_103 = tpu.memref_slice %arg13[%dma_wait3A, %dma_wait3A_98, %dma_wait3A_102] : memref<2x2x128xi32, #tpu.memory_space<vmem>> -> memref<1x1x128xi32, #tpu.memory_space<vmem>>
        %dma_wait3A_104 = tpu.memref_squeeze %dma_wait3A_103 : memref<1x1x128xi32, #tpu.memory_space<vmem>> -> memref<128xi32, #tpu.memory_space<vmem>>
        %dma_wait3A_105 = arith.constant 0 : i32
        %dma_wait3A_106 = arith.constant 0 : i32
        %dma_wait3A_107 = tpu.memref_slice %arg4[%dma_wait3A_105, %dma_wait3A_106] : memref<10240x128xf32, #tpu.memory_space<hbm>> -> memref<10240x128xf32, #tpu.memory_space<hbm>>
        tpu.wait_indirect_dma semaphore(%arg16 : memref<!tpu.dma_semaphore, #tpu.memory_space<semaphore_mem>>) src(%dma_wait3A_107 : memref<10240x128xf32, #tpu.memory_space<hbm>>) dst(%dma_wait3A_101 : memref<128x128xf32, #tpu.memory_space<vmem>>)
        %dma_wait3A_108 = arith.constant 1 : i32
        %dma_wait3A_109 = arith.constant 0 : i32
        %dma_wait3A_110 = arith.constant 128 : i32
        %dma_wait3A_111 = arith.constant 0 : i32
        %dma_wait3A_112 = tpu.memref_slice %arg14[%dma_wait3A_110, %dma_wait3A_111] : memref<256x128xf32, #tpu.memory_space<vmem>> -> memref<128x128xf32, #tpu.memory_space<vmem>>
        %dma_wait3A_113 = arith.constant 0 : i32
        %dma_wait3A_114 = tpu.memref_slice %arg13[%dma_wait3A_108, %dma_wait3A_109, %dma_wait3A_113] : memref<2x2x128xi32, #tpu.memory_space<vmem>> -> memref<1x1x128xi32, #tpu.memory_space<vmem>>
        %dma_wait3A_115 = tpu.memref_squeeze %dma_wait3A_114 : memref<1x1x128xi32, #tpu.memory_space<vmem>> -> memref<128xi32, #tpu.memory_space<vmem>>
        %dma_wait3A_116 = arith.constant 0 : i32
        %dma_wait3A_117 = arith.constant 0 : i32
        %dma_wait3A_118 = tpu.memref_slice %arg4[%dma_wait3A_116, %dma_wait3A_117] : memref<10240x128xf32, #tpu.memory_space<hbm>> -> memref<10240x128xf32, #tpu.memory_space<hbm>>
        tpu.wait_indirect_dma semaphore(%arg16 : memref<!tpu.dma_semaphore, #tpu.memory_space<semaphore_mem>>) src(%dma_wait3A_118 : memref<10240x128xf32, #tpu.memory_space<hbm>>) dst(%dma_wait3A_112 : memref<128x128xf32, #tpu.memory_space<vmem>>)
        %run_scoped3A = arith.constant 0 : i32
        %run_scoped3A_119 = arith.constant 1 : i32
        "tpu.region"() ({
          %run_scoped3A_122 = tpu.sem_alloc : memref<!tpu.dma_semaphore, #tpu.memory_space<semaphore_mem>>
          %dma_start3A_123 = arith.constant 0 : i32
          %dma_start3A_124 = arith.constant 0 : i32
          %dma_start3A_125 = tpu.memref_slice %arg14[%dma_start3A_123, %dma_start3A_124] : memref<256x128xf32, #tpu.memory_space<vmem>> -> memref<128x128xf32, #tpu.memory_space<vmem>>
          %dma_start3A_126 = arith.constant 0 : i32
          %dma_start3A_127 = tpu.memref_slice %arg13[%run_scoped3A, %run_scoped3A_119, %dma_start3A_126] : memref<2x2x128xi32, #tpu.memory_space<vmem>> -> memref<1x1x128xi32, #tpu.memory_space<vmem>>
          %dma_start3A_128 = tpu.memref_squeeze %dma_start3A_127 : memref<1x1x128xi32, #tpu.memory_space<vmem>> -> memref<128xi32, #tpu.memory_space<vmem>>
          %dma_start3A_129 = arith.constant 0 : i32
          %dma_start3A_130 = arith.constant 0 : i32
          %dma_start3A_131 = tpu.memref_slice %arg15[%dma_start3A_129, %dma_start3A_130] : memref<10240x128xf32, #tpu.memory_space<vmem_shared>> -> memref<10240x128xf32, #tpu.memory_space<vmem_shared>>
          tpu.enqueue_indirect_dma source(%dma_start3A_125 : memref<128x128xf32, #tpu.memory_space<vmem>>) target(%dma_start3A_131 : memref<10240x128xf32, #tpu.memory_space<vmem_shared>>) offsets(%dma_start3A_128 : memref<128xi32, #tpu.memory_space<vmem>>) semaphore(%run_scoped3A_122 : memref<!tpu.dma_semaphore, #tpu.memory_space<semaphore_mem>>) {add = true}
          %dma_wait3A_132 = arith.constant 0 : i32
          %dma_wait3A_133 = arith.constant 0 : i32
          %dma_wait3A_134 = tpu.memref_slice %arg14[%dma_wait3A_132, %dma_wait3A_133] : memref<256x128xf32, #tpu.memory_space<vmem>> -> memref<128x128xf32, #tpu.memory_space<vmem>>
          %dma_wait3A_135 = arith.constant 0 : i32
          %dma_wait3A_136 = tpu.memref_slice %arg13[%run_scoped3A, %run_scoped3A_119, %dma_wait3A_135] : memref<2x2x128xi32, #tpu.memory_space<vmem>> -> memref<1x1x128xi32, #tpu.memory_space<vmem>>
          %dma_wait3A_137 = tpu.memref_squeeze %dma_wait3A_136 : memref<1x1x128xi32, #tpu.memory_space<vmem>> -> memref<128xi32, #tpu.memory_space<vmem>>
          %dma_wait3A_138 = arith.constant 0 : i32
          %dma_wait3A_139 = arith.constant 0 : i32
          %dma_wait3A_140 = tpu.memref_slice %arg15[%dma_wait3A_138, %dma_wait3A_139] : memref<10240x128xf32, #tpu.memory_space<vmem_shared>> -> memref<10240x128xf32, #tpu.memory_space<vmem_shared>>
          tpu.wait_indirect_dma semaphore(%run_scoped3A_122 : memref<!tpu.dma_semaphore, #tpu.memory_space<semaphore_mem>>) src(%dma_wait3A_134 : memref<128x128xf32, #tpu.memory_space<vmem>>) dst(%dma_wait3A_140 : memref<10240x128xf32, #tpu.memory_space<vmem_shared>>)
          tpu.yield
        }) : () -> ()
        %run_scoped3A_120 = arith.constant 1 : i32
        %run_scoped3A_121 = arith.constant 1 : i32
        "tpu.region"() ({
          %run_scoped3A_122 = tpu.sem_alloc : memref<!tpu.dma_semaphore, #tpu.memory_space<semaphore_mem>>
          %dma_start3A_123 = arith.constant 128 : i32
          %dma_start3A_124 = arith.constant 0 : i32
          %dma_start3A_125 = tpu.memref_slice %arg14[%dma_start3A_123, %dma_start3A_124] : memref<256x128xf32, #tpu.memory_space<vmem>> -> memref<128x128xf32, #tpu.memory_space<vmem>>
          %dma_start3A_126 = arith.constant 0 : i32
          %dma_start3A_127 = tpu.memref_slice %arg13[%run_scoped3A_120, %run_scoped3A_121, %dma_start3A_126] : memref<2x2x128xi32, #tpu.memory_space<vmem>> -> memref<1x1x128xi32, #tpu.memory_space<vmem>>
          %dma_start3A_128 = tpu.memref_squeeze %dma_start3A_127 : memref<1x1x128xi32, #tpu.memory_space<vmem>> -> memref<128xi32, #tpu.memory_space<vmem>>
          %dma_start3A_129 = arith.constant 0 : i32
          %dma_start3A_130 = arith.constant 0 : i32
          %dma_start3A_131 = tpu.memref_slice %arg15[%dma_start3A_129, %dma_start3A_130] : memref<10240x128xf32, #tpu.memory_space<vmem_shared>> -> memref<10240x128xf32, #tpu.memory_space<vmem_shared>>
          tpu.enqueue_indirect_dma source(%dma_start3A_125 : memref<128x128xf32, #tpu.memory_space<vmem>>) target(%dma_start3A_131 : memref<10240x128xf32, #tpu.memory_space<vmem_shared>>) offsets(%dma_start3A_128 : memref<128xi32, #tpu.memory_space<vmem>>) semaphore(%run_scoped3A_122 : memref<!tpu.dma_semaphore, #tpu.memory_space<semaphore_mem>>) {add = true}
          %dma_wait3A_132 = arith.constant 128 : i32
          %dma_wait3A_133 = arith.constant 0 : i32
          %dma_wait3A_134 = tpu.memref_slice %arg14[%dma_wait3A_132, %dma_wait3A_133] : memref<256x128xf32, #tpu.memory_space<vmem>> -> memref<128x128xf32, #tpu.memory_space<vmem>>
          %dma_wait3A_135 = arith.constant 0 : i32
          %dma_wait3A_136 = tpu.memref_slice %arg13[%run_scoped3A_120, %run_scoped3A_121, %dma_wait3A_135] : memref<2x2x128xi32, #tpu.memory_space<vmem>> -> memref<1x1x128xi32, #tpu.memory_space<vmem>>
          %dma_wait3A_137 = tpu.memref_squeeze %dma_wait3A_136 : memref<1x1x128xi32, #tpu.memory_space<vmem>> -> memref<128xi32, #tpu.memory_space<vmem>>
          %dma_wait3A_138 = arith.constant 0 : i32
          %dma_wait3A_139 = arith.constant 0 : i32
          %dma_wait3A_140 = tpu.memref_slice %arg15[%dma_wait3A_138, %dma_wait3A_139] : memref<10240x128xf32, #tpu.memory_space<vmem_shared>> -> memref<10240x128xf32, #tpu.memory_space<vmem_shared>>
          tpu.wait_indirect_dma semaphore(%run_scoped3A_122 : memref<!tpu.dma_semaphore, #tpu.memory_space<semaphore_mem>>) src(%dma_wait3A_134 : memref<128x128xf32, #tpu.memory_space<vmem>>) dst(%dma_wait3A_140 : memref<10240x128xf32, #tpu.memory_space<vmem_shared>>)
          tpu.yield
        }) : () -> ()
      }
      %while3A_70 = arith.constant 1 : i32
      scf.for %while3A_71 = %while3A_68 to %while3A_64 step %while3A_70  : i32 {
        %mul3A_72 = arith.constant 16 : i32
        %mul3A_73 = arith.muli %while3A_71, %mul3A_72 : i32
        %add3A_74 = arith.addi %mul3A_73, %arg1 : i32
        %mul3A_75 = arith.constant 2 : i32
        %mul3A_76 = arith.muli %add3A_74, %mul3A_75 : i32
        "tpu.region"() ({
          %run_scoped3A_122 = tpu.sem_alloc : memref<!tpu.dma_semaphore, #tpu.memory_space<semaphore_mem>>
          %dma_start3A_123 = arith.constant 0 : i32
          %dma_start3A_124 = arith.constant 0 : i32
          %dma_start3A_125 = tpu.memref_slice %arg7[%mul3A_76, %dma_start3A_123, %dma_start3A_124] : memref<2500x2x128xi32, #tpu.memory_space<hbm>> -> memref<2x2x128xi32, #tpu.memory_space<hbm>>
          %dma_start3A_126 = arith.constant 0 : i32
          %dma_start3A_127 = arith.constant 0 : i32
          %dma_start3A_128 = tpu.memref_slice %arg7[%mul3A_76, %dma_start3A_126, %dma_start3A_127] : memref<2500x2x128xi32, #tpu.memory_space<hbm>> -> memref<2x2x128xi32, #tpu.memory_space<hbm>>
          tpu.enqueue_dma source(%dma_start3A_128 : memref<2x2x128xi32, #tpu.memory_space<hbm>>) target(%arg13 : memref<2x2x128xi32, #tpu.memory_space<vmem>>) target_semaphore(%run_scoped3A_122 : memref<!tpu.dma_semaphore, #tpu.memory_space<semaphore_mem>>)
          %dma_wait3A_129 = arith.constant 0 : i32
          %dma_wait3A_130 = arith.constant 0 : i32
          %dma_wait3A_131 = tpu.memref_slice %arg7[%mul3A_76, %dma_wait3A_129, %dma_wait3A_130] : memref<2500x2x128xi32, #tpu.memory_space<hbm>> -> memref<2x2x128xi32, #tpu.memory_space<hbm>>
          %dma_wait3A_132 = arith.constant 0 : i32
          %dma_wait3A_133 = arith.constant 0 : i32
          %dma_wait3A_134 = tpu.memref_slice %arg7[%mul3A_76, %dma_wait3A_132, %dma_wait3A_133] : memref<2500x2x128xi32, #tpu.memory_space<hbm>> -> memref<2x2x128xi32, #tpu.memory_space<hbm>>
          tpu.wait_dma2 semaphore(%run_scoped3A_122 : memref<!tpu.dma_semaphore, #tpu.memory_space<semaphore_mem>>) src(%dma_wait3A_134 : memref<2x2x128xi32, #tpu.memory_space<hbm>>) dst(%arg13 : memref<2x2x128xi32, #tpu.memory_space<vmem>>)
          tpu.yield
        }) : () -> ()
        %dma_start3A = arith.constant 0 : i32
        %dma_start3A_77 = arith.constant 0 : i32
        %dma_start3A_78 = arith.constant 0 : i32
        %dma_start3A_79 = arith.constant 0 : i32
        %dma_start3A_80 = tpu.memref_slice %arg14[%dma_start3A_78, %dma_start3A_79] : memref<256x128xf32, #tpu.memory_space<vmem>> -> memref<128x128xf32, #tpu.memory_space<vmem>>
        %dma_start3A_81 = arith.constant 0 : i32
        %dma_start3A_82 = tpu.memref_slice %arg13[%dma_start3A, %dma_start3A_77, %dma_start3A_81] : memref<2x2x128xi32, #tpu.memory_space<vmem>> -> memref<1x1x128xi32, #tpu.memory_space<vmem>>
        %dma_start3A_83 = tpu.memref_squeeze %dma_start3A_82 : memref<1x1x128xi32, #tpu.memory_space<vmem>> -> memref<128xi32, #tpu.memory_space<vmem>>
        %dma_start3A_84 = arith.constant 0 : i32
        %dma_start3A_85 = arith.constant 0 : i32
        %dma_start3A_86 = tpu.memref_slice %arg4[%dma_start3A_84, %dma_start3A_85] : memref<10240x128xf32, #tpu.memory_space<hbm>> -> memref<10240x128xf32, #tpu.memory_space<hbm>>
        tpu.enqueue_indirect_dma source(%dma_start3A_86 : memref<10240x128xf32, #tpu.memory_space<hbm>>) target(%dma_start3A_80 : memref<128x128xf32, #tpu.memory_space<vmem>>) offsets(%dma_start3A_83 : memref<128xi32, #tpu.memory_space<vmem>>) semaphore(%arg16 : memref<!tpu.dma_semaphore, #tpu.memory_space<semaphore_mem>>)
        %dma_start3A_87 = arith.constant 1 : i32
        %dma_start3A_88 = arith.constant 0 : i32
        %dma_start3A_89 = arith.constant 128 : i32
        %dma_start3A_90 = arith.constant 0 : i32
        %dma_start3A_91 = tpu.memref_slice %arg14[%dma_start3A_89, %dma_start3A_90] : memref<256x128xf32, #tpu.memory_space<vmem>> -> memref<128x128xf32, #tpu.memory_space<vmem>>
        %dma_start3A_92 = arith.constant 0 : i32
        %dma_start3A_93 = tpu.memref_slice %arg13[%dma_start3A_87, %dma_start3A_88, %dma_start3A_92] : memref<2x2x128xi32, #tpu.memory_space<vmem>> -> memref<1x1x128xi32, #tpu.memory_space<vmem>>
        %dma_start3A_94 = tpu.memref_squeeze %dma_start3A_93 : memref<1x1x128xi32, #tpu.memory_space<vmem>> -> memref<128xi32, #tpu.memory_space<vmem>>
        %dma_start3A_95 = arith.constant 0 : i32
        %dma_start3A_96 = arith.constant 0 : i32
        %dma_start3A_97 = tpu.memref_slice %arg4[%dma_start3A_95, %dma_start3A_96] : memref<10240x128xf32, #tpu.memory_space<hbm>> -> memref<10240x128xf32, #tpu.memory_space<hbm>>
        tpu.enqueue_indirect_dma source(%dma_start3A_97 : memref<10240x128xf32, #tpu.memory_space<hbm>>) target(%dma_start3A_91 : memref<128x128xf32, #tpu.memory_space<vmem>>) offsets(%dma_start3A_94 : memref<128xi32, #tpu.memory_space<vmem>>) semaphore(%arg16 : memref<!tpu.dma_semaphore, #tpu.memory_space<semaphore_mem>>)
        %dma_wait3A = arith.constant 0 : i32
        %dma_wait3A_98 = arith.constant 0 : i32
        %dma_wait3A_99 = arith.constant 0 : i32
        %dma_wait3A_100 = arith.constant 0 : i32
        %dma_wait3A_101 = tpu.memref_slice %arg14[%dma_wait3A_99, %dma_wait3A_100] : memref<256x128xf32, #tpu.memory_space<vmem>> -> memref<128x128xf32, #tpu.memory_space<vmem>>
        %dma_wait3A_102 = arith.constant 0 : i32
        %dma_wait3A_103 = tpu.memref_slice %arg13[%dma_wait3A, %dma_wait3A_98, %dma_wait3A_102] : memref<2x2x128xi32, #tpu.memory_space<vmem>> -> memref<1x1x128xi32, #tpu.memory_space<vmem>>
        %dma_wait3A_104 = tpu.memref_squeeze %dma_wait3A_103 : memref<1x1x128xi32, #tpu.memory_space<vmem>> -> memref<128xi32, #tpu.memory_space<vmem>>
        %dma_wait3A_105 = arith.constant 0 : i32
        %dma_wait3A_106 = arith.constant 0 : i32
        %dma_wait3A_107 = tpu.memref_slice %arg4[%dma_wait3A_105, %dma_wait3A_106] : memref<10240x128xf32, #tpu.memory_space<hbm>> -> memref<10240x128xf32, #tpu.memory_space<hbm>>
        tpu.wait_indirect_dma semaphore(%arg16 : memref<!tpu.dma_semaphore, #tpu.memory_space<semaphore_mem>>) src(%dma_wait3A_107 : memref<10240x128xf32, #tpu.memory_space<hbm>>) dst(%dma_wait3A_101 : memref<128x128xf32, #tpu.memory_space<vmem>>)
        %dma_wait3A_108 = arith.constant 1 : i32
        %dma_wait3A_109 = arith.constant 0 : i32
        %dma_wait3A_110 = arith.constant 128 : i32
        %dma_wait3A_111 = arith.constant 0 : i32
        %dma_wait3A_112 = tpu.memref_slice %arg14[%dma_wait3A_110, %dma_wait3A_111] : memref<256x128xf32, #tpu.memory_space<vmem>> -> memref<128x128xf32, #tpu.memory_space<vmem>>
        %dma_wait3A_113 = arith.constant 0 : i32
        %dma_wait3A_114 = tpu.memref_slice %arg13[%dma_wait3A_108, %dma_wait3A_109, %dma_wait3A_113] : memref<2x2x128xi32, #tpu.memory_space<vmem>> -> memref<1x1x128xi32, #tpu.memory_space<vmem>>
        %dma_wait3A_115 = tpu.memref_squeeze %dma_wait3A_114 : memref<1x1x128xi32, #tpu.memory_space<vmem>> -> memref<128xi32, #tpu.memory_space<vmem>>
        %dma_wait3A_116 = arith.constant 0 : i32
        %dma_wait3A_117 = arith.constant 0 : i32
        %dma_wait3A_118 = tpu.memref_slice %arg4[%dma_wait3A_116, %dma_wait3A_117] : memref<10240x128xf32, #tpu.memory_space<hbm>> -> memref<10240x128xf32, #tpu.memory_space<hbm>>
        tpu.wait_indirect_dma semaphore(%arg16 : memref<!tpu.dma_semaphore, #tpu.memory_space<semaphore_mem>>) src(%dma_wait3A_118 : memref<10240x128xf32, #tpu.memory_space<hbm>>) dst(%dma_wait3A_112 : memref<128x128xf32, #tpu.memory_space<vmem>>)
        %run_scoped3A = arith.constant 0 : i32
        %run_scoped3A_119 = arith.constant 1 : i32
        "tpu.region"() ({
          %run_scoped3A_122 = tpu.sem_alloc : memref<!tpu.dma_semaphore, #tpu.memory_space<semaphore_mem>>
          %dma_start3A_123 = arith.constant 0 : i32
          %dma_start3A_124 = arith.constant 0 : i32
          %dma_start3A_125 = tpu.memref_slice %arg14[%dma_start3A_123, %dma_start3A_124] : memref<256x128xf32, #tpu.memory_space<vmem>> -> memref<128x128xf32, #tpu.memory_space<vmem>>
          %dma_start3A_126 = arith.constant 0 : i32
          %dma_start3A_127 = tpu.memref_slice %arg13[%run_scoped3A, %run_scoped3A_119, %dma_start3A_126] : memref<2x2x128xi32, #tpu.memory_space<vmem>> -> memref<1x1x128xi32, #tpu.memory_space<vmem>>
          %dma_start3A_128 = tpu.memref_squeeze %dma_start3A_127 : memref<1x1x128xi32, #tpu.memory_space<vmem>> -> memref<128xi32, #tpu.memory_space<vmem>>
          %dma_start3A_129 = arith.constant 0 : i32
          %dma_start3A_130 = arith.constant 0 : i32
          %dma_start3A_131 = tpu.memref_slice %arg15[%dma_start3A_129, %dma_start3A_130] : memref<10240x128xf32, #tpu.memory_space<vmem_shared>> -> memref<10240x128xf32, #tpu.memory_space<vmem_shared>>
          tpu.enqueue_indirect_dma source(%dma_start3A_125 : memref<128x128xf32, #tpu.memory_space<vmem>>) target(%dma_start3A_131 : memref<10240x128xf32, #tpu.memory_space<vmem_shared>>) offsets(%dma_start3A_128 : memref<128xi32, #tpu.memory_space<vmem>>) semaphore(%run_scoped3A_122 : memref<!tpu.dma_semaphore, #tpu.memory_space<semaphore_mem>>) {add = true}
          %dma_wait3A_132 = arith.constant 0 : i32
          %dma_wait3A_133 = arith.constant 0 : i32
          %dma_wait3A_134 = tpu.memref_slice %arg14[%dma_wait3A_132, %dma_wait3A_133] : memref<256x128xf32, #tpu.memory_space<vmem>> -> memref<128x128xf32, #tpu.memory_space<vmem>>
          %dma_wait3A_135 = arith.constant 0 : i32
          %dma_wait3A_136 = tpu.memref_slice %arg13[%run_scoped3A, %run_scoped3A_119, %dma_wait3A_135] : memref<2x2x128xi32, #tpu.memory_space<vmem>> -> memref<1x1x128xi32, #tpu.memory_space<vmem>>
          %dma_wait3A_137 = tpu.memref_squeeze %dma_wait3A_136 : memref<1x1x128xi32, #tpu.memory_space<vmem>> -> memref<128xi32, #tpu.memory_space<vmem>>
          %dma_wait3A_138 = arith.constant 0 : i32
          %dma_wait3A_139 = arith.constant 0 : i32
          %dma_wait3A_140 = tpu.memref_slice %arg15[%dma_wait3A_138, %dma_wait3A_139] : memref<10240x128xf32, #tpu.memory_space<vmem_shared>> -> memref<10240x128xf32, #tpu.memory_space<vmem_shared>>
          tpu.wait_indirect_dma semaphore(%run_scoped3A_122 : memref<!tpu.dma_semaphore, #tpu.memory_space<semaphore_mem>>) src(%dma_wait3A_134 : memref<128x128xf32, #tpu.memory_space<vmem>>) dst(%dma_wait3A_140 : memref<10240x128xf32, #tpu.memory_space<vmem_shared>>)
          tpu.yield
        }) : () -> ()
        %run_scoped3A_120 = arith.constant 1 : i32
        %run_scoped3A_121 = arith.constant 1 : i32
        "tpu.region"() ({
          %run_scoped3A_122 = tpu.sem_alloc : memref<!tpu.dma_semaphore, #tpu.memory_space<semaphore_mem>>
          %dma_start3A_123 = arith.constant 128 : i32
          %dma_start3A_124 = arith.constant 0 : i32
          %dma_start3A_125 = tpu.memref_slice %arg14[%dma_start3A_123, %dma_start3A_124] : memref<256x128xf32, #tpu.memory_space<vmem>> -> memref<128x128xf32, #tpu.memory_space<vmem>>
          %dma_start3A_126 = arith.constant 0 : i32
          %dma_start3A_127 = tpu.memref_slice %arg13[%run_scoped3A_120, %run_scoped3A_121, %dma_start3A_126] : memref<2x2x128xi32, #tpu.memory_space<vmem>> -> memref<1x1x128xi32, #tpu.memory_space<vmem>>
          %dma_start3A_128 = tpu.memref_squeeze %dma_start3A_127 : memref<1x1x128xi32, #tpu.memory_space<vmem>> -> memref<128xi32, #tpu.memory_space<vmem>>
          %dma_start3A_129 = arith.constant 0 : i32
          %dma_start3A_130 = arith.constant 0 : i32
          %dma_start3A_131 = tpu.memref_slice %arg15[%dma_start3A_129, %dma_start3A_130] : memref<10240x128xf32, #tpu.memory_space<vmem_shared>> -> memref<10240x128xf32, #tpu.memory_space<vmem_shared>>
          tpu.enqueue_indirect_dma source(%dma_start3A_125 : memref<128x128xf32, #tpu.memory_space<vmem>>) target(%dma_start3A_131 : memref<10240x128xf32, #tpu.memory_space<vmem_shared>>) offsets(%dma_start3A_128 : memref<128xi32, #tpu.memory_space<vmem>>) semaphore(%run_scoped3A_122 : memref<!tpu.dma_semaphore, #tpu.memory_space<semaphore_mem>>) {add = true}
          %dma_wait3A_132 = arith.constant 128 : i32
          %dma_wait3A_133 = arith.constant 0 : i32
          %dma_wait3A_134 = tpu.memref_slice %arg14[%dma_wait3A_132, %dma_wait3A_133] : memref<256x128xf32, #tpu.memory_space<vmem>> -> memref<128x128xf32, #tpu.memory_space<vmem>>
          %dma_wait3A_135 = arith.constant 0 : i32
          %dma_wait3A_136 = tpu.memref_slice %arg13[%run_scoped3A_120, %run_scoped3A_121, %dma_wait3A_135] : memref<2x2x128xi32, #tpu.memory_space<vmem>> -> memref<1x1x128xi32, #tpu.memory_space<vmem>>
          %dma_wait3A_137 = tpu.memref_squeeze %dma_wait3A_136 : memref<1x1x128xi32, #tpu.memory_space<vmem>> -> memref<128xi32, #tpu.memory_space<vmem>>
          %dma_wait3A_138 = arith.constant 0 : i32
          %dma_wait3A_139 = arith.constant 0 : i32
          %dma_wait3A_140 = tpu.memref_slice %arg15[%dma_wait3A_138, %dma_wait3A_139] : memref<10240x128xf32, #tpu.memory_space<vmem_shared>> -> memref<10240x128xf32, #tpu.memory_space<vmem_shared>>
          tpu.wait_indirect_dma semaphore(%run_scoped3A_122 : memref<!tpu.dma_semaphore, #tpu.memory_space<semaphore_mem>>) src(%dma_wait3A_134 : memref<128x128xf32, #tpu.memory_space<vmem>>) dst(%dma_wait3A_140 : memref<10240x128xf32, #tpu.memory_space<vmem_shared>>)
          tpu.yield
        }) : () -> ()
      }
    } else {
    }
    %eq3A_25 = arith.constant 1 : i32
    %eq3A_26 = arith.cmpi eq, %arg0, %eq3A_25 : i32
    %convert_element_type3A_27 = arith.extui %eq3A_26 : i1 to i32
    %cond3A_28 = arith.constant 0 : i32
    %cond3A_29 = arith.cmpi ne, %convert_element_type3A_27, %cond3A_28 : i32
    scf.if %cond3A_29 {
      %sub3A = arith.constant 1250 : i32
      %sub3A_41 = arith.subi %sub3A, %arg1 : i32
      %add3A = arith.constant 16 : i32
      %add3A_42 = arith.addi %sub3A_41, %add3A : i32
      %sub3A_43 = arith.constant 1 : i32
      %sub3A_44 = arith.subi %add3A_42, %sub3A_43 : i32
      %jit3A = arith.constant 16 : i32
      %div3A = arith.divsi %sub3A_44, %jit3A : i32
      %sign3A = arith.constant 0 : i32
      %sign3A_45 = arith.cmpi sgt, %sub3A_44, %sign3A : i32
      %sign3A_46 = arith.extui %sign3A_45 : i1 to i32
      %sign3A_47 = arith.constant 0 : i32
      %sign3A_48 = arith.cmpi slt, %sub3A_44, %sign3A_47 : i32
      %sign3A_49 = arith.extui %sign3A_48 : i1 to i32
      %sign3A_50 = arith.subi %sign3A_46, %sign3A_49 : i32
      %sign3A_51 = arith.constant 0 : i32
      %sign3A_52 = arith.cmpi sgt, %jit3A, %sign3A_51 : i32
      %sign3A_53 = arith.extui %sign3A_52 : i1 to i32
      %sign3A_54 = arith.constant 0 : i32
      %sign3A_55 = arith.cmpi slt, %jit3A, %sign3A_54 : i32
      %sign3A_56 = arith.extui %sign3A_55 : i1 to i32
      %sign3A_57 = arith.subi %sign3A_53, %sign3A_56 : i32
      %ne3A = arith.cmpi ne, %sign3A_50, %sign3A_57 : i32
      %rem3A = arith.remsi %sub3A_44, %jit3A : i32
      %ne3A_58 = arith.constant 0 : i32
      %ne3A_59 = arith.cmpi ne, %rem3A, %ne3A_58 : i32
      %and3A = arith.andi %ne3A, %ne3A_59 : i1
      %sub3A_60 = arith.constant 1 : i32
      %sub3A_61 = arith.subi %div3A, %sub3A_60 : i32
      %select_n3A = arith.select %and3A, %sub3A_61, %div3A : i32
      %while3A = arith.constant 0 : i32
      %while3A_62 = arith.constant 0 : i32
      %while3A_63 = arith.subi %select_n3A, %while3A_62 : i32
      %while3A_64 = arith.addi %while3A_62, %while3A_63 : i32
      %while3A_65 = arith.constant 1 : i32
      %while3A_66 = arith.divsi %while3A_63, %while3A_65 : i32
      %while3A_67 = arith.muli %while3A_66, %while3A_65 : i32
      %while3A_68 = arith.addi %while3A_62, %while3A_67 : i32
      %while3A_69 = arith.constant 1 : i32
      scf.for %while3A_71 = %while3A_62 to %while3A_68 step %while3A_69  : i32 {
        %mul3A_72 = arith.constant 16 : i32
        %mul3A_73 = arith.muli %while3A_71, %mul3A_72 : i32
        %add3A_74 = arith.addi %mul3A_73, %arg1 : i32
        %mul3A_75 = arith.constant 2 : i32
        %mul3A_76 = arith.muli %add3A_74, %mul3A_75 : i32
        "tpu.region"() ({
          %run_scoped3A_122 = tpu.sem_alloc : memref<!tpu.dma_semaphore, #tpu.memory_space<semaphore_mem>>
          %dma_start3A_123 = arith.constant 0 : i32
          %dma_start3A_124 = arith.constant 0 : i32
          %dma_start3A_125 = tpu.memref_slice %arg7[%mul3A_76, %dma_start3A_123, %dma_start3A_124] : memref<2500x2x128xi32, #tpu.memory_space<hbm>> -> memref<2x2x128xi32, #tpu.memory_space<hbm>>
          %dma_start3A_126 = arith.constant 0 : i32
          %dma_start3A_127 = arith.constant 0 : i32
          %dma_start3A_128 = tpu.memref_slice %arg7[%mul3A_76, %dma_start3A_126, %dma_start3A_127] : memref<2500x2x128xi32, #tpu.memory_space<hbm>> -> memref<2x2x128xi32, #tpu.memory_space<hbm>>
          tpu.enqueue_dma source(%dma_start3A_128 : memref<2x2x128xi32, #tpu.memory_space<hbm>>) target(%arg13 : memref<2x2x128xi32, #tpu.memory_space<vmem>>) target_semaphore(%run_scoped3A_122 : memref<!tpu.dma_semaphore, #tpu.memory_space<semaphore_mem>>)
          %dma_wait3A_129 = arith.constant 0 : i32
          %dma_wait3A_130 = arith.constant 0 : i32
          %dma_wait3A_131 = tpu.memref_slice %arg7[%mul3A_76, %dma_wait3A_129, %dma_wait3A_130] : memref<2500x2x128xi32, #tpu.memory_space<hbm>> -> memref<2x2x128xi32, #tpu.memory_space<hbm>>
          %dma_wait3A_132 = arith.constant 0 : i32
          %dma_wait3A_133 = arith.constant 0 : i32
          %dma_wait3A_134 = tpu.memref_slice %arg7[%mul3A_76, %dma_wait3A_132, %dma_wait3A_133] : memref<2500x2x128xi32, #tpu.memory_space<hbm>> -> memref<2x2x128xi32, #tpu.memory_space<hbm>>
          tpu.wait_dma2 semaphore(%run_scoped3A_122 : memref<!tpu.dma_semaphore, #tpu.memory_space<semaphore_mem>>) src(%dma_wait3A_134 : memref<2x2x128xi32, #tpu.memory_space<hbm>>) dst(%arg13 : memref<2x2x128xi32, #tpu.memory_space<vmem>>)
          tpu.yield
        }) : () -> ()
        %dma_start3A = arith.constant 0 : i32
        %dma_start3A_77 = arith.constant 0 : i32
        %dma_start3A_78 = arith.constant 0 : i32
        %dma_start3A_79 = arith.constant 0 : i32
        %dma_start3A_80 = tpu.memref_slice %arg14[%dma_start3A_78, %dma_start3A_79] : memref<256x128xf32, #tpu.memory_space<vmem>> -> memref<128x128xf32, #tpu.memory_space<vmem>>
        %dma_start3A_81 = arith.constant 0 : i32
        %dma_start3A_82 = tpu.memref_slice %arg13[%dma_start3A, %dma_start3A_77, %dma_start3A_81] : memref<2x2x128xi32, #tpu.memory_space<vmem>> -> memref<1x1x128xi32, #tpu.memory_space<vmem>>
        %dma_start3A_83 = tpu.memref_squeeze %dma_start3A_82 : memref<1x1x128xi32, #tpu.memory_space<vmem>> -> memref<128xi32, #tpu.memory_space<vmem>>
        %dma_start3A_84 = arith.constant 0 : i32
        %dma_start3A_85 = arith.constant 0 : i32
        %dma_start3A_86 = tpu.memref_slice %arg5[%dma_start3A_84, %dma_start3A_85] : memref<10240x128xf32, #tpu.memory_space<hbm>> -> memref<10240x128xf32, #tpu.memory_space<hbm>>
        tpu.enqueue_indirect_dma source(%dma_start3A_86 : memref<10240x128xf32, #tpu.memory_space<hbm>>) target(%dma_start3A_80 : memref<128x128xf32, #tpu.memory_space<vmem>>) offsets(%dma_start3A_83 : memref<128xi32, #tpu.memory_space<vmem>>) semaphore(%arg16 : memref<!tpu.dma_semaphore, #tpu.memory_space<semaphore_mem>>)
        %dma_start3A_87 = arith.constant 1 : i32
        %dma_start3A_88 = arith.constant 0 : i32
        %dma_start3A_89 = arith.constant 128 : i32
        %dma_start3A_90 = arith.constant 0 : i32
        %dma_start3A_91 = tpu.memref_slice %arg14[%dma_start3A_89, %dma_start3A_90] : memref<256x128xf32, #tpu.memory_space<vmem>> -> memref<128x128xf32, #tpu.memory_space<vmem>>
        %dma_start3A_92 = arith.constant 0 : i32
        %dma_start3A_93 = tpu.memref_slice %arg13[%dma_start3A_87, %dma_start3A_88, %dma_start3A_92] : memref<2x2x128xi32, #tpu.memory_space<vmem>> -> memref<1x1x128xi32, #tpu.memory_space<vmem>>
        %dma_start3A_94 = tpu.memref_squeeze %dma_start3A_93 : memref<1x1x128xi32, #tpu.memory_space<vmem>> -> memref<128xi32, #tpu.memory_space<vmem>>
        %dma_start3A_95 = arith.constant 0 : i32
        %dma_start3A_96 = arith.constant 0 : i32
        %dma_start3A_97 = tpu.memref_slice %arg5[%dma_start3A_95, %dma_start3A_96] : memref<10240x128xf32, #tpu.memory_space<hbm>> -> memref<10240x128xf32, #tpu.memory_space<hbm>>
        tpu.enqueue_indirect_dma source(%dma_start3A_97 : memref<10240x128xf32, #tpu.memory_space<hbm>>) target(%dma_start3A_91 : memref<128x128xf32, #tpu.memory_space<vmem>>) offsets(%dma_start3A_94 : memref<128xi32, #tpu.memory_space<vmem>>) semaphore(%arg16 : memref<!tpu.dma_semaphore, #tpu.memory_space<semaphore_mem>>)
        %dma_wait3A = arith.constant 0 : i32
        %dma_wait3A_98 = arith.constant 0 : i32
        %dma_wait3A_99 = arith.constant 0 : i32
        %dma_wait3A_100 = arith.constant 0 : i32
        %dma_wait3A_101 = tpu.memref_slice %arg14[%dma_wait3A_99, %dma_wait3A_100] : memref<256x128xf32, #tpu.memory_space<vmem>> -> memref<128x128xf32, #tpu.memory_space<vmem>>
        %dma_wait3A_102 = arith.constant 0 : i32
        %dma_wait3A_103 = tpu.memref_slice %arg13[%dma_wait3A, %dma_wait3A_98, %dma_wait3A_102] : memref<2x2x128xi32, #tpu.memory_space<vmem>> -> memref<1x1x128xi32, #tpu.memory_space<vmem>>
        %dma_wait3A_104 = tpu.memref_squeeze %dma_wait3A_103 : memref<1x1x128xi32, #tpu.memory_space<vmem>> -> memref<128xi32, #tpu.memory_space<vmem>>
        %dma_wait3A_105 = arith.constant 0 : i32
        %dma_wait3A_106 = arith.constant 0 : i32
        %dma_wait3A_107 = tpu.memref_slice %arg5[%dma_wait3A_105, %dma_wait3A_106] : memref<10240x128xf32, #tpu.memory_space<hbm>> -> memref<10240x128xf32, #tpu.memory_space<hbm>>
        tpu.wait_indirect_dma semaphore(%arg16 : memref<!tpu.dma_semaphore, #tpu.memory_space<semaphore_mem>>) src(%dma_wait3A_107 : memref<10240x128xf32, #tpu.memory_space<hbm>>) dst(%dma_wait3A_101 : memref<128x128xf32, #tpu.memory_space<vmem>>)
        %dma_wait3A_108 = arith.constant 1 : i32
        %dma_wait3A_109 = arith.constant 0 : i32
        %dma_wait3A_110 = arith.constant 128 : i32
        %dma_wait3A_111 = arith.constant 0 : i32
        %dma_wait3A_112 = tpu.memref_slice %arg14[%dma_wait3A_110, %dma_wait3A_111] : memref<256x128xf32, #tpu.memory_space<vmem>> -> memref<128x128xf32, #tpu.memory_space<vmem>>
        %dma_wait3A_113 = arith.constant 0 : i32
        %dma_wait3A_114 = tpu.memref_slice %arg13[%dma_wait3A_108, %dma_wait3A_109, %dma_wait3A_113] : memref<2x2x128xi32, #tpu.memory_space<vmem>> -> memref<1x1x128xi32, #tpu.memory_space<vmem>>
        %dma_wait3A_115 = tpu.memref_squeeze %dma_wait3A_114 : memref<1x1x128xi32, #tpu.memory_space<vmem>> -> memref<128xi32, #tpu.memory_space<vmem>>
        %dma_wait3A_116 = arith.constant 0 : i32
        %dma_wait3A_117 = arith.constant 0 : i32
        %dma_wait3A_118 = tpu.memref_slice %arg5[%dma_wait3A_116, %dma_wait3A_117] : memref<10240x128xf32, #tpu.memory_space<hbm>> -> memref<10240x128xf32, #tpu.memory_space<hbm>>
        tpu.wait_indirect_dma semaphore(%arg16 : memref<!tpu.dma_semaphore, #tpu.memory_space<semaphore_mem>>) src(%dma_wait3A_118 : memref<10240x128xf32, #tpu.memory_space<hbm>>) dst(%dma_wait3A_112 : memref<128x128xf32, #tpu.memory_space<vmem>>)
        %run_scoped3A = arith.constant 0 : i32
        %run_scoped3A_119 = arith.constant 1 : i32
        "tpu.region"() ({
          %run_scoped3A_122 = tpu.sem_alloc : memref<!tpu.dma_semaphore, #tpu.memory_space<semaphore_mem>>
          %dma_start3A_123 = arith.constant 0 : i32
          %dma_start3A_124 = arith.constant 0 : i32
          %dma_start3A_125 = tpu.memref_slice %arg14[%dma_start3A_123, %dma_start3A_124] : memref<256x128xf32, #tpu.memory_space<vmem>> -> memref<128x128xf32, #tpu.memory_space<vmem>>
          %dma_start3A_126 = arith.constant 0 : i32
          %dma_start3A_127 = tpu.memref_slice %arg13[%run_scoped3A, %run_scoped3A_119, %dma_start3A_126] : memref<2x2x128xi32, #tpu.memory_space<vmem>> -> memref<1x1x128xi32, #tpu.memory_space<vmem>>
          %dma_start3A_128 = tpu.memref_squeeze %dma_start3A_127 : memref<1x1x128xi32, #tpu.memory_space<vmem>> -> memref<128xi32, #tpu.memory_space<vmem>>
          %dma_start3A_129 = arith.constant 0 : i32
          %dma_start3A_130 = arith.constant 0 : i32
          %dma_start3A_131 = tpu.memref_slice %arg15[%dma_start3A_129, %dma_start3A_130] : memref<10240x128xf32, #tpu.memory_space<vmem_shared>> -> memref<10240x128xf32, #tpu.memory_space<vmem_shared>>
          tpu.enqueue_indirect_dma source(%dma_start3A_125 : memref<128x128xf32, #tpu.memory_space<vmem>>) target(%dma_start3A_131 : memref<10240x128xf32, #tpu.memory_space<vmem_shared>>) offsets(%dma_start3A_128 : memref<128xi32, #tpu.memory_space<vmem>>) semaphore(%run_scoped3A_122 : memref<!tpu.dma_semaphore, #tpu.memory_space<semaphore_mem>>) {add = true}
          %dma_wait3A_132 = arith.constant 0 : i32
          %dma_wait3A_133 = arith.constant 0 : i32
          %dma_wait3A_134 = tpu.memref_slice %arg14[%dma_wait3A_132, %dma_wait3A_133] : memref<256x128xf32, #tpu.memory_space<vmem>> -> memref<128x128xf32, #tpu.memory_space<vmem>>
          %dma_wait3A_135 = arith.constant 0 : i32
          %dma_wait3A_136 = tpu.memref_slice %arg13[%run_scoped3A, %run_scoped3A_119, %dma_wait3A_135] : memref<2x2x128xi32, #tpu.memory_space<vmem>> -> memref<1x1x128xi32, #tpu.memory_space<vmem>>
          %dma_wait3A_137 = tpu.memref_squeeze %dma_wait3A_136 : memref<1x1x128xi32, #tpu.memory_space<vmem>> -> memref<128xi32, #tpu.memory_space<vmem>>
          %dma_wait3A_138 = arith.constant 0 : i32
          %dma_wait3A_139 = arith.constant 0 : i32
          %dma_wait3A_140 = tpu.memref_slice %arg15[%dma_wait3A_138, %dma_wait3A_139] : memref<10240x128xf32, #tpu.memory_space<vmem_shared>> -> memref<10240x128xf32, #tpu.memory_space<vmem_shared>>
          tpu.wait_indirect_dma semaphore(%run_scoped3A_122 : memref<!tpu.dma_semaphore, #tpu.memory_space<semaphore_mem>>) src(%dma_wait3A_134 : memref<128x128xf32, #tpu.memory_space<vmem>>) dst(%dma_wait3A_140 : memref<10240x128xf32, #tpu.memory_space<vmem_shared>>)
          tpu.yield
        }) : () -> ()
        %run_scoped3A_120 = arith.constant 1 : i32
        %run_scoped3A_121 = arith.constant 1 : i32
        "tpu.region"() ({
          %run_scoped3A_122 = tpu.sem_alloc : memref<!tpu.dma_semaphore, #tpu.memory_space<semaphore_mem>>
          %dma_start3A_123 = arith.constant 128 : i32
          %dma_start3A_124 = arith.constant 0 : i32
          %dma_start3A_125 = tpu.memref_slice %arg14[%dma_start3A_123, %dma_start3A_124] : memref<256x128xf32, #tpu.memory_space<vmem>> -> memref<128x128xf32, #tpu.memory_space<vmem>>
          %dma_start3A_126 = arith.constant 0 : i32
          %dma_start3A_127 = tpu.memref_slice %arg13[%run_scoped3A_120, %run_scoped3A_121, %dma_start3A_126] : memref<2x2x128xi32, #tpu.memory_space<vmem>> -> memref<1x1x128xi32, #tpu.memory_space<vmem>>
          %dma_start3A_128 = tpu.memref_squeeze %dma_start3A_127 : memref<1x1x128xi32, #tpu.memory_space<vmem>> -> memref<128xi32, #tpu.memory_space<vmem>>
          %dma_start3A_129 = arith.constant 0 : i32
          %dma_start3A_130 = arith.constant 0 : i32
          %dma_start3A_131 = tpu.memref_slice %arg15[%dma_start3A_129, %dma_start3A_130] : memref<10240x128xf32, #tpu.memory_space<vmem_shared>> -> memref<10240x128xf32, #tpu.memory_space<vmem_shared>>
          tpu.enqueue_indirect_dma source(%dma_start3A_125 : memref<128x128xf32, #tpu.memory_space<vmem>>) target(%dma_start3A_131 : memref<10240x128xf32, #tpu.memory_space<vmem_shared>>) offsets(%dma_start3A_128 : memref<128xi32, #tpu.memory_space<vmem>>) semaphore(%run_scoped3A_122 : memref<!tpu.dma_semaphore, #tpu.memory_space<semaphore_mem>>) {add = true}
          %dma_wait3A_132 = arith.constant 128 : i32
          %dma_wait3A_133 = arith.constant 0 : i32
          %dma_wait3A_134 = tpu.memref_slice %arg14[%dma_wait3A_132, %dma_wait3A_133] : memref<256x128xf32, #tpu.memory_space<vmem>> -> memref<128x128xf32, #tpu.memory_space<vmem>>
          %dma_wait3A_135 = arith.constant 0 : i32
          %dma_wait3A_136 = tpu.memref_slice %arg13[%run_scoped3A_120, %run_scoped3A_121, %dma_wait3A_135] : memref<2x2x128xi32, #tpu.memory_space<vmem>> -> memref<1x1x128xi32, #tpu.memory_space<vmem>>
          %dma_wait3A_137 = tpu.memref_squeeze %dma_wait3A_136 : memref<1x1x128xi32, #tpu.memory_space<vmem>> -> memref<128xi32, #tpu.memory_space<vmem>>
          %dma_wait3A_138 = arith.constant 0 : i32
          %dma_wait3A_139 = arith.constant 0 : i32
          %dma_wait3A_140 = tpu.memref_slice %arg15[%dma_wait3A_138, %dma_wait3A_139] : memref<10240x128xf32, #tpu.memory_space<vmem_shared>> -> memref<10240x128xf32, #tpu.memory_space<vmem_shared>>
          tpu.wait_indirect_dma semaphore(%run_scoped3A_122 : memref<!tpu.dma_semaphore, #tpu.memory_space<semaphore_mem>>) src(%dma_wait3A_134 : memref<128x128xf32, #tpu.memory_space<vmem>>) dst(%dma_wait3A_140 : memref<10240x128xf32, #tpu.memory_space<vmem_shared>>)
          tpu.yield
        }) : () -> ()
      }
      %while3A_70 = arith.constant 1 : i32
      scf.for %while3A_71 = %while3A_68 to %while3A_64 step %while3A_70  : i32 {
        %mul3A_72 = arith.constant 16 : i32
        %mul3A_73 = arith.muli %while3A_71, %mul3A_72 : i32
        %add3A_74 = arith.addi %mul3A_73, %arg1 : i32
        %mul3A_75 = arith.constant 2 : i32
        %mul3A_76 = arith.muli %add3A_74, %mul3A_75 : i32
        "tpu.region"() ({
          %run_scoped3A_122 = tpu.sem_alloc : memref<!tpu.dma_semaphore, #tpu.memory_space<semaphore_mem>>
          %dma_start3A_123 = arith.constant 0 : i32
          %dma_start3A_124 = arith.constant 0 : i32
          %dma_start3A_125 = tpu.memref_slice %arg7[%mul3A_76, %dma_start3A_123, %dma_start3A_124] : memref<2500x2x128xi32, #tpu.memory_space<hbm>> -> memref<2x2x128xi32, #tpu.memory_space<hbm>>
          %dma_start3A_126 = arith.constant 0 : i32
          %dma_start3A_127 = arith.constant 0 : i32
          %dma_start3A_128 = tpu.memref_slice %arg7[%mul3A_76, %dma_start3A_126, %dma_start3A_127] : memref<2500x2x128xi32, #tpu.memory_space<hbm>> -> memref<2x2x128xi32, #tpu.memory_space<hbm>>
          tpu.enqueue_dma source(%dma_start3A_128 : memref<2x2x128xi32, #tpu.memory_space<hbm>>) target(%arg13 : memref<2x2x128xi32, #tpu.memory_space<vmem>>) target_semaphore(%run_scoped3A_122 : memref<!tpu.dma_semaphore, #tpu.memory_space<semaphore_mem>>)
          %dma_wait3A_129 = arith.constant 0 : i32
          %dma_wait3A_130 = arith.constant 0 : i32
          %dma_wait3A_131 = tpu.memref_slice %arg7[%mul3A_76, %dma_wait3A_129, %dma_wait3A_130] : memref<2500x2x128xi32, #tpu.memory_space<hbm>> -> memref<2x2x128xi32, #tpu.memory_space<hbm>>
          %dma_wait3A_132 = arith.constant 0 : i32
          %dma_wait3A_133 = arith.constant 0 : i32
          %dma_wait3A_134 = tpu.memref_slice %arg7[%mul3A_76, %dma_wait3A_132, %dma_wait3A_133] : memref<2500x2x128xi32, #tpu.memory_space<hbm>> -> memref<2x2x128xi32, #tpu.memory_space<hbm>>
          tpu.wait_dma2 semaphore(%run_scoped3A_122 : memref<!tpu.dma_semaphore, #tpu.memory_space<semaphore_mem>>) src(%dma_wait3A_134 : memref<2x2x128xi32, #tpu.memory_space<hbm>>) dst(%arg13 : memref<2x2x128xi32, #tpu.memory_space<vmem>>)
          tpu.yield
        }) : () -> ()
        %dma_start3A = arith.constant 0 : i32
        %dma_start3A_77 = arith.constant 0 : i32
        %dma_start3A_78 = arith.constant 0 : i32
        %dma_start3A_79 = arith.constant 0 : i32
        %dma_start3A_80 = tpu.memref_slice %arg14[%dma_start3A_78, %dma_start3A_79] : memref<256x128xf32, #tpu.memory_space<vmem>> -> memref<128x128xf32, #tpu.memory_space<vmem>>
        %dma_start3A_81 = arith.constant 0 : i32
        %dma_start3A_82 = tpu.memref_slice %arg13[%dma_start3A, %dma_start3A_77, %dma_start3A_81] : memref<2x2x128xi32, #tpu.memory_space<vmem>> -> memref<1x1x128xi32, #tpu.memory_space<vmem>>
        %dma_start3A_83 = tpu.memref_squeeze %dma_start3A_82 : memref<1x1x128xi32, #tpu.memory_space<vmem>> -> memref<128xi32, #tpu.memory_space<vmem>>
        %dma_start3A_84 = arith.constant 0 : i32
        %dma_start3A_85 = arith.constant 0 : i32
        %dma_start3A_86 = tpu.memref_slice %arg5[%dma_start3A_84, %dma_start3A_85] : memref<10240x128xf32, #tpu.memory_space<hbm>> -> memref<10240x128xf32, #tpu.memory_space<hbm>>
        tpu.enqueue_indirect_dma source(%dma_start3A_86 : memref<10240x128xf32, #tpu.memory_space<hbm>>) target(%dma_start3A_80 : memref<128x128xf32, #tpu.memory_space<vmem>>) offsets(%dma_start3A_83 : memref<128xi32, #tpu.memory_space<vmem>>) semaphore(%arg16 : memref<!tpu.dma_semaphore, #tpu.memory_space<semaphore_mem>>)
        %dma_start3A_87 = arith.constant 1 : i32
        %dma_start3A_88 = arith.constant 0 : i32
        %dma_start3A_89 = arith.constant 128 : i32
        %dma_start3A_90 = arith.constant 0 : i32
        %dma_start3A_91 = tpu.memref_slice %arg14[%dma_start3A_89, %dma_start3A_90] : memref<256x128xf32, #tpu.memory_space<vmem>> -> memref<128x128xf32, #tpu.memory_space<vmem>>
        %dma_start3A_92 = arith.constant 0 : i32
        %dma_start3A_93 = tpu.memref_slice %arg13[%dma_start3A_87, %dma_start3A_88, %dma_start3A_92] : memref<2x2x128xi32, #tpu.memory_space<vmem>> -> memref<1x1x128xi32, #tpu.memory_space<vmem>>
        %dma_start3A_94 = tpu.memref_squeeze %dma_start3A_93 : memref<1x1x128xi32, #tpu.memory_space<vmem>> -> memref<128xi32, #tpu.memory_space<vmem>>
        %dma_start3A_95 = arith.constant 0 : i32
        %dma_start3A_96 = arith.constant 0 : i32
        %dma_start3A_97 = tpu.memref_slice %arg5[%dma_start3A_95, %dma_start3A_96] : memref<10240x128xf32, #tpu.memory_space<hbm>> -> memref<10240x128xf32, #tpu.memory_space<hbm>>
        tpu.enqueue_indirect_dma source(%dma_start3A_97 : memref<10240x128xf32, #tpu.memory_space<hbm>>) target(%dma_start3A_91 : memref<128x128xf32, #tpu.memory_space<vmem>>) offsets(%dma_start3A_94 : memref<128xi32, #tpu.memory_space<vmem>>) semaphore(%arg16 : memref<!tpu.dma_semaphore, #tpu.memory_space<semaphore_mem>>)
        %dma_wait3A = arith.constant 0 : i32
        %dma_wait3A_98 = arith.constant 0 : i32
        %dma_wait3A_99 = arith.constant 0 : i32
        %dma_wait3A_100 = arith.constant 0 : i32
        %dma_wait3A_101 = tpu.memref_slice %arg14[%dma_wait3A_99, %dma_wait3A_100] : memref<256x128xf32, #tpu.memory_space<vmem>> -> memref<128x128xf32, #tpu.memory_space<vmem>>
        %dma_wait3A_102 = arith.constant 0 : i32
        %dma_wait3A_103 = tpu.memref_slice %arg13[%dma_wait3A, %dma_wait3A_98, %dma_wait3A_102] : memref<2x2x128xi32, #tpu.memory_space<vmem>> -> memref<1x1x128xi32, #tpu.memory_space<vmem>>
        %dma_wait3A_104 = tpu.memref_squeeze %dma_wait3A_103 : memref<1x1x128xi32, #tpu.memory_space<vmem>> -> memref<128xi32, #tpu.memory_space<vmem>>
        %dma_wait3A_105 = arith.constant 0 : i32
        %dma_wait3A_106 = arith.constant 0 : i32
        %dma_wait3A_107 = tpu.memref_slice %arg5[%dma_wait3A_105, %dma_wait3A_106] : memref<10240x128xf32, #tpu.memory_space<hbm>> -> memref<10240x128xf32, #tpu.memory_space<hbm>>
        tpu.wait_indirect_dma semaphore(%arg16 : memref<!tpu.dma_semaphore, #tpu.memory_space<semaphore_mem>>) src(%dma_wait3A_107 : memref<10240x128xf32, #tpu.memory_space<hbm>>) dst(%dma_wait3A_101 : memref<128x128xf32, #tpu.memory_space<vmem>>)
        %dma_wait3A_108 = arith.constant 1 : i32
        %dma_wait3A_109 = arith.constant 0 : i32
        %dma_wait3A_110 = arith.constant 128 : i32
        %dma_wait3A_111 = arith.constant 0 : i32
        %dma_wait3A_112 = tpu.memref_slice %arg14[%dma_wait3A_110, %dma_wait3A_111] : memref<256x128xf32, #tpu.memory_space<vmem>> -> memref<128x128xf32, #tpu.memory_space<vmem>>
        %dma_wait3A_113 = arith.constant 0 : i32
        %dma_wait3A_114 = tpu.memref_slice %arg13[%dma_wait3A_108, %dma_wait3A_109, %dma_wait3A_113] : memref<2x2x128xi32, #tpu.memory_space<vmem>> -> memref<1x1x128xi32, #tpu.memory_space<vmem>>
        %dma_wait3A_115 = tpu.memref_squeeze %dma_wait3A_114 : memref<1x1x128xi32, #tpu.memory_space<vmem>> -> memref<128xi32, #tpu.memory_space<vmem>>
        %dma_wait3A_116 = arith.constant 0 : i32
        %dma_wait3A_117 = arith.constant 0 : i32
        %dma_wait3A_118 = tpu.memref_slice %arg5[%dma_wait3A_116, %dma_wait3A_117] : memref<10240x128xf32, #tpu.memory_space<hbm>> -> memref<10240x128xf32, #tpu.memory_space<hbm>>
        tpu.wait_indirect_dma semaphore(%arg16 : memref<!tpu.dma_semaphore, #tpu.memory_space<semaphore_mem>>) src(%dma_wait3A_118 : memref<10240x128xf32, #tpu.memory_space<hbm>>) dst(%dma_wait3A_112 : memref<128x128xf32, #tpu.memory_space<vmem>>)
        %run_scoped3A = arith.constant 0 : i32
        %run_scoped3A_119 = arith.constant 1 : i32
        "tpu.region"() ({
          %run_scoped3A_122 = tpu.sem_alloc : memref<!tpu.dma_semaphore, #tpu.memory_space<semaphore_mem>>
          %dma_start3A_123 = arith.constant 0 : i32
          %dma_start3A_124 = arith.constant 0 : i32
          %dma_start3A_125 = tpu.memref_slice %arg14[%dma_start3A_123, %dma_start3A_124] : memref<256x128xf32, #tpu.memory_space<vmem>> -> memref<128x128xf32, #tpu.memory_space<vmem>>
          %dma_start3A_126 = arith.constant 0 : i32
          %dma_start3A_127 = tpu.memref_slice %arg13[%run_scoped3A, %run_scoped3A_119, %dma_start3A_126] : memref<2x2x128xi32, #tpu.memory_space<vmem>> -> memref<1x1x128xi32, #tpu.memory_space<vmem>>
          %dma_start3A_128 = tpu.memref_squeeze %dma_start3A_127 : memref<1x1x128xi32, #tpu.memory_space<vmem>> -> memref<128xi32, #tpu.memory_space<vmem>>
          %dma_start3A_129 = arith.constant 0 : i32
          %dma_start3A_130 = arith.constant 0 : i32
          %dma_start3A_131 = tpu.memref_slice %arg15[%dma_start3A_129, %dma_start3A_130] : memref<10240x128xf32, #tpu.memory_space<vmem_shared>> -> memref<10240x128xf32, #tpu.memory_space<vmem_shared>>
          tpu.enqueue_indirect_dma source(%dma_start3A_125 : memref<128x128xf32, #tpu.memory_space<vmem>>) target(%dma_start3A_131 : memref<10240x128xf32, #tpu.memory_space<vmem_shared>>) offsets(%dma_start3A_128 : memref<128xi32, #tpu.memory_space<vmem>>) semaphore(%run_scoped3A_122 : memref<!tpu.dma_semaphore, #tpu.memory_space<semaphore_mem>>) {add = true}
          %dma_wait3A_132 = arith.constant 0 : i32
          %dma_wait3A_133 = arith.constant 0 : i32
          %dma_wait3A_134 = tpu.memref_slice %arg14[%dma_wait3A_132, %dma_wait3A_133] : memref<256x128xf32, #tpu.memory_space<vmem>> -> memref<128x128xf32, #tpu.memory_space<vmem>>
          %dma_wait3A_135 = arith.constant 0 : i32
          %dma_wait3A_136 = tpu.memref_slice %arg13[%run_scoped3A, %run_scoped3A_119, %dma_wait3A_135] : memref<2x2x128xi32, #tpu.memory_space<vmem>> -> memref<1x1x128xi32, #tpu.memory_space<vmem>>
          %dma_wait3A_137 = tpu.memref_squeeze %dma_wait3A_136 : memref<1x1x128xi32, #tpu.memory_space<vmem>> -> memref<128xi32, #tpu.memory_space<vmem>>
          %dma_wait3A_138 = arith.constant 0 : i32
          %dma_wait3A_139 = arith.constant 0 : i32
          %dma_wait3A_140 = tpu.memref_slice %arg15[%dma_wait3A_138, %dma_wait3A_139] : memref<10240x128xf32, #tpu.memory_space<vmem_shared>> -> memref<10240x128xf32, #tpu.memory_space<vmem_shared>>
          tpu.wait_indirect_dma semaphore(%run_scoped3A_122 : memref<!tpu.dma_semaphore, #tpu.memory_space<semaphore_mem>>) src(%dma_wait3A_134 : memref<128x128xf32, #tpu.memory_space<vmem>>) dst(%dma_wait3A_140 : memref<10240x128xf32, #tpu.memory_space<vmem_shared>>)
          tpu.yield
        }) : () -> ()
        %run_scoped3A_120 = arith.constant 1 : i32
        %run_scoped3A_121 = arith.constant 1 : i32
        "tpu.region"() ({
          %run_scoped3A_122 = tpu.sem_alloc : memref<!tpu.dma_semaphore, #tpu.memory_space<semaphore_mem>>
          %dma_start3A_123 = arith.constant 128 : i32
          %dma_start3A_124 = arith.constant 0 : i32
          %dma_start3A_125 = tpu.memref_slice %arg14[%dma_start3A_123, %dma_start3A_124] : memref<256x128xf32, #tpu.memory_space<vmem>> -> memref<128x128xf32, #tpu.memory_space<vmem>>
          %dma_start3A_126 = arith.constant 0 : i32
          %dma_start3A_127 = tpu.memref_slice %arg13[%run_scoped3A_120, %run_scoped3A_121, %dma_start3A_126] : memref<2x2x128xi32, #tpu.memory_space<vmem>> -> memref<1x1x128xi32, #tpu.memory_space<vmem>>
          %dma_start3A_128 = tpu.memref_squeeze %dma_start3A_127 : memref<1x1x128xi32, #tpu.memory_space<vmem>> -> memref<128xi32, #tpu.memory_space<vmem>>
          %dma_start3A_129 = arith.constant 0 : i32
          %dma_start3A_130 = arith.constant 0 : i32
          %dma_start3A_131 = tpu.memref_slice %arg15[%dma_start3A_129, %dma_start3A_130] : memref<10240x128xf32, #tpu.memory_space<vmem_shared>> -> memref<10240x128xf32, #tpu.memory_space<vmem_shared>>
          tpu.enqueue_indirect_dma source(%dma_start3A_125 : memref<128x128xf32, #tpu.memory_space<vmem>>) target(%dma_start3A_131 : memref<10240x128xf32, #tpu.memory_space<vmem_shared>>) offsets(%dma_start3A_128 : memref<128xi32, #tpu.memory_space<vmem>>) semaphore(%run_scoped3A_122 : memref<!tpu.dma_semaphore, #tpu.memory_space<semaphore_mem>>) {add = true}
          %dma_wait3A_132 = arith.constant 128 : i32
          %dma_wait3A_133 = arith.constant 0 : i32
          %dma_wait3A_134 = tpu.memref_slice %arg14[%dma_wait3A_132, %dma_wait3A_133] : memref<256x128xf32, #tpu.memory_space<vmem>> -> memref<128x128xf32, #tpu.memory_space<vmem>>
          %dma_wait3A_135 = arith.constant 0 : i32
          %dma_wait3A_136 = tpu.memref_slice %arg13[%run_scoped3A_120, %run_scoped3A_121, %dma_wait3A_135] : memref<2x2x128xi32, #tpu.memory_space<vmem>> -> memref<1x1x128xi32, #tpu.memory_space<vmem>>
          %dma_wait3A_137 = tpu.memref_squeeze %dma_wait3A_136 : memref<1x1x128xi32, #tpu.memory_space<vmem>> -> memref<128xi32, #tpu.memory_space<vmem>>
          %dma_wait3A_138 = arith.constant 0 : i32
          %dma_wait3A_139 = arith.constant 0 : i32
          %dma_wait3A_140 = tpu.memref_slice %arg15[%dma_wait3A_138, %dma_wait3A_139] : memref<10240x128xf32, #tpu.memory_space<vmem_shared>> -> memref<10240x128xf32, #tpu.memory_space<vmem_shared>>
          tpu.wait_indirect_dma semaphore(%run_scoped3A_122 : memref<!tpu.dma_semaphore, #tpu.memory_space<semaphore_mem>>) src(%dma_wait3A_134 : memref<128x128xf32, #tpu.memory_space<vmem>>) dst(%dma_wait3A_140 : memref<10240x128xf32, #tpu.memory_space<vmem_shared>>)
          tpu.yield
        }) : () -> ()
      }
    } else {
    }
    %barrier3A_30 = arith.constant 0 : index
    tpu.barrier barrier_id(%barrier3A_30)
    %eq3A_31 = arith.constant 0 : i32
    %eq3A_32 = arith.cmpi eq, %arg0, %eq3A_31 : i32
    %convert_element_type3A_33 = arith.extui %eq3A_32 : i1 to i32
    %cond3A_34 = arith.constant 0 : i32
    %cond3A_35 = arith.cmpi ne, %convert_element_type3A_33, %cond3A_34 : i32
    scf.if %cond3A_35 {
      "tpu.region"() ({
        %run_scoped3A = tpu.sem_alloc : memref<!tpu.dma_semaphore, #tpu.memory_space<semaphore_mem>>
        %dma_start3A = arith.constant 0 : i32
        %dma_start3A_41 = tpu.memref_slice %arg11[%mul3A_0, %dma_start3A] : memref<10240x128xf32, #tpu.memory_space<hbm>> -> memref<640x128xf32, #tpu.memory_space<hbm>>
        %dma_start3A_42 = arith.constant 0 : i32
        %dma_start3A_43 = tpu.memref_slice %arg15[%mul3A_0, %dma_start3A_42] : memref<10240x128xf32, #tpu.memory_space<vmem_shared>> -> memref<640x128xf32, #tpu.memory_space<vmem_shared>>
        tpu.enqueue_dma source(%dma_start3A_43 : memref<640x128xf32, #tpu.memory_space<vmem_shared>>) target(%dma_start3A_41 : memref<640x128xf32, #tpu.memory_space<hbm>>) target_semaphore(%run_scoped3A : memref<!tpu.dma_semaphore, #tpu.memory_space<semaphore_mem>>)
        %dma_wait3A = arith.constant 0 : i32
        %dma_wait3A_44 = tpu.memref_slice %arg11[%mul3A_0, %dma_wait3A] : memref<10240x128xf32, #tpu.memory_space<hbm>> -> memref<640x128xf32, #tpu.memory_space<hbm>>
        %dma_wait3A_45 = arith.constant 0 : i32
        %dma_wait3A_46 = tpu.memref_slice %arg15[%mul3A_0, %dma_wait3A_45] : memref<10240x128xf32, #tpu.memory_space<vmem_shared>> -> memref<640x128xf32, #tpu.memory_space<vmem_shared>>
        tpu.wait_dma2 semaphore(%run_scoped3A : memref<!tpu.dma_semaphore, #tpu.memory_space<semaphore_mem>>) src(%dma_wait3A_46 : memref<640x128xf32, #tpu.memory_space<vmem_shared>>) dst(%dma_wait3A_44 : memref<640x128xf32, #tpu.memory_space<hbm>>)
        tpu.yield
      }) : () -> ()
    } else {
    }
    %eq3A_36 = arith.constant 1 : i32
    %eq3A_37 = arith.cmpi eq, %arg0, %eq3A_36 : i32
    %convert_element_type3A_38 = arith.extui %eq3A_37 : i1 to i32
    %cond3A_39 = arith.constant 0 : i32
    %cond3A_40 = arith.cmpi ne, %convert_element_type3A_38, %cond3A_39 : i32
    scf.if %cond3A_40 {
      "tpu.region"() ({
        %run_scoped3A = tpu.sem_alloc : memref<!tpu.dma_semaphore, #tpu.memory_space<semaphore_mem>>
        %dma_start3A = arith.constant 0 : i32
        %dma_start3A_41 = tpu.memref_slice %arg12[%mul3A_0, %dma_start3A] : memref<10240x128xf32, #tpu.memory_space<hbm>> -> memref<640x128xf32, #tpu.memory_space<hbm>>
        %dma_start3A_42 = arith.constant 0 : i32
        %dma_start3A_43 = tpu.memref_slice %arg15[%mul3A_0, %dma_start3A_42] : memref<10240x128xf32, #tpu.memory_space<vmem_shared>> -> memref<640x128xf32, #tpu.memory_space<vmem_shared>>
        tpu.enqueue_dma source(%dma_start3A_43 : memref<640x128xf32, #tpu.memory_space<vmem_shared>>) target(%dma_start3A_41 : memref<640x128xf32, #tpu.memory_space<hbm>>) target_semaphore(%run_scoped3A : memref<!tpu.dma_semaphore, #tpu.memory_space<semaphore_mem>>)
        %dma_wait3A = arith.constant 0 : i32
        %dma_wait3A_44 = tpu.memref_slice %arg12[%mul3A_0, %dma_wait3A] : memref<10240x128xf32, #tpu.memory_space<hbm>> -> memref<640x128xf32, #tpu.memory_space<hbm>>
        %dma_wait3A_45 = arith.constant 0 : i32
        %dma_wait3A_46 = tpu.memref_slice %arg15[%mul3A_0, %dma_wait3A_45] : memref<10240x128xf32, #tpu.memory_space<vmem_shared>> -> memref<640x128xf32, #tpu.memory_space<vmem_shared>>
        tpu.wait_dma2 semaphore(%run_scoped3A : memref<!tpu.dma_semaphore, #tpu.memory_space<semaphore_mem>>) src(%dma_wait3A_46 : memref<640x128xf32, #tpu.memory_space<vmem_shared>>) dst(%dma_wait3A_44 : memref<640x128xf32, #tpu.memory_space<hbm>>)
        tpu.yield
      }) : () -> ()
    } else {
    }
    return
  }
}

#map = affine_map<(d0, d1) -> (0, 0)>
#map1 = affine_map<(d0, d1) -> (0, 0, 0)>
module attributes {stable_mosaic.version = 14 : i64} {
  func.func @_sc_layer(%arg0: i32, %arg1: i32, %arg2: memref<10240x128xf32, #tpu.memory_space<hbm>>, %arg3: memref<10240x128xf32, #tpu.memory_space<hbm>>, %arg4: memref<10240x128xf32, #tpu.memory_space<hbm>>, %arg5: memref<10240x128xf32, #tpu.memory_space<hbm>>, %arg6: memref<2500x2x128xi32, #tpu.memory_space<hbm>>, %arg7: memref<2500x2x128xi32, #tpu.memory_space<hbm>>, %arg8: memref<640x128xf32, #tpu.memory_space<hbm>>, %arg9: memref<10240x128xf32, #tpu.memory_space<hbm>>, %arg10: memref<10240x128xf32, #tpu.memory_space<hbm>>, %arg11: memref<10240x128xf32, #tpu.memory_space<hbm>>, %arg12: memref<10240x128xf32, #tpu.memory_space<hbm>>, %arg13: memref<2x2x128xi32, #tpu.memory_space<vmem>>, %arg14: memref<256x128xf32, #tpu.memory_space<vmem>>, %arg15: memref<10240x128xf32, #tpu.memory_space<vmem_shared>>, %arg16: memref<!tpu.dma_semaphore, #tpu.memory_space<semaphore_mem>>) attributes {dimension_semantics = [#tpu.dimension_semantics<core_parallel>, #tpu.dimension_semantics<subcore_parallel>], iteration_bounds = array<i64: 2, 16>, scalar_prefetch = 0 : i64, scratch_operands = 4 : i64, tpu.core_type = #tpu.core_type<sc_vector_subcore>, window_params = [{transform_indices = #map}, {transform_indices = #map}, {transform_indices = #map}, {transform_indices = #map}, {transform_indices = #map1}, {transform_indices = #map1}, {transform_indices = #map}, {transform_indices = #map}, {transform_indices = #map}, {transform_indices = #map}, {transform_indices = #map}]} {
    %mul3A = arith.constant 640 : i32
    %mul3A_0 = arith.muli %arg1, %mul3A : i32
    "tpu.region"() ({
      %run_scoped3A = tpu.sem_alloc : memref<!tpu.dma_semaphore, #tpu.memory_space<semaphore_mem>>
      %dma_start3A = arith.constant 0 : i32
      %dma_start3A_41 = tpu.memref_slice %arg15[%mul3A_0, %dma_start3A] : memref<10240x128xf32, #tpu.memory_space<vmem_shared>> -> memref<640x128xf32, #tpu.memory_space<vmem_shared>>
      tpu.enqueue_dma source(%arg8 : memref<640x128xf32, #tpu.memory_space<hbm>>) target(%dma_start3A_41 : memref<640x128xf32, #tpu.memory_space<vmem_shared>>) target_semaphore(%run_scoped3A : memref<!tpu.dma_semaphore, #tpu.memory_space<semaphore_mem>>)
      %dma_wait3A = arith.constant 0 : i32
      %dma_wait3A_42 = tpu.memref_slice %arg15[%mul3A_0, %dma_wait3A] : memref<10240x128xf32, #tpu.memory_space<vmem_shared>> -> memref<640x128xf32, #tpu.memory_space<vmem_shared>>
      tpu.wait_dma2 semaphore(%run_scoped3A : memref<!tpu.dma_semaphore, #tpu.memory_space<semaphore_mem>>) src(%arg8 : memref<640x128xf32, #tpu.memory_space<hbm>>) dst(%dma_wait3A_42 : memref<640x128xf32, #tpu.memory_space<vmem_shared>>)
      tpu.yield
    }) : () -> ()
    %barrier3A = arith.constant 0 : index
    tpu.barrier barrier_id(%barrier3A)
    %eq3A = arith.constant 0 : i32
    %eq3A_1 = arith.cmpi eq, %arg0, %eq3A : i32
    %convert_element_type3A = arith.extui %eq3A_1 : i1 to i32
    %cond3A = arith.constant 0 : i32
    %cond3A_2 = arith.cmpi ne, %convert_element_type3A, %cond3A : i32
    scf.if %cond3A_2 {
      %sub3A = arith.constant 1250 : i32
      %sub3A_41 = arith.subi %sub3A, %arg1 : i32
      %add3A = arith.constant 16 : i32
      %add3A_42 = arith.addi %sub3A_41, %add3A : i32
      %sub3A_43 = arith.constant 1 : i32
      %sub3A_44 = arith.subi %add3A_42, %sub3A_43 : i32
      %jit3A = arith.constant 16 : i32
      %div3A = arith.divsi %sub3A_44, %jit3A : i32
      %sign3A = arith.constant 0 : i32
      %sign3A_45 = arith.cmpi sgt, %sub3A_44, %sign3A : i32
      %sign3A_46 = arith.extui %sign3A_45 : i1 to i32
      %sign3A_47 = arith.constant 0 : i32
      %sign3A_48 = arith.cmpi slt, %sub3A_44, %sign3A_47 : i32
      %sign3A_49 = arith.extui %sign3A_48 : i1 to i32
      %sign3A_50 = arith.subi %sign3A_46, %sign3A_49 : i32
      %sign3A_51 = arith.constant 0 : i32
      %sign3A_52 = arith.cmpi sgt, %jit3A, %sign3A_51 : i32
      %sign3A_53 = arith.extui %sign3A_52 : i1 to i32
      %sign3A_54 = arith.constant 0 : i32
      %sign3A_55 = arith.cmpi slt, %jit3A, %sign3A_54 : i32
      %sign3A_56 = arith.extui %sign3A_55 : i1 to i32
      %sign3A_57 = arith.subi %sign3A_53, %sign3A_56 : i32
      %ne3A = arith.cmpi ne, %sign3A_50, %sign3A_57 : i32
      %rem3A = arith.remsi %sub3A_44, %jit3A : i32
      %ne3A_58 = arith.constant 0 : i32
      %ne3A_59 = arith.cmpi ne, %rem3A, %ne3A_58 : i32
      %and3A = arith.andi %ne3A, %ne3A_59 : i1
      %sub3A_60 = arith.constant 1 : i32
      %sub3A_61 = arith.subi %div3A, %sub3A_60 : i32
      %select_n3A = arith.select %and3A, %sub3A_61, %div3A : i32
      %while3A = arith.constant 0 : i32
      %while3A_62 = arith.constant 0 : i32
      %while3A_63 = arith.subi %select_n3A, %while3A_62 : i32
      %while3A_64 = arith.addi %while3A_62, %while3A_63 : i32
      %while3A_65 = arith.constant 1 : i32
      %while3A_66 = arith.divsi %while3A_63, %while3A_65 : i32
      %while3A_67 = arith.muli %while3A_66, %while3A_65 : i32
      %while3A_68 = arith.addi %while3A_62, %while3A_67 : i32
      %while3A_69 = arith.constant 1 : i32
      scf.for %while3A_71 = %while3A_62 to %while3A_68 step %while3A_69  : i32 {
        %mul3A_72 = arith.constant 16 : i32
        %mul3A_73 = arith.muli %while3A_71, %mul3A_72 : i32
        %add3A_74 = arith.addi %mul3A_73, %arg1 : i32
        %mul3A_75 = arith.constant 2 : i32
        %mul3A_76 = arith.muli %add3A_74, %mul3A_75 : i32
        "tpu.region"() ({
          %run_scoped3A_122 = tpu.sem_alloc : memref<!tpu.dma_semaphore, #tpu.memory_space<semaphore_mem>>
          %dma_start3A_123 = arith.constant 0 : i32
          %dma_start3A_124 = arith.constant 0 : i32
          %dma_start3A_125 = tpu.memref_slice %arg6[%mul3A_76, %dma_start3A_123, %dma_start3A_124] : memref<2500x2x128xi32, #tpu.memory_space<hbm>> -> memref<2x2x128xi32, #tpu.memory_space<hbm>>
          %dma_start3A_126 = arith.constant 0 : i32
          %dma_start3A_127 = arith.constant 0 : i32
          %dma_start3A_128 = tpu.memref_slice %arg6[%mul3A_76, %dma_start3A_126, %dma_start3A_127] : memref<2500x2x128xi32, #tpu.memory_space<hbm>> -> memref<2x2x128xi32, #tpu.memory_space<hbm>>
          tpu.enqueue_dma source(%dma_start3A_128 : memref<2x2x128xi32, #tpu.memory_space<hbm>>) target(%arg13 : memref<2x2x128xi32, #tpu.memory_space<vmem>>) target_semaphore(%run_scoped3A_122 : memref<!tpu.dma_semaphore, #tpu.memory_space<semaphore_mem>>)
          %dma_wait3A_129 = arith.constant 0 : i32
          %dma_wait3A_130 = arith.constant 0 : i32
          %dma_wait3A_131 = tpu.memref_slice %arg6[%mul3A_76, %dma_wait3A_129, %dma_wait3A_130] : memref<2500x2x128xi32, #tpu.memory_space<hbm>> -> memref<2x2x128xi32, #tpu.memory_space<hbm>>
          %dma_wait3A_132 = arith.constant 0 : i32
          %dma_wait3A_133 = arith.constant 0 : i32
          %dma_wait3A_134 = tpu.memref_slice %arg6[%mul3A_76, %dma_wait3A_132, %dma_wait3A_133] : memref<2500x2x128xi32, #tpu.memory_space<hbm>> -> memref<2x2x128xi32, #tpu.memory_space<hbm>>
          tpu.wait_dma2 semaphore(%run_scoped3A_122 : memref<!tpu.dma_semaphore, #tpu.memory_space<semaphore_mem>>) src(%dma_wait3A_134 : memref<2x2x128xi32, #tpu.memory_space<hbm>>) dst(%arg13 : memref<2x2x128xi32, #tpu.memory_space<vmem>>)
          tpu.yield
        }) : () -> ()
        %dma_start3A = arith.constant 0 : i32
        %dma_start3A_77 = arith.constant 0 : i32
        %dma_start3A_78 = arith.constant 0 : i32
        %dma_start3A_79 = arith.constant 0 : i32
        %dma_start3A_80 = tpu.memref_slice %arg14[%dma_start3A_78, %dma_start3A_79] : memref<256x128xf32, #tpu.memory_space<vmem>> -> memref<128x128xf32, #tpu.memory_space<vmem>>
        %dma_start3A_81 = arith.constant 0 : i32
        %dma_start3A_82 = tpu.memref_slice %arg13[%dma_start3A, %dma_start3A_77, %dma_start3A_81] : memref<2x2x128xi32, #tpu.memory_space<vmem>> -> memref<1x1x128xi32, #tpu.memory_space<vmem>>
        %dma_start3A_83 = tpu.memref_squeeze %dma_start3A_82 : memref<1x1x128xi32, #tpu.memory_space<vmem>> -> memref<128xi32, #tpu.memory_space<vmem>>
        %dma_start3A_84 = arith.constant 0 : i32
        %dma_start3A_85 = arith.constant 0 : i32
        %dma_start3A_86 = tpu.memref_slice %arg2[%dma_start3A_84, %dma_start3A_85] : memref<10240x128xf32, #tpu.memory_space<hbm>> -> memref<10240x128xf32, #tpu.memory_space<hbm>>
        tpu.enqueue_indirect_dma source(%dma_start3A_86 : memref<10240x128xf32, #tpu.memory_space<hbm>>) target(%dma_start3A_80 : memref<128x128xf32, #tpu.memory_space<vmem>>) offsets(%dma_start3A_83 : memref<128xi32, #tpu.memory_space<vmem>>) semaphore(%arg16 : memref<!tpu.dma_semaphore, #tpu.memory_space<semaphore_mem>>)
        %dma_start3A_87 = arith.constant 1 : i32
        %dma_start3A_88 = arith.constant 0 : i32
        %dma_start3A_89 = arith.constant 128 : i32
        %dma_start3A_90 = arith.constant 0 : i32
        %dma_start3A_91 = tpu.memref_slice %arg14[%dma_start3A_89, %dma_start3A_90] : memref<256x128xf32, #tpu.memory_space<vmem>> -> memref<128x128xf32, #tpu.memory_space<vmem>>
        %dma_start3A_92 = arith.constant 0 : i32
        %dma_start3A_93 = tpu.memref_slice %arg13[%dma_start3A_87, %dma_start3A_88, %dma_start3A_92] : memref<2x2x128xi32, #tpu.memory_space<vmem>> -> memref<1x1x128xi32, #tpu.memory_space<vmem>>
        %dma_start3A_94 = tpu.memref_squeeze %dma_start3A_93 : memref<1x1x128xi32, #tpu.memory_space<vmem>> -> memref<128xi32, #tpu.memory_space<vmem>>
        %dma_start3A_95 = arith.constant 0 : i32
        %dma_start3A_96 = arith.constant 0 : i32
        %dma_start3A_97 = tpu.memref_slice %arg2[%dma_start3A_95, %dma_start3A_96] : memref<10240x128xf32, #tpu.memory_space<hbm>> -> memref<10240x128xf32, #tpu.memory_space<hbm>>
        tpu.enqueue_indirect_dma source(%dma_start3A_97 : memref<10240x128xf32, #tpu.memory_space<hbm>>) target(%dma_start3A_91 : memref<128x128xf32, #tpu.memory_space<vmem>>) offsets(%dma_start3A_94 : memref<128xi32, #tpu.memory_space<vmem>>) semaphore(%arg16 : memref<!tpu.dma_semaphore, #tpu.memory_space<semaphore_mem>>)
        %dma_wait3A = arith.constant 0 : i32
        %dma_wait3A_98 = arith.constant 0 : i32
        %dma_wait3A_99 = arith.constant 0 : i32
        %dma_wait3A_100 = arith.constant 0 : i32
        %dma_wait3A_101 = tpu.memref_slice %arg14[%dma_wait3A_99, %dma_wait3A_100] : memref<256x128xf32, #tpu.memory_space<vmem>> -> memref<128x128xf32, #tpu.memory_space<vmem>>
        %dma_wait3A_102 = arith.constant 0 : i32
        %dma_wait3A_103 = tpu.memref_slice %arg13[%dma_wait3A, %dma_wait3A_98, %dma_wait3A_102] : memref<2x2x128xi32, #tpu.memory_space<vmem>> -> memref<1x1x128xi32, #tpu.memory_space<vmem>>
        %dma_wait3A_104 = tpu.memref_squeeze %dma_wait3A_103 : memref<1x1x128xi32, #tpu.memory_space<vmem>> -> memref<128xi32, #tpu.memory_space<vmem>>
        %dma_wait3A_105 = arith.constant 0 : i32
        %dma_wait3A_106 = arith.constant 0 : i32
        %dma_wait3A_107 = tpu.memref_slice %arg2[%dma_wait3A_105, %dma_wait3A_106] : memref<10240x128xf32, #tpu.memory_space<hbm>> -> memref<10240x128xf32, #tpu.memory_space<hbm>>
        tpu.wait_indirect_dma semaphore(%arg16 : memref<!tpu.dma_semaphore, #tpu.memory_space<semaphore_mem>>) src(%dma_wait3A_107 : memref<10240x128xf32, #tpu.memory_space<hbm>>) dst(%dma_wait3A_101 : memref<128x128xf32, #tpu.memory_space<vmem>>)
        %dma_wait3A_108 = arith.constant 1 : i32
        %dma_wait3A_109 = arith.constant 0 : i32
        %dma_wait3A_110 = arith.constant 128 : i32
        %dma_wait3A_111 = arith.constant 0 : i32
        %dma_wait3A_112 = tpu.memref_slice %arg14[%dma_wait3A_110, %dma_wait3A_111] : memref<256x128xf32, #tpu.memory_space<vmem>> -> memref<128x128xf32, #tpu.memory_space<vmem>>
        %dma_wait3A_113 = arith.constant 0 : i32
        %dma_wait3A_114 = tpu.memref_slice %arg13[%dma_wait3A_108, %dma_wait3A_109, %dma_wait3A_113] : memref<2x2x128xi32, #tpu.memory_space<vmem>> -> memref<1x1x128xi32, #tpu.memory_space<vmem>>
        %dma_wait3A_115 = tpu.memref_squeeze %dma_wait3A_114 : memref<1x1x128xi32, #tpu.memory_space<vmem>> -> memref<128xi32, #tpu.memory_space<vmem>>
        %dma_wait3A_116 = arith.constant 0 : i32
        %dma_wait3A_117 = arith.constant 0 : i32
        %dma_wait3A_118 = tpu.memref_slice %arg2[%dma_wait3A_116, %dma_wait3A_117] : memref<10240x128xf32, #tpu.memory_space<hbm>> -> memref<10240x128xf32, #tpu.memory_space<hbm>>
        tpu.wait_indirect_dma semaphore(%arg16 : memref<!tpu.dma_semaphore, #tpu.memory_space<semaphore_mem>>) src(%dma_wait3A_118 : memref<10240x128xf32, #tpu.memory_space<hbm>>) dst(%dma_wait3A_112 : memref<128x128xf32, #tpu.memory_space<vmem>>)
        %run_scoped3A = arith.constant 0 : i32
        %run_scoped3A_119 = arith.constant 1 : i32
        "tpu.region"() ({
          %run_scoped3A_122 = tpu.sem_alloc : memref<!tpu.dma_semaphore, #tpu.memory_space<semaphore_mem>>
          %dma_start3A_123 = arith.constant 0 : i32
          %dma_start3A_124 = arith.constant 0 : i32
          %dma_start3A_125 = tpu.memref_slice %arg14[%dma_start3A_123, %dma_start3A_124] : memref<256x128xf32, #tpu.memory_space<vmem>> -> memref<128x128xf32, #tpu.memory_space<vmem>>
          %dma_start3A_126 = arith.constant 0 : i32
          %dma_start3A_127 = tpu.memref_slice %arg13[%run_scoped3A, %run_scoped3A_119, %dma_start3A_126] : memref<2x2x128xi32, #tpu.memory_space<vmem>> -> memref<1x1x128xi32, #tpu.memory_space<vmem>>
          %dma_start3A_128 = tpu.memref_squeeze %dma_start3A_127 : memref<1x1x128xi32, #tpu.memory_space<vmem>> -> memref<128xi32, #tpu.memory_space<vmem>>
          %dma_start3A_129 = arith.constant 0 : i32
          %dma_start3A_130 = arith.constant 0 : i32
          %dma_start3A_131 = tpu.memref_slice %arg15[%dma_start3A_129, %dma_start3A_130] : memref<10240x128xf32, #tpu.memory_space<vmem_shared>> -> memref<10240x128xf32, #tpu.memory_space<vmem_shared>>
          tpu.enqueue_indirect_dma source(%dma_start3A_125 : memref<128x128xf32, #tpu.memory_space<vmem>>) target(%dma_start3A_131 : memref<10240x128xf32, #tpu.memory_space<vmem_shared>>) offsets(%dma_start3A_128 : memref<128xi32, #tpu.memory_space<vmem>>) semaphore(%run_scoped3A_122 : memref<!tpu.dma_semaphore, #tpu.memory_space<semaphore_mem>>) {add = true}
          %dma_wait3A_132 = arith.constant 0 : i32
          %dma_wait3A_133 = arith.constant 0 : i32
          %dma_wait3A_134 = tpu.memref_slice %arg14[%dma_wait3A_132, %dma_wait3A_133] : memref<256x128xf32, #tpu.memory_space<vmem>> -> memref<128x128xf32, #tpu.memory_space<vmem>>
          %dma_wait3A_135 = arith.constant 0 : i32
          %dma_wait3A_136 = tpu.memref_slice %arg13[%run_scoped3A, %run_scoped3A_119, %dma_wait3A_135] : memref<2x2x128xi32, #tpu.memory_space<vmem>> -> memref<1x1x128xi32, #tpu.memory_space<vmem>>
          %dma_wait3A_137 = tpu.memref_squeeze %dma_wait3A_136 : memref<1x1x128xi32, #tpu.memory_space<vmem>> -> memref<128xi32, #tpu.memory_space<vmem>>
          %dma_wait3A_138 = arith.constant 0 : i32
          %dma_wait3A_139 = arith.constant 0 : i32
          %dma_wait3A_140 = tpu.memref_slice %arg15[%dma_wait3A_138, %dma_wait3A_139] : memref<10240x128xf32, #tpu.memory_space<vmem_shared>> -> memref<10240x128xf32, #tpu.memory_space<vmem_shared>>
          tpu.wait_indirect_dma semaphore(%run_scoped3A_122 : memref<!tpu.dma_semaphore, #tpu.memory_space<semaphore_mem>>) src(%dma_wait3A_134 : memref<128x128xf32, #tpu.memory_space<vmem>>) dst(%dma_wait3A_140 : memref<10240x128xf32, #tpu.memory_space<vmem_shared>>)
          tpu.yield
        }) : () -> ()
        %run_scoped3A_120 = arith.constant 1 : i32
        %run_scoped3A_121 = arith.constant 1 : i32
        "tpu.region"() ({
          %run_scoped3A_122 = tpu.sem_alloc : memref<!tpu.dma_semaphore, #tpu.memory_space<semaphore_mem>>
          %dma_start3A_123 = arith.constant 128 : i32
          %dma_start3A_124 = arith.constant 0 : i32
          %dma_start3A_125 = tpu.memref_slice %arg14[%dma_start3A_123, %dma_start3A_124] : memref<256x128xf32, #tpu.memory_space<vmem>> -> memref<128x128xf32, #tpu.memory_space<vmem>>
          %dma_start3A_126 = arith.constant 0 : i32
          %dma_start3A_127 = tpu.memref_slice %arg13[%run_scoped3A_120, %run_scoped3A_121, %dma_start3A_126] : memref<2x2x128xi32, #tpu.memory_space<vmem>> -> memref<1x1x128xi32, #tpu.memory_space<vmem>>
          %dma_start3A_128 = tpu.memref_squeeze %dma_start3A_127 : memref<1x1x128xi32, #tpu.memory_space<vmem>> -> memref<128xi32, #tpu.memory_space<vmem>>
          %dma_start3A_129 = arith.constant 0 : i32
          %dma_start3A_130 = arith.constant 0 : i32
          %dma_start3A_131 = tpu.memref_slice %arg15[%dma_start3A_129, %dma_start3A_130] : memref<10240x128xf32, #tpu.memory_space<vmem_shared>> -> memref<10240x128xf32, #tpu.memory_space<vmem_shared>>
          tpu.enqueue_indirect_dma source(%dma_start3A_125 : memref<128x128xf32, #tpu.memory_space<vmem>>) target(%dma_start3A_131 : memref<10240x128xf32, #tpu.memory_space<vmem_shared>>) offsets(%dma_start3A_128 : memref<128xi32, #tpu.memory_space<vmem>>) semaphore(%run_scoped3A_122 : memref<!tpu.dma_semaphore, #tpu.memory_space<semaphore_mem>>) {add = true}
          %dma_wait3A_132 = arith.constant 128 : i32
          %dma_wait3A_133 = arith.constant 0 : i32
          %dma_wait3A_134 = tpu.memref_slice %arg14[%dma_wait3A_132, %dma_wait3A_133] : memref<256x128xf32, #tpu.memory_space<vmem>> -> memref<128x128xf32, #tpu.memory_space<vmem>>
          %dma_wait3A_135 = arith.constant 0 : i32
          %dma_wait3A_136 = tpu.memref_slice %arg13[%run_scoped3A_120, %run_scoped3A_121, %dma_wait3A_135] : memref<2x2x128xi32, #tpu.memory_space<vmem>> -> memref<1x1x128xi32, #tpu.memory_space<vmem>>
          %dma_wait3A_137 = tpu.memref_squeeze %dma_wait3A_136 : memref<1x1x128xi32, #tpu.memory_space<vmem>> -> memref<128xi32, #tpu.memory_space<vmem>>
          %dma_wait3A_138 = arith.constant 0 : i32
          %dma_wait3A_139 = arith.constant 0 : i32
          %dma_wait3A_140 = tpu.memref_slice %arg15[%dma_wait3A_138, %dma_wait3A_139] : memref<10240x128xf32, #tpu.memory_space<vmem_shared>> -> memref<10240x128xf32, #tpu.memory_space<vmem_shared>>
          tpu.wait_indirect_dma semaphore(%run_scoped3A_122 : memref<!tpu.dma_semaphore, #tpu.memory_space<semaphore_mem>>) src(%dma_wait3A_134 : memref<128x128xf32, #tpu.memory_space<vmem>>) dst(%dma_wait3A_140 : memref<10240x128xf32, #tpu.memory_space<vmem_shared>>)
          tpu.yield
        }) : () -> ()
      }
      %while3A_70 = arith.constant 1 : i32
      scf.for %while3A_71 = %while3A_68 to %while3A_64 step %while3A_70  : i32 {
        %mul3A_72 = arith.constant 16 : i32
        %mul3A_73 = arith.muli %while3A_71, %mul3A_72 : i32
        %add3A_74 = arith.addi %mul3A_73, %arg1 : i32
        %mul3A_75 = arith.constant 2 : i32
        %mul3A_76 = arith.muli %add3A_74, %mul3A_75 : i32
        "tpu.region"() ({
          %run_scoped3A_122 = tpu.sem_alloc : memref<!tpu.dma_semaphore, #tpu.memory_space<semaphore_mem>>
          %dma_start3A_123 = arith.constant 0 : i32
          %dma_start3A_124 = arith.constant 0 : i32
          %dma_start3A_125 = tpu.memref_slice %arg6[%mul3A_76, %dma_start3A_123, %dma_start3A_124] : memref<2500x2x128xi32, #tpu.memory_space<hbm>> -> memref<2x2x128xi32, #tpu.memory_space<hbm>>
          %dma_start3A_126 = arith.constant 0 : i32
          %dma_start3A_127 = arith.constant 0 : i32
          %dma_start3A_128 = tpu.memref_slice %arg6[%mul3A_76, %dma_start3A_126, %dma_start3A_127] : memref<2500x2x128xi32, #tpu.memory_space<hbm>> -> memref<2x2x128xi32, #tpu.memory_space<hbm>>
          tpu.enqueue_dma source(%dma_start3A_128 : memref<2x2x128xi32, #tpu.memory_space<hbm>>) target(%arg13 : memref<2x2x128xi32, #tpu.memory_space<vmem>>) target_semaphore(%run_scoped3A_122 : memref<!tpu.dma_semaphore, #tpu.memory_space<semaphore_mem>>)
          %dma_wait3A_129 = arith.constant 0 : i32
          %dma_wait3A_130 = arith.constant 0 : i32
          %dma_wait3A_131 = tpu.memref_slice %arg6[%mul3A_76, %dma_wait3A_129, %dma_wait3A_130] : memref<2500x2x128xi32, #tpu.memory_space<hbm>> -> memref<2x2x128xi32, #tpu.memory_space<hbm>>
          %dma_wait3A_132 = arith.constant 0 : i32
          %dma_wait3A_133 = arith.constant 0 : i32
          %dma_wait3A_134 = tpu.memref_slice %arg6[%mul3A_76, %dma_wait3A_132, %dma_wait3A_133] : memref<2500x2x128xi32, #tpu.memory_space<hbm>> -> memref<2x2x128xi32, #tpu.memory_space<hbm>>
          tpu.wait_dma2 semaphore(%run_scoped3A_122 : memref<!tpu.dma_semaphore, #tpu.memory_space<semaphore_mem>>) src(%dma_wait3A_134 : memref<2x2x128xi32, #tpu.memory_space<hbm>>) dst(%arg13 : memref<2x2x128xi32, #tpu.memory_space<vmem>>)
          tpu.yield
        }) : () -> ()
        %dma_start3A = arith.constant 0 : i32
        %dma_start3A_77 = arith.constant 0 : i32
        %dma_start3A_78 = arith.constant 0 : i32
        %dma_start3A_79 = arith.constant 0 : i32
        %dma_start3A_80 = tpu.memref_slice %arg14[%dma_start3A_78, %dma_start3A_79] : memref<256x128xf32, #tpu.memory_space<vmem>> -> memref<128x128xf32, #tpu.memory_space<vmem>>
        %dma_start3A_81 = arith.constant 0 : i32
        %dma_start3A_82 = tpu.memref_slice %arg13[%dma_start3A, %dma_start3A_77, %dma_start3A_81] : memref<2x2x128xi32, #tpu.memory_space<vmem>> -> memref<1x1x128xi32, #tpu.memory_space<vmem>>
        %dma_start3A_83 = tpu.memref_squeeze %dma_start3A_82 : memref<1x1x128xi32, #tpu.memory_space<vmem>> -> memref<128xi32, #tpu.memory_space<vmem>>
        %dma_start3A_84 = arith.constant 0 : i32
        %dma_start3A_85 = arith.constant 0 : i32
        %dma_start3A_86 = tpu.memref_slice %arg2[%dma_start3A_84, %dma_start3A_85] : memref<10240x128xf32, #tpu.memory_space<hbm>> -> memref<10240x128xf32, #tpu.memory_space<hbm>>
        tpu.enqueue_indirect_dma source(%dma_start3A_86 : memref<10240x128xf32, #tpu.memory_space<hbm>>) target(%dma_start3A_80 : memref<128x128xf32, #tpu.memory_space<vmem>>) offsets(%dma_start3A_83 : memref<128xi32, #tpu.memory_space<vmem>>) semaphore(%arg16 : memref<!tpu.dma_semaphore, #tpu.memory_space<semaphore_mem>>)
        %dma_start3A_87 = arith.constant 1 : i32
        %dma_start3A_88 = arith.constant 0 : i32
        %dma_start3A_89 = arith.constant 128 : i32
        %dma_start3A_90 = arith.constant 0 : i32
        %dma_start3A_91 = tpu.memref_slice %arg14[%dma_start3A_89, %dma_start3A_90] : memref<256x128xf32, #tpu.memory_space<vmem>> -> memref<128x128xf32, #tpu.memory_space<vmem>>
        %dma_start3A_92 = arith.constant 0 : i32
        %dma_start3A_93 = tpu.memref_slice %arg13[%dma_start3A_87, %dma_start3A_88, %dma_start3A_92] : memref<2x2x128xi32, #tpu.memory_space<vmem>> -> memref<1x1x128xi32, #tpu.memory_space<vmem>>
        %dma_start3A_94 = tpu.memref_squeeze %dma_start3A_93 : memref<1x1x128xi32, #tpu.memory_space<vmem>> -> memref<128xi32, #tpu.memory_space<vmem>>
        %dma_start3A_95 = arith.constant 0 : i32
        %dma_start3A_96 = arith.constant 0 : i32
        %dma_start3A_97 = tpu.memref_slice %arg2[%dma_start3A_95, %dma_start3A_96] : memref<10240x128xf32, #tpu.memory_space<hbm>> -> memref<10240x128xf32, #tpu.memory_space<hbm>>
        tpu.enqueue_indirect_dma source(%dma_start3A_97 : memref<10240x128xf32, #tpu.memory_space<hbm>>) target(%dma_start3A_91 : memref<128x128xf32, #tpu.memory_space<vmem>>) offsets(%dma_start3A_94 : memref<128xi32, #tpu.memory_space<vmem>>) semaphore(%arg16 : memref<!tpu.dma_semaphore, #tpu.memory_space<semaphore_mem>>)
        %dma_wait3A = arith.constant 0 : i32
        %dma_wait3A_98 = arith.constant 0 : i32
        %dma_wait3A_99 = arith.constant 0 : i32
        %dma_wait3A_100 = arith.constant 0 : i32
        %dma_wait3A_101 = tpu.memref_slice %arg14[%dma_wait3A_99, %dma_wait3A_100] : memref<256x128xf32, #tpu.memory_space<vmem>> -> memref<128x128xf32, #tpu.memory_space<vmem>>
        %dma_wait3A_102 = arith.constant 0 : i32
        %dma_wait3A_103 = tpu.memref_slice %arg13[%dma_wait3A, %dma_wait3A_98, %dma_wait3A_102] : memref<2x2x128xi32, #tpu.memory_space<vmem>> -> memref<1x1x128xi32, #tpu.memory_space<vmem>>
        %dma_wait3A_104 = tpu.memref_squeeze %dma_wait3A_103 : memref<1x1x128xi32, #tpu.memory_space<vmem>> -> memref<128xi32, #tpu.memory_space<vmem>>
        %dma_wait3A_105 = arith.constant 0 : i32
        %dma_wait3A_106 = arith.constant 0 : i32
        %dma_wait3A_107 = tpu.memref_slice %arg2[%dma_wait3A_105, %dma_wait3A_106] : memref<10240x128xf32, #tpu.memory_space<hbm>> -> memref<10240x128xf32, #tpu.memory_space<hbm>>
        tpu.wait_indirect_dma semaphore(%arg16 : memref<!tpu.dma_semaphore, #tpu.memory_space<semaphore_mem>>) src(%dma_wait3A_107 : memref<10240x128xf32, #tpu.memory_space<hbm>>) dst(%dma_wait3A_101 : memref<128x128xf32, #tpu.memory_space<vmem>>)
        %dma_wait3A_108 = arith.constant 1 : i32
        %dma_wait3A_109 = arith.constant 0 : i32
        %dma_wait3A_110 = arith.constant 128 : i32
        %dma_wait3A_111 = arith.constant 0 : i32
        %dma_wait3A_112 = tpu.memref_slice %arg14[%dma_wait3A_110, %dma_wait3A_111] : memref<256x128xf32, #tpu.memory_space<vmem>> -> memref<128x128xf32, #tpu.memory_space<vmem>>
        %dma_wait3A_113 = arith.constant 0 : i32
        %dma_wait3A_114 = tpu.memref_slice %arg13[%dma_wait3A_108, %dma_wait3A_109, %dma_wait3A_113] : memref<2x2x128xi32, #tpu.memory_space<vmem>> -> memref<1x1x128xi32, #tpu.memory_space<vmem>>
        %dma_wait3A_115 = tpu.memref_squeeze %dma_wait3A_114 : memref<1x1x128xi32, #tpu.memory_space<vmem>> -> memref<128xi32, #tpu.memory_space<vmem>>
        %dma_wait3A_116 = arith.constant 0 : i32
        %dma_wait3A_117 = arith.constant 0 : i32
        %dma_wait3A_118 = tpu.memref_slice %arg2[%dma_wait3A_116, %dma_wait3A_117] : memref<10240x128xf32, #tpu.memory_space<hbm>> -> memref<10240x128xf32, #tpu.memory_space<hbm>>
        tpu.wait_indirect_dma semaphore(%arg16 : memref<!tpu.dma_semaphore, #tpu.memory_space<semaphore_mem>>) src(%dma_wait3A_118 : memref<10240x128xf32, #tpu.memory_space<hbm>>) dst(%dma_wait3A_112 : memref<128x128xf32, #tpu.memory_space<vmem>>)
        %run_scoped3A = arith.constant 0 : i32
        %run_scoped3A_119 = arith.constant 1 : i32
        "tpu.region"() ({
          %run_scoped3A_122 = tpu.sem_alloc : memref<!tpu.dma_semaphore, #tpu.memory_space<semaphore_mem>>
          %dma_start3A_123 = arith.constant 0 : i32
          %dma_start3A_124 = arith.constant 0 : i32
          %dma_start3A_125 = tpu.memref_slice %arg14[%dma_start3A_123, %dma_start3A_124] : memref<256x128xf32, #tpu.memory_space<vmem>> -> memref<128x128xf32, #tpu.memory_space<vmem>>
          %dma_start3A_126 = arith.constant 0 : i32
          %dma_start3A_127 = tpu.memref_slice %arg13[%run_scoped3A, %run_scoped3A_119, %dma_start3A_126] : memref<2x2x128xi32, #tpu.memory_space<vmem>> -> memref<1x1x128xi32, #tpu.memory_space<vmem>>
          %dma_start3A_128 = tpu.memref_squeeze %dma_start3A_127 : memref<1x1x128xi32, #tpu.memory_space<vmem>> -> memref<128xi32, #tpu.memory_space<vmem>>
          %dma_start3A_129 = arith.constant 0 : i32
          %dma_start3A_130 = arith.constant 0 : i32
          %dma_start3A_131 = tpu.memref_slice %arg15[%dma_start3A_129, %dma_start3A_130] : memref<10240x128xf32, #tpu.memory_space<vmem_shared>> -> memref<10240x128xf32, #tpu.memory_space<vmem_shared>>
          tpu.enqueue_indirect_dma source(%dma_start3A_125 : memref<128x128xf32, #tpu.memory_space<vmem>>) target(%dma_start3A_131 : memref<10240x128xf32, #tpu.memory_space<vmem_shared>>) offsets(%dma_start3A_128 : memref<128xi32, #tpu.memory_space<vmem>>) semaphore(%run_scoped3A_122 : memref<!tpu.dma_semaphore, #tpu.memory_space<semaphore_mem>>) {add = true}
          %dma_wait3A_132 = arith.constant 0 : i32
          %dma_wait3A_133 = arith.constant 0 : i32
          %dma_wait3A_134 = tpu.memref_slice %arg14[%dma_wait3A_132, %dma_wait3A_133] : memref<256x128xf32, #tpu.memory_space<vmem>> -> memref<128x128xf32, #tpu.memory_space<vmem>>
          %dma_wait3A_135 = arith.constant 0 : i32
          %dma_wait3A_136 = tpu.memref_slice %arg13[%run_scoped3A, %run_scoped3A_119, %dma_wait3A_135] : memref<2x2x128xi32, #tpu.memory_space<vmem>> -> memref<1x1x128xi32, #tpu.memory_space<vmem>>
          %dma_wait3A_137 = tpu.memref_squeeze %dma_wait3A_136 : memref<1x1x128xi32, #tpu.memory_space<vmem>> -> memref<128xi32, #tpu.memory_space<vmem>>
          %dma_wait3A_138 = arith.constant 0 : i32
          %dma_wait3A_139 = arith.constant 0 : i32
          %dma_wait3A_140 = tpu.memref_slice %arg15[%dma_wait3A_138, %dma_wait3A_139] : memref<10240x128xf32, #tpu.memory_space<vmem_shared>> -> memref<10240x128xf32, #tpu.memory_space<vmem_shared>>
          tpu.wait_indirect_dma semaphore(%run_scoped3A_122 : memref<!tpu.dma_semaphore, #tpu.memory_space<semaphore_mem>>) src(%dma_wait3A_134 : memref<128x128xf32, #tpu.memory_space<vmem>>) dst(%dma_wait3A_140 : memref<10240x128xf32, #tpu.memory_space<vmem_shared>>)
          tpu.yield
        }) : () -> ()
        %run_scoped3A_120 = arith.constant 1 : i32
        %run_scoped3A_121 = arith.constant 1 : i32
        "tpu.region"() ({
          %run_scoped3A_122 = tpu.sem_alloc : memref<!tpu.dma_semaphore, #tpu.memory_space<semaphore_mem>>
          %dma_start3A_123 = arith.constant 128 : i32
          %dma_start3A_124 = arith.constant 0 : i32
          %dma_start3A_125 = tpu.memref_slice %arg14[%dma_start3A_123, %dma_start3A_124] : memref<256x128xf32, #tpu.memory_space<vmem>> -> memref<128x128xf32, #tpu.memory_space<vmem>>
          %dma_start3A_126 = arith.constant 0 : i32
          %dma_start3A_127 = tpu.memref_slice %arg13[%run_scoped3A_120, %run_scoped3A_121, %dma_start3A_126] : memref<2x2x128xi32, #tpu.memory_space<vmem>> -> memref<1x1x128xi32, #tpu.memory_space<vmem>>
          %dma_start3A_128 = tpu.memref_squeeze %dma_start3A_127 : memref<1x1x128xi32, #tpu.memory_space<vmem>> -> memref<128xi32, #tpu.memory_space<vmem>>
          %dma_start3A_129 = arith.constant 0 : i32
          %dma_start3A_130 = arith.constant 0 : i32
          %dma_start3A_131 = tpu.memref_slice %arg15[%dma_start3A_129, %dma_start3A_130] : memref<10240x128xf32, #tpu.memory_space<vmem_shared>> -> memref<10240x128xf32, #tpu.memory_space<vmem_shared>>
          tpu.enqueue_indirect_dma source(%dma_start3A_125 : memref<128x128xf32, #tpu.memory_space<vmem>>) target(%dma_start3A_131 : memref<10240x128xf32, #tpu.memory_space<vmem_shared>>) offsets(%dma_start3A_128 : memref<128xi32, #tpu.memory_space<vmem>>) semaphore(%run_scoped3A_122 : memref<!tpu.dma_semaphore, #tpu.memory_space<semaphore_mem>>) {add = true}
          %dma_wait3A_132 = arith.constant 128 : i32
          %dma_wait3A_133 = arith.constant 0 : i32
          %dma_wait3A_134 = tpu.memref_slice %arg14[%dma_wait3A_132, %dma_wait3A_133] : memref<256x128xf32, #tpu.memory_space<vmem>> -> memref<128x128xf32, #tpu.memory_space<vmem>>
          %dma_wait3A_135 = arith.constant 0 : i32
          %dma_wait3A_136 = tpu.memref_slice %arg13[%run_scoped3A_120, %run_scoped3A_121, %dma_wait3A_135] : memref<2x2x128xi32, #tpu.memory_space<vmem>> -> memref<1x1x128xi32, #tpu.memory_space<vmem>>
          %dma_wait3A_137 = tpu.memref_squeeze %dma_wait3A_136 : memref<1x1x128xi32, #tpu.memory_space<vmem>> -> memref<128xi32, #tpu.memory_space<vmem>>
          %dma_wait3A_138 = arith.constant 0 : i32
          %dma_wait3A_139 = arith.constant 0 : i32
          %dma_wait3A_140 = tpu.memref_slice %arg15[%dma_wait3A_138, %dma_wait3A_139] : memref<10240x128xf32, #tpu.memory_space<vmem_shared>> -> memref<10240x128xf32, #tpu.memory_space<vmem_shared>>
          tpu.wait_indirect_dma semaphore(%run_scoped3A_122 : memref<!tpu.dma_semaphore, #tpu.memory_space<semaphore_mem>>) src(%dma_wait3A_134 : memref<128x128xf32, #tpu.memory_space<vmem>>) dst(%dma_wait3A_140 : memref<10240x128xf32, #tpu.memory_space<vmem_shared>>)
          tpu.yield
        }) : () -> ()
      }
    } else {
    }
    %eq3A_3 = arith.constant 1 : i32
    %eq3A_4 = arith.cmpi eq, %arg0, %eq3A_3 : i32
    %convert_element_type3A_5 = arith.extui %eq3A_4 : i1 to i32
    %cond3A_6 = arith.constant 0 : i32
    %cond3A_7 = arith.cmpi ne, %convert_element_type3A_5, %cond3A_6 : i32
    scf.if %cond3A_7 {
      %sub3A = arith.constant 1250 : i32
      %sub3A_41 = arith.subi %sub3A, %arg1 : i32
      %add3A = arith.constant 16 : i32
      %add3A_42 = arith.addi %sub3A_41, %add3A : i32
      %sub3A_43 = arith.constant 1 : i32
      %sub3A_44 = arith.subi %add3A_42, %sub3A_43 : i32
      %jit3A = arith.constant 16 : i32
      %div3A = arith.divsi %sub3A_44, %jit3A : i32
      %sign3A = arith.constant 0 : i32
      %sign3A_45 = arith.cmpi sgt, %sub3A_44, %sign3A : i32
      %sign3A_46 = arith.extui %sign3A_45 : i1 to i32
      %sign3A_47 = arith.constant 0 : i32
      %sign3A_48 = arith.cmpi slt, %sub3A_44, %sign3A_47 : i32
      %sign3A_49 = arith.extui %sign3A_48 : i1 to i32
      %sign3A_50 = arith.subi %sign3A_46, %sign3A_49 : i32
      %sign3A_51 = arith.constant 0 : i32
      %sign3A_52 = arith.cmpi sgt, %jit3A, %sign3A_51 : i32
      %sign3A_53 = arith.extui %sign3A_52 : i1 to i32
      %sign3A_54 = arith.constant 0 : i32
      %sign3A_55 = arith.cmpi slt, %jit3A, %sign3A_54 : i32
      %sign3A_56 = arith.extui %sign3A_55 : i1 to i32
      %sign3A_57 = arith.subi %sign3A_53, %sign3A_56 : i32
      %ne3A = arith.cmpi ne, %sign3A_50, %sign3A_57 : i32
      %rem3A = arith.remsi %sub3A_44, %jit3A : i32
      %ne3A_58 = arith.constant 0 : i32
      %ne3A_59 = arith.cmpi ne, %rem3A, %ne3A_58 : i32
      %and3A = arith.andi %ne3A, %ne3A_59 : i1
      %sub3A_60 = arith.constant 1 : i32
      %sub3A_61 = arith.subi %div3A, %sub3A_60 : i32
      %select_n3A = arith.select %and3A, %sub3A_61, %div3A : i32
      %while3A = arith.constant 0 : i32
      %while3A_62 = arith.constant 0 : i32
      %while3A_63 = arith.subi %select_n3A, %while3A_62 : i32
      %while3A_64 = arith.addi %while3A_62, %while3A_63 : i32
      %while3A_65 = arith.constant 1 : i32
      %while3A_66 = arith.divsi %while3A_63, %while3A_65 : i32
      %while3A_67 = arith.muli %while3A_66, %while3A_65 : i32
      %while3A_68 = arith.addi %while3A_62, %while3A_67 : i32
      %while3A_69 = arith.constant 1 : i32
      scf.for %while3A_71 = %while3A_62 to %while3A_68 step %while3A_69  : i32 {
        %mul3A_72 = arith.constant 16 : i32
        %mul3A_73 = arith.muli %while3A_71, %mul3A_72 : i32
        %add3A_74 = arith.addi %mul3A_73, %arg1 : i32
        %mul3A_75 = arith.constant 2 : i32
        %mul3A_76 = arith.muli %add3A_74, %mul3A_75 : i32
        "tpu.region"() ({
          %run_scoped3A_122 = tpu.sem_alloc : memref<!tpu.dma_semaphore, #tpu.memory_space<semaphore_mem>>
          %dma_start3A_123 = arith.constant 0 : i32
          %dma_start3A_124 = arith.constant 0 : i32
          %dma_start3A_125 = tpu.memref_slice %arg6[%mul3A_76, %dma_start3A_123, %dma_start3A_124] : memref<2500x2x128xi32, #tpu.memory_space<hbm>> -> memref<2x2x128xi32, #tpu.memory_space<hbm>>
          %dma_start3A_126 = arith.constant 0 : i32
          %dma_start3A_127 = arith.constant 0 : i32
          %dma_start3A_128 = tpu.memref_slice %arg6[%mul3A_76, %dma_start3A_126, %dma_start3A_127] : memref<2500x2x128xi32, #tpu.memory_space<hbm>> -> memref<2x2x128xi32, #tpu.memory_space<hbm>>
          tpu.enqueue_dma source(%dma_start3A_128 : memref<2x2x128xi32, #tpu.memory_space<hbm>>) target(%arg13 : memref<2x2x128xi32, #tpu.memory_space<vmem>>) target_semaphore(%run_scoped3A_122 : memref<!tpu.dma_semaphore, #tpu.memory_space<semaphore_mem>>)
          %dma_wait3A_129 = arith.constant 0 : i32
          %dma_wait3A_130 = arith.constant 0 : i32
          %dma_wait3A_131 = tpu.memref_slice %arg6[%mul3A_76, %dma_wait3A_129, %dma_wait3A_130] : memref<2500x2x128xi32, #tpu.memory_space<hbm>> -> memref<2x2x128xi32, #tpu.memory_space<hbm>>
          %dma_wait3A_132 = arith.constant 0 : i32
          %dma_wait3A_133 = arith.constant 0 : i32
          %dma_wait3A_134 = tpu.memref_slice %arg6[%mul3A_76, %dma_wait3A_132, %dma_wait3A_133] : memref<2500x2x128xi32, #tpu.memory_space<hbm>> -> memref<2x2x128xi32, #tpu.memory_space<hbm>>
          tpu.wait_dma2 semaphore(%run_scoped3A_122 : memref<!tpu.dma_semaphore, #tpu.memory_space<semaphore_mem>>) src(%dma_wait3A_134 : memref<2x2x128xi32, #tpu.memory_space<hbm>>) dst(%arg13 : memref<2x2x128xi32, #tpu.memory_space<vmem>>)
          tpu.yield
        }) : () -> ()
        %dma_start3A = arith.constant 0 : i32
        %dma_start3A_77 = arith.constant 0 : i32
        %dma_start3A_78 = arith.constant 0 : i32
        %dma_start3A_79 = arith.constant 0 : i32
        %dma_start3A_80 = tpu.memref_slice %arg14[%dma_start3A_78, %dma_start3A_79] : memref<256x128xf32, #tpu.memory_space<vmem>> -> memref<128x128xf32, #tpu.memory_space<vmem>>
        %dma_start3A_81 = arith.constant 0 : i32
        %dma_start3A_82 = tpu.memref_slice %arg13[%dma_start3A, %dma_start3A_77, %dma_start3A_81] : memref<2x2x128xi32, #tpu.memory_space<vmem>> -> memref<1x1x128xi32, #tpu.memory_space<vmem>>
        %dma_start3A_83 = tpu.memref_squeeze %dma_start3A_82 : memref<1x1x128xi32, #tpu.memory_space<vmem>> -> memref<128xi32, #tpu.memory_space<vmem>>
        %dma_start3A_84 = arith.constant 0 : i32
        %dma_start3A_85 = arith.constant 0 : i32
        %dma_start3A_86 = tpu.memref_slice %arg3[%dma_start3A_84, %dma_start3A_85] : memref<10240x128xf32, #tpu.memory_space<hbm>> -> memref<10240x128xf32, #tpu.memory_space<hbm>>
        tpu.enqueue_indirect_dma source(%dma_start3A_86 : memref<10240x128xf32, #tpu.memory_space<hbm>>) target(%dma_start3A_80 : memref<128x128xf32, #tpu.memory_space<vmem>>) offsets(%dma_start3A_83 : memref<128xi32, #tpu.memory_space<vmem>>) semaphore(%arg16 : memref<!tpu.dma_semaphore, #tpu.memory_space<semaphore_mem>>)
        %dma_start3A_87 = arith.constant 1 : i32
        %dma_start3A_88 = arith.constant 0 : i32
        %dma_start3A_89 = arith.constant 128 : i32
        %dma_start3A_90 = arith.constant 0 : i32
        %dma_start3A_91 = tpu.memref_slice %arg14[%dma_start3A_89, %dma_start3A_90] : memref<256x128xf32, #tpu.memory_space<vmem>> -> memref<128x128xf32, #tpu.memory_space<vmem>>
        %dma_start3A_92 = arith.constant 0 : i32
        %dma_start3A_93 = tpu.memref_slice %arg13[%dma_start3A_87, %dma_start3A_88, %dma_start3A_92] : memref<2x2x128xi32, #tpu.memory_space<vmem>> -> memref<1x1x128xi32, #tpu.memory_space<vmem>>
        %dma_start3A_94 = tpu.memref_squeeze %dma_start3A_93 : memref<1x1x128xi32, #tpu.memory_space<vmem>> -> memref<128xi32, #tpu.memory_space<vmem>>
        %dma_start3A_95 = arith.constant 0 : i32
        %dma_start3A_96 = arith.constant 0 : i32
        %dma_start3A_97 = tpu.memref_slice %arg3[%dma_start3A_95, %dma_start3A_96] : memref<10240x128xf32, #tpu.memory_space<hbm>> -> memref<10240x128xf32, #tpu.memory_space<hbm>>
        tpu.enqueue_indirect_dma source(%dma_start3A_97 : memref<10240x128xf32, #tpu.memory_space<hbm>>) target(%dma_start3A_91 : memref<128x128xf32, #tpu.memory_space<vmem>>) offsets(%dma_start3A_94 : memref<128xi32, #tpu.memory_space<vmem>>) semaphore(%arg16 : memref<!tpu.dma_semaphore, #tpu.memory_space<semaphore_mem>>)
        %dma_wait3A = arith.constant 0 : i32
        %dma_wait3A_98 = arith.constant 0 : i32
        %dma_wait3A_99 = arith.constant 0 : i32
        %dma_wait3A_100 = arith.constant 0 : i32
        %dma_wait3A_101 = tpu.memref_slice %arg14[%dma_wait3A_99, %dma_wait3A_100] : memref<256x128xf32, #tpu.memory_space<vmem>> -> memref<128x128xf32, #tpu.memory_space<vmem>>
        %dma_wait3A_102 = arith.constant 0 : i32
        %dma_wait3A_103 = tpu.memref_slice %arg13[%dma_wait3A, %dma_wait3A_98, %dma_wait3A_102] : memref<2x2x128xi32, #tpu.memory_space<vmem>> -> memref<1x1x128xi32, #tpu.memory_space<vmem>>
        %dma_wait3A_104 = tpu.memref_squeeze %dma_wait3A_103 : memref<1x1x128xi32, #tpu.memory_space<vmem>> -> memref<128xi32, #tpu.memory_space<vmem>>
        %dma_wait3A_105 = arith.constant 0 : i32
        %dma_wait3A_106 = arith.constant 0 : i32
        %dma_wait3A_107 = tpu.memref_slice %arg3[%dma_wait3A_105, %dma_wait3A_106] : memref<10240x128xf32, #tpu.memory_space<hbm>> -> memref<10240x128xf32, #tpu.memory_space<hbm>>
        tpu.wait_indirect_dma semaphore(%arg16 : memref<!tpu.dma_semaphore, #tpu.memory_space<semaphore_mem>>) src(%dma_wait3A_107 : memref<10240x128xf32, #tpu.memory_space<hbm>>) dst(%dma_wait3A_101 : memref<128x128xf32, #tpu.memory_space<vmem>>)
        %dma_wait3A_108 = arith.constant 1 : i32
        %dma_wait3A_109 = arith.constant 0 : i32
        %dma_wait3A_110 = arith.constant 128 : i32
        %dma_wait3A_111 = arith.constant 0 : i32
        %dma_wait3A_112 = tpu.memref_slice %arg14[%dma_wait3A_110, %dma_wait3A_111] : memref<256x128xf32, #tpu.memory_space<vmem>> -> memref<128x128xf32, #tpu.memory_space<vmem>>
        %dma_wait3A_113 = arith.constant 0 : i32
        %dma_wait3A_114 = tpu.memref_slice %arg13[%dma_wait3A_108, %dma_wait3A_109, %dma_wait3A_113] : memref<2x2x128xi32, #tpu.memory_space<vmem>> -> memref<1x1x128xi32, #tpu.memory_space<vmem>>
        %dma_wait3A_115 = tpu.memref_squeeze %dma_wait3A_114 : memref<1x1x128xi32, #tpu.memory_space<vmem>> -> memref<128xi32, #tpu.memory_space<vmem>>
        %dma_wait3A_116 = arith.constant 0 : i32
        %dma_wait3A_117 = arith.constant 0 : i32
        %dma_wait3A_118 = tpu.memref_slice %arg3[%dma_wait3A_116, %dma_wait3A_117] : memref<10240x128xf32, #tpu.memory_space<hbm>> -> memref<10240x128xf32, #tpu.memory_space<hbm>>
        tpu.wait_indirect_dma semaphore(%arg16 : memref<!tpu.dma_semaphore, #tpu.memory_space<semaphore_mem>>) src(%dma_wait3A_118 : memref<10240x128xf32, #tpu.memory_space<hbm>>) dst(%dma_wait3A_112 : memref<128x128xf32, #tpu.memory_space<vmem>>)
        %run_scoped3A = arith.constant 0 : i32
        %run_scoped3A_119 = arith.constant 1 : i32
        "tpu.region"() ({
          %run_scoped3A_122 = tpu.sem_alloc : memref<!tpu.dma_semaphore, #tpu.memory_space<semaphore_mem>>
          %dma_start3A_123 = arith.constant 0 : i32
          %dma_start3A_124 = arith.constant 0 : i32
          %dma_start3A_125 = tpu.memref_slice %arg14[%dma_start3A_123, %dma_start3A_124] : memref<256x128xf32, #tpu.memory_space<vmem>> -> memref<128x128xf32, #tpu.memory_space<vmem>>
          %dma_start3A_126 = arith.constant 0 : i32
          %dma_start3A_127 = tpu.memref_slice %arg13[%run_scoped3A, %run_scoped3A_119, %dma_start3A_126] : memref<2x2x128xi32, #tpu.memory_space<vmem>> -> memref<1x1x128xi32, #tpu.memory_space<vmem>>
          %dma_start3A_128 = tpu.memref_squeeze %dma_start3A_127 : memref<1x1x128xi32, #tpu.memory_space<vmem>> -> memref<128xi32, #tpu.memory_space<vmem>>
          %dma_start3A_129 = arith.constant 0 : i32
          %dma_start3A_130 = arith.constant 0 : i32
          %dma_start3A_131 = tpu.memref_slice %arg15[%dma_start3A_129, %dma_start3A_130] : memref<10240x128xf32, #tpu.memory_space<vmem_shared>> -> memref<10240x128xf32, #tpu.memory_space<vmem_shared>>
          tpu.enqueue_indirect_dma source(%dma_start3A_125 : memref<128x128xf32, #tpu.memory_space<vmem>>) target(%dma_start3A_131 : memref<10240x128xf32, #tpu.memory_space<vmem_shared>>) offsets(%dma_start3A_128 : memref<128xi32, #tpu.memory_space<vmem>>) semaphore(%run_scoped3A_122 : memref<!tpu.dma_semaphore, #tpu.memory_space<semaphore_mem>>) {add = true}
          %dma_wait3A_132 = arith.constant 0 : i32
          %dma_wait3A_133 = arith.constant 0 : i32
          %dma_wait3A_134 = tpu.memref_slice %arg14[%dma_wait3A_132, %dma_wait3A_133] : memref<256x128xf32, #tpu.memory_space<vmem>> -> memref<128x128xf32, #tpu.memory_space<vmem>>
          %dma_wait3A_135 = arith.constant 0 : i32
          %dma_wait3A_136 = tpu.memref_slice %arg13[%run_scoped3A, %run_scoped3A_119, %dma_wait3A_135] : memref<2x2x128xi32, #tpu.memory_space<vmem>> -> memref<1x1x128xi32, #tpu.memory_space<vmem>>
          %dma_wait3A_137 = tpu.memref_squeeze %dma_wait3A_136 : memref<1x1x128xi32, #tpu.memory_space<vmem>> -> memref<128xi32, #tpu.memory_space<vmem>>
          %dma_wait3A_138 = arith.constant 0 : i32
          %dma_wait3A_139 = arith.constant 0 : i32
          %dma_wait3A_140 = tpu.memref_slice %arg15[%dma_wait3A_138, %dma_wait3A_139] : memref<10240x128xf32, #tpu.memory_space<vmem_shared>> -> memref<10240x128xf32, #tpu.memory_space<vmem_shared>>
          tpu.wait_indirect_dma semaphore(%run_scoped3A_122 : memref<!tpu.dma_semaphore, #tpu.memory_space<semaphore_mem>>) src(%dma_wait3A_134 : memref<128x128xf32, #tpu.memory_space<vmem>>) dst(%dma_wait3A_140 : memref<10240x128xf32, #tpu.memory_space<vmem_shared>>)
          tpu.yield
        }) : () -> ()
        %run_scoped3A_120 = arith.constant 1 : i32
        %run_scoped3A_121 = arith.constant 1 : i32
        "tpu.region"() ({
          %run_scoped3A_122 = tpu.sem_alloc : memref<!tpu.dma_semaphore, #tpu.memory_space<semaphore_mem>>
          %dma_start3A_123 = arith.constant 128 : i32
          %dma_start3A_124 = arith.constant 0 : i32
          %dma_start3A_125 = tpu.memref_slice %arg14[%dma_start3A_123, %dma_start3A_124] : memref<256x128xf32, #tpu.memory_space<vmem>> -> memref<128x128xf32, #tpu.memory_space<vmem>>
          %dma_start3A_126 = arith.constant 0 : i32
          %dma_start3A_127 = tpu.memref_slice %arg13[%run_scoped3A_120, %run_scoped3A_121, %dma_start3A_126] : memref<2x2x128xi32, #tpu.memory_space<vmem>> -> memref<1x1x128xi32, #tpu.memory_space<vmem>>
          %dma_start3A_128 = tpu.memref_squeeze %dma_start3A_127 : memref<1x1x128xi32, #tpu.memory_space<vmem>> -> memref<128xi32, #tpu.memory_space<vmem>>
          %dma_start3A_129 = arith.constant 0 : i32
          %dma_start3A_130 = arith.constant 0 : i32
          %dma_start3A_131 = tpu.memref_slice %arg15[%dma_start3A_129, %dma_start3A_130] : memref<10240x128xf32, #tpu.memory_space<vmem_shared>> -> memref<10240x128xf32, #tpu.memory_space<vmem_shared>>
          tpu.enqueue_indirect_dma source(%dma_start3A_125 : memref<128x128xf32, #tpu.memory_space<vmem>>) target(%dma_start3A_131 : memref<10240x128xf32, #tpu.memory_space<vmem_shared>>) offsets(%dma_start3A_128 : memref<128xi32, #tpu.memory_space<vmem>>) semaphore(%run_scoped3A_122 : memref<!tpu.dma_semaphore, #tpu.memory_space<semaphore_mem>>) {add = true}
          %dma_wait3A_132 = arith.constant 128 : i32
          %dma_wait3A_133 = arith.constant 0 : i32
          %dma_wait3A_134 = tpu.memref_slice %arg14[%dma_wait3A_132, %dma_wait3A_133] : memref<256x128xf32, #tpu.memory_space<vmem>> -> memref<128x128xf32, #tpu.memory_space<vmem>>
          %dma_wait3A_135 = arith.constant 0 : i32
          %dma_wait3A_136 = tpu.memref_slice %arg13[%run_scoped3A_120, %run_scoped3A_121, %dma_wait3A_135] : memref<2x2x128xi32, #tpu.memory_space<vmem>> -> memref<1x1x128xi32, #tpu.memory_space<vmem>>
          %dma_wait3A_137 = tpu.memref_squeeze %dma_wait3A_136 : memref<1x1x128xi32, #tpu.memory_space<vmem>> -> memref<128xi32, #tpu.memory_space<vmem>>
          %dma_wait3A_138 = arith.constant 0 : i32
          %dma_wait3A_139 = arith.constant 0 : i32
          %dma_wait3A_140 = tpu.memref_slice %arg15[%dma_wait3A_138, %dma_wait3A_139] : memref<10240x128xf32, #tpu.memory_space<vmem_shared>> -> memref<10240x128xf32, #tpu.memory_space<vmem_shared>>
          tpu.wait_indirect_dma semaphore(%run_scoped3A_122 : memref<!tpu.dma_semaphore, #tpu.memory_space<semaphore_mem>>) src(%dma_wait3A_134 : memref<128x128xf32, #tpu.memory_space<vmem>>) dst(%dma_wait3A_140 : memref<10240x128xf32, #tpu.memory_space<vmem_shared>>)
          tpu.yield
        }) : () -> ()
      }
      %while3A_70 = arith.constant 1 : i32
      scf.for %while3A_71 = %while3A_68 to %while3A_64 step %while3A_70  : i32 {
        %mul3A_72 = arith.constant 16 : i32
        %mul3A_73 = arith.muli %while3A_71, %mul3A_72 : i32
        %add3A_74 = arith.addi %mul3A_73, %arg1 : i32
        %mul3A_75 = arith.constant 2 : i32
        %mul3A_76 = arith.muli %add3A_74, %mul3A_75 : i32
        "tpu.region"() ({
          %run_scoped3A_122 = tpu.sem_alloc : memref<!tpu.dma_semaphore, #tpu.memory_space<semaphore_mem>>
          %dma_start3A_123 = arith.constant 0 : i32
          %dma_start3A_124 = arith.constant 0 : i32
          %dma_start3A_125 = tpu.memref_slice %arg6[%mul3A_76, %dma_start3A_123, %dma_start3A_124] : memref<2500x2x128xi32, #tpu.memory_space<hbm>> -> memref<2x2x128xi32, #tpu.memory_space<hbm>>
          %dma_start3A_126 = arith.constant 0 : i32
          %dma_start3A_127 = arith.constant 0 : i32
          %dma_start3A_128 = tpu.memref_slice %arg6[%mul3A_76, %dma_start3A_126, %dma_start3A_127] : memref<2500x2x128xi32, #tpu.memory_space<hbm>> -> memref<2x2x128xi32, #tpu.memory_space<hbm>>
          tpu.enqueue_dma source(%dma_start3A_128 : memref<2x2x128xi32, #tpu.memory_space<hbm>>) target(%arg13 : memref<2x2x128xi32, #tpu.memory_space<vmem>>) target_semaphore(%run_scoped3A_122 : memref<!tpu.dma_semaphore, #tpu.memory_space<semaphore_mem>>)
          %dma_wait3A_129 = arith.constant 0 : i32
          %dma_wait3A_130 = arith.constant 0 : i32
          %dma_wait3A_131 = tpu.memref_slice %arg6[%mul3A_76, %dma_wait3A_129, %dma_wait3A_130] : memref<2500x2x128xi32, #tpu.memory_space<hbm>> -> memref<2x2x128xi32, #tpu.memory_space<hbm>>
          %dma_wait3A_132 = arith.constant 0 : i32
          %dma_wait3A_133 = arith.constant 0 : i32
          %dma_wait3A_134 = tpu.memref_slice %arg6[%mul3A_76, %dma_wait3A_132, %dma_wait3A_133] : memref<2500x2x128xi32, #tpu.memory_space<hbm>> -> memref<2x2x128xi32, #tpu.memory_space<hbm>>
          tpu.wait_dma2 semaphore(%run_scoped3A_122 : memref<!tpu.dma_semaphore, #tpu.memory_space<semaphore_mem>>) src(%dma_wait3A_134 : memref<2x2x128xi32, #tpu.memory_space<hbm>>) dst(%arg13 : memref<2x2x128xi32, #tpu.memory_space<vmem>>)
          tpu.yield
        }) : () -> ()
        %dma_start3A = arith.constant 0 : i32
        %dma_start3A_77 = arith.constant 0 : i32
        %dma_start3A_78 = arith.constant 0 : i32
        %dma_start3A_79 = arith.constant 0 : i32
        %dma_start3A_80 = tpu.memref_slice %arg14[%dma_start3A_78, %dma_start3A_79] : memref<256x128xf32, #tpu.memory_space<vmem>> -> memref<128x128xf32, #tpu.memory_space<vmem>>
        %dma_start3A_81 = arith.constant 0 : i32
        %dma_start3A_82 = tpu.memref_slice %arg13[%dma_start3A, %dma_start3A_77, %dma_start3A_81] : memref<2x2x128xi32, #tpu.memory_space<vmem>> -> memref<1x1x128xi32, #tpu.memory_space<vmem>>
        %dma_start3A_83 = tpu.memref_squeeze %dma_start3A_82 : memref<1x1x128xi32, #tpu.memory_space<vmem>> -> memref<128xi32, #tpu.memory_space<vmem>>
        %dma_start3A_84 = arith.constant 0 : i32
        %dma_start3A_85 = arith.constant 0 : i32
        %dma_start3A_86 = tpu.memref_slice %arg3[%dma_start3A_84, %dma_start3A_85] : memref<10240x128xf32, #tpu.memory_space<hbm>> -> memref<10240x128xf32, #tpu.memory_space<hbm>>
        tpu.enqueue_indirect_dma source(%dma_start3A_86 : memref<10240x128xf32, #tpu.memory_space<hbm>>) target(%dma_start3A_80 : memref<128x128xf32, #tpu.memory_space<vmem>>) offsets(%dma_start3A_83 : memref<128xi32, #tpu.memory_space<vmem>>) semaphore(%arg16 : memref<!tpu.dma_semaphore, #tpu.memory_space<semaphore_mem>>)
        %dma_start3A_87 = arith.constant 1 : i32
        %dma_start3A_88 = arith.constant 0 : i32
        %dma_start3A_89 = arith.constant 128 : i32
        %dma_start3A_90 = arith.constant 0 : i32
        %dma_start3A_91 = tpu.memref_slice %arg14[%dma_start3A_89, %dma_start3A_90] : memref<256x128xf32, #tpu.memory_space<vmem>> -> memref<128x128xf32, #tpu.memory_space<vmem>>
        %dma_start3A_92 = arith.constant 0 : i32
        %dma_start3A_93 = tpu.memref_slice %arg13[%dma_start3A_87, %dma_start3A_88, %dma_start3A_92] : memref<2x2x128xi32, #tpu.memory_space<vmem>> -> memref<1x1x128xi32, #tpu.memory_space<vmem>>
        %dma_start3A_94 = tpu.memref_squeeze %dma_start3A_93 : memref<1x1x128xi32, #tpu.memory_space<vmem>> -> memref<128xi32, #tpu.memory_space<vmem>>
        %dma_start3A_95 = arith.constant 0 : i32
        %dma_start3A_96 = arith.constant 0 : i32
        %dma_start3A_97 = tpu.memref_slice %arg3[%dma_start3A_95, %dma_start3A_96] : memref<10240x128xf32, #tpu.memory_space<hbm>> -> memref<10240x128xf32, #tpu.memory_space<hbm>>
        tpu.enqueue_indirect_dma source(%dma_start3A_97 : memref<10240x128xf32, #tpu.memory_space<hbm>>) target(%dma_start3A_91 : memref<128x128xf32, #tpu.memory_space<vmem>>) offsets(%dma_start3A_94 : memref<128xi32, #tpu.memory_space<vmem>>) semaphore(%arg16 : memref<!tpu.dma_semaphore, #tpu.memory_space<semaphore_mem>>)
        %dma_wait3A = arith.constant 0 : i32
        %dma_wait3A_98 = arith.constant 0 : i32
        %dma_wait3A_99 = arith.constant 0 : i32
        %dma_wait3A_100 = arith.constant 0 : i32
        %dma_wait3A_101 = tpu.memref_slice %arg14[%dma_wait3A_99, %dma_wait3A_100] : memref<256x128xf32, #tpu.memory_space<vmem>> -> memref<128x128xf32, #tpu.memory_space<vmem>>
        %dma_wait3A_102 = arith.constant 0 : i32
        %dma_wait3A_103 = tpu.memref_slice %arg13[%dma_wait3A, %dma_wait3A_98, %dma_wait3A_102] : memref<2x2x128xi32, #tpu.memory_space<vmem>> -> memref<1x1x128xi32, #tpu.memory_space<vmem>>
        %dma_wait3A_104 = tpu.memref_squeeze %dma_wait3A_103 : memref<1x1x128xi32, #tpu.memory_space<vmem>> -> memref<128xi32, #tpu.memory_space<vmem>>
        %dma_wait3A_105 = arith.constant 0 : i32
        %dma_wait3A_106 = arith.constant 0 : i32
        %dma_wait3A_107 = tpu.memref_slice %arg3[%dma_wait3A_105, %dma_wait3A_106] : memref<10240x128xf32, #tpu.memory_space<hbm>> -> memref<10240x128xf32, #tpu.memory_space<hbm>>
        tpu.wait_indirect_dma semaphore(%arg16 : memref<!tpu.dma_semaphore, #tpu.memory_space<semaphore_mem>>) src(%dma_wait3A_107 : memref<10240x128xf32, #tpu.memory_space<hbm>>) dst(%dma_wait3A_101 : memref<128x128xf32, #tpu.memory_space<vmem>>)
        %dma_wait3A_108 = arith.constant 1 : i32
        %dma_wait3A_109 = arith.constant 0 : i32
        %dma_wait3A_110 = arith.constant 128 : i32
        %dma_wait3A_111 = arith.constant 0 : i32
        %dma_wait3A_112 = tpu.memref_slice %arg14[%dma_wait3A_110, %dma_wait3A_111] : memref<256x128xf32, #tpu.memory_space<vmem>> -> memref<128x128xf32, #tpu.memory_space<vmem>>
        %dma_wait3A_113 = arith.constant 0 : i32
        %dma_wait3A_114 = tpu.memref_slice %arg13[%dma_wait3A_108, %dma_wait3A_109, %dma_wait3A_113] : memref<2x2x128xi32, #tpu.memory_space<vmem>> -> memref<1x1x128xi32, #tpu.memory_space<vmem>>
        %dma_wait3A_115 = tpu.memref_squeeze %dma_wait3A_114 : memref<1x1x128xi32, #tpu.memory_space<vmem>> -> memref<128xi32, #tpu.memory_space<vmem>>
        %dma_wait3A_116 = arith.constant 0 : i32
        %dma_wait3A_117 = arith.constant 0 : i32
        %dma_wait3A_118 = tpu.memref_slice %arg3[%dma_wait3A_116, %dma_wait3A_117] : memref<10240x128xf32, #tpu.memory_space<hbm>> -> memref<10240x128xf32, #tpu.memory_space<hbm>>
        tpu.wait_indirect_dma semaphore(%arg16 : memref<!tpu.dma_semaphore, #tpu.memory_space<semaphore_mem>>) src(%dma_wait3A_118 : memref<10240x128xf32, #tpu.memory_space<hbm>>) dst(%dma_wait3A_112 : memref<128x128xf32, #tpu.memory_space<vmem>>)
        %run_scoped3A = arith.constant 0 : i32
        %run_scoped3A_119 = arith.constant 1 : i32
        "tpu.region"() ({
          %run_scoped3A_122 = tpu.sem_alloc : memref<!tpu.dma_semaphore, #tpu.memory_space<semaphore_mem>>
          %dma_start3A_123 = arith.constant 0 : i32
          %dma_start3A_124 = arith.constant 0 : i32
          %dma_start3A_125 = tpu.memref_slice %arg14[%dma_start3A_123, %dma_start3A_124] : memref<256x128xf32, #tpu.memory_space<vmem>> -> memref<128x128xf32, #tpu.memory_space<vmem>>
          %dma_start3A_126 = arith.constant 0 : i32
          %dma_start3A_127 = tpu.memref_slice %arg13[%run_scoped3A, %run_scoped3A_119, %dma_start3A_126] : memref<2x2x128xi32, #tpu.memory_space<vmem>> -> memref<1x1x128xi32, #tpu.memory_space<vmem>>
          %dma_start3A_128 = tpu.memref_squeeze %dma_start3A_127 : memref<1x1x128xi32, #tpu.memory_space<vmem>> -> memref<128xi32, #tpu.memory_space<vmem>>
          %dma_start3A_129 = arith.constant 0 : i32
          %dma_start3A_130 = arith.constant 0 : i32
          %dma_start3A_131 = tpu.memref_slice %arg15[%dma_start3A_129, %dma_start3A_130] : memref<10240x128xf32, #tpu.memory_space<vmem_shared>> -> memref<10240x128xf32, #tpu.memory_space<vmem_shared>>
          tpu.enqueue_indirect_dma source(%dma_start3A_125 : memref<128x128xf32, #tpu.memory_space<vmem>>) target(%dma_start3A_131 : memref<10240x128xf32, #tpu.memory_space<vmem_shared>>) offsets(%dma_start3A_128 : memref<128xi32, #tpu.memory_space<vmem>>) semaphore(%run_scoped3A_122 : memref<!tpu.dma_semaphore, #tpu.memory_space<semaphore_mem>>) {add = true}
          %dma_wait3A_132 = arith.constant 0 : i32
          %dma_wait3A_133 = arith.constant 0 : i32
          %dma_wait3A_134 = tpu.memref_slice %arg14[%dma_wait3A_132, %dma_wait3A_133] : memref<256x128xf32, #tpu.memory_space<vmem>> -> memref<128x128xf32, #tpu.memory_space<vmem>>
          %dma_wait3A_135 = arith.constant 0 : i32
          %dma_wait3A_136 = tpu.memref_slice %arg13[%run_scoped3A, %run_scoped3A_119, %dma_wait3A_135] : memref<2x2x128xi32, #tpu.memory_space<vmem>> -> memref<1x1x128xi32, #tpu.memory_space<vmem>>
          %dma_wait3A_137 = tpu.memref_squeeze %dma_wait3A_136 : memref<1x1x128xi32, #tpu.memory_space<vmem>> -> memref<128xi32, #tpu.memory_space<vmem>>
          %dma_wait3A_138 = arith.constant 0 : i32
          %dma_wait3A_139 = arith.constant 0 : i32
          %dma_wait3A_140 = tpu.memref_slice %arg15[%dma_wait3A_138, %dma_wait3A_139] : memref<10240x128xf32, #tpu.memory_space<vmem_shared>> -> memref<10240x128xf32, #tpu.memory_space<vmem_shared>>
          tpu.wait_indirect_dma semaphore(%run_scoped3A_122 : memref<!tpu.dma_semaphore, #tpu.memory_space<semaphore_mem>>) src(%dma_wait3A_134 : memref<128x128xf32, #tpu.memory_space<vmem>>) dst(%dma_wait3A_140 : memref<10240x128xf32, #tpu.memory_space<vmem_shared>>)
          tpu.yield
        }) : () -> ()
        %run_scoped3A_120 = arith.constant 1 : i32
        %run_scoped3A_121 = arith.constant 1 : i32
        "tpu.region"() ({
          %run_scoped3A_122 = tpu.sem_alloc : memref<!tpu.dma_semaphore, #tpu.memory_space<semaphore_mem>>
          %dma_start3A_123 = arith.constant 128 : i32
          %dma_start3A_124 = arith.constant 0 : i32
          %dma_start3A_125 = tpu.memref_slice %arg14[%dma_start3A_123, %dma_start3A_124] : memref<256x128xf32, #tpu.memory_space<vmem>> -> memref<128x128xf32, #tpu.memory_space<vmem>>
          %dma_start3A_126 = arith.constant 0 : i32
          %dma_start3A_127 = tpu.memref_slice %arg13[%run_scoped3A_120, %run_scoped3A_121, %dma_start3A_126] : memref<2x2x128xi32, #tpu.memory_space<vmem>> -> memref<1x1x128xi32, #tpu.memory_space<vmem>>
          %dma_start3A_128 = tpu.memref_squeeze %dma_start3A_127 : memref<1x1x128xi32, #tpu.memory_space<vmem>> -> memref<128xi32, #tpu.memory_space<vmem>>
          %dma_start3A_129 = arith.constant 0 : i32
          %dma_start3A_130 = arith.constant 0 : i32
          %dma_start3A_131 = tpu.memref_slice %arg15[%dma_start3A_129, %dma_start3A_130] : memref<10240x128xf32, #tpu.memory_space<vmem_shared>> -> memref<10240x128xf32, #tpu.memory_space<vmem_shared>>
          tpu.enqueue_indirect_dma source(%dma_start3A_125 : memref<128x128xf32, #tpu.memory_space<vmem>>) target(%dma_start3A_131 : memref<10240x128xf32, #tpu.memory_space<vmem_shared>>) offsets(%dma_start3A_128 : memref<128xi32, #tpu.memory_space<vmem>>) semaphore(%run_scoped3A_122 : memref<!tpu.dma_semaphore, #tpu.memory_space<semaphore_mem>>) {add = true}
          %dma_wait3A_132 = arith.constant 128 : i32
          %dma_wait3A_133 = arith.constant 0 : i32
          %dma_wait3A_134 = tpu.memref_slice %arg14[%dma_wait3A_132, %dma_wait3A_133] : memref<256x128xf32, #tpu.memory_space<vmem>> -> memref<128x128xf32, #tpu.memory_space<vmem>>
          %dma_wait3A_135 = arith.constant 0 : i32
          %dma_wait3A_136 = tpu.memref_slice %arg13[%run_scoped3A_120, %run_scoped3A_121, %dma_wait3A_135] : memref<2x2x128xi32, #tpu.memory_space<vmem>> -> memref<1x1x128xi32, #tpu.memory_space<vmem>>
          %dma_wait3A_137 = tpu.memref_squeeze %dma_wait3A_136 : memref<1x1x128xi32, #tpu.memory_space<vmem>> -> memref<128xi32, #tpu.memory_space<vmem>>
          %dma_wait3A_138 = arith.constant 0 : i32
          %dma_wait3A_139 = arith.constant 0 : i32
          %dma_wait3A_140 = tpu.memref_slice %arg15[%dma_wait3A_138, %dma_wait3A_139] : memref<10240x128xf32, #tpu.memory_space<vmem_shared>> -> memref<10240x128xf32, #tpu.memory_space<vmem_shared>>
          tpu.wait_indirect_dma semaphore(%run_scoped3A_122 : memref<!tpu.dma_semaphore, #tpu.memory_space<semaphore_mem>>) src(%dma_wait3A_134 : memref<128x128xf32, #tpu.memory_space<vmem>>) dst(%dma_wait3A_140 : memref<10240x128xf32, #tpu.memory_space<vmem_shared>>)
          tpu.yield
        }) : () -> ()
      }
    } else {
    }
    %barrier3A_8 = arith.constant 0 : index
    tpu.barrier barrier_id(%barrier3A_8)
    %eq3A_9 = arith.constant 0 : i32
    %eq3A_10 = arith.cmpi eq, %arg0, %eq3A_9 : i32
    %convert_element_type3A_11 = arith.extui %eq3A_10 : i1 to i32
    %cond3A_12 = arith.constant 0 : i32
    %cond3A_13 = arith.cmpi ne, %convert_element_type3A_11, %cond3A_12 : i32
    scf.if %cond3A_13 {
      "tpu.region"() ({
        %run_scoped3A = tpu.sem_alloc : memref<!tpu.dma_semaphore, #tpu.memory_space<semaphore_mem>>
        %dma_start3A = arith.constant 0 : i32
        %dma_start3A_41 = tpu.memref_slice %arg9[%mul3A_0, %dma_start3A] : memref<10240x128xf32, #tpu.memory_space<hbm>> -> memref<640x128xf32, #tpu.memory_space<hbm>>
        %dma_start3A_42 = arith.constant 0 : i32
        %dma_start3A_43 = tpu.memref_slice %arg15[%mul3A_0, %dma_start3A_42] : memref<10240x128xf32, #tpu.memory_space<vmem_shared>> -> memref<640x128xf32, #tpu.memory_space<vmem_shared>>
        tpu.enqueue_dma source(%dma_start3A_43 : memref<640x128xf32, #tpu.memory_space<vmem_shared>>) target(%dma_start3A_41 : memref<640x128xf32, #tpu.memory_space<hbm>>) target_semaphore(%run_scoped3A : memref<!tpu.dma_semaphore, #tpu.memory_space<semaphore_mem>>)
        %dma_wait3A = arith.constant 0 : i32
        %dma_wait3A_44 = tpu.memref_slice %arg9[%mul3A_0, %dma_wait3A] : memref<10240x128xf32, #tpu.memory_space<hbm>> -> memref<640x128xf32, #tpu.memory_space<hbm>>
        %dma_wait3A_45 = arith.constant 0 : i32
        %dma_wait3A_46 = tpu.memref_slice %arg15[%mul3A_0, %dma_wait3A_45] : memref<10240x128xf32, #tpu.memory_space<vmem_shared>> -> memref<640x128xf32, #tpu.memory_space<vmem_shared>>
        tpu.wait_dma2 semaphore(%run_scoped3A : memref<!tpu.dma_semaphore, #tpu.memory_space<semaphore_mem>>) src(%dma_wait3A_46 : memref<640x128xf32, #tpu.memory_space<vmem_shared>>) dst(%dma_wait3A_44 : memref<640x128xf32, #tpu.memory_space<hbm>>)
        tpu.yield
      }) : () -> ()
    } else {
    }
    %eq3A_14 = arith.constant 1 : i32
    %eq3A_15 = arith.cmpi eq, %arg0, %eq3A_14 : i32
    %convert_element_type3A_16 = arith.extui %eq3A_15 : i1 to i32
    %cond3A_17 = arith.constant 0 : i32
    %cond3A_18 = arith.cmpi ne, %convert_element_type3A_16, %cond3A_17 : i32
    scf.if %cond3A_18 {
      "tpu.region"() ({
        %run_scoped3A = tpu.sem_alloc : memref<!tpu.dma_semaphore, #tpu.memory_space<semaphore_mem>>
        %dma_start3A = arith.constant 0 : i32
        %dma_start3A_41 = tpu.memref_slice %arg10[%mul3A_0, %dma_start3A] : memref<10240x128xf32, #tpu.memory_space<hbm>> -> memref<640x128xf32, #tpu.memory_space<hbm>>
        %dma_start3A_42 = arith.constant 0 : i32
        %dma_start3A_43 = tpu.memref_slice %arg15[%mul3A_0, %dma_start3A_42] : memref<10240x128xf32, #tpu.memory_space<vmem_shared>> -> memref<640x128xf32, #tpu.memory_space<vmem_shared>>
        tpu.enqueue_dma source(%dma_start3A_43 : memref<640x128xf32, #tpu.memory_space<vmem_shared>>) target(%dma_start3A_41 : memref<640x128xf32, #tpu.memory_space<hbm>>) target_semaphore(%run_scoped3A : memref<!tpu.dma_semaphore, #tpu.memory_space<semaphore_mem>>)
        %dma_wait3A = arith.constant 0 : i32
        %dma_wait3A_44 = tpu.memref_slice %arg10[%mul3A_0, %dma_wait3A] : memref<10240x128xf32, #tpu.memory_space<hbm>> -> memref<640x128xf32, #tpu.memory_space<hbm>>
        %dma_wait3A_45 = arith.constant 0 : i32
        %dma_wait3A_46 = tpu.memref_slice %arg15[%mul3A_0, %dma_wait3A_45] : memref<10240x128xf32, #tpu.memory_space<vmem_shared>> -> memref<640x128xf32, #tpu.memory_space<vmem_shared>>
        tpu.wait_dma2 semaphore(%run_scoped3A : memref<!tpu.dma_semaphore, #tpu.memory_space<semaphore_mem>>) src(%dma_wait3A_46 : memref<640x128xf32, #tpu.memory_space<vmem_shared>>) dst(%dma_wait3A_44 : memref<640x128xf32, #tpu.memory_space<hbm>>)
        tpu.yield
      }) : () -> ()
    } else {
    }
    "tpu.region"() ({
      %run_scoped3A = tpu.sem_alloc : memref<!tpu.dma_semaphore, #tpu.memory_space<semaphore_mem>>
      %dma_start3A = arith.constant 0 : i32
      %dma_start3A_41 = tpu.memref_slice %arg15[%mul3A_0, %dma_start3A] : memref<10240x128xf32, #tpu.memory_space<vmem_shared>> -> memref<640x128xf32, #tpu.memory_space<vmem_shared>>
      tpu.enqueue_dma source(%arg8 : memref<640x128xf32, #tpu.memory_space<hbm>>) target(%dma_start3A_41 : memref<640x128xf32, #tpu.memory_space<vmem_shared>>) target_semaphore(%run_scoped3A : memref<!tpu.dma_semaphore, #tpu.memory_space<semaphore_mem>>)
      %dma_wait3A = arith.constant 0 : i32
      %dma_wait3A_42 = tpu.memref_slice %arg15[%mul3A_0, %dma_wait3A] : memref<10240x128xf32, #tpu.memory_space<vmem_shared>> -> memref<640x128xf32, #tpu.memory_space<vmem_shared>>
      tpu.wait_dma2 semaphore(%run_scoped3A : memref<!tpu.dma_semaphore, #tpu.memory_space<semaphore_mem>>) src(%arg8 : memref<640x128xf32, #tpu.memory_space<hbm>>) dst(%dma_wait3A_42 : memref<640x128xf32, #tpu.memory_space<vmem_shared>>)
      tpu.yield
    }) : () -> ()
    %barrier3A_19 = arith.constant 0 : index
    tpu.barrier barrier_id(%barrier3A_19)
    %eq3A_20 = arith.constant 0 : i32
    %eq3A_21 = arith.cmpi eq, %arg0, %eq3A_20 : i32
    %convert_element_type3A_22 = arith.extui %eq3A_21 : i1 to i32
    %cond3A_23 = arith.constant 0 : i32
    %cond3A_24 = arith.cmpi ne, %convert_element_type3A_22, %cond3A_23 : i32
    scf.if %cond3A_24 {
      %sub3A = arith.constant 1250 : i32
      %sub3A_41 = arith.subi %sub3A, %arg1 : i32
      %add3A = arith.constant 16 : i32
      %add3A_42 = arith.addi %sub3A_41, %add3A : i32
      %sub3A_43 = arith.constant 1 : i32
      %sub3A_44 = arith.subi %add3A_42, %sub3A_43 : i32
      %jit3A = arith.constant 16 : i32
      %div3A = arith.divsi %sub3A_44, %jit3A : i32
      %sign3A = arith.constant 0 : i32
      %sign3A_45 = arith.cmpi sgt, %sub3A_44, %sign3A : i32
      %sign3A_46 = arith.extui %sign3A_45 : i1 to i32
      %sign3A_47 = arith.constant 0 : i32
      %sign3A_48 = arith.cmpi slt, %sub3A_44, %sign3A_47 : i32
      %sign3A_49 = arith.extui %sign3A_48 : i1 to i32
      %sign3A_50 = arith.subi %sign3A_46, %sign3A_49 : i32
      %sign3A_51 = arith.constant 0 : i32
      %sign3A_52 = arith.cmpi sgt, %jit3A, %sign3A_51 : i32
      %sign3A_53 = arith.extui %sign3A_52 : i1 to i32
      %sign3A_54 = arith.constant 0 : i32
      %sign3A_55 = arith.cmpi slt, %jit3A, %sign3A_54 : i32
      %sign3A_56 = arith.extui %sign3A_55 : i1 to i32
      %sign3A_57 = arith.subi %sign3A_53, %sign3A_56 : i32
      %ne3A = arith.cmpi ne, %sign3A_50, %sign3A_57 : i32
      %rem3A = arith.remsi %sub3A_44, %jit3A : i32
      %ne3A_58 = arith.constant 0 : i32
      %ne3A_59 = arith.cmpi ne, %rem3A, %ne3A_58 : i32
      %and3A = arith.andi %ne3A, %ne3A_59 : i1
      %sub3A_60 = arith.constant 1 : i32
      %sub3A_61 = arith.subi %div3A, %sub3A_60 : i32
      %select_n3A = arith.select %and3A, %sub3A_61, %div3A : i32
      %while3A = arith.constant 0 : i32
      %while3A_62 = arith.constant 0 : i32
      %while3A_63 = arith.subi %select_n3A, %while3A_62 : i32
      %while3A_64 = arith.addi %while3A_62, %while3A_63 : i32
      %while3A_65 = arith.constant 1 : i32
      %while3A_66 = arith.divsi %while3A_63, %while3A_65 : i32
      %while3A_67 = arith.muli %while3A_66, %while3A_65 : i32
      %while3A_68 = arith.addi %while3A_62, %while3A_67 : i32
      %while3A_69 = arith.constant 1 : i32
      scf.for %while3A_71 = %while3A_62 to %while3A_68 step %while3A_69  : i32 {
        %mul3A_72 = arith.constant 16 : i32
        %mul3A_73 = arith.muli %while3A_71, %mul3A_72 : i32
        %add3A_74 = arith.addi %mul3A_73, %arg1 : i32
        %mul3A_75 = arith.constant 2 : i32
        %mul3A_76 = arith.muli %add3A_74, %mul3A_75 : i32
        "tpu.region"() ({
          %run_scoped3A_122 = tpu.sem_alloc : memref<!tpu.dma_semaphore, #tpu.memory_space<semaphore_mem>>
          %dma_start3A_123 = arith.constant 0 : i32
          %dma_start3A_124 = arith.constant 0 : i32
          %dma_start3A_125 = tpu.memref_slice %arg7[%mul3A_76, %dma_start3A_123, %dma_start3A_124] : memref<2500x2x128xi32, #tpu.memory_space<hbm>> -> memref<2x2x128xi32, #tpu.memory_space<hbm>>
          %dma_start3A_126 = arith.constant 0 : i32
          %dma_start3A_127 = arith.constant 0 : i32
          %dma_start3A_128 = tpu.memref_slice %arg7[%mul3A_76, %dma_start3A_126, %dma_start3A_127] : memref<2500x2x128xi32, #tpu.memory_space<hbm>> -> memref<2x2x128xi32, #tpu.memory_space<hbm>>
          tpu.enqueue_dma source(%dma_start3A_128 : memref<2x2x128xi32, #tpu.memory_space<hbm>>) target(%arg13 : memref<2x2x128xi32, #tpu.memory_space<vmem>>) target_semaphore(%run_scoped3A_122 : memref<!tpu.dma_semaphore, #tpu.memory_space<semaphore_mem>>)
          %dma_wait3A_129 = arith.constant 0 : i32
          %dma_wait3A_130 = arith.constant 0 : i32
          %dma_wait3A_131 = tpu.memref_slice %arg7[%mul3A_76, %dma_wait3A_129, %dma_wait3A_130] : memref<2500x2x128xi32, #tpu.memory_space<hbm>> -> memref<2x2x128xi32, #tpu.memory_space<hbm>>
          %dma_wait3A_132 = arith.constant 0 : i32
          %dma_wait3A_133 = arith.constant 0 : i32
          %dma_wait3A_134 = tpu.memref_slice %arg7[%mul3A_76, %dma_wait3A_132, %dma_wait3A_133] : memref<2500x2x128xi32, #tpu.memory_space<hbm>> -> memref<2x2x128xi32, #tpu.memory_space<hbm>>
          tpu.wait_dma2 semaphore(%run_scoped3A_122 : memref<!tpu.dma_semaphore, #tpu.memory_space<semaphore_mem>>) src(%dma_wait3A_134 : memref<2x2x128xi32, #tpu.memory_space<hbm>>) dst(%arg13 : memref<2x2x128xi32, #tpu.memory_space<vmem>>)
          tpu.yield
        }) : () -> ()
        %dma_start3A = arith.constant 0 : i32
        %dma_start3A_77 = arith.constant 0 : i32
        %dma_start3A_78 = arith.constant 0 : i32
        %dma_start3A_79 = arith.constant 0 : i32
        %dma_start3A_80 = tpu.memref_slice %arg14[%dma_start3A_78, %dma_start3A_79] : memref<256x128xf32, #tpu.memory_space<vmem>> -> memref<128x128xf32, #tpu.memory_space<vmem>>
        %dma_start3A_81 = arith.constant 0 : i32
        %dma_start3A_82 = tpu.memref_slice %arg13[%dma_start3A, %dma_start3A_77, %dma_start3A_81] : memref<2x2x128xi32, #tpu.memory_space<vmem>> -> memref<1x1x128xi32, #tpu.memory_space<vmem>>
        %dma_start3A_83 = tpu.memref_squeeze %dma_start3A_82 : memref<1x1x128xi32, #tpu.memory_space<vmem>> -> memref<128xi32, #tpu.memory_space<vmem>>
        %dma_start3A_84 = arith.constant 0 : i32
        %dma_start3A_85 = arith.constant 0 : i32
        %dma_start3A_86 = tpu.memref_slice %arg4[%dma_start3A_84, %dma_start3A_85] : memref<10240x128xf32, #tpu.memory_space<hbm>> -> memref<10240x128xf32, #tpu.memory_space<hbm>>
        tpu.enqueue_indirect_dma source(%dma_start3A_86 : memref<10240x128xf32, #tpu.memory_space<hbm>>) target(%dma_start3A_80 : memref<128x128xf32, #tpu.memory_space<vmem>>) offsets(%dma_start3A_83 : memref<128xi32, #tpu.memory_space<vmem>>) semaphore(%arg16 : memref<!tpu.dma_semaphore, #tpu.memory_space<semaphore_mem>>)
        %dma_start3A_87 = arith.constant 1 : i32
        %dma_start3A_88 = arith.constant 0 : i32
        %dma_start3A_89 = arith.constant 128 : i32
        %dma_start3A_90 = arith.constant 0 : i32
        %dma_start3A_91 = tpu.memref_slice %arg14[%dma_start3A_89, %dma_start3A_90] : memref<256x128xf32, #tpu.memory_space<vmem>> -> memref<128x128xf32, #tpu.memory_space<vmem>>
        %dma_start3A_92 = arith.constant 0 : i32
        %dma_start3A_93 = tpu.memref_slice %arg13[%dma_start3A_87, %dma_start3A_88, %dma_start3A_92] : memref<2x2x128xi32, #tpu.memory_space<vmem>> -> memref<1x1x128xi32, #tpu.memory_space<vmem>>
        %dma_start3A_94 = tpu.memref_squeeze %dma_start3A_93 : memref<1x1x128xi32, #tpu.memory_space<vmem>> -> memref<128xi32, #tpu.memory_space<vmem>>
        %dma_start3A_95 = arith.constant 0 : i32
        %dma_start3A_96 = arith.constant 0 : i32
        %dma_start3A_97 = tpu.memref_slice %arg4[%dma_start3A_95, %dma_start3A_96] : memref<10240x128xf32, #tpu.memory_space<hbm>> -> memref<10240x128xf32, #tpu.memory_space<hbm>>
        tpu.enqueue_indirect_dma source(%dma_start3A_97 : memref<10240x128xf32, #tpu.memory_space<hbm>>) target(%dma_start3A_91 : memref<128x128xf32, #tpu.memory_space<vmem>>) offsets(%dma_start3A_94 : memref<128xi32, #tpu.memory_space<vmem>>) semaphore(%arg16 : memref<!tpu.dma_semaphore, #tpu.memory_space<semaphore_mem>>)
        %dma_wait3A = arith.constant 0 : i32
        %dma_wait3A_98 = arith.constant 0 : i32
        %dma_wait3A_99 = arith.constant 0 : i32
        %dma_wait3A_100 = arith.constant 0 : i32
        %dma_wait3A_101 = tpu.memref_slice %arg14[%dma_wait3A_99, %dma_wait3A_100] : memref<256x128xf32, #tpu.memory_space<vmem>> -> memref<128x128xf32, #tpu.memory_space<vmem>>
        %dma_wait3A_102 = arith.constant 0 : i32
        %dma_wait3A_103 = tpu.memref_slice %arg13[%dma_wait3A, %dma_wait3A_98, %dma_wait3A_102] : memref<2x2x128xi32, #tpu.memory_space<vmem>> -> memref<1x1x128xi32, #tpu.memory_space<vmem>>
        %dma_wait3A_104 = tpu.memref_squeeze %dma_wait3A_103 : memref<1x1x128xi32, #tpu.memory_space<vmem>> -> memref<128xi32, #tpu.memory_space<vmem>>
        %dma_wait3A_105 = arith.constant 0 : i32
        %dma_wait3A_106 = arith.constant 0 : i32
        %dma_wait3A_107 = tpu.memref_slice %arg4[%dma_wait3A_105, %dma_wait3A_106] : memref<10240x128xf32, #tpu.memory_space<hbm>> -> memref<10240x128xf32, #tpu.memory_space<hbm>>
        tpu.wait_indirect_dma semaphore(%arg16 : memref<!tpu.dma_semaphore, #tpu.memory_space<semaphore_mem>>) src(%dma_wait3A_107 : memref<10240x128xf32, #tpu.memory_space<hbm>>) dst(%dma_wait3A_101 : memref<128x128xf32, #tpu.memory_space<vmem>>)
        %dma_wait3A_108 = arith.constant 1 : i32
        %dma_wait3A_109 = arith.constant 0 : i32
        %dma_wait3A_110 = arith.constant 128 : i32
        %dma_wait3A_111 = arith.constant 0 : i32
        %dma_wait3A_112 = tpu.memref_slice %arg14[%dma_wait3A_110, %dma_wait3A_111] : memref<256x128xf32, #tpu.memory_space<vmem>> -> memref<128x128xf32, #tpu.memory_space<vmem>>
        %dma_wait3A_113 = arith.constant 0 : i32
        %dma_wait3A_114 = tpu.memref_slice %arg13[%dma_wait3A_108, %dma_wait3A_109, %dma_wait3A_113] : memref<2x2x128xi32, #tpu.memory_space<vmem>> -> memref<1x1x128xi32, #tpu.memory_space<vmem>>
        %dma_wait3A_115 = tpu.memref_squeeze %dma_wait3A_114 : memref<1x1x128xi32, #tpu.memory_space<vmem>> -> memref<128xi32, #tpu.memory_space<vmem>>
        %dma_wait3A_116 = arith.constant 0 : i32
        %dma_wait3A_117 = arith.constant 0 : i32
        %dma_wait3A_118 = tpu.memref_slice %arg4[%dma_wait3A_116, %dma_wait3A_117] : memref<10240x128xf32, #tpu.memory_space<hbm>> -> memref<10240x128xf32, #tpu.memory_space<hbm>>
        tpu.wait_indirect_dma semaphore(%arg16 : memref<!tpu.dma_semaphore, #tpu.memory_space<semaphore_mem>>) src(%dma_wait3A_118 : memref<10240x128xf32, #tpu.memory_space<hbm>>) dst(%dma_wait3A_112 : memref<128x128xf32, #tpu.memory_space<vmem>>)
        %run_scoped3A = arith.constant 0 : i32
        %run_scoped3A_119 = arith.constant 1 : i32
        "tpu.region"() ({
          %run_scoped3A_122 = tpu.sem_alloc : memref<!tpu.dma_semaphore, #tpu.memory_space<semaphore_mem>>
          %dma_start3A_123 = arith.constant 0 : i32
          %dma_start3A_124 = arith.constant 0 : i32
          %dma_start3A_125 = tpu.memref_slice %arg14[%dma_start3A_123, %dma_start3A_124] : memref<256x128xf32, #tpu.memory_space<vmem>> -> memref<128x128xf32, #tpu.memory_space<vmem>>
          %dma_start3A_126 = arith.constant 0 : i32
          %dma_start3A_127 = tpu.memref_slice %arg13[%run_scoped3A, %run_scoped3A_119, %dma_start3A_126] : memref<2x2x128xi32, #tpu.memory_space<vmem>> -> memref<1x1x128xi32, #tpu.memory_space<vmem>>
          %dma_start3A_128 = tpu.memref_squeeze %dma_start3A_127 : memref<1x1x128xi32, #tpu.memory_space<vmem>> -> memref<128xi32, #tpu.memory_space<vmem>>
          %dma_start3A_129 = arith.constant 0 : i32
          %dma_start3A_130 = arith.constant 0 : i32
          %dma_start3A_131 = tpu.memref_slice %arg15[%dma_start3A_129, %dma_start3A_130] : memref<10240x128xf32, #tpu.memory_space<vmem_shared>> -> memref<10240x128xf32, #tpu.memory_space<vmem_shared>>
          tpu.enqueue_indirect_dma source(%dma_start3A_125 : memref<128x128xf32, #tpu.memory_space<vmem>>) target(%dma_start3A_131 : memref<10240x128xf32, #tpu.memory_space<vmem_shared>>) offsets(%dma_start3A_128 : memref<128xi32, #tpu.memory_space<vmem>>) semaphore(%run_scoped3A_122 : memref<!tpu.dma_semaphore, #tpu.memory_space<semaphore_mem>>) {add = true}
          %dma_wait3A_132 = arith.constant 0 : i32
          %dma_wait3A_133 = arith.constant 0 : i32
          %dma_wait3A_134 = tpu.memref_slice %arg14[%dma_wait3A_132, %dma_wait3A_133] : memref<256x128xf32, #tpu.memory_space<vmem>> -> memref<128x128xf32, #tpu.memory_space<vmem>>
          %dma_wait3A_135 = arith.constant 0 : i32
          %dma_wait3A_136 = tpu.memref_slice %arg13[%run_scoped3A, %run_scoped3A_119, %dma_wait3A_135] : memref<2x2x128xi32, #tpu.memory_space<vmem>> -> memref<1x1x128xi32, #tpu.memory_space<vmem>>
          %dma_wait3A_137 = tpu.memref_squeeze %dma_wait3A_136 : memref<1x1x128xi32, #tpu.memory_space<vmem>> -> memref<128xi32, #tpu.memory_space<vmem>>
          %dma_wait3A_138 = arith.constant 0 : i32
          %dma_wait3A_139 = arith.constant 0 : i32
          %dma_wait3A_140 = tpu.memref_slice %arg15[%dma_wait3A_138, %dma_wait3A_139] : memref<10240x128xf32, #tpu.memory_space<vmem_shared>> -> memref<10240x128xf32, #tpu.memory_space<vmem_shared>>
          tpu.wait_indirect_dma semaphore(%run_scoped3A_122 : memref<!tpu.dma_semaphore, #tpu.memory_space<semaphore_mem>>) src(%dma_wait3A_134 : memref<128x128xf32, #tpu.memory_space<vmem>>) dst(%dma_wait3A_140 : memref<10240x128xf32, #tpu.memory_space<vmem_shared>>)
          tpu.yield
        }) : () -> ()
        %run_scoped3A_120 = arith.constant 1 : i32
        %run_scoped3A_121 = arith.constant 1 : i32
        "tpu.region"() ({
          %run_scoped3A_122 = tpu.sem_alloc : memref<!tpu.dma_semaphore, #tpu.memory_space<semaphore_mem>>
          %dma_start3A_123 = arith.constant 128 : i32
          %dma_start3A_124 = arith.constant 0 : i32
          %dma_start3A_125 = tpu.memref_slice %arg14[%dma_start3A_123, %dma_start3A_124] : memref<256x128xf32, #tpu.memory_space<vmem>> -> memref<128x128xf32, #tpu.memory_space<vmem>>
          %dma_start3A_126 = arith.constant 0 : i32
          %dma_start3A_127 = tpu.memref_slice %arg13[%run_scoped3A_120, %run_scoped3A_121, %dma_start3A_126] : memref<2x2x128xi32, #tpu.memory_space<vmem>> -> memref<1x1x128xi32, #tpu.memory_space<vmem>>
          %dma_start3A_128 = tpu.memref_squeeze %dma_start3A_127 : memref<1x1x128xi32, #tpu.memory_space<vmem>> -> memref<128xi32, #tpu.memory_space<vmem>>
          %dma_start3A_129 = arith.constant 0 : i32
          %dma_start3A_130 = arith.constant 0 : i32
          %dma_start3A_131 = tpu.memref_slice %arg15[%dma_start3A_129, %dma_start3A_130] : memref<10240x128xf32, #tpu.memory_space<vmem_shared>> -> memref<10240x128xf32, #tpu.memory_space<vmem_shared>>
          tpu.enqueue_indirect_dma source(%dma_start3A_125 : memref<128x128xf32, #tpu.memory_space<vmem>>) target(%dma_start3A_131 : memref<10240x128xf32, #tpu.memory_space<vmem_shared>>) offsets(%dma_start3A_128 : memref<128xi32, #tpu.memory_space<vmem>>) semaphore(%run_scoped3A_122 : memref<!tpu.dma_semaphore, #tpu.memory_space<semaphore_mem>>) {add = true}
          %dma_wait3A_132 = arith.constant 128 : i32
          %dma_wait3A_133 = arith.constant 0 : i32
          %dma_wait3A_134 = tpu.memref_slice %arg14[%dma_wait3A_132, %dma_wait3A_133] : memref<256x128xf32, #tpu.memory_space<vmem>> -> memref<128x128xf32, #tpu.memory_space<vmem>>
          %dma_wait3A_135 = arith.constant 0 : i32
          %dma_wait3A_136 = tpu.memref_slice %arg13[%run_scoped3A_120, %run_scoped3A_121, %dma_wait3A_135] : memref<2x2x128xi32, #tpu.memory_space<vmem>> -> memref<1x1x128xi32, #tpu.memory_space<vmem>>
          %dma_wait3A_137 = tpu.memref_squeeze %dma_wait3A_136 : memref<1x1x128xi32, #tpu.memory_space<vmem>> -> memref<128xi32, #tpu.memory_space<vmem>>
          %dma_wait3A_138 = arith.constant 0 : i32
          %dma_wait3A_139 = arith.constant 0 : i32
          %dma_wait3A_140 = tpu.memref_slice %arg15[%dma_wait3A_138, %dma_wait3A_139] : memref<10240x128xf32, #tpu.memory_space<vmem_shared>> -> memref<10240x128xf32, #tpu.memory_space<vmem_shared>>
          tpu.wait_indirect_dma semaphore(%run_scoped3A_122 : memref<!tpu.dma_semaphore, #tpu.memory_space<semaphore_mem>>) src(%dma_wait3A_134 : memref<128x128xf32, #tpu.memory_space<vmem>>) dst(%dma_wait3A_140 : memref<10240x128xf32, #tpu.memory_space<vmem_shared>>)
          tpu.yield
        }) : () -> ()
      }
      %while3A_70 = arith.constant 1 : i32
      scf.for %while3A_71 = %while3A_68 to %while3A_64 step %while3A_70  : i32 {
        %mul3A_72 = arith.constant 16 : i32
        %mul3A_73 = arith.muli %while3A_71, %mul3A_72 : i32
        %add3A_74 = arith.addi %mul3A_73, %arg1 : i32
        %mul3A_75 = arith.constant 2 : i32
        %mul3A_76 = arith.muli %add3A_74, %mul3A_75 : i32
        "tpu.region"() ({
          %run_scoped3A_122 = tpu.sem_alloc : memref<!tpu.dma_semaphore, #tpu.memory_space<semaphore_mem>>
          %dma_start3A_123 = arith.constant 0 : i32
          %dma_start3A_124 = arith.constant 0 : i32
          %dma_start3A_125 = tpu.memref_slice %arg7[%mul3A_76, %dma_start3A_123, %dma_start3A_124] : memref<2500x2x128xi32, #tpu.memory_space<hbm>> -> memref<2x2x128xi32, #tpu.memory_space<hbm>>
          %dma_start3A_126 = arith.constant 0 : i32
          %dma_start3A_127 = arith.constant 0 : i32
          %dma_start3A_128 = tpu.memref_slice %arg7[%mul3A_76, %dma_start3A_126, %dma_start3A_127] : memref<2500x2x128xi32, #tpu.memory_space<hbm>> -> memref<2x2x128xi32, #tpu.memory_space<hbm>>
          tpu.enqueue_dma source(%dma_start3A_128 : memref<2x2x128xi32, #tpu.memory_space<hbm>>) target(%arg13 : memref<2x2x128xi32, #tpu.memory_space<vmem>>) target_semaphore(%run_scoped3A_122 : memref<!tpu.dma_semaphore, #tpu.memory_space<semaphore_mem>>)
          %dma_wait3A_129 = arith.constant 0 : i32
          %dma_wait3A_130 = arith.constant 0 : i32
          %dma_wait3A_131 = tpu.memref_slice %arg7[%mul3A_76, %dma_wait3A_129, %dma_wait3A_130] : memref<2500x2x128xi32, #tpu.memory_space<hbm>> -> memref<2x2x128xi32, #tpu.memory_space<hbm>>
          %dma_wait3A_132 = arith.constant 0 : i32
          %dma_wait3A_133 = arith.constant 0 : i32
          %dma_wait3A_134 = tpu.memref_slice %arg7[%mul3A_76, %dma_wait3A_132, %dma_wait3A_133] : memref<2500x2x128xi32, #tpu.memory_space<hbm>> -> memref<2x2x128xi32, #tpu.memory_space<hbm>>
          tpu.wait_dma2 semaphore(%run_scoped3A_122 : memref<!tpu.dma_semaphore, #tpu.memory_space<semaphore_mem>>) src(%dma_wait3A_134 : memref<2x2x128xi32, #tpu.memory_space<hbm>>) dst(%arg13 : memref<2x2x128xi32, #tpu.memory_space<vmem>>)
          tpu.yield
        }) : () -> ()
        %dma_start3A = arith.constant 0 : i32
        %dma_start3A_77 = arith.constant 0 : i32
        %dma_start3A_78 = arith.constant 0 : i32
        %dma_start3A_79 = arith.constant 0 : i32
        %dma_start3A_80 = tpu.memref_slice %arg14[%dma_start3A_78, %dma_start3A_79] : memref<256x128xf32, #tpu.memory_space<vmem>> -> memref<128x128xf32, #tpu.memory_space<vmem>>
        %dma_start3A_81 = arith.constant 0 : i32
        %dma_start3A_82 = tpu.memref_slice %arg13[%dma_start3A, %dma_start3A_77, %dma_start3A_81] : memref<2x2x128xi32, #tpu.memory_space<vmem>> -> memref<1x1x128xi32, #tpu.memory_space<vmem>>
        %dma_start3A_83 = tpu.memref_squeeze %dma_start3A_82 : memref<1x1x128xi32, #tpu.memory_space<vmem>> -> memref<128xi32, #tpu.memory_space<vmem>>
        %dma_start3A_84 = arith.constant 0 : i32
        %dma_start3A_85 = arith.constant 0 : i32
        %dma_start3A_86 = tpu.memref_slice %arg4[%dma_start3A_84, %dma_start3A_85] : memref<10240x128xf32, #tpu.memory_space<hbm>> -> memref<10240x128xf32, #tpu.memory_space<hbm>>
        tpu.enqueue_indirect_dma source(%dma_start3A_86 : memref<10240x128xf32, #tpu.memory_space<hbm>>) target(%dma_start3A_80 : memref<128x128xf32, #tpu.memory_space<vmem>>) offsets(%dma_start3A_83 : memref<128xi32, #tpu.memory_space<vmem>>) semaphore(%arg16 : memref<!tpu.dma_semaphore, #tpu.memory_space<semaphore_mem>>)
        %dma_start3A_87 = arith.constant 1 : i32
        %dma_start3A_88 = arith.constant 0 : i32
        %dma_start3A_89 = arith.constant 128 : i32
        %dma_start3A_90 = arith.constant 0 : i32
        %dma_start3A_91 = tpu.memref_slice %arg14[%dma_start3A_89, %dma_start3A_90] : memref<256x128xf32, #tpu.memory_space<vmem>> -> memref<128x128xf32, #tpu.memory_space<vmem>>
        %dma_start3A_92 = arith.constant 0 : i32
        %dma_start3A_93 = tpu.memref_slice %arg13[%dma_start3A_87, %dma_start3A_88, %dma_start3A_92] : memref<2x2x128xi32, #tpu.memory_space<vmem>> -> memref<1x1x128xi32, #tpu.memory_space<vmem>>
        %dma_start3A_94 = tpu.memref_squeeze %dma_start3A_93 : memref<1x1x128xi32, #tpu.memory_space<vmem>> -> memref<128xi32, #tpu.memory_space<vmem>>
        %dma_start3A_95 = arith.constant 0 : i32
        %dma_start3A_96 = arith.constant 0 : i32
        %dma_start3A_97 = tpu.memref_slice %arg4[%dma_start3A_95, %dma_start3A_96] : memref<10240x128xf32, #tpu.memory_space<hbm>> -> memref<10240x128xf32, #tpu.memory_space<hbm>>
        tpu.enqueue_indirect_dma source(%dma_start3A_97 : memref<10240x128xf32, #tpu.memory_space<hbm>>) target(%dma_start3A_91 : memref<128x128xf32, #tpu.memory_space<vmem>>) offsets(%dma_start3A_94 : memref<128xi32, #tpu.memory_space<vmem>>) semaphore(%arg16 : memref<!tpu.dma_semaphore, #tpu.memory_space<semaphore_mem>>)
        %dma_wait3A = arith.constant 0 : i32
        %dma_wait3A_98 = arith.constant 0 : i32
        %dma_wait3A_99 = arith.constant 0 : i32
        %dma_wait3A_100 = arith.constant 0 : i32
        %dma_wait3A_101 = tpu.memref_slice %arg14[%dma_wait3A_99, %dma_wait3A_100] : memref<256x128xf32, #tpu.memory_space<vmem>> -> memref<128x128xf32, #tpu.memory_space<vmem>>
        %dma_wait3A_102 = arith.constant 0 : i32
        %dma_wait3A_103 = tpu.memref_slice %arg13[%dma_wait3A, %dma_wait3A_98, %dma_wait3A_102] : memref<2x2x128xi32, #tpu.memory_space<vmem>> -> memref<1x1x128xi32, #tpu.memory_space<vmem>>
        %dma_wait3A_104 = tpu.memref_squeeze %dma_wait3A_103 : memref<1x1x128xi32, #tpu.memory_space<vmem>> -> memref<128xi32, #tpu.memory_space<vmem>>
        %dma_wait3A_105 = arith.constant 0 : i32
        %dma_wait3A_106 = arith.constant 0 : i32
        %dma_wait3A_107 = tpu.memref_slice %arg4[%dma_wait3A_105, %dma_wait3A_106] : memref<10240x128xf32, #tpu.memory_space<hbm>> -> memref<10240x128xf32, #tpu.memory_space<hbm>>
        tpu.wait_indirect_dma semaphore(%arg16 : memref<!tpu.dma_semaphore, #tpu.memory_space<semaphore_mem>>) src(%dma_wait3A_107 : memref<10240x128xf32, #tpu.memory_space<hbm>>) dst(%dma_wait3A_101 : memref<128x128xf32, #tpu.memory_space<vmem>>)
        %dma_wait3A_108 = arith.constant 1 : i32
        %dma_wait3A_109 = arith.constant 0 : i32
        %dma_wait3A_110 = arith.constant 128 : i32
        %dma_wait3A_111 = arith.constant 0 : i32
        %dma_wait3A_112 = tpu.memref_slice %arg14[%dma_wait3A_110, %dma_wait3A_111] : memref<256x128xf32, #tpu.memory_space<vmem>> -> memref<128x128xf32, #tpu.memory_space<vmem>>
        %dma_wait3A_113 = arith.constant 0 : i32
        %dma_wait3A_114 = tpu.memref_slice %arg13[%dma_wait3A_108, %dma_wait3A_109, %dma_wait3A_113] : memref<2x2x128xi32, #tpu.memory_space<vmem>> -> memref<1x1x128xi32, #tpu.memory_space<vmem>>
        %dma_wait3A_115 = tpu.memref_squeeze %dma_wait3A_114 : memref<1x1x128xi32, #tpu.memory_space<vmem>> -> memref<128xi32, #tpu.memory_space<vmem>>
        %dma_wait3A_116 = arith.constant 0 : i32
        %dma_wait3A_117 = arith.constant 0 : i32
        %dma_wait3A_118 = tpu.memref_slice %arg4[%dma_wait3A_116, %dma_wait3A_117] : memref<10240x128xf32, #tpu.memory_space<hbm>> -> memref<10240x128xf32, #tpu.memory_space<hbm>>
        tpu.wait_indirect_dma semaphore(%arg16 : memref<!tpu.dma_semaphore, #tpu.memory_space<semaphore_mem>>) src(%dma_wait3A_118 : memref<10240x128xf32, #tpu.memory_space<hbm>>) dst(%dma_wait3A_112 : memref<128x128xf32, #tpu.memory_space<vmem>>)
        %run_scoped3A = arith.constant 0 : i32
        %run_scoped3A_119 = arith.constant 1 : i32
        "tpu.region"() ({
          %run_scoped3A_122 = tpu.sem_alloc : memref<!tpu.dma_semaphore, #tpu.memory_space<semaphore_mem>>
          %dma_start3A_123 = arith.constant 0 : i32
          %dma_start3A_124 = arith.constant 0 : i32
          %dma_start3A_125 = tpu.memref_slice %arg14[%dma_start3A_123, %dma_start3A_124] : memref<256x128xf32, #tpu.memory_space<vmem>> -> memref<128x128xf32, #tpu.memory_space<vmem>>
          %dma_start3A_126 = arith.constant 0 : i32
          %dma_start3A_127 = tpu.memref_slice %arg13[%run_scoped3A, %run_scoped3A_119, %dma_start3A_126] : memref<2x2x128xi32, #tpu.memory_space<vmem>> -> memref<1x1x128xi32, #tpu.memory_space<vmem>>
          %dma_start3A_128 = tpu.memref_squeeze %dma_start3A_127 : memref<1x1x128xi32, #tpu.memory_space<vmem>> -> memref<128xi32, #tpu.memory_space<vmem>>
          %dma_start3A_129 = arith.constant 0 : i32
          %dma_start3A_130 = arith.constant 0 : i32
          %dma_start3A_131 = tpu.memref_slice %arg15[%dma_start3A_129, %dma_start3A_130] : memref<10240x128xf32, #tpu.memory_space<vmem_shared>> -> memref<10240x128xf32, #tpu.memory_space<vmem_shared>>
          tpu.enqueue_indirect_dma source(%dma_start3A_125 : memref<128x128xf32, #tpu.memory_space<vmem>>) target(%dma_start3A_131 : memref<10240x128xf32, #tpu.memory_space<vmem_shared>>) offsets(%dma_start3A_128 : memref<128xi32, #tpu.memory_space<vmem>>) semaphore(%run_scoped3A_122 : memref<!tpu.dma_semaphore, #tpu.memory_space<semaphore_mem>>) {add = true}
          %dma_wait3A_132 = arith.constant 0 : i32
          %dma_wait3A_133 = arith.constant 0 : i32
          %dma_wait3A_134 = tpu.memref_slice %arg14[%dma_wait3A_132, %dma_wait3A_133] : memref<256x128xf32, #tpu.memory_space<vmem>> -> memref<128x128xf32, #tpu.memory_space<vmem>>
          %dma_wait3A_135 = arith.constant 0 : i32
          %dma_wait3A_136 = tpu.memref_slice %arg13[%run_scoped3A, %run_scoped3A_119, %dma_wait3A_135] : memref<2x2x128xi32, #tpu.memory_space<vmem>> -> memref<1x1x128xi32, #tpu.memory_space<vmem>>
          %dma_wait3A_137 = tpu.memref_squeeze %dma_wait3A_136 : memref<1x1x128xi32, #tpu.memory_space<vmem>> -> memref<128xi32, #tpu.memory_space<vmem>>
          %dma_wait3A_138 = arith.constant 0 : i32
          %dma_wait3A_139 = arith.constant 0 : i32
          %dma_wait3A_140 = tpu.memref_slice %arg15[%dma_wait3A_138, %dma_wait3A_139] : memref<10240x128xf32, #tpu.memory_space<vmem_shared>> -> memref<10240x128xf32, #tpu.memory_space<vmem_shared>>
          tpu.wait_indirect_dma semaphore(%run_scoped3A_122 : memref<!tpu.dma_semaphore, #tpu.memory_space<semaphore_mem>>) src(%dma_wait3A_134 : memref<128x128xf32, #tpu.memory_space<vmem>>) dst(%dma_wait3A_140 : memref<10240x128xf32, #tpu.memory_space<vmem_shared>>)
          tpu.yield
        }) : () -> ()
        %run_scoped3A_120 = arith.constant 1 : i32
        %run_scoped3A_121 = arith.constant 1 : i32
        "tpu.region"() ({
          %run_scoped3A_122 = tpu.sem_alloc : memref<!tpu.dma_semaphore, #tpu.memory_space<semaphore_mem>>
          %dma_start3A_123 = arith.constant 128 : i32
          %dma_start3A_124 = arith.constant 0 : i32
          %dma_start3A_125 = tpu.memref_slice %arg14[%dma_start3A_123, %dma_start3A_124] : memref<256x128xf32, #tpu.memory_space<vmem>> -> memref<128x128xf32, #tpu.memory_space<vmem>>
          %dma_start3A_126 = arith.constant 0 : i32
          %dma_start3A_127 = tpu.memref_slice %arg13[%run_scoped3A_120, %run_scoped3A_121, %dma_start3A_126] : memref<2x2x128xi32, #tpu.memory_space<vmem>> -> memref<1x1x128xi32, #tpu.memory_space<vmem>>
          %dma_start3A_128 = tpu.memref_squeeze %dma_start3A_127 : memref<1x1x128xi32, #tpu.memory_space<vmem>> -> memref<128xi32, #tpu.memory_space<vmem>>
          %dma_start3A_129 = arith.constant 0 : i32
          %dma_start3A_130 = arith.constant 0 : i32
          %dma_start3A_131 = tpu.memref_slice %arg15[%dma_start3A_129, %dma_start3A_130] : memref<10240x128xf32, #tpu.memory_space<vmem_shared>> -> memref<10240x128xf32, #tpu.memory_space<vmem_shared>>
          tpu.enqueue_indirect_dma source(%dma_start3A_125 : memref<128x128xf32, #tpu.memory_space<vmem>>) target(%dma_start3A_131 : memref<10240x128xf32, #tpu.memory_space<vmem_shared>>) offsets(%dma_start3A_128 : memref<128xi32, #tpu.memory_space<vmem>>) semaphore(%run_scoped3A_122 : memref<!tpu.dma_semaphore, #tpu.memory_space<semaphore_mem>>) {add = true}
          %dma_wait3A_132 = arith.constant 128 : i32
          %dma_wait3A_133 = arith.constant 0 : i32
          %dma_wait3A_134 = tpu.memref_slice %arg14[%dma_wait3A_132, %dma_wait3A_133] : memref<256x128xf32, #tpu.memory_space<vmem>> -> memref<128x128xf32, #tpu.memory_space<vmem>>
          %dma_wait3A_135 = arith.constant 0 : i32
          %dma_wait3A_136 = tpu.memref_slice %arg13[%run_scoped3A_120, %run_scoped3A_121, %dma_wait3A_135] : memref<2x2x128xi32, #tpu.memory_space<vmem>> -> memref<1x1x128xi32, #tpu.memory_space<vmem>>
          %dma_wait3A_137 = tpu.memref_squeeze %dma_wait3A_136 : memref<1x1x128xi32, #tpu.memory_space<vmem>> -> memref<128xi32, #tpu.memory_space<vmem>>
          %dma_wait3A_138 = arith.constant 0 : i32
          %dma_wait3A_139 = arith.constant 0 : i32
          %dma_wait3A_140 = tpu.memref_slice %arg15[%dma_wait3A_138, %dma_wait3A_139] : memref<10240x128xf32, #tpu.memory_space<vmem_shared>> -> memref<10240x128xf32, #tpu.memory_space<vmem_shared>>
          tpu.wait_indirect_dma semaphore(%run_scoped3A_122 : memref<!tpu.dma_semaphore, #tpu.memory_space<semaphore_mem>>) src(%dma_wait3A_134 : memref<128x128xf32, #tpu.memory_space<vmem>>) dst(%dma_wait3A_140 : memref<10240x128xf32, #tpu.memory_space<vmem_shared>>)
          tpu.yield
        }) : () -> ()
      }
    } else {
    }
    %eq3A_25 = arith.constant 1 : i32
    %eq3A_26 = arith.cmpi eq, %arg0, %eq3A_25 : i32
    %convert_element_type3A_27 = arith.extui %eq3A_26 : i1 to i32
    %cond3A_28 = arith.constant 0 : i32
    %cond3A_29 = arith.cmpi ne, %convert_element_type3A_27, %cond3A_28 : i32
    scf.if %cond3A_29 {
      %sub3A = arith.constant 1250 : i32
      %sub3A_41 = arith.subi %sub3A, %arg1 : i32
      %add3A = arith.constant 16 : i32
      %add3A_42 = arith.addi %sub3A_41, %add3A : i32
      %sub3A_43 = arith.constant 1 : i32
      %sub3A_44 = arith.subi %add3A_42, %sub3A_43 : i32
      %jit3A = arith.constant 16 : i32
      %div3A = arith.divsi %sub3A_44, %jit3A : i32
      %sign3A = arith.constant 0 : i32
      %sign3A_45 = arith.cmpi sgt, %sub3A_44, %sign3A : i32
      %sign3A_46 = arith.extui %sign3A_45 : i1 to i32
      %sign3A_47 = arith.constant 0 : i32
      %sign3A_48 = arith.cmpi slt, %sub3A_44, %sign3A_47 : i32
      %sign3A_49 = arith.extui %sign3A_48 : i1 to i32
      %sign3A_50 = arith.subi %sign3A_46, %sign3A_49 : i32
      %sign3A_51 = arith.constant 0 : i32
      %sign3A_52 = arith.cmpi sgt, %jit3A, %sign3A_51 : i32
      %sign3A_53 = arith.extui %sign3A_52 : i1 to i32
      %sign3A_54 = arith.constant 0 : i32
      %sign3A_55 = arith.cmpi slt, %jit3A, %sign3A_54 : i32
      %sign3A_56 = arith.extui %sign3A_55 : i1 to i32
      %sign3A_57 = arith.subi %sign3A_53, %sign3A_56 : i32
      %ne3A = arith.cmpi ne, %sign3A_50, %sign3A_57 : i32
      %rem3A = arith.remsi %sub3A_44, %jit3A : i32
      %ne3A_58 = arith.constant 0 : i32
      %ne3A_59 = arith.cmpi ne, %rem3A, %ne3A_58 : i32
      %and3A = arith.andi %ne3A, %ne3A_59 : i1
      %sub3A_60 = arith.constant 1 : i32
      %sub3A_61 = arith.subi %div3A, %sub3A_60 : i32
      %select_n3A = arith.select %and3A, %sub3A_61, %div3A : i32
      %while3A = arith.constant 0 : i32
      %while3A_62 = arith.constant 0 : i32
      %while3A_63 = arith.subi %select_n3A, %while3A_62 : i32
      %while3A_64 = arith.addi %while3A_62, %while3A_63 : i32
      %while3A_65 = arith.constant 1 : i32
      %while3A_66 = arith.divsi %while3A_63, %while3A_65 : i32
      %while3A_67 = arith.muli %while3A_66, %while3A_65 : i32
      %while3A_68 = arith.addi %while3A_62, %while3A_67 : i32
      %while3A_69 = arith.constant 1 : i32
      scf.for %while3A_71 = %while3A_62 to %while3A_68 step %while3A_69  : i32 {
        %mul3A_72 = arith.constant 16 : i32
        %mul3A_73 = arith.muli %while3A_71, %mul3A_72 : i32
        %add3A_74 = arith.addi %mul3A_73, %arg1 : i32
        %mul3A_75 = arith.constant 2 : i32
        %mul3A_76 = arith.muli %add3A_74, %mul3A_75 : i32
        "tpu.region"() ({
          %run_scoped3A_122 = tpu.sem_alloc : memref<!tpu.dma_semaphore, #tpu.memory_space<semaphore_mem>>
          %dma_start3A_123 = arith.constant 0 : i32
          %dma_start3A_124 = arith.constant 0 : i32
          %dma_start3A_125 = tpu.memref_slice %arg7[%mul3A_76, %dma_start3A_123, %dma_start3A_124] : memref<2500x2x128xi32, #tpu.memory_space<hbm>> -> memref<2x2x128xi32, #tpu.memory_space<hbm>>
          %dma_start3A_126 = arith.constant 0 : i32
          %dma_start3A_127 = arith.constant 0 : i32
          %dma_start3A_128 = tpu.memref_slice %arg7[%mul3A_76, %dma_start3A_126, %dma_start3A_127] : memref<2500x2x128xi32, #tpu.memory_space<hbm>> -> memref<2x2x128xi32, #tpu.memory_space<hbm>>
          tpu.enqueue_dma source(%dma_start3A_128 : memref<2x2x128xi32, #tpu.memory_space<hbm>>) target(%arg13 : memref<2x2x128xi32, #tpu.memory_space<vmem>>) target_semaphore(%run_scoped3A_122 : memref<!tpu.dma_semaphore, #tpu.memory_space<semaphore_mem>>)
          %dma_wait3A_129 = arith.constant 0 : i32
          %dma_wait3A_130 = arith.constant 0 : i32
          %dma_wait3A_131 = tpu.memref_slice %arg7[%mul3A_76, %dma_wait3A_129, %dma_wait3A_130] : memref<2500x2x128xi32, #tpu.memory_space<hbm>> -> memref<2x2x128xi32, #tpu.memory_space<hbm>>
          %dma_wait3A_132 = arith.constant 0 : i32
          %dma_wait3A_133 = arith.constant 0 : i32
          %dma_wait3A_134 = tpu.memref_slice %arg7[%mul3A_76, %dma_wait3A_132, %dma_wait3A_133] : memref<2500x2x128xi32, #tpu.memory_space<hbm>> -> memref<2x2x128xi32, #tpu.memory_space<hbm>>
          tpu.wait_dma2 semaphore(%run_scoped3A_122 : memref<!tpu.dma_semaphore, #tpu.memory_space<semaphore_mem>>) src(%dma_wait3A_134 : memref<2x2x128xi32, #tpu.memory_space<hbm>>) dst(%arg13 : memref<2x2x128xi32, #tpu.memory_space<vmem>>)
          tpu.yield
        }) : () -> ()
        %dma_start3A = arith.constant 0 : i32
        %dma_start3A_77 = arith.constant 0 : i32
        %dma_start3A_78 = arith.constant 0 : i32
        %dma_start3A_79 = arith.constant 0 : i32
        %dma_start3A_80 = tpu.memref_slice %arg14[%dma_start3A_78, %dma_start3A_79] : memref<256x128xf32, #tpu.memory_space<vmem>> -> memref<128x128xf32, #tpu.memory_space<vmem>>
        %dma_start3A_81 = arith.constant 0 : i32
        %dma_start3A_82 = tpu.memref_slice %arg13[%dma_start3A, %dma_start3A_77, %dma_start3A_81] : memref<2x2x128xi32, #tpu.memory_space<vmem>> -> memref<1x1x128xi32, #tpu.memory_space<vmem>>
        %dma_start3A_83 = tpu.memref_squeeze %dma_start3A_82 : memref<1x1x128xi32, #tpu.memory_space<vmem>> -> memref<128xi32, #tpu.memory_space<vmem>>
        %dma_start3A_84 = arith.constant 0 : i32
        %dma_start3A_85 = arith.constant 0 : i32
        %dma_start3A_86 = tpu.memref_slice %arg5[%dma_start3A_84, %dma_start3A_85] : memref<10240x128xf32, #tpu.memory_space<hbm>> -> memref<10240x128xf32, #tpu.memory_space<hbm>>
        tpu.enqueue_indirect_dma source(%dma_start3A_86 : memref<10240x128xf32, #tpu.memory_space<hbm>>) target(%dma_start3A_80 : memref<128x128xf32, #tpu.memory_space<vmem>>) offsets(%dma_start3A_83 : memref<128xi32, #tpu.memory_space<vmem>>) semaphore(%arg16 : memref<!tpu.dma_semaphore, #tpu.memory_space<semaphore_mem>>)
        %dma_start3A_87 = arith.constant 1 : i32
        %dma_start3A_88 = arith.constant 0 : i32
        %dma_start3A_89 = arith.constant 128 : i32
        %dma_start3A_90 = arith.constant 0 : i32
        %dma_start3A_91 = tpu.memref_slice %arg14[%dma_start3A_89, %dma_start3A_90] : memref<256x128xf32, #tpu.memory_space<vmem>> -> memref<128x128xf32, #tpu.memory_space<vmem>>
        %dma_start3A_92 = arith.constant 0 : i32
        %dma_start3A_93 = tpu.memref_slice %arg13[%dma_start3A_87, %dma_start3A_88, %dma_start3A_92] : memref<2x2x128xi32, #tpu.memory_space<vmem>> -> memref<1x1x128xi32, #tpu.memory_space<vmem>>
        %dma_start3A_94 = tpu.memref_squeeze %dma_start3A_93 : memref<1x1x128xi32, #tpu.memory_space<vmem>> -> memref<128xi32, #tpu.memory_space<vmem>>
        %dma_start3A_95 = arith.constant 0 : i32
        %dma_start3A_96 = arith.constant 0 : i32
        %dma_start3A_97 = tpu.memref_slice %arg5[%dma_start3A_95, %dma_start3A_96] : memref<10240x128xf32, #tpu.memory_space<hbm>> -> memref<10240x128xf32, #tpu.memory_space<hbm>>
        tpu.enqueue_indirect_dma source(%dma_start3A_97 : memref<10240x128xf32, #tpu.memory_space<hbm>>) target(%dma_start3A_91 : memref<128x128xf32, #tpu.memory_space<vmem>>) offsets(%dma_start3A_94 : memref<128xi32, #tpu.memory_space<vmem>>) semaphore(%arg16 : memref<!tpu.dma_semaphore, #tpu.memory_space<semaphore_mem>>)
        %dma_wait3A = arith.constant 0 : i32
        %dma_wait3A_98 = arith.constant 0 : i32
        %dma_wait3A_99 = arith.constant 0 : i32
        %dma_wait3A_100 = arith.constant 0 : i32
        %dma_wait3A_101 = tpu.memref_slice %arg14[%dma_wait3A_99, %dma_wait3A_100] : memref<256x128xf32, #tpu.memory_space<vmem>> -> memref<128x128xf32, #tpu.memory_space<vmem>>
        %dma_wait3A_102 = arith.constant 0 : i32
        %dma_wait3A_103 = tpu.memref_slice %arg13[%dma_wait3A, %dma_wait3A_98, %dma_wait3A_102] : memref<2x2x128xi32, #tpu.memory_space<vmem>> -> memref<1x1x128xi32, #tpu.memory_space<vmem>>
        %dma_wait3A_104 = tpu.memref_squeeze %dma_wait3A_103 : memref<1x1x128xi32, #tpu.memory_space<vmem>> -> memref<128xi32, #tpu.memory_space<vmem>>
        %dma_wait3A_105 = arith.constant 0 : i32
        %dma_wait3A_106 = arith.constant 0 : i32
        %dma_wait3A_107 = tpu.memref_slice %arg5[%dma_wait3A_105, %dma_wait3A_106] : memref<10240x128xf32, #tpu.memory_space<hbm>> -> memref<10240x128xf32, #tpu.memory_space<hbm>>
        tpu.wait_indirect_dma semaphore(%arg16 : memref<!tpu.dma_semaphore, #tpu.memory_space<semaphore_mem>>) src(%dma_wait3A_107 : memref<10240x128xf32, #tpu.memory_space<hbm>>) dst(%dma_wait3A_101 : memref<128x128xf32, #tpu.memory_space<vmem>>)
        %dma_wait3A_108 = arith.constant 1 : i32
        %dma_wait3A_109 = arith.constant 0 : i32
        %dma_wait3A_110 = arith.constant 128 : i32
        %dma_wait3A_111 = arith.constant 0 : i32
        %dma_wait3A_112 = tpu.memref_slice %arg14[%dma_wait3A_110, %dma_wait3A_111] : memref<256x128xf32, #tpu.memory_space<vmem>> -> memref<128x128xf32, #tpu.memory_space<vmem>>
        %dma_wait3A_113 = arith.constant 0 : i32
        %dma_wait3A_114 = tpu.memref_slice %arg13[%dma_wait3A_108, %dma_wait3A_109, %dma_wait3A_113] : memref<2x2x128xi32, #tpu.memory_space<vmem>> -> memref<1x1x128xi32, #tpu.memory_space<vmem>>
        %dma_wait3A_115 = tpu.memref_squeeze %dma_wait3A_114 : memref<1x1x128xi32, #tpu.memory_space<vmem>> -> memref<128xi32, #tpu.memory_space<vmem>>
        %dma_wait3A_116 = arith.constant 0 : i32
        %dma_wait3A_117 = arith.constant 0 : i32
        %dma_wait3A_118 = tpu.memref_slice %arg5[%dma_wait3A_116, %dma_wait3A_117] : memref<10240x128xf32, #tpu.memory_space<hbm>> -> memref<10240x128xf32, #tpu.memory_space<hbm>>
        tpu.wait_indirect_dma semaphore(%arg16 : memref<!tpu.dma_semaphore, #tpu.memory_space<semaphore_mem>>) src(%dma_wait3A_118 : memref<10240x128xf32, #tpu.memory_space<hbm>>) dst(%dma_wait3A_112 : memref<128x128xf32, #tpu.memory_space<vmem>>)
        %run_scoped3A = arith.constant 0 : i32
        %run_scoped3A_119 = arith.constant 1 : i32
        "tpu.region"() ({
          %run_scoped3A_122 = tpu.sem_alloc : memref<!tpu.dma_semaphore, #tpu.memory_space<semaphore_mem>>
          %dma_start3A_123 = arith.constant 0 : i32
          %dma_start3A_124 = arith.constant 0 : i32
          %dma_start3A_125 = tpu.memref_slice %arg14[%dma_start3A_123, %dma_start3A_124] : memref<256x128xf32, #tpu.memory_space<vmem>> -> memref<128x128xf32, #tpu.memory_space<vmem>>
          %dma_start3A_126 = arith.constant 0 : i32
          %dma_start3A_127 = tpu.memref_slice %arg13[%run_scoped3A, %run_scoped3A_119, %dma_start3A_126] : memref<2x2x128xi32, #tpu.memory_space<vmem>> -> memref<1x1x128xi32, #tpu.memory_space<vmem>>
          %dma_start3A_128 = tpu.memref_squeeze %dma_start3A_127 : memref<1x1x128xi32, #tpu.memory_space<vmem>> -> memref<128xi32, #tpu.memory_space<vmem>>
          %dma_start3A_129 = arith.constant 0 : i32
          %dma_start3A_130 = arith.constant 0 : i32
          %dma_start3A_131 = tpu.memref_slice %arg15[%dma_start3A_129, %dma_start3A_130] : memref<10240x128xf32, #tpu.memory_space<vmem_shared>> -> memref<10240x128xf32, #tpu.memory_space<vmem_shared>>
          tpu.enqueue_indirect_dma source(%dma_start3A_125 : memref<128x128xf32, #tpu.memory_space<vmem>>) target(%dma_start3A_131 : memref<10240x128xf32, #tpu.memory_space<vmem_shared>>) offsets(%dma_start3A_128 : memref<128xi32, #tpu.memory_space<vmem>>) semaphore(%run_scoped3A_122 : memref<!tpu.dma_semaphore, #tpu.memory_space<semaphore_mem>>) {add = true}
          %dma_wait3A_132 = arith.constant 0 : i32
          %dma_wait3A_133 = arith.constant 0 : i32
          %dma_wait3A_134 = tpu.memref_slice %arg14[%dma_wait3A_132, %dma_wait3A_133] : memref<256x128xf32, #tpu.memory_space<vmem>> -> memref<128x128xf32, #tpu.memory_space<vmem>>
          %dma_wait3A_135 = arith.constant 0 : i32
          %dma_wait3A_136 = tpu.memref_slice %arg13[%run_scoped3A, %run_scoped3A_119, %dma_wait3A_135] : memref<2x2x128xi32, #tpu.memory_space<vmem>> -> memref<1x1x128xi32, #tpu.memory_space<vmem>>
          %dma_wait3A_137 = tpu.memref_squeeze %dma_wait3A_136 : memref<1x1x128xi32, #tpu.memory_space<vmem>> -> memref<128xi32, #tpu.memory_space<vmem>>
          %dma_wait3A_138 = arith.constant 0 : i32
          %dma_wait3A_139 = arith.constant 0 : i32
          %dma_wait3A_140 = tpu.memref_slice %arg15[%dma_wait3A_138, %dma_wait3A_139] : memref<10240x128xf32, #tpu.memory_space<vmem_shared>> -> memref<10240x128xf32, #tpu.memory_space<vmem_shared>>
          tpu.wait_indirect_dma semaphore(%run_scoped3A_122 : memref<!tpu.dma_semaphore, #tpu.memory_space<semaphore_mem>>) src(%dma_wait3A_134 : memref<128x128xf32, #tpu.memory_space<vmem>>) dst(%dma_wait3A_140 : memref<10240x128xf32, #tpu.memory_space<vmem_shared>>)
          tpu.yield
        }) : () -> ()
        %run_scoped3A_120 = arith.constant 1 : i32
        %run_scoped3A_121 = arith.constant 1 : i32
        "tpu.region"() ({
          %run_scoped3A_122 = tpu.sem_alloc : memref<!tpu.dma_semaphore, #tpu.memory_space<semaphore_mem>>
          %dma_start3A_123 = arith.constant 128 : i32
          %dma_start3A_124 = arith.constant 0 : i32
          %dma_start3A_125 = tpu.memref_slice %arg14[%dma_start3A_123, %dma_start3A_124] : memref<256x128xf32, #tpu.memory_space<vmem>> -> memref<128x128xf32, #tpu.memory_space<vmem>>
          %dma_start3A_126 = arith.constant 0 : i32
          %dma_start3A_127 = tpu.memref_slice %arg13[%run_scoped3A_120, %run_scoped3A_121, %dma_start3A_126] : memref<2x2x128xi32, #tpu.memory_space<vmem>> -> memref<1x1x128xi32, #tpu.memory_space<vmem>>
          %dma_start3A_128 = tpu.memref_squeeze %dma_start3A_127 : memref<1x1x128xi32, #tpu.memory_space<vmem>> -> memref<128xi32, #tpu.memory_space<vmem>>
          %dma_start3A_129 = arith.constant 0 : i32
          %dma_start3A_130 = arith.constant 0 : i32
          %dma_start3A_131 = tpu.memref_slice %arg15[%dma_start3A_129, %dma_start3A_130] : memref<10240x128xf32, #tpu.memory_space<vmem_shared>> -> memref<10240x128xf32, #tpu.memory_space<vmem_shared>>
          tpu.enqueue_indirect_dma source(%dma_start3A_125 : memref<128x128xf32, #tpu.memory_space<vmem>>) target(%dma_start3A_131 : memref<10240x128xf32, #tpu.memory_space<vmem_shared>>) offsets(%dma_start3A_128 : memref<128xi32, #tpu.memory_space<vmem>>) semaphore(%run_scoped3A_122 : memref<!tpu.dma_semaphore, #tpu.memory_space<semaphore_mem>>) {add = true}
          %dma_wait3A_132 = arith.constant 128 : i32
          %dma_wait3A_133 = arith.constant 0 : i32
          %dma_wait3A_134 = tpu.memref_slice %arg14[%dma_wait3A_132, %dma_wait3A_133] : memref<256x128xf32, #tpu.memory_space<vmem>> -> memref<128x128xf32, #tpu.memory_space<vmem>>
          %dma_wait3A_135 = arith.constant 0 : i32
          %dma_wait3A_136 = tpu.memref_slice %arg13[%run_scoped3A_120, %run_scoped3A_121, %dma_wait3A_135] : memref<2x2x128xi32, #tpu.memory_space<vmem>> -> memref<1x1x128xi32, #tpu.memory_space<vmem>>
          %dma_wait3A_137 = tpu.memref_squeeze %dma_wait3A_136 : memref<1x1x128xi32, #tpu.memory_space<vmem>> -> memref<128xi32, #tpu.memory_space<vmem>>
          %dma_wait3A_138 = arith.constant 0 : i32
          %dma_wait3A_139 = arith.constant 0 : i32
          %dma_wait3A_140 = tpu.memref_slice %arg15[%dma_wait3A_138, %dma_wait3A_139] : memref<10240x128xf32, #tpu.memory_space<vmem_shared>> -> memref<10240x128xf32, #tpu.memory_space<vmem_shared>>
          tpu.wait_indirect_dma semaphore(%run_scoped3A_122 : memref<!tpu.dma_semaphore, #tpu.memory_space<semaphore_mem>>) src(%dma_wait3A_134 : memref<128x128xf32, #tpu.memory_space<vmem>>) dst(%dma_wait3A_140 : memref<10240x128xf32, #tpu.memory_space<vmem_shared>>)
          tpu.yield
        }) : () -> ()
      }
      %while3A_70 = arith.constant 1 : i32
      scf.for %while3A_71 = %while3A_68 to %while3A_64 step %while3A_70  : i32 {
        %mul3A_72 = arith.constant 16 : i32
        %mul3A_73 = arith.muli %while3A_71, %mul3A_72 : i32
        %add3A_74 = arith.addi %mul3A_73, %arg1 : i32
        %mul3A_75 = arith.constant 2 : i32
        %mul3A_76 = arith.muli %add3A_74, %mul3A_75 : i32
        "tpu.region"() ({
          %run_scoped3A_122 = tpu.sem_alloc : memref<!tpu.dma_semaphore, #tpu.memory_space<semaphore_mem>>
          %dma_start3A_123 = arith.constant 0 : i32
          %dma_start3A_124 = arith.constant 0 : i32
          %dma_start3A_125 = tpu.memref_slice %arg7[%mul3A_76, %dma_start3A_123, %dma_start3A_124] : memref<2500x2x128xi32, #tpu.memory_space<hbm>> -> memref<2x2x128xi32, #tpu.memory_space<hbm>>
          %dma_start3A_126 = arith.constant 0 : i32
          %dma_start3A_127 = arith.constant 0 : i32
          %dma_start3A_128 = tpu.memref_slice %arg7[%mul3A_76, %dma_start3A_126, %dma_start3A_127] : memref<2500x2x128xi32, #tpu.memory_space<hbm>> -> memref<2x2x128xi32, #tpu.memory_space<hbm>>
          tpu.enqueue_dma source(%dma_start3A_128 : memref<2x2x128xi32, #tpu.memory_space<hbm>>) target(%arg13 : memref<2x2x128xi32, #tpu.memory_space<vmem>>) target_semaphore(%run_scoped3A_122 : memref<!tpu.dma_semaphore, #tpu.memory_space<semaphore_mem>>)
          %dma_wait3A_129 = arith.constant 0 : i32
          %dma_wait3A_130 = arith.constant 0 : i32
          %dma_wait3A_131 = tpu.memref_slice %arg7[%mul3A_76, %dma_wait3A_129, %dma_wait3A_130] : memref<2500x2x128xi32, #tpu.memory_space<hbm>> -> memref<2x2x128xi32, #tpu.memory_space<hbm>>
          %dma_wait3A_132 = arith.constant 0 : i32
          %dma_wait3A_133 = arith.constant 0 : i32
          %dma_wait3A_134 = tpu.memref_slice %arg7[%mul3A_76, %dma_wait3A_132, %dma_wait3A_133] : memref<2500x2x128xi32, #tpu.memory_space<hbm>> -> memref<2x2x128xi32, #tpu.memory_space<hbm>>
          tpu.wait_dma2 semaphore(%run_scoped3A_122 : memref<!tpu.dma_semaphore, #tpu.memory_space<semaphore_mem>>) src(%dma_wait3A_134 : memref<2x2x128xi32, #tpu.memory_space<hbm>>) dst(%arg13 : memref<2x2x128xi32, #tpu.memory_space<vmem>>)
          tpu.yield
        }) : () -> ()
        %dma_start3A = arith.constant 0 : i32
        %dma_start3A_77 = arith.constant 0 : i32
        %dma_start3A_78 = arith.constant 0 : i32
        %dma_start3A_79 = arith.constant 0 : i32
        %dma_start3A_80 = tpu.memref_slice %arg14[%dma_start3A_78, %dma_start3A_79] : memref<256x128xf32, #tpu.memory_space<vmem>> -> memref<128x128xf32, #tpu.memory_space<vmem>>
        %dma_start3A_81 = arith.constant 0 : i32
        %dma_start3A_82 = tpu.memref_slice %arg13[%dma_start3A, %dma_start3A_77, %dma_start3A_81] : memref<2x2x128xi32, #tpu.memory_space<vmem>> -> memref<1x1x128xi32, #tpu.memory_space<vmem>>
        %dma_start3A_83 = tpu.memref_squeeze %dma_start3A_82 : memref<1x1x128xi32, #tpu.memory_space<vmem>> -> memref<128xi32, #tpu.memory_space<vmem>>
        %dma_start3A_84 = arith.constant 0 : i32
        %dma_start3A_85 = arith.constant 0 : i32
        %dma_start3A_86 = tpu.memref_slice %arg5[%dma_start3A_84, %dma_start3A_85] : memref<10240x128xf32, #tpu.memory_space<hbm>> -> memref<10240x128xf32, #tpu.memory_space<hbm>>
        tpu.enqueue_indirect_dma source(%dma_start3A_86 : memref<10240x128xf32, #tpu.memory_space<hbm>>) target(%dma_start3A_80 : memref<128x128xf32, #tpu.memory_space<vmem>>) offsets(%dma_start3A_83 : memref<128xi32, #tpu.memory_space<vmem>>) semaphore(%arg16 : memref<!tpu.dma_semaphore, #tpu.memory_space<semaphore_mem>>)
        %dma_start3A_87 = arith.constant 1 : i32
        %dma_start3A_88 = arith.constant 0 : i32
        %dma_start3A_89 = arith.constant 128 : i32
        %dma_start3A_90 = arith.constant 0 : i32
        %dma_start3A_91 = tpu.memref_slice %arg14[%dma_start3A_89, %dma_start3A_90] : memref<256x128xf32, #tpu.memory_space<vmem>> -> memref<128x128xf32, #tpu.memory_space<vmem>>
        %dma_start3A_92 = arith.constant 0 : i32
        %dma_start3A_93 = tpu.memref_slice %arg13[%dma_start3A_87, %dma_start3A_88, %dma_start3A_92] : memref<2x2x128xi32, #tpu.memory_space<vmem>> -> memref<1x1x128xi32, #tpu.memory_space<vmem>>
        %dma_start3A_94 = tpu.memref_squeeze %dma_start3A_93 : memref<1x1x128xi32, #tpu.memory_space<vmem>> -> memref<128xi32, #tpu.memory_space<vmem>>
        %dma_start3A_95 = arith.constant 0 : i32
        %dma_start3A_96 = arith.constant 0 : i32
        %dma_start3A_97 = tpu.memref_slice %arg5[%dma_start3A_95, %dma_start3A_96] : memref<10240x128xf32, #tpu.memory_space<hbm>> -> memref<10240x128xf32, #tpu.memory_space<hbm>>
        tpu.enqueue_indirect_dma source(%dma_start3A_97 : memref<10240x128xf32, #tpu.memory_space<hbm>>) target(%dma_start3A_91 : memref<128x128xf32, #tpu.memory_space<vmem>>) offsets(%dma_start3A_94 : memref<128xi32, #tpu.memory_space<vmem>>) semaphore(%arg16 : memref<!tpu.dma_semaphore, #tpu.memory_space<semaphore_mem>>)
        %dma_wait3A = arith.constant 0 : i32
        %dma_wait3A_98 = arith.constant 0 : i32
        %dma_wait3A_99 = arith.constant 0 : i32
        %dma_wait3A_100 = arith.constant 0 : i32
        %dma_wait3A_101 = tpu.memref_slice %arg14[%dma_wait3A_99, %dma_wait3A_100] : memref<256x128xf32, #tpu.memory_space<vmem>> -> memref<128x128xf32, #tpu.memory_space<vmem>>
        %dma_wait3A_102 = arith.constant 0 : i32
        %dma_wait3A_103 = tpu.memref_slice %arg13[%dma_wait3A, %dma_wait3A_98, %dma_wait3A_102] : memref<2x2x128xi32, #tpu.memory_space<vmem>> -> memref<1x1x128xi32, #tpu.memory_space<vmem>>
        %dma_wait3A_104 = tpu.memref_squeeze %dma_wait3A_103 : memref<1x1x128xi32, #tpu.memory_space<vmem>> -> memref<128xi32, #tpu.memory_space<vmem>>
        %dma_wait3A_105 = arith.constant 0 : i32
        %dma_wait3A_106 = arith.constant 0 : i32
        %dma_wait3A_107 = tpu.memref_slice %arg5[%dma_wait3A_105, %dma_wait3A_106] : memref<10240x128xf32, #tpu.memory_space<hbm>> -> memref<10240x128xf32, #tpu.memory_space<hbm>>
        tpu.wait_indirect_dma semaphore(%arg16 : memref<!tpu.dma_semaphore, #tpu.memory_space<semaphore_mem>>) src(%dma_wait3A_107 : memref<10240x128xf32, #tpu.memory_space<hbm>>) dst(%dma_wait3A_101 : memref<128x128xf32, #tpu.memory_space<vmem>>)
        %dma_wait3A_108 = arith.constant 1 : i32
        %dma_wait3A_109 = arith.constant 0 : i32
        %dma_wait3A_110 = arith.constant 128 : i32
        %dma_wait3A_111 = arith.constant 0 : i32
        %dma_wait3A_112 = tpu.memref_slice %arg14[%dma_wait3A_110, %dma_wait3A_111] : memref<256x128xf32, #tpu.memory_space<vmem>> -> memref<128x128xf32, #tpu.memory_space<vmem>>
        %dma_wait3A_113 = arith.constant 0 : i32
        %dma_wait3A_114 = tpu.memref_slice %arg13[%dma_wait3A_108, %dma_wait3A_109, %dma_wait3A_113] : memref<2x2x128xi32, #tpu.memory_space<vmem>> -> memref<1x1x128xi32, #tpu.memory_space<vmem>>
        %dma_wait3A_115 = tpu.memref_squeeze %dma_wait3A_114 : memref<1x1x128xi32, #tpu.memory_space<vmem>> -> memref<128xi32, #tpu.memory_space<vmem>>
        %dma_wait3A_116 = arith.constant 0 : i32
        %dma_wait3A_117 = arith.constant 0 : i32
        %dma_wait3A_118 = tpu.memref_slice %arg5[%dma_wait3A_116, %dma_wait3A_117] : memref<10240x128xf32, #tpu.memory_space<hbm>> -> memref<10240x128xf32, #tpu.memory_space<hbm>>
        tpu.wait_indirect_dma semaphore(%arg16 : memref<!tpu.dma_semaphore, #tpu.memory_space<semaphore_mem>>) src(%dma_wait3A_118 : memref<10240x128xf32, #tpu.memory_space<hbm>>) dst(%dma_wait3A_112 : memref<128x128xf32, #tpu.memory_space<vmem>>)
        %run_scoped3A = arith.constant 0 : i32
        %run_scoped3A_119 = arith.constant 1 : i32
        "tpu.region"() ({
          %run_scoped3A_122 = tpu.sem_alloc : memref<!tpu.dma_semaphore, #tpu.memory_space<semaphore_mem>>
          %dma_start3A_123 = arith.constant 0 : i32
          %dma_start3A_124 = arith.constant 0 : i32
          %dma_start3A_125 = tpu.memref_slice %arg14[%dma_start3A_123, %dma_start3A_124] : memref<256x128xf32, #tpu.memory_space<vmem>> -> memref<128x128xf32, #tpu.memory_space<vmem>>
          %dma_start3A_126 = arith.constant 0 : i32
          %dma_start3A_127 = tpu.memref_slice %arg13[%run_scoped3A, %run_scoped3A_119, %dma_start3A_126] : memref<2x2x128xi32, #tpu.memory_space<vmem>> -> memref<1x1x128xi32, #tpu.memory_space<vmem>>
          %dma_start3A_128 = tpu.memref_squeeze %dma_start3A_127 : memref<1x1x128xi32, #tpu.memory_space<vmem>> -> memref<128xi32, #tpu.memory_space<vmem>>
          %dma_start3A_129 = arith.constant 0 : i32
          %dma_start3A_130 = arith.constant 0 : i32
          %dma_start3A_131 = tpu.memref_slice %arg15[%dma_start3A_129, %dma_start3A_130] : memref<10240x128xf32, #tpu.memory_space<vmem_shared>> -> memref<10240x128xf32, #tpu.memory_space<vmem_shared>>
          tpu.enqueue_indirect_dma source(%dma_start3A_125 : memref<128x128xf32, #tpu.memory_space<vmem>>) target(%dma_start3A_131 : memref<10240x128xf32, #tpu.memory_space<vmem_shared>>) offsets(%dma_start3A_128 : memref<128xi32, #tpu.memory_space<vmem>>) semaphore(%run_scoped3A_122 : memref<!tpu.dma_semaphore, #tpu.memory_space<semaphore_mem>>) {add = true}
          %dma_wait3A_132 = arith.constant 0 : i32
          %dma_wait3A_133 = arith.constant 0 : i32
          %dma_wait3A_134 = tpu.memref_slice %arg14[%dma_wait3A_132, %dma_wait3A_133] : memref<256x128xf32, #tpu.memory_space<vmem>> -> memref<128x128xf32, #tpu.memory_space<vmem>>
          %dma_wait3A_135 = arith.constant 0 : i32
          %dma_wait3A_136 = tpu.memref_slice %arg13[%run_scoped3A, %run_scoped3A_119, %dma_wait3A_135] : memref<2x2x128xi32, #tpu.memory_space<vmem>> -> memref<1x1x128xi32, #tpu.memory_space<vmem>>
          %dma_wait3A_137 = tpu.memref_squeeze %dma_wait3A_136 : memref<1x1x128xi32, #tpu.memory_space<vmem>> -> memref<128xi32, #tpu.memory_space<vmem>>
          %dma_wait3A_138 = arith.constant 0 : i32
          %dma_wait3A_139 = arith.constant 0 : i32
          %dma_wait3A_140 = tpu.memref_slice %arg15[%dma_wait3A_138, %dma_wait3A_139] : memref<10240x128xf32, #tpu.memory_space<vmem_shared>> -> memref<10240x128xf32, #tpu.memory_space<vmem_shared>>
          tpu.wait_indirect_dma semaphore(%run_scoped3A_122 : memref<!tpu.dma_semaphore, #tpu.memory_space<semaphore_mem>>) src(%dma_wait3A_134 : memref<128x128xf32, #tpu.memory_space<vmem>>) dst(%dma_wait3A_140 : memref<10240x128xf32, #tpu.memory_space<vmem_shared>>)
          tpu.yield
        }) : () -> ()
        %run_scoped3A_120 = arith.constant 1 : i32
        %run_scoped3A_121 = arith.constant 1 : i32
        "tpu.region"() ({
          %run_scoped3A_122 = tpu.sem_alloc : memref<!tpu.dma_semaphore, #tpu.memory_space<semaphore_mem>>
          %dma_start3A_123 = arith.constant 128 : i32
          %dma_start3A_124 = arith.constant 0 : i32
          %dma_start3A_125 = tpu.memref_slice %arg14[%dma_start3A_123, %dma_start3A_124] : memref<256x128xf32, #tpu.memory_space<vmem>> -> memref<128x128xf32, #tpu.memory_space<vmem>>
          %dma_start3A_126 = arith.constant 0 : i32
          %dma_start3A_127 = tpu.memref_slice %arg13[%run_scoped3A_120, %run_scoped3A_121, %dma_start3A_126] : memref<2x2x128xi32, #tpu.memory_space<vmem>> -> memref<1x1x128xi32, #tpu.memory_space<vmem>>
          %dma_start3A_128 = tpu.memref_squeeze %dma_start3A_127 : memref<1x1x128xi32, #tpu.memory_space<vmem>> -> memref<128xi32, #tpu.memory_space<vmem>>
          %dma_start3A_129 = arith.constant 0 : i32
          %dma_start3A_130 = arith.constant 0 : i32
          %dma_start3A_131 = tpu.memref_slice %arg15[%dma_start3A_129, %dma_start3A_130] : memref<10240x128xf32, #tpu.memory_space<vmem_shared>> -> memref<10240x128xf32, #tpu.memory_space<vmem_shared>>
          tpu.enqueue_indirect_dma source(%dma_start3A_125 : memref<128x128xf32, #tpu.memory_space<vmem>>) target(%dma_start3A_131 : memref<10240x128xf32, #tpu.memory_space<vmem_shared>>) offsets(%dma_start3A_128 : memref<128xi32, #tpu.memory_space<vmem>>) semaphore(%run_scoped3A_122 : memref<!tpu.dma_semaphore, #tpu.memory_space<semaphore_mem>>) {add = true}
          %dma_wait3A_132 = arith.constant 128 : i32
          %dma_wait3A_133 = arith.constant 0 : i32
          %dma_wait3A_134 = tpu.memref_slice %arg14[%dma_wait3A_132, %dma_wait3A_133] : memref<256x128xf32, #tpu.memory_space<vmem>> -> memref<128x128xf32, #tpu.memory_space<vmem>>
          %dma_wait3A_135 = arith.constant 0 : i32
          %dma_wait3A_136 = tpu.memref_slice %arg13[%run_scoped3A_120, %run_scoped3A_121, %dma_wait3A_135] : memref<2x2x128xi32, #tpu.memory_space<vmem>> -> memref<1x1x128xi32, #tpu.memory_space<vmem>>
          %dma_wait3A_137 = tpu.memref_squeeze %dma_wait3A_136 : memref<1x1x128xi32, #tpu.memory_space<vmem>> -> memref<128xi32, #tpu.memory_space<vmem>>
          %dma_wait3A_138 = arith.constant 0 : i32
          %dma_wait3A_139 = arith.constant 0 : i32
          %dma_wait3A_140 = tpu.memref_slice %arg15[%dma_wait3A_138, %dma_wait3A_139] : memref<10240x128xf32, #tpu.memory_space<vmem_shared>> -> memref<10240x128xf32, #tpu.memory_space<vmem_shared>>
          tpu.wait_indirect_dma semaphore(%run_scoped3A_122 : memref<!tpu.dma_semaphore, #tpu.memory_space<semaphore_mem>>) src(%dma_wait3A_134 : memref<128x128xf32, #tpu.memory_space<vmem>>) dst(%dma_wait3A_140 : memref<10240x128xf32, #tpu.memory_space<vmem_shared>>)
          tpu.yield
        }) : () -> ()
      }
    } else {
    }
    %barrier3A_30 = arith.constant 0 : index
    tpu.barrier barrier_id(%barrier3A_30)
    %eq3A_31 = arith.constant 0 : i32
    %eq3A_32 = arith.cmpi eq, %arg0, %eq3A_31 : i32
    %convert_element_type3A_33 = arith.extui %eq3A_32 : i1 to i32
    %cond3A_34 = arith.constant 0 : i32
    %cond3A_35 = arith.cmpi ne, %convert_element_type3A_33, %cond3A_34 : i32
    scf.if %cond3A_35 {
      "tpu.region"() ({
        %run_scoped3A = tpu.sem_alloc : memref<!tpu.dma_semaphore, #tpu.memory_space<semaphore_mem>>
        %dma_start3A = arith.constant 0 : i32
        %dma_start3A_41 = tpu.memref_slice %arg11[%mul3A_0, %dma_start3A] : memref<10240x128xf32, #tpu.memory_space<hbm>> -> memref<640x128xf32, #tpu.memory_space<hbm>>
        %dma_start3A_42 = arith.constant 0 : i32
        %dma_start3A_43 = tpu.memref_slice %arg15[%mul3A_0, %dma_start3A_42] : memref<10240x128xf32, #tpu.memory_space<vmem_shared>> -> memref<640x128xf32, #tpu.memory_space<vmem_shared>>
        tpu.enqueue_dma source(%dma_start3A_43 : memref<640x128xf32, #tpu.memory_space<vmem_shared>>) target(%dma_start3A_41 : memref<640x128xf32, #tpu.memory_space<hbm>>) target_semaphore(%run_scoped3A : memref<!tpu.dma_semaphore, #tpu.memory_space<semaphore_mem>>)
        %dma_wait3A = arith.constant 0 : i32
        %dma_wait3A_44 = tpu.memref_slice %arg11[%mul3A_0, %dma_wait3A] : memref<10240x128xf32, #tpu.memory_space<hbm>> -> memref<640x128xf32, #tpu.memory_space<hbm>>
        %dma_wait3A_45 = arith.constant 0 : i32
        %dma_wait3A_46 = tpu.memref_slice %arg15[%mul3A_0, %dma_wait3A_45] : memref<10240x128xf32, #tpu.memory_space<vmem_shared>> -> memref<640x128xf32, #tpu.memory_space<vmem_shared>>
        tpu.wait_dma2 semaphore(%run_scoped3A : memref<!tpu.dma_semaphore, #tpu.memory_space<semaphore_mem>>) src(%dma_wait3A_46 : memref<640x128xf32, #tpu.memory_space<vmem_shared>>) dst(%dma_wait3A_44 : memref<640x128xf32, #tpu.memory_space<hbm>>)
        tpu.yield
      }) : () -> ()
    } else {
    }
    %eq3A_36 = arith.constant 1 : i32
    %eq3A_37 = arith.cmpi eq, %arg0, %eq3A_36 : i32
    %convert_element_type3A_38 = arith.extui %eq3A_37 : i1 to i32
    %cond3A_39 = arith.constant 0 : i32
    %cond3A_40 = arith.cmpi ne, %convert_element_type3A_38, %cond3A_39 : i32
    scf.if %cond3A_40 {
      "tpu.region"() ({
        %run_scoped3A = tpu.sem_alloc : memref<!tpu.dma_semaphore, #tpu.memory_space<semaphore_mem>>
        %dma_start3A = arith.constant 0 : i32
        %dma_start3A_41 = tpu.memref_slice %arg12[%mul3A_0, %dma_start3A] : memref<10240x128xf32, #tpu.memory_space<hbm>> -> memref<640x128xf32, #tpu.memory_space<hbm>>
        %dma_start3A_42 = arith.constant 0 : i32
        %dma_start3A_43 = tpu.memref_slice %arg15[%mul3A_0, %dma_start3A_42] : memref<10240x128xf32, #tpu.memory_space<vmem_shared>> -> memref<640x128xf32, #tpu.memory_space<vmem_shared>>
        tpu.enqueue_dma source(%dma_start3A_43 : memref<640x128xf32, #tpu.memory_space<vmem_shared>>) target(%dma_start3A_41 : memref<640x128xf32, #tpu.memory_space<hbm>>) target_semaphore(%run_scoped3A : memref<!tpu.dma_semaphore, #tpu.memory_space<semaphore_mem>>)
        %dma_wait3A = arith.constant 0 : i32
        %dma_wait3A_44 = tpu.memref_slice %arg12[%mul3A_0, %dma_wait3A] : memref<10240x128xf32, #tpu.memory_space<hbm>> -> memref<640x128xf32, #tpu.memory_space<hbm>>
        %dma_wait3A_45 = arith.constant 0 : i32
        %dma_wait3A_46 = tpu.memref_slice %arg15[%mul3A_0, %dma_wait3A_45] : memref<10240x128xf32, #tpu.memory_space<vmem_shared>> -> memref<640x128xf32, #tpu.memory_space<vmem_shared>>
        tpu.wait_dma2 semaphore(%run_scoped3A : memref<!tpu.dma_semaphore, #tpu.memory_space<semaphore_mem>>) src(%dma_wait3A_46 : memref<640x128xf32, #tpu.memory_space<vmem_shared>>) dst(%dma_wait3A_44 : memref<640x128xf32, #tpu.memory_space<hbm>>)
        tpu.yield
      }) : () -> ()
    } else {
    }
    return
  }
}

#map = affine_map<(d0, d1) -> (0, 0)>
module attributes {stable_mosaic.version = 14 : i64} {
  func.func @_sc_edge_counts(%arg0: i32, %arg1: i32, %arg2: memref<2560x128xi32, #tpu.memory_space<hbm>>, %arg3: memref<2560x128xi32, #tpu.memory_space<hbm>>, %arg4: memref<640x128xf32, #tpu.memory_space<hbm>>, %arg5: memref<128x128xf32, #tpu.memory_space<hbm>>, %arg6: memref<10240x128xf32, #tpu.memory_space<hbm>>, %arg7: memref<10240x128xf32, #tpu.memory_space<hbm>>, %arg8: memref<16x128xi32, #tpu.memory_space<vmem>>, %arg9: memref<128x128xf32, #tpu.memory_space<vmem>>, %arg10: memref<10240x128xf32, #tpu.memory_space<vmem_shared>>, %arg11: memref<!tpu.dma_semaphore, #tpu.memory_space<semaphore_mem>>) attributes {dimension_semantics = [#tpu.dimension_semantics<core_parallel>, #tpu.dimension_semantics<subcore_parallel>], iteration_bounds = array<i64: 2, 16>, scalar_prefetch = 0 : i64, scratch_operands = 4 : i64, tpu.core_type = #tpu.core_type<sc_vector_subcore>, window_params = [{transform_indices = #map}, {transform_indices = #map}, {transform_indices = #map}, {transform_indices = #map}, {transform_indices = #map}, {transform_indices = #map}]} {
    %mul3A = arith.constant 640 : i32
    %mul3A_0 = arith.muli %arg1, %mul3A : i32
    "tpu.region"() ({
      %run_scoped3A = tpu.sem_alloc : memref<!tpu.dma_semaphore, #tpu.memory_space<semaphore_mem>>
      tpu.enqueue_dma source(%arg5 : memref<128x128xf32, #tpu.memory_space<hbm>>) target(%arg9 : memref<128x128xf32, #tpu.memory_space<vmem>>) target_semaphore(%run_scoped3A : memref<!tpu.dma_semaphore, #tpu.memory_space<semaphore_mem>>)
      tpu.wait_dma2 semaphore(%run_scoped3A : memref<!tpu.dma_semaphore, #tpu.memory_space<semaphore_mem>>) src(%arg5 : memref<128x128xf32, #tpu.memory_space<hbm>>) dst(%arg9 : memref<128x128xf32, #tpu.memory_space<vmem>>)
      tpu.yield
    }) : () -> ()
    "tpu.region"() ({
      %run_scoped3A = tpu.sem_alloc : memref<!tpu.dma_semaphore, #tpu.memory_space<semaphore_mem>>
      %dma_start3A = arith.constant 0 : i32
      %dma_start3A_19 = tpu.memref_slice %arg10[%mul3A_0, %dma_start3A] : memref<10240x128xf32, #tpu.memory_space<vmem_shared>> -> memref<640x128xf32, #tpu.memory_space<vmem_shared>>
      tpu.enqueue_dma source(%arg4 : memref<640x128xf32, #tpu.memory_space<hbm>>) target(%dma_start3A_19 : memref<640x128xf32, #tpu.memory_space<vmem_shared>>) target_semaphore(%run_scoped3A : memref<!tpu.dma_semaphore, #tpu.memory_space<semaphore_mem>>)
      %dma_wait3A = arith.constant 0 : i32
      %dma_wait3A_20 = tpu.memref_slice %arg10[%mul3A_0, %dma_wait3A] : memref<10240x128xf32, #tpu.memory_space<vmem_shared>> -> memref<640x128xf32, #tpu.memory_space<vmem_shared>>
      tpu.wait_dma2 semaphore(%run_scoped3A : memref<!tpu.dma_semaphore, #tpu.memory_space<semaphore_mem>>) src(%arg4 : memref<640x128xf32, #tpu.memory_space<hbm>>) dst(%dma_wait3A_20 : memref<640x128xf32, #tpu.memory_space<vmem_shared>>)
      tpu.yield
    }) : () -> ()
    %barrier3A = arith.constant 0 : index
    tpu.barrier barrier_id(%barrier3A)
    %eq3A = arith.constant 0 : i32
    %eq3A_1 = arith.cmpi eq, %arg0, %eq3A : i32
    %convert_element_type3A = arith.extui %eq3A_1 : i1 to i32
    %cond3A = arith.constant 0 : i32
    %cond3A_2 = arith.cmpi ne, %convert_element_type3A, %cond3A : i32
    scf.if %cond3A_2 {
      %scan3A = arith.constant 0 : i32
      %scan3A_19 = arith.constant 0 : i32
      %scan3A_20 = arith.constant 10 : i32
      %scan3A_21 = arith.addi %scan3A_19, %scan3A_20 : i32
      %scan3A_22 = arith.constant 1 : i32
      scf.for %scan3A_24 = %scan3A_19 to %scan3A_21 step %scan3A_22  : i32 {
        %mul3A_25 = arith.constant 10 : i32
        %mul3A_26 = arith.muli %arg1, %mul3A_25 : i32
        %add3A = arith.addi %mul3A_26, %scan3A_24 : i32
        %mul3A_27 = arith.constant 16 : i32
        %mul3A_28 = arith.muli %add3A, %mul3A_27 : i32
        "tpu.region"() ({
          %run_scoped3A = tpu.sem_alloc : memref<!tpu.dma_semaphore, #tpu.memory_space<semaphore_mem>>
          %dma_start3A_251 = arith.constant 0 : i32
          %dma_start3A_252 = tpu.memref_slice %arg2[%mul3A_28, %dma_start3A_251] : memref<2560x128xi32, #tpu.memory_space<hbm>> -> memref<16x128xi32, #tpu.memory_space<hbm>>
          %dma_start3A_253 = arith.constant 0 : i32
          %dma_start3A_254 = tpu.memref_slice %arg2[%mul3A_28, %dma_start3A_253] : memref<2560x128xi32, #tpu.memory_space<hbm>> -> memref<16x128xi32, #tpu.memory_space<hbm>>
          tpu.enqueue_dma source(%dma_start3A_254 : memref<16x128xi32, #tpu.memory_space<hbm>>) target(%arg8 : memref<16x128xi32, #tpu.memory_space<vmem>>) target_semaphore(%run_scoped3A : memref<!tpu.dma_semaphore, #tpu.memory_space<semaphore_mem>>)
          %dma_wait3A_255 = arith.constant 0 : i32
          %dma_wait3A_256 = tpu.memref_slice %arg2[%mul3A_28, %dma_wait3A_255] : memref<2560x128xi32, #tpu.memory_space<hbm>> -> memref<16x128xi32, #tpu.memory_space<hbm>>
          %dma_wait3A_257 = arith.constant 0 : i32
          %dma_wait3A_258 = tpu.memref_slice %arg2[%mul3A_28, %dma_wait3A_257] : memref<2560x128xi32, #tpu.memory_space<hbm>> -> memref<16x128xi32, #tpu.memory_space<hbm>>
          tpu.wait_dma2 semaphore(%run_scoped3A : memref<!tpu.dma_semaphore, #tpu.memory_space<semaphore_mem>>) src(%dma_wait3A_258 : memref<16x128xi32, #tpu.memory_space<hbm>>) dst(%arg8 : memref<16x128xi32, #tpu.memory_space<vmem>>)
          tpu.yield
        }) : () -> ()
        %dma_start3A = arith.constant 0 : i32
        %dma_start3A_29 = arith.constant 0 : i32
        %dma_start3A_30 = tpu.memref_slice %arg8[%dma_start3A, %dma_start3A_29] : memref<16x128xi32, #tpu.memory_space<vmem>> -> memref<1x128xi32, #tpu.memory_space<vmem>>
        %dma_start3A_31 = tpu.memref_squeeze %dma_start3A_30 : memref<1x128xi32, #tpu.memory_space<vmem>> -> memref<128xi32, #tpu.memory_space<vmem>>
        %dma_start3A_32 = arith.constant 0 : i32
        %dma_start3A_33 = arith.constant 0 : i32
        %dma_start3A_34 = tpu.memref_slice %arg10[%dma_start3A_32, %dma_start3A_33] : memref<10240x128xf32, #tpu.memory_space<vmem_shared>> -> memref<10240x128xf32, #tpu.memory_space<vmem_shared>>
        tpu.enqueue_indirect_dma source(%arg9 : memref<128x128xf32, #tpu.memory_space<vmem>>) target(%dma_start3A_34 : memref<10240x128xf32, #tpu.memory_space<vmem_shared>>) offsets(%dma_start3A_31 : memref<128xi32, #tpu.memory_space<vmem>>) semaphore(%arg11 : memref<!tpu.dma_semaphore, #tpu.memory_space<semaphore_mem>>) {add = true}
        %dma_start3A_35 = arith.constant 1 : i32
        %dma_start3A_36 = arith.constant 0 : i32
        %dma_start3A_37 = tpu.memref_slice %arg8[%dma_start3A_35, %dma_start3A_36] : memref<16x128xi32, #tpu.memory_space<vmem>> -> memref<1x128xi32, #tpu.memory_space<vmem>>
        %dma_start3A_38 = tpu.memref_squeeze %dma_start3A_37 : memref<1x128xi32, #tpu.memory_space<vmem>> -> memref<128xi32, #tpu.memory_space<vmem>>
        %dma_start3A_39 = arith.constant 0 : i32
        %dma_start3A_40 = arith.constant 0 : i32
        %dma_start3A_41 = tpu.memref_slice %arg10[%dma_start3A_39, %dma_start3A_40] : memref<10240x128xf32, #tpu.memory_space<vmem_shared>> -> memref<10240x128xf32, #tpu.memory_space<vmem_shared>>
        tpu.enqueue_indirect_dma source(%arg9 : memref<128x128xf32, #tpu.memory_space<vmem>>) target(%dma_start3A_41 : memref<10240x128xf32, #tpu.memory_space<vmem_shared>>) offsets(%dma_start3A_38 : memref<128xi32, #tpu.memory_space<vmem>>) semaphore(%arg11 : memref<!tpu.dma_semaphore, #tpu.memory_space<semaphore_mem>>) {add = true}
        %dma_start3A_42 = arith.constant 2 : i32
        %dma_start3A_43 = arith.constant 0 : i32
        %dma_start3A_44 = tpu.memref_slice %arg8[%dma_start3A_42, %dma_start3A_43] : memref<16x128xi32, #tpu.memory_space<vmem>> -> memref<1x128xi32, #tpu.memory_space<vmem>>
        %dma_start3A_45 = tpu.memref_squeeze %dma_start3A_44 : memref<1x128xi32, #tpu.memory_space<vmem>> -> memref<128xi32, #tpu.memory_space<vmem>>
        %dma_start3A_46 = arith.constant 0 : i32
        %dma_start3A_47 = arith.constant 0 : i32
        %dma_start3A_48 = tpu.memref_slice %arg10[%dma_start3A_46, %dma_start3A_47] : memref<10240x128xf32, #tpu.memory_space<vmem_shared>> -> memref<10240x128xf32, #tpu.memory_space<vmem_shared>>
        tpu.enqueue_indirect_dma source(%arg9 : memref<128x128xf32, #tpu.memory_space<vmem>>) target(%dma_start3A_48 : memref<10240x128xf32, #tpu.memory_space<vmem_shared>>) offsets(%dma_start3A_45 : memref<128xi32, #tpu.memory_space<vmem>>) semaphore(%arg11 : memref<!tpu.dma_semaphore, #tpu.memory_space<semaphore_mem>>) {add = true}
        %dma_start3A_49 = arith.constant 3 : i32
        %dma_start3A_50 = arith.constant 0 : i32
        %dma_start3A_51 = tpu.memref_slice %arg8[%dma_start3A_49, %dma_start3A_50] : memref<16x128xi32, #tpu.memory_space<vmem>> -> memref<1x128xi32, #tpu.memory_space<vmem>>
        %dma_start3A_52 = tpu.memref_squeeze %dma_start3A_51 : memref<1x128xi32, #tpu.memory_space<vmem>> -> memref<128xi32, #tpu.memory_space<vmem>>
        %dma_start3A_53 = arith.constant 0 : i32
        %dma_start3A_54 = arith.constant 0 : i32
        %dma_start3A_55 = tpu.memref_slice %arg10[%dma_start3A_53, %dma_start3A_54] : memref<10240x128xf32, #tpu.memory_space<vmem_shared>> -> memref<10240x128xf32, #tpu.memory_space<vmem_shared>>
        tpu.enqueue_indirect_dma source(%arg9 : memref<128x128xf32, #tpu.memory_space<vmem>>) target(%dma_start3A_55 : memref<10240x128xf32, #tpu.memory_space<vmem_shared>>) offsets(%dma_start3A_52 : memref<128xi32, #tpu.memory_space<vmem>>) semaphore(%arg11 : memref<!tpu.dma_semaphore, #tpu.memory_space<semaphore_mem>>) {add = true}
        %dma_start3A_56 = arith.constant 4 : i32
        %dma_start3A_57 = arith.constant 0 : i32
        %dma_start3A_58 = tpu.memref_slice %arg8[%dma_start3A_56, %dma_start3A_57] : memref<16x128xi32, #tpu.memory_space<vmem>> -> memref<1x128xi32, #tpu.memory_space<vmem>>
        %dma_start3A_59 = tpu.memref_squeeze %dma_start3A_58 : memref<1x128xi32, #tpu.memory_space<vmem>> -> memref<128xi32, #tpu.memory_space<vmem>>
        %dma_start3A_60 = arith.constant 0 : i32
        %dma_start3A_61 = arith.constant 0 : i32
        %dma_start3A_62 = tpu.memref_slice %arg10[%dma_start3A_60, %dma_start3A_61] : memref<10240x128xf32, #tpu.memory_space<vmem_shared>> -> memref<10240x128xf32, #tpu.memory_space<vmem_shared>>
        tpu.enqueue_indirect_dma source(%arg9 : memref<128x128xf32, #tpu.memory_space<vmem>>) target(%dma_start3A_62 : memref<10240x128xf32, #tpu.memory_space<vmem_shared>>) offsets(%dma_start3A_59 : memref<128xi32, #tpu.memory_space<vmem>>) semaphore(%arg11 : memref<!tpu.dma_semaphore, #tpu.memory_space<semaphore_mem>>) {add = true}
        %dma_start3A_63 = arith.constant 5 : i32
        %dma_start3A_64 = arith.constant 0 : i32
        %dma_start3A_65 = tpu.memref_slice %arg8[%dma_start3A_63, %dma_start3A_64] : memref<16x128xi32, #tpu.memory_space<vmem>> -> memref<1x128xi32, #tpu.memory_space<vmem>>
        %dma_start3A_66 = tpu.memref_squeeze %dma_start3A_65 : memref<1x128xi32, #tpu.memory_space<vmem>> -> memref<128xi32, #tpu.memory_space<vmem>>
        %dma_start3A_67 = arith.constant 0 : i32
        %dma_start3A_68 = arith.constant 0 : i32
        %dma_start3A_69 = tpu.memref_slice %arg10[%dma_start3A_67, %dma_start3A_68] : memref<10240x128xf32, #tpu.memory_space<vmem_shared>> -> memref<10240x128xf32, #tpu.memory_space<vmem_shared>>
        tpu.enqueue_indirect_dma source(%arg9 : memref<128x128xf32, #tpu.memory_space<vmem>>) target(%dma_start3A_69 : memref<10240x128xf32, #tpu.memory_space<vmem_shared>>) offsets(%dma_start3A_66 : memref<128xi32, #tpu.memory_space<vmem>>) semaphore(%arg11 : memref<!tpu.dma_semaphore, #tpu.memory_space<semaphore_mem>>) {add = true}
        %dma_start3A_70 = arith.constant 6 : i32
        %dma_start3A_71 = arith.constant 0 : i32
        %dma_start3A_72 = tpu.memref_slice %arg8[%dma_start3A_70, %dma_start3A_71] : memref<16x128xi32, #tpu.memory_space<vmem>> -> memref<1x128xi32, #tpu.memory_space<vmem>>
        %dma_start3A_73 = tpu.memref_squeeze %dma_start3A_72 : memref<1x128xi32, #tpu.memory_space<vmem>> -> memref<128xi32, #tpu.memory_space<vmem>>
        %dma_start3A_74 = arith.constant 0 : i32
        %dma_start3A_75 = arith.constant 0 : i32
        %dma_start3A_76 = tpu.memref_slice %arg10[%dma_start3A_74, %dma_start3A_75] : memref<10240x128xf32, #tpu.memory_space<vmem_shared>> -> memref<10240x128xf32, #tpu.memory_space<vmem_shared>>
        tpu.enqueue_indirect_dma source(%arg9 : memref<128x128xf32, #tpu.memory_space<vmem>>) target(%dma_start3A_76 : memref<10240x128xf32, #tpu.memory_space<vmem_shared>>) offsets(%dma_start3A_73 : memref<128xi32, #tpu.memory_space<vmem>>) semaphore(%arg11 : memref<!tpu.dma_semaphore, #tpu.memory_space<semaphore_mem>>) {add = true}
        %dma_start3A_77 = arith.constant 7 : i32
        %dma_start3A_78 = arith.constant 0 : i32
        %dma_start3A_79 = tpu.memref_slice %arg8[%dma_start3A_77, %dma_start3A_78] : memref<16x128xi32, #tpu.memory_space<vmem>> -> memref<1x128xi32, #tpu.memory_space<vmem>>
        %dma_start3A_80 = tpu.memref_squeeze %dma_start3A_79 : memref<1x128xi32, #tpu.memory_space<vmem>> -> memref<128xi32, #tpu.memory_space<vmem>>
        %dma_start3A_81 = arith.constant 0 : i32
        %dma_start3A_82 = arith.constant 0 : i32
        %dma_start3A_83 = tpu.memref_slice %arg10[%dma_start3A_81, %dma_start3A_82] : memref<10240x128xf32, #tpu.memory_space<vmem_shared>> -> memref<10240x128xf32, #tpu.memory_space<vmem_shared>>
        tpu.enqueue_indirect_dma source(%arg9 : memref<128x128xf32, #tpu.memory_space<vmem>>) target(%dma_start3A_83 : memref<10240x128xf32, #tpu.memory_space<vmem_shared>>) offsets(%dma_start3A_80 : memref<128xi32, #tpu.memory_space<vmem>>) semaphore(%arg11 : memref<!tpu.dma_semaphore, #tpu.memory_space<semaphore_mem>>) {add = true}
        %dma_start3A_84 = arith.constant 8 : i32
        %dma_start3A_85 = arith.constant 0 : i32
        %dma_start3A_86 = tpu.memref_slice %arg8[%dma_start3A_84, %dma_start3A_85] : memref<16x128xi32, #tpu.memory_space<vmem>> -> memref<1x128xi32, #tpu.memory_space<vmem>>
        %dma_start3A_87 = tpu.memref_squeeze %dma_start3A_86 : memref<1x128xi32, #tpu.memory_space<vmem>> -> memref<128xi32, #tpu.memory_space<vmem>>
        %dma_start3A_88 = arith.constant 0 : i32
        %dma_start3A_89 = arith.constant 0 : i32
        %dma_start3A_90 = tpu.memref_slice %arg10[%dma_start3A_88, %dma_start3A_89] : memref<10240x128xf32, #tpu.memory_space<vmem_shared>> -> memref<10240x128xf32, #tpu.memory_space<vmem_shared>>
        tpu.enqueue_indirect_dma source(%arg9 : memref<128x128xf32, #tpu.memory_space<vmem>>) target(%dma_start3A_90 : memref<10240x128xf32, #tpu.memory_space<vmem_shared>>) offsets(%dma_start3A_87 : memref<128xi32, #tpu.memory_space<vmem>>) semaphore(%arg11 : memref<!tpu.dma_semaphore, #tpu.memory_space<semaphore_mem>>) {add = true}
        %dma_start3A_91 = arith.constant 9 : i32
        %dma_start3A_92 = arith.constant 0 : i32
        %dma_start3A_93 = tpu.memref_slice %arg8[%dma_start3A_91, %dma_start3A_92] : memref<16x128xi32, #tpu.memory_space<vmem>> -> memref<1x128xi32, #tpu.memory_space<vmem>>
        %dma_start3A_94 = tpu.memref_squeeze %dma_start3A_93 : memref<1x128xi32, #tpu.memory_space<vmem>> -> memref<128xi32, #tpu.memory_space<vmem>>
        %dma_start3A_95 = arith.constant 0 : i32
        %dma_start3A_96 = arith.constant 0 : i32
        %dma_start3A_97 = tpu.memref_slice %arg10[%dma_start3A_95, %dma_start3A_96] : memref<10240x128xf32, #tpu.memory_space<vmem_shared>> -> memref<10240x128xf32, #tpu.memory_space<vmem_shared>>
        tpu.enqueue_indirect_dma source(%arg9 : memref<128x128xf32, #tpu.memory_space<vmem>>) target(%dma_start3A_97 : memref<10240x128xf32, #tpu.memory_space<vmem_shared>>) offsets(%dma_start3A_94 : memref<128xi32, #tpu.memory_space<vmem>>) semaphore(%arg11 : memref<!tpu.dma_semaphore, #tpu.memory_space<semaphore_mem>>) {add = true}
        %dma_start3A_98 = arith.constant 10 : i32
        %dma_start3A_99 = arith.constant 0 : i32
        %dma_start3A_100 = tpu.memref_slice %arg8[%dma_start3A_98, %dma_start3A_99] : memref<16x128xi32, #tpu.memory_space<vmem>> -> memref<1x128xi32, #tpu.memory_space<vmem>>
        %dma_start3A_101 = tpu.memref_squeeze %dma_start3A_100 : memref<1x128xi32, #tpu.memory_space<vmem>> -> memref<128xi32, #tpu.memory_space<vmem>>
        %dma_start3A_102 = arith.constant 0 : i32
        %dma_start3A_103 = arith.constant 0 : i32
        %dma_start3A_104 = tpu.memref_slice %arg10[%dma_start3A_102, %dma_start3A_103] : memref<10240x128xf32, #tpu.memory_space<vmem_shared>> -> memref<10240x128xf32, #tpu.memory_space<vmem_shared>>
        tpu.enqueue_indirect_dma source(%arg9 : memref<128x128xf32, #tpu.memory_space<vmem>>) target(%dma_start3A_104 : memref<10240x128xf32, #tpu.memory_space<vmem_shared>>) offsets(%dma_start3A_101 : memref<128xi32, #tpu.memory_space<vmem>>) semaphore(%arg11 : memref<!tpu.dma_semaphore, #tpu.memory_space<semaphore_mem>>) {add = true}
        %dma_start3A_105 = arith.constant 11 : i32
        %dma_start3A_106 = arith.constant 0 : i32
        %dma_start3A_107 = tpu.memref_slice %arg8[%dma_start3A_105, %dma_start3A_106] : memref<16x128xi32, #tpu.memory_space<vmem>> -> memref<1x128xi32, #tpu.memory_space<vmem>>
        %dma_start3A_108 = tpu.memref_squeeze %dma_start3A_107 : memref<1x128xi32, #tpu.memory_space<vmem>> -> memref<128xi32, #tpu.memory_space<vmem>>
        %dma_start3A_109 = arith.constant 0 : i32
        %dma_start3A_110 = arith.constant 0 : i32
        %dma_start3A_111 = tpu.memref_slice %arg10[%dma_start3A_109, %dma_start3A_110] : memref<10240x128xf32, #tpu.memory_space<vmem_shared>> -> memref<10240x128xf32, #tpu.memory_space<vmem_shared>>
        tpu.enqueue_indirect_dma source(%arg9 : memref<128x128xf32, #tpu.memory_space<vmem>>) target(%dma_start3A_111 : memref<10240x128xf32, #tpu.memory_space<vmem_shared>>) offsets(%dma_start3A_108 : memref<128xi32, #tpu.memory_space<vmem>>) semaphore(%arg11 : memref<!tpu.dma_semaphore, #tpu.memory_space<semaphore_mem>>) {add = true}
        %dma_start3A_112 = arith.constant 12 : i32
        %dma_start3A_113 = arith.constant 0 : i32
        %dma_start3A_114 = tpu.memref_slice %arg8[%dma_start3A_112, %dma_start3A_113] : memref<16x128xi32, #tpu.memory_space<vmem>> -> memref<1x128xi32, #tpu.memory_space<vmem>>
        %dma_start3A_115 = tpu.memref_squeeze %dma_start3A_114 : memref<1x128xi32, #tpu.memory_space<vmem>> -> memref<128xi32, #tpu.memory_space<vmem>>
        %dma_start3A_116 = arith.constant 0 : i32
        %dma_start3A_117 = arith.constant 0 : i32
        %dma_start3A_118 = tpu.memref_slice %arg10[%dma_start3A_116, %dma_start3A_117] : memref<10240x128xf32, #tpu.memory_space<vmem_shared>> -> memref<10240x128xf32, #tpu.memory_space<vmem_shared>>
        tpu.enqueue_indirect_dma source(%arg9 : memref<128x128xf32, #tpu.memory_space<vmem>>) target(%dma_start3A_118 : memref<10240x128xf32, #tpu.memory_space<vmem_shared>>) offsets(%dma_start3A_115 : memref<128xi32, #tpu.memory_space<vmem>>) semaphore(%arg11 : memref<!tpu.dma_semaphore, #tpu.memory_space<semaphore_mem>>) {add = true}
        %dma_start3A_119 = arith.constant 13 : i32
        %dma_start3A_120 = arith.constant 0 : i32
        %dma_start3A_121 = tpu.memref_slice %arg8[%dma_start3A_119, %dma_start3A_120] : memref<16x128xi32, #tpu.memory_space<vmem>> -> memref<1x128xi32, #tpu.memory_space<vmem>>
        %dma_start3A_122 = tpu.memref_squeeze %dma_start3A_121 : memref<1x128xi32, #tpu.memory_space<vmem>> -> memref<128xi32, #tpu.memory_space<vmem>>
        %dma_start3A_123 = arith.constant 0 : i32
        %dma_start3A_124 = arith.constant 0 : i32
        %dma_start3A_125 = tpu.memref_slice %arg10[%dma_start3A_123, %dma_start3A_124] : memref<10240x128xf32, #tpu.memory_space<vmem_shared>> -> memref<10240x128xf32, #tpu.memory_space<vmem_shared>>
        tpu.enqueue_indirect_dma source(%arg9 : memref<128x128xf32, #tpu.memory_space<vmem>>) target(%dma_start3A_125 : memref<10240x128xf32, #tpu.memory_space<vmem_shared>>) offsets(%dma_start3A_122 : memref<128xi32, #tpu.memory_space<vmem>>) semaphore(%arg11 : memref<!tpu.dma_semaphore, #tpu.memory_space<semaphore_mem>>) {add = true}
        %dma_start3A_126 = arith.constant 14 : i32
        %dma_start3A_127 = arith.constant 0 : i32
        %dma_start3A_128 = tpu.memref_slice %arg8[%dma_start3A_126, %dma_start3A_127] : memref<16x128xi32, #tpu.memory_space<vmem>> -> memref<1x128xi32, #tpu.memory_space<vmem>>
        %dma_start3A_129 = tpu.memref_squeeze %dma_start3A_128 : memref<1x128xi32, #tpu.memory_space<vmem>> -> memref<128xi32, #tpu.memory_space<vmem>>
        %dma_start3A_130 = arith.constant 0 : i32
        %dma_start3A_131 = arith.constant 0 : i32
        %dma_start3A_132 = tpu.memref_slice %arg10[%dma_start3A_130, %dma_start3A_131] : memref<10240x128xf32, #tpu.memory_space<vmem_shared>> -> memref<10240x128xf32, #tpu.memory_space<vmem_shared>>
        tpu.enqueue_indirect_dma source(%arg9 : memref<128x128xf32, #tpu.memory_space<vmem>>) target(%dma_start3A_132 : memref<10240x128xf32, #tpu.memory_space<vmem_shared>>) offsets(%dma_start3A_129 : memref<128xi32, #tpu.memory_space<vmem>>) semaphore(%arg11 : memref<!tpu.dma_semaphore, #tpu.memory_space<semaphore_mem>>) {add = true}
        %dma_start3A_133 = arith.constant 15 : i32
        %dma_start3A_134 = arith.constant 0 : i32
        %dma_start3A_135 = tpu.memref_slice %arg8[%dma_start3A_133, %dma_start3A_134] : memref<16x128xi32, #tpu.memory_space<vmem>> -> memref<1x128xi32, #tpu.memory_space<vmem>>
        %dma_start3A_136 = tpu.memref_squeeze %dma_start3A_135 : memref<1x128xi32, #tpu.memory_space<vmem>> -> memref<128xi32, #tpu.memory_space<vmem>>
        %dma_start3A_137 = arith.constant 0 : i32
        %dma_start3A_138 = arith.constant 0 : i32
        %dma_start3A_139 = tpu.memref_slice %arg10[%dma_start3A_137, %dma_start3A_138] : memref<10240x128xf32, #tpu.memory_space<vmem_shared>> -> memref<10240x128xf32, #tpu.memory_space<vmem_shared>>
        tpu.enqueue_indirect_dma source(%arg9 : memref<128x128xf32, #tpu.memory_space<vmem>>) target(%dma_start3A_139 : memref<10240x128xf32, #tpu.memory_space<vmem_shared>>) offsets(%dma_start3A_136 : memref<128xi32, #tpu.memory_space<vmem>>) semaphore(%arg11 : memref<!tpu.dma_semaphore, #tpu.memory_space<semaphore_mem>>) {add = true}
        %dma_wait3A = arith.constant 0 : i32
        %dma_wait3A_140 = arith.constant 0 : i32
        %dma_wait3A_141 = tpu.memref_slice %arg8[%dma_wait3A, %dma_wait3A_140] : memref<16x128xi32, #tpu.memory_space<vmem>> -> memref<1x128xi32, #tpu.memory_space<vmem>>
        %dma_wait3A_142 = tpu.memref_squeeze %dma_wait3A_141 : memref<1x128xi32, #tpu.memory_space<vmem>> -> memref<128xi32, #tpu.memory_space<vmem>>
        %dma_wait3A_143 = arith.constant 0 : i32
        %dma_wait3A_144 = arith.constant 0 : i32
        %dma_wait3A_145 = tpu.memref_slice %arg10[%dma_wait3A_143, %dma_wait3A_144] : memref<10240x128xf32, #tpu.memory_space<vmem_shared>> -> memref<10240x128xf32, #tpu.memory_space<vmem_shared>>
        tpu.wait_indirect_dma semaphore(%arg11 : memref<!tpu.dma_semaphore, #tpu.memory_space<semaphore_mem>>) src(%arg9 : memref<128x128xf32, #tpu.memory_space<vmem>>) dst(%dma_wait3A_145 : memref<10240x128xf32, #tpu.memory_space<vmem_shared>>)
        %dma_wait3A_146 = arith.constant 1 : i32
        %dma_wait3A_147 = arith.constant 0 : i32
        %dma_wait3A_148 = tpu.memref_slice %arg8[%dma_wait3A_146, %dma_wait3A_147] : memref<16x128xi32, #tpu.memory_space<vmem>> -> memref<1x128xi32, #tpu.memory_space<vmem>>
        %dma_wait3A_149 = tpu.memref_squeeze %dma_wait3A_148 : memref<1x128xi32, #tpu.memory_space<vmem>> -> memref<128xi32, #tpu.memory_space<vmem>>
        %dma_wait3A_150 = arith.constant 0 : i32
        %dma_wait3A_151 = arith.constant 0 : i32
        %dma_wait3A_152 = tpu.memref_slice %arg10[%dma_wait3A_150, %dma_wait3A_151] : memref<10240x128xf32, #tpu.memory_space<vmem_shared>> -> memref<10240x128xf32, #tpu.memory_space<vmem_shared>>
        tpu.wait_indirect_dma semaphore(%arg11 : memref<!tpu.dma_semaphore, #tpu.memory_space<semaphore_mem>>) src(%arg9 : memref<128x128xf32, #tpu.memory_space<vmem>>) dst(%dma_wait3A_152 : memref<10240x128xf32, #tpu.memory_space<vmem_shared>>)
        %dma_wait3A_153 = arith.constant 2 : i32
        %dma_wait3A_154 = arith.constant 0 : i32
        %dma_wait3A_155 = tpu.memref_slice %arg8[%dma_wait3A_153, %dma_wait3A_154] : memref<16x128xi32, #tpu.memory_space<vmem>> -> memref<1x128xi32, #tpu.memory_space<vmem>>
        %dma_wait3A_156 = tpu.memref_squeeze %dma_wait3A_155 : memref<1x128xi32, #tpu.memory_space<vmem>> -> memref<128xi32, #tpu.memory_space<vmem>>
        %dma_wait3A_157 = arith.constant 0 : i32
        %dma_wait3A_158 = arith.constant 0 : i32
        %dma_wait3A_159 = tpu.memref_slice %arg10[%dma_wait3A_157, %dma_wait3A_158] : memref<10240x128xf32, #tpu.memory_space<vmem_shared>> -> memref<10240x128xf32, #tpu.memory_space<vmem_shared>>
        tpu.wait_indirect_dma semaphore(%arg11 : memref<!tpu.dma_semaphore, #tpu.memory_space<semaphore_mem>>) src(%arg9 : memref<128x128xf32, #tpu.memory_space<vmem>>) dst(%dma_wait3A_159 : memref<10240x128xf32, #tpu.memory_space<vmem_shared>>)
        %dma_wait3A_160 = arith.constant 3 : i32
        %dma_wait3A_161 = arith.constant 0 : i32
        %dma_wait3A_162 = tpu.memref_slice %arg8[%dma_wait3A_160, %dma_wait3A_161] : memref<16x128xi32, #tpu.memory_space<vmem>> -> memref<1x128xi32, #tpu.memory_space<vmem>>
        %dma_wait3A_163 = tpu.memref_squeeze %dma_wait3A_162 : memref<1x128xi32, #tpu.memory_space<vmem>> -> memref<128xi32, #tpu.memory_space<vmem>>
        %dma_wait3A_164 = arith.constant 0 : i32
        %dma_wait3A_165 = arith.constant 0 : i32
        %dma_wait3A_166 = tpu.memref_slice %arg10[%dma_wait3A_164, %dma_wait3A_165] : memref<10240x128xf32, #tpu.memory_space<vmem_shared>> -> memref<10240x128xf32, #tpu.memory_space<vmem_shared>>
        tpu.wait_indirect_dma semaphore(%arg11 : memref<!tpu.dma_semaphore, #tpu.memory_space<semaphore_mem>>) src(%arg9 : memref<128x128xf32, #tpu.memory_space<vmem>>) dst(%dma_wait3A_166 : memref<10240x128xf32, #tpu.memory_space<vmem_shared>>)
        %dma_wait3A_167 = arith.constant 4 : i32
        %dma_wait3A_168 = arith.constant 0 : i32
        %dma_wait3A_169 = tpu.memref_slice %arg8[%dma_wait3A_167, %dma_wait3A_168] : memref<16x128xi32, #tpu.memory_space<vmem>> -> memref<1x128xi32, #tpu.memory_space<vmem>>
        %dma_wait3A_170 = tpu.memref_squeeze %dma_wait3A_169 : memref<1x128xi32, #tpu.memory_space<vmem>> -> memref<128xi32, #tpu.memory_space<vmem>>
        %dma_wait3A_171 = arith.constant 0 : i32
        %dma_wait3A_172 = arith.constant 0 : i32
        %dma_wait3A_173 = tpu.memref_slice %arg10[%dma_wait3A_171, %dma_wait3A_172] : memref<10240x128xf32, #tpu.memory_space<vmem_shared>> -> memref<10240x128xf32, #tpu.memory_space<vmem_shared>>
        tpu.wait_indirect_dma semaphore(%arg11 : memref<!tpu.dma_semaphore, #tpu.memory_space<semaphore_mem>>) src(%arg9 : memref<128x128xf32, #tpu.memory_space<vmem>>) dst(%dma_wait3A_173 : memref<10240x128xf32, #tpu.memory_space<vmem_shared>>)
        %dma_wait3A_174 = arith.constant 5 : i32
        %dma_wait3A_175 = arith.constant 0 : i32
        %dma_wait3A_176 = tpu.memref_slice %arg8[%dma_wait3A_174, %dma_wait3A_175] : memref<16x128xi32, #tpu.memory_space<vmem>> -> memref<1x128xi32, #tpu.memory_space<vmem>>
        %dma_wait3A_177 = tpu.memref_squeeze %dma_wait3A_176 : memref<1x128xi32, #tpu.memory_space<vmem>> -> memref<128xi32, #tpu.memory_space<vmem>>
        %dma_wait3A_178 = arith.constant 0 : i32
        %dma_wait3A_179 = arith.constant 0 : i32
        %dma_wait3A_180 = tpu.memref_slice %arg10[%dma_wait3A_178, %dma_wait3A_179] : memref<10240x128xf32, #tpu.memory_space<vmem_shared>> -> memref<10240x128xf32, #tpu.memory_space<vmem_shared>>
        tpu.wait_indirect_dma semaphore(%arg11 : memref<!tpu.dma_semaphore, #tpu.memory_space<semaphore_mem>>) src(%arg9 : memref<128x128xf32, #tpu.memory_space<vmem>>) dst(%dma_wait3A_180 : memref<10240x128xf32, #tpu.memory_space<vmem_shared>>)
        %dma_wait3A_181 = arith.constant 6 : i32
        %dma_wait3A_182 = arith.constant 0 : i32
        %dma_wait3A_183 = tpu.memref_slice %arg8[%dma_wait3A_181, %dma_wait3A_182] : memref<16x128xi32, #tpu.memory_space<vmem>> -> memref<1x128xi32, #tpu.memory_space<vmem>>
        %dma_wait3A_184 = tpu.memref_squeeze %dma_wait3A_183 : memref<1x128xi32, #tpu.memory_space<vmem>> -> memref<128xi32, #tpu.memory_space<vmem>>
        %dma_wait3A_185 = arith.constant 0 : i32
        %dma_wait3A_186 = arith.constant 0 : i32
        %dma_wait3A_187 = tpu.memref_slice %arg10[%dma_wait3A_185, %dma_wait3A_186] : memref<10240x128xf32, #tpu.memory_space<vmem_shared>> -> memref<10240x128xf32, #tpu.memory_space<vmem_shared>>
        tpu.wait_indirect_dma semaphore(%arg11 : memref<!tpu.dma_semaphore, #tpu.memory_space<semaphore_mem>>) src(%arg9 : memref<128x128xf32, #tpu.memory_space<vmem>>) dst(%dma_wait3A_187 : memref<10240x128xf32, #tpu.memory_space<vmem_shared>>)
        %dma_wait3A_188 = arith.constant 7 : i32
        %dma_wait3A_189 = arith.constant 0 : i32
        %dma_wait3A_190 = tpu.memref_slice %arg8[%dma_wait3A_188, %dma_wait3A_189] : memref<16x128xi32, #tpu.memory_space<vmem>> -> memref<1x128xi32, #tpu.memory_space<vmem>>
        %dma_wait3A_191 = tpu.memref_squeeze %dma_wait3A_190 : memref<1x128xi32, #tpu.memory_space<vmem>> -> memref<128xi32, #tpu.memory_space<vmem>>
        %dma_wait3A_192 = arith.constant 0 : i32
        %dma_wait3A_193 = arith.constant 0 : i32
        %dma_wait3A_194 = tpu.memref_slice %arg10[%dma_wait3A_192, %dma_wait3A_193] : memref<10240x128xf32, #tpu.memory_space<vmem_shared>> -> memref<10240x128xf32, #tpu.memory_space<vmem_shared>>
        tpu.wait_indirect_dma semaphore(%arg11 : memref<!tpu.dma_semaphore, #tpu.memory_space<semaphore_mem>>) src(%arg9 : memref<128x128xf32, #tpu.memory_space<vmem>>) dst(%dma_wait3A_194 : memref<10240x128xf32, #tpu.memory_space<vmem_shared>>)
        %dma_wait3A_195 = arith.constant 8 : i32
        %dma_wait3A_196 = arith.constant 0 : i32
        %dma_wait3A_197 = tpu.memref_slice %arg8[%dma_wait3A_195, %dma_wait3A_196] : memref<16x128xi32, #tpu.memory_space<vmem>> -> memref<1x128xi32, #tpu.memory_space<vmem>>
        %dma_wait3A_198 = tpu.memref_squeeze %dma_wait3A_197 : memref<1x128xi32, #tpu.memory_space<vmem>> -> memref<128xi32, #tpu.memory_space<vmem>>
        %dma_wait3A_199 = arith.constant 0 : i32
        %dma_wait3A_200 = arith.constant 0 : i32
        %dma_wait3A_201 = tpu.memref_slice %arg10[%dma_wait3A_199, %dma_wait3A_200] : memref<10240x128xf32, #tpu.memory_space<vmem_shared>> -> memref<10240x128xf32, #tpu.memory_space<vmem_shared>>
        tpu.wait_indirect_dma semaphore(%arg11 : memref<!tpu.dma_semaphore, #tpu.memory_space<semaphore_mem>>) src(%arg9 : memref<128x128xf32, #tpu.memory_space<vmem>>) dst(%dma_wait3A_201 : memref<10240x128xf32, #tpu.memory_space<vmem_shared>>)
        %dma_wait3A_202 = arith.constant 9 : i32
        %dma_wait3A_203 = arith.constant 0 : i32
        %dma_wait3A_204 = tpu.memref_slice %arg8[%dma_wait3A_202, %dma_wait3A_203] : memref<16x128xi32, #tpu.memory_space<vmem>> -> memref<1x128xi32, #tpu.memory_space<vmem>>
        %dma_wait3A_205 = tpu.memref_squeeze %dma_wait3A_204 : memref<1x128xi32, #tpu.memory_space<vmem>> -> memref<128xi32, #tpu.memory_space<vmem>>
        %dma_wait3A_206 = arith.constant 0 : i32
        %dma_wait3A_207 = arith.constant 0 : i32
        %dma_wait3A_208 = tpu.memref_slice %arg10[%dma_wait3A_206, %dma_wait3A_207] : memref<10240x128xf32, #tpu.memory_space<vmem_shared>> -> memref<10240x128xf32, #tpu.memory_space<vmem_shared>>
        tpu.wait_indirect_dma semaphore(%arg11 : memref<!tpu.dma_semaphore, #tpu.memory_space<semaphore_mem>>) src(%arg9 : memref<128x128xf32, #tpu.memory_space<vmem>>) dst(%dma_wait3A_208 : memref<10240x128xf32, #tpu.memory_space<vmem_shared>>)
        %dma_wait3A_209 = arith.constant 10 : i32
        %dma_wait3A_210 = arith.constant 0 : i32
        %dma_wait3A_211 = tpu.memref_slice %arg8[%dma_wait3A_209, %dma_wait3A_210] : memref<16x128xi32, #tpu.memory_space<vmem>> -> memref<1x128xi32, #tpu.memory_space<vmem>>
        %dma_wait3A_212 = tpu.memref_squeeze %dma_wait3A_211 : memref<1x128xi32, #tpu.memory_space<vmem>> -> memref<128xi32, #tpu.memory_space<vmem>>
        %dma_wait3A_213 = arith.constant 0 : i32
        %dma_wait3A_214 = arith.constant 0 : i32
        %dma_wait3A_215 = tpu.memref_slice %arg10[%dma_wait3A_213, %dma_wait3A_214] : memref<10240x128xf32, #tpu.memory_space<vmem_shared>> -> memref<10240x128xf32, #tpu.memory_space<vmem_shared>>
        tpu.wait_indirect_dma semaphore(%arg11 : memref<!tpu.dma_semaphore, #tpu.memory_space<semaphore_mem>>) src(%arg9 : memref<128x128xf32, #tpu.memory_space<vmem>>) dst(%dma_wait3A_215 : memref<10240x128xf32, #tpu.memory_space<vmem_shared>>)
        %dma_wait3A_216 = arith.constant 11 : i32
        %dma_wait3A_217 = arith.constant 0 : i32
        %dma_wait3A_218 = tpu.memref_slice %arg8[%dma_wait3A_216, %dma_wait3A_217] : memref<16x128xi32, #tpu.memory_space<vmem>> -> memref<1x128xi32, #tpu.memory_space<vmem>>
        %dma_wait3A_219 = tpu.memref_squeeze %dma_wait3A_218 : memref<1x128xi32, #tpu.memory_space<vmem>> -> memref<128xi32, #tpu.memory_space<vmem>>
        %dma_wait3A_220 = arith.constant 0 : i32
        %dma_wait3A_221 = arith.constant 0 : i32
        %dma_wait3A_222 = tpu.memref_slice %arg10[%dma_wait3A_220, %dma_wait3A_221] : memref<10240x128xf32, #tpu.memory_space<vmem_shared>> -> memref<10240x128xf32, #tpu.memory_space<vmem_shared>>
        tpu.wait_indirect_dma semaphore(%arg11 : memref<!tpu.dma_semaphore, #tpu.memory_space<semaphore_mem>>) src(%arg9 : memref<128x128xf32, #tpu.memory_space<vmem>>) dst(%dma_wait3A_222 : memref<10240x128xf32, #tpu.memory_space<vmem_shared>>)
        %dma_wait3A_223 = arith.constant 12 : i32
        %dma_wait3A_224 = arith.constant 0 : i32
        %dma_wait3A_225 = tpu.memref_slice %arg8[%dma_wait3A_223, %dma_wait3A_224] : memref<16x128xi32, #tpu.memory_space<vmem>> -> memref<1x128xi32, #tpu.memory_space<vmem>>
        %dma_wait3A_226 = tpu.memref_squeeze %dma_wait3A_225 : memref<1x128xi32, #tpu.memory_space<vmem>> -> memref<128xi32, #tpu.memory_space<vmem>>
        %dma_wait3A_227 = arith.constant 0 : i32
        %dma_wait3A_228 = arith.constant 0 : i32
        %dma_wait3A_229 = tpu.memref_slice %arg10[%dma_wait3A_227, %dma_wait3A_228] : memref<10240x128xf32, #tpu.memory_space<vmem_shared>> -> memref<10240x128xf32, #tpu.memory_space<vmem_shared>>
        tpu.wait_indirect_dma semaphore(%arg11 : memref<!tpu.dma_semaphore, #tpu.memory_space<semaphore_mem>>) src(%arg9 : memref<128x128xf32, #tpu.memory_space<vmem>>) dst(%dma_wait3A_229 : memref<10240x128xf32, #tpu.memory_space<vmem_shared>>)
        %dma_wait3A_230 = arith.constant 13 : i32
        %dma_wait3A_231 = arith.constant 0 : i32
        %dma_wait3A_232 = tpu.memref_slice %arg8[%dma_wait3A_230, %dma_wait3A_231] : memref<16x128xi32, #tpu.memory_space<vmem>> -> memref<1x128xi32, #tpu.memory_space<vmem>>
        %dma_wait3A_233 = tpu.memref_squeeze %dma_wait3A_232 : memref<1x128xi32, #tpu.memory_space<vmem>> -> memref<128xi32, #tpu.memory_space<vmem>>
        %dma_wait3A_234 = arith.constant 0 : i32
        %dma_wait3A_235 = arith.constant 0 : i32
        %dma_wait3A_236 = tpu.memref_slice %arg10[%dma_wait3A_234, %dma_wait3A_235] : memref<10240x128xf32, #tpu.memory_space<vmem_shared>> -> memref<10240x128xf32, #tpu.memory_space<vmem_shared>>
        tpu.wait_indirect_dma semaphore(%arg11 : memref<!tpu.dma_semaphore, #tpu.memory_space<semaphore_mem>>) src(%arg9 : memref<128x128xf32, #tpu.memory_space<vmem>>) dst(%dma_wait3A_236 : memref<10240x128xf32, #tpu.memory_space<vmem_shared>>)
        %dma_wait3A_237 = arith.constant 14 : i32
        %dma_wait3A_238 = arith.constant 0 : i32
        %dma_wait3A_239 = tpu.memref_slice %arg8[%dma_wait3A_237, %dma_wait3A_238] : memref<16x128xi32, #tpu.memory_space<vmem>> -> memref<1x128xi32, #tpu.memory_space<vmem>>
        %dma_wait3A_240 = tpu.memref_squeeze %dma_wait3A_239 : memref<1x128xi32, #tpu.memory_space<vmem>> -> memref<128xi32, #tpu.memory_space<vmem>>
        %dma_wait3A_241 = arith.constant 0 : i32
        %dma_wait3A_242 = arith.constant 0 : i32
        %dma_wait3A_243 = tpu.memref_slice %arg10[%dma_wait3A_241, %dma_wait3A_242] : memref<10240x128xf32, #tpu.memory_space<vmem_shared>> -> memref<10240x128xf32, #tpu.memory_space<vmem_shared>>
        tpu.wait_indirect_dma semaphore(%arg11 : memref<!tpu.dma_semaphore, #tpu.memory_space<semaphore_mem>>) src(%arg9 : memref<128x128xf32, #tpu.memory_space<vmem>>) dst(%dma_wait3A_243 : memref<10240x128xf32, #tpu.memory_space<vmem_shared>>)
        %dma_wait3A_244 = arith.constant 15 : i32
        %dma_wait3A_245 = arith.constant 0 : i32
        %dma_wait3A_246 = tpu.memref_slice %arg8[%dma_wait3A_244, %dma_wait3A_245] : memref<16x128xi32, #tpu.memory_space<vmem>> -> memref<1x128xi32, #tpu.memory_space<vmem>>
        %dma_wait3A_247 = tpu.memref_squeeze %dma_wait3A_246 : memref<1x128xi32, #tpu.memory_space<vmem>> -> memref<128xi32, #tpu.memory_space<vmem>>
        %dma_wait3A_248 = arith.constant 0 : i32
        %dma_wait3A_249 = arith.constant 0 : i32
        %dma_wait3A_250 = tpu.memref_slice %arg10[%dma_wait3A_248, %dma_wait3A_249] : memref<10240x128xf32, #tpu.memory_space<vmem_shared>> -> memref<10240x128xf32, #tpu.memory_space<vmem_shared>>
        tpu.wait_indirect_dma semaphore(%arg11 : memref<!tpu.dma_semaphore, #tpu.memory_space<semaphore_mem>>) src(%arg9 : memref<128x128xf32, #tpu.memory_space<vmem>>) dst(%dma_wait3A_250 : memref<10240x128xf32, #tpu.memory_space<vmem_shared>>)
      }
      %scan3A_23 = arith.constant 10 : i32
    } else {
    }
    %eq3A_3 = arith.constant 1 : i32
    %eq3A_4 = arith.cmpi eq, %arg0, %eq3A_3 : i32
    %convert_element_type3A_5 = arith.extui %eq3A_4 : i1 to i32
    %cond3A_6 = arith.constant 0 : i32
    %cond3A_7 = arith.cmpi ne, %convert_element_type3A_5, %cond3A_6 : i32
    scf.if %cond3A_7 {
      %scan3A = arith.constant 0 : i32
      %scan3A_19 = arith.constant 0 : i32
      %scan3A_20 = arith.constant 10 : i32
      %scan3A_21 = arith.addi %scan3A_19, %scan3A_20 : i32
      %scan3A_22 = arith.constant 1 : i32
      scf.for %scan3A_24 = %scan3A_19 to %scan3A_21 step %scan3A_22  : i32 {
        %mul3A_25 = arith.constant 10 : i32
        %mul3A_26 = arith.muli %arg1, %mul3A_25 : i32
        %add3A = arith.addi %mul3A_26, %scan3A_24 : i32
        %mul3A_27 = arith.constant 16 : i32
        %mul3A_28 = arith.muli %add3A, %mul3A_27 : i32
        "tpu.region"() ({
          %run_scoped3A = tpu.sem_alloc : memref<!tpu.dma_semaphore, #tpu.memory_space<semaphore_mem>>
          %dma_start3A_251 = arith.constant 0 : i32
          %dma_start3A_252 = tpu.memref_slice %arg3[%mul3A_28, %dma_start3A_251] : memref<2560x128xi32, #tpu.memory_space<hbm>> -> memref<16x128xi32, #tpu.memory_space<hbm>>
          %dma_start3A_253 = arith.constant 0 : i32
          %dma_start3A_254 = tpu.memref_slice %arg3[%mul3A_28, %dma_start3A_253] : memref<2560x128xi32, #tpu.memory_space<hbm>> -> memref<16x128xi32, #tpu.memory_space<hbm>>
          tpu.enqueue_dma source(%dma_start3A_254 : memref<16x128xi32, #tpu.memory_space<hbm>>) target(%arg8 : memref<16x128xi32, #tpu.memory_space<vmem>>) target_semaphore(%run_scoped3A : memref<!tpu.dma_semaphore, #tpu.memory_space<semaphore_mem>>)
          %dma_wait3A_255 = arith.constant 0 : i32
          %dma_wait3A_256 = tpu.memref_slice %arg3[%mul3A_28, %dma_wait3A_255] : memref<2560x128xi32, #tpu.memory_space<hbm>> -> memref<16x128xi32, #tpu.memory_space<hbm>>
          %dma_wait3A_257 = arith.constant 0 : i32
          %dma_wait3A_258 = tpu.memref_slice %arg3[%mul3A_28, %dma_wait3A_257] : memref<2560x128xi32, #tpu.memory_space<hbm>> -> memref<16x128xi32, #tpu.memory_space<hbm>>
          tpu.wait_dma2 semaphore(%run_scoped3A : memref<!tpu.dma_semaphore, #tpu.memory_space<semaphore_mem>>) src(%dma_wait3A_258 : memref<16x128xi32, #tpu.memory_space<hbm>>) dst(%arg8 : memref<16x128xi32, #tpu.memory_space<vmem>>)
          tpu.yield
        }) : () -> ()
        %dma_start3A = arith.constant 0 : i32
        %dma_start3A_29 = arith.constant 0 : i32
        %dma_start3A_30 = tpu.memref_slice %arg8[%dma_start3A, %dma_start3A_29] : memref<16x128xi32, #tpu.memory_space<vmem>> -> memref<1x128xi32, #tpu.memory_space<vmem>>
        %dma_start3A_31 = tpu.memref_squeeze %dma_start3A_30 : memref<1x128xi32, #tpu.memory_space<vmem>> -> memref<128xi32, #tpu.memory_space<vmem>>
        %dma_start3A_32 = arith.constant 0 : i32
        %dma_start3A_33 = arith.constant 0 : i32
        %dma_start3A_34 = tpu.memref_slice %arg10[%dma_start3A_32, %dma_start3A_33] : memref<10240x128xf32, #tpu.memory_space<vmem_shared>> -> memref<10240x128xf32, #tpu.memory_space<vmem_shared>>
        tpu.enqueue_indirect_dma source(%arg9 : memref<128x128xf32, #tpu.memory_space<vmem>>) target(%dma_start3A_34 : memref<10240x128xf32, #tpu.memory_space<vmem_shared>>) offsets(%dma_start3A_31 : memref<128xi32, #tpu.memory_space<vmem>>) semaphore(%arg11 : memref<!tpu.dma_semaphore, #tpu.memory_space<semaphore_mem>>) {add = true}
        %dma_start3A_35 = arith.constant 1 : i32
        %dma_start3A_36 = arith.constant 0 : i32
        %dma_start3A_37 = tpu.memref_slice %arg8[%dma_start3A_35, %dma_start3A_36] : memref<16x128xi32, #tpu.memory_space<vmem>> -> memref<1x128xi32, #tpu.memory_space<vmem>>
        %dma_start3A_38 = tpu.memref_squeeze %dma_start3A_37 : memref<1x128xi32, #tpu.memory_space<vmem>> -> memref<128xi32, #tpu.memory_space<vmem>>
        %dma_start3A_39 = arith.constant 0 : i32
        %dma_start3A_40 = arith.constant 0 : i32
        %dma_start3A_41 = tpu.memref_slice %arg10[%dma_start3A_39, %dma_start3A_40] : memref<10240x128xf32, #tpu.memory_space<vmem_shared>> -> memref<10240x128xf32, #tpu.memory_space<vmem_shared>>
        tpu.enqueue_indirect_dma source(%arg9 : memref<128x128xf32, #tpu.memory_space<vmem>>) target(%dma_start3A_41 : memref<10240x128xf32, #tpu.memory_space<vmem_shared>>) offsets(%dma_start3A_38 : memref<128xi32, #tpu.memory_space<vmem>>) semaphore(%arg11 : memref<!tpu.dma_semaphore, #tpu.memory_space<semaphore_mem>>) {add = true}
        %dma_start3A_42 = arith.constant 2 : i32
        %dma_start3A_43 = arith.constant 0 : i32
        %dma_start3A_44 = tpu.memref_slice %arg8[%dma_start3A_42, %dma_start3A_43] : memref<16x128xi32, #tpu.memory_space<vmem>> -> memref<1x128xi32, #tpu.memory_space<vmem>>
        %dma_start3A_45 = tpu.memref_squeeze %dma_start3A_44 : memref<1x128xi32, #tpu.memory_space<vmem>> -> memref<128xi32, #tpu.memory_space<vmem>>
        %dma_start3A_46 = arith.constant 0 : i32
        %dma_start3A_47 = arith.constant 0 : i32
        %dma_start3A_48 = tpu.memref_slice %arg10[%dma_start3A_46, %dma_start3A_47] : memref<10240x128xf32, #tpu.memory_space<vmem_shared>> -> memref<10240x128xf32, #tpu.memory_space<vmem_shared>>
        tpu.enqueue_indirect_dma source(%arg9 : memref<128x128xf32, #tpu.memory_space<vmem>>) target(%dma_start3A_48 : memref<10240x128xf32, #tpu.memory_space<vmem_shared>>) offsets(%dma_start3A_45 : memref<128xi32, #tpu.memory_space<vmem>>) semaphore(%arg11 : memref<!tpu.dma_semaphore, #tpu.memory_space<semaphore_mem>>) {add = true}
        %dma_start3A_49 = arith.constant 3 : i32
        %dma_start3A_50 = arith.constant 0 : i32
        %dma_start3A_51 = tpu.memref_slice %arg8[%dma_start3A_49, %dma_start3A_50] : memref<16x128xi32, #tpu.memory_space<vmem>> -> memref<1x128xi32, #tpu.memory_space<vmem>>
        %dma_start3A_52 = tpu.memref_squeeze %dma_start3A_51 : memref<1x128xi32, #tpu.memory_space<vmem>> -> memref<128xi32, #tpu.memory_space<vmem>>
        %dma_start3A_53 = arith.constant 0 : i32
        %dma_start3A_54 = arith.constant 0 : i32
        %dma_start3A_55 = tpu.memref_slice %arg10[%dma_start3A_53, %dma_start3A_54] : memref<10240x128xf32, #tpu.memory_space<vmem_shared>> -> memref<10240x128xf32, #tpu.memory_space<vmem_shared>>
        tpu.enqueue_indirect_dma source(%arg9 : memref<128x128xf32, #tpu.memory_space<vmem>>) target(%dma_start3A_55 : memref<10240x128xf32, #tpu.memory_space<vmem_shared>>) offsets(%dma_start3A_52 : memref<128xi32, #tpu.memory_space<vmem>>) semaphore(%arg11 : memref<!tpu.dma_semaphore, #tpu.memory_space<semaphore_mem>>) {add = true}
        %dma_start3A_56 = arith.constant 4 : i32
        %dma_start3A_57 = arith.constant 0 : i32
        %dma_start3A_58 = tpu.memref_slice %arg8[%dma_start3A_56, %dma_start3A_57] : memref<16x128xi32, #tpu.memory_space<vmem>> -> memref<1x128xi32, #tpu.memory_space<vmem>>
        %dma_start3A_59 = tpu.memref_squeeze %dma_start3A_58 : memref<1x128xi32, #tpu.memory_space<vmem>> -> memref<128xi32, #tpu.memory_space<vmem>>
        %dma_start3A_60 = arith.constant 0 : i32
        %dma_start3A_61 = arith.constant 0 : i32
        %dma_start3A_62 = tpu.memref_slice %arg10[%dma_start3A_60, %dma_start3A_61] : memref<10240x128xf32, #tpu.memory_space<vmem_shared>> -> memref<10240x128xf32, #tpu.memory_space<vmem_shared>>
        tpu.enqueue_indirect_dma source(%arg9 : memref<128x128xf32, #tpu.memory_space<vmem>>) target(%dma_start3A_62 : memref<10240x128xf32, #tpu.memory_space<vmem_shared>>) offsets(%dma_start3A_59 : memref<128xi32, #tpu.memory_space<vmem>>) semaphore(%arg11 : memref<!tpu.dma_semaphore, #tpu.memory_space<semaphore_mem>>) {add = true}
        %dma_start3A_63 = arith.constant 5 : i32
        %dma_start3A_64 = arith.constant 0 : i32
        %dma_start3A_65 = tpu.memref_slice %arg8[%dma_start3A_63, %dma_start3A_64] : memref<16x128xi32, #tpu.memory_space<vmem>> -> memref<1x128xi32, #tpu.memory_space<vmem>>
        %dma_start3A_66 = tpu.memref_squeeze %dma_start3A_65 : memref<1x128xi32, #tpu.memory_space<vmem>> -> memref<128xi32, #tpu.memory_space<vmem>>
        %dma_start3A_67 = arith.constant 0 : i32
        %dma_start3A_68 = arith.constant 0 : i32
        %dma_start3A_69 = tpu.memref_slice %arg10[%dma_start3A_67, %dma_start3A_68] : memref<10240x128xf32, #tpu.memory_space<vmem_shared>> -> memref<10240x128xf32, #tpu.memory_space<vmem_shared>>
        tpu.enqueue_indirect_dma source(%arg9 : memref<128x128xf32, #tpu.memory_space<vmem>>) target(%dma_start3A_69 : memref<10240x128xf32, #tpu.memory_space<vmem_shared>>) offsets(%dma_start3A_66 : memref<128xi32, #tpu.memory_space<vmem>>) semaphore(%arg11 : memref<!tpu.dma_semaphore, #tpu.memory_space<semaphore_mem>>) {add = true}
        %dma_start3A_70 = arith.constant 6 : i32
        %dma_start3A_71 = arith.constant 0 : i32
        %dma_start3A_72 = tpu.memref_slice %arg8[%dma_start3A_70, %dma_start3A_71] : memref<16x128xi32, #tpu.memory_space<vmem>> -> memref<1x128xi32, #tpu.memory_space<vmem>>
        %dma_start3A_73 = tpu.memref_squeeze %dma_start3A_72 : memref<1x128xi32, #tpu.memory_space<vmem>> -> memref<128xi32, #tpu.memory_space<vmem>>
        %dma_start3A_74 = arith.constant 0 : i32
        %dma_start3A_75 = arith.constant 0 : i32
        %dma_start3A_76 = tpu.memref_slice %arg10[%dma_start3A_74, %dma_start3A_75] : memref<10240x128xf32, #tpu.memory_space<vmem_shared>> -> memref<10240x128xf32, #tpu.memory_space<vmem_shared>>
        tpu.enqueue_indirect_dma source(%arg9 : memref<128x128xf32, #tpu.memory_space<vmem>>) target(%dma_start3A_76 : memref<10240x128xf32, #tpu.memory_space<vmem_shared>>) offsets(%dma_start3A_73 : memref<128xi32, #tpu.memory_space<vmem>>) semaphore(%arg11 : memref<!tpu.dma_semaphore, #tpu.memory_space<semaphore_mem>>) {add = true}
        %dma_start3A_77 = arith.constant 7 : i32
        %dma_start3A_78 = arith.constant 0 : i32
        %dma_start3A_79 = tpu.memref_slice %arg8[%dma_start3A_77, %dma_start3A_78] : memref<16x128xi32, #tpu.memory_space<vmem>> -> memref<1x128xi32, #tpu.memory_space<vmem>>
        %dma_start3A_80 = tpu.memref_squeeze %dma_start3A_79 : memref<1x128xi32, #tpu.memory_space<vmem>> -> memref<128xi32, #tpu.memory_space<vmem>>
        %dma_start3A_81 = arith.constant 0 : i32
        %dma_start3A_82 = arith.constant 0 : i32
        %dma_start3A_83 = tpu.memref_slice %arg10[%dma_start3A_81, %dma_start3A_82] : memref<10240x128xf32, #tpu.memory_space<vmem_shared>> -> memref<10240x128xf32, #tpu.memory_space<vmem_shared>>
        tpu.enqueue_indirect_dma source(%arg9 : memref<128x128xf32, #tpu.memory_space<vmem>>) target(%dma_start3A_83 : memref<10240x128xf32, #tpu.memory_space<vmem_shared>>) offsets(%dma_start3A_80 : memref<128xi32, #tpu.memory_space<vmem>>) semaphore(%arg11 : memref<!tpu.dma_semaphore, #tpu.memory_space<semaphore_mem>>) {add = true}
        %dma_start3A_84 = arith.constant 8 : i32
        %dma_start3A_85 = arith.constant 0 : i32
        %dma_start3A_86 = tpu.memref_slice %arg8[%dma_start3A_84, %dma_start3A_85] : memref<16x128xi32, #tpu.memory_space<vmem>> -> memref<1x128xi32, #tpu.memory_space<vmem>>
        %dma_start3A_87 = tpu.memref_squeeze %dma_start3A_86 : memref<1x128xi32, #tpu.memory_space<vmem>> -> memref<128xi32, #tpu.memory_space<vmem>>
        %dma_start3A_88 = arith.constant 0 : i32
        %dma_start3A_89 = arith.constant 0 : i32
        %dma_start3A_90 = tpu.memref_slice %arg10[%dma_start3A_88, %dma_start3A_89] : memref<10240x128xf32, #tpu.memory_space<vmem_shared>> -> memref<10240x128xf32, #tpu.memory_space<vmem_shared>>
        tpu.enqueue_indirect_dma source(%arg9 : memref<128x128xf32, #tpu.memory_space<vmem>>) target(%dma_start3A_90 : memref<10240x128xf32, #tpu.memory_space<vmem_shared>>) offsets(%dma_start3A_87 : memref<128xi32, #tpu.memory_space<vmem>>) semaphore(%arg11 : memref<!tpu.dma_semaphore, #tpu.memory_space<semaphore_mem>>) {add = true}
        %dma_start3A_91 = arith.constant 9 : i32
        %dma_start3A_92 = arith.constant 0 : i32
        %dma_start3A_93 = tpu.memref_slice %arg8[%dma_start3A_91, %dma_start3A_92] : memref<16x128xi32, #tpu.memory_space<vmem>> -> memref<1x128xi32, #tpu.memory_space<vmem>>
        %dma_start3A_94 = tpu.memref_squeeze %dma_start3A_93 : memref<1x128xi32, #tpu.memory_space<vmem>> -> memref<128xi32, #tpu.memory_space<vmem>>
        %dma_start3A_95 = arith.constant 0 : i32
        %dma_start3A_96 = arith.constant 0 : i32
        %dma_start3A_97 = tpu.memref_slice %arg10[%dma_start3A_95, %dma_start3A_96] : memref<10240x128xf32, #tpu.memory_space<vmem_shared>> -> memref<10240x128xf32, #tpu.memory_space<vmem_shared>>
        tpu.enqueue_indirect_dma source(%arg9 : memref<128x128xf32, #tpu.memory_space<vmem>>) target(%dma_start3A_97 : memref<10240x128xf32, #tpu.memory_space<vmem_shared>>) offsets(%dma_start3A_94 : memref<128xi32, #tpu.memory_space<vmem>>) semaphore(%arg11 : memref<!tpu.dma_semaphore, #tpu.memory_space<semaphore_mem>>) {add = true}
        %dma_start3A_98 = arith.constant 10 : i32
        %dma_start3A_99 = arith.constant 0 : i32
        %dma_start3A_100 = tpu.memref_slice %arg8[%dma_start3A_98, %dma_start3A_99] : memref<16x128xi32, #tpu.memory_space<vmem>> -> memref<1x128xi32, #tpu.memory_space<vmem>>
        %dma_start3A_101 = tpu.memref_squeeze %dma_start3A_100 : memref<1x128xi32, #tpu.memory_space<vmem>> -> memref<128xi32, #tpu.memory_space<vmem>>
        %dma_start3A_102 = arith.constant 0 : i32
        %dma_start3A_103 = arith.constant 0 : i32
        %dma_start3A_104 = tpu.memref_slice %arg10[%dma_start3A_102, %dma_start3A_103] : memref<10240x128xf32, #tpu.memory_space<vmem_shared>> -> memref<10240x128xf32, #tpu.memory_space<vmem_shared>>
        tpu.enqueue_indirect_dma source(%arg9 : memref<128x128xf32, #tpu.memory_space<vmem>>) target(%dma_start3A_104 : memref<10240x128xf32, #tpu.memory_space<vmem_shared>>) offsets(%dma_start3A_101 : memref<128xi32, #tpu.memory_space<vmem>>) semaphore(%arg11 : memref<!tpu.dma_semaphore, #tpu.memory_space<semaphore_mem>>) {add = true}
        %dma_start3A_105 = arith.constant 11 : i32
        %dma_start3A_106 = arith.constant 0 : i32
        %dma_start3A_107 = tpu.memref_slice %arg8[%dma_start3A_105, %dma_start3A_106] : memref<16x128xi32, #tpu.memory_space<vmem>> -> memref<1x128xi32, #tpu.memory_space<vmem>>
        %dma_start3A_108 = tpu.memref_squeeze %dma_start3A_107 : memref<1x128xi32, #tpu.memory_space<vmem>> -> memref<128xi32, #tpu.memory_space<vmem>>
        %dma_start3A_109 = arith.constant 0 : i32
        %dma_start3A_110 = arith.constant 0 : i32
        %dma_start3A_111 = tpu.memref_slice %arg10[%dma_start3A_109, %dma_start3A_110] : memref<10240x128xf32, #tpu.memory_space<vmem_shared>> -> memref<10240x128xf32, #tpu.memory_space<vmem_shared>>
        tpu.enqueue_indirect_dma source(%arg9 : memref<128x128xf32, #tpu.memory_space<vmem>>) target(%dma_start3A_111 : memref<10240x128xf32, #tpu.memory_space<vmem_shared>>) offsets(%dma_start3A_108 : memref<128xi32, #tpu.memory_space<vmem>>) semaphore(%arg11 : memref<!tpu.dma_semaphore, #tpu.memory_space<semaphore_mem>>) {add = true}
        %dma_start3A_112 = arith.constant 12 : i32
        %dma_start3A_113 = arith.constant 0 : i32
        %dma_start3A_114 = tpu.memref_slice %arg8[%dma_start3A_112, %dma_start3A_113] : memref<16x128xi32, #tpu.memory_space<vmem>> -> memref<1x128xi32, #tpu.memory_space<vmem>>
        %dma_start3A_115 = tpu.memref_squeeze %dma_start3A_114 : memref<1x128xi32, #tpu.memory_space<vmem>> -> memref<128xi32, #tpu.memory_space<vmem>>
        %dma_start3A_116 = arith.constant 0 : i32
        %dma_start3A_117 = arith.constant 0 : i32
        %dma_start3A_118 = tpu.memref_slice %arg10[%dma_start3A_116, %dma_start3A_117] : memref<10240x128xf32, #tpu.memory_space<vmem_shared>> -> memref<10240x128xf32, #tpu.memory_space<vmem_shared>>
        tpu.enqueue_indirect_dma source(%arg9 : memref<128x128xf32, #tpu.memory_space<vmem>>) target(%dma_start3A_118 : memref<10240x128xf32, #tpu.memory_space<vmem_shared>>) offsets(%dma_start3A_115 : memref<128xi32, #tpu.memory_space<vmem>>) semaphore(%arg11 : memref<!tpu.dma_semaphore, #tpu.memory_space<semaphore_mem>>) {add = true}
        %dma_start3A_119 = arith.constant 13 : i32
        %dma_start3A_120 = arith.constant 0 : i32
        %dma_start3A_121 = tpu.memref_slice %arg8[%dma_start3A_119, %dma_start3A_120] : memref<16x128xi32, #tpu.memory_space<vmem>> -> memref<1x128xi32, #tpu.memory_space<vmem>>
        %dma_start3A_122 = tpu.memref_squeeze %dma_start3A_121 : memref<1x128xi32, #tpu.memory_space<vmem>> -> memref<128xi32, #tpu.memory_space<vmem>>
        %dma_start3A_123 = arith.constant 0 : i32
        %dma_start3A_124 = arith.constant 0 : i32
        %dma_start3A_125 = tpu.memref_slice %arg10[%dma_start3A_123, %dma_start3A_124] : memref<10240x128xf32, #tpu.memory_space<vmem_shared>> -> memref<10240x128xf32, #tpu.memory_space<vmem_shared>>
        tpu.enqueue_indirect_dma source(%arg9 : memref<128x128xf32, #tpu.memory_space<vmem>>) target(%dma_start3A_125 : memref<10240x128xf32, #tpu.memory_space<vmem_shared>>) offsets(%dma_start3A_122 : memref<128xi32, #tpu.memory_space<vmem>>) semaphore(%arg11 : memref<!tpu.dma_semaphore, #tpu.memory_space<semaphore_mem>>) {add = true}
        %dma_start3A_126 = arith.constant 14 : i32
        %dma_start3A_127 = arith.constant 0 : i32
        %dma_start3A_128 = tpu.memref_slice %arg8[%dma_start3A_126, %dma_start3A_127] : memref<16x128xi32, #tpu.memory_space<vmem>> -> memref<1x128xi32, #tpu.memory_space<vmem>>
        %dma_start3A_129 = tpu.memref_squeeze %dma_start3A_128 : memref<1x128xi32, #tpu.memory_space<vmem>> -> memref<128xi32, #tpu.memory_space<vmem>>
        %dma_start3A_130 = arith.constant 0 : i32
        %dma_start3A_131 = arith.constant 0 : i32
        %dma_start3A_132 = tpu.memref_slice %arg10[%dma_start3A_130, %dma_start3A_131] : memref<10240x128xf32, #tpu.memory_space<vmem_shared>> -> memref<10240x128xf32, #tpu.memory_space<vmem_shared>>
        tpu.enqueue_indirect_dma source(%arg9 : memref<128x128xf32, #tpu.memory_space<vmem>>) target(%dma_start3A_132 : memref<10240x128xf32, #tpu.memory_space<vmem_shared>>) offsets(%dma_start3A_129 : memref<128xi32, #tpu.memory_space<vmem>>) semaphore(%arg11 : memref<!tpu.dma_semaphore, #tpu.memory_space<semaphore_mem>>) {add = true}
        %dma_start3A_133 = arith.constant 15 : i32
        %dma_start3A_134 = arith.constant 0 : i32
        %dma_start3A_135 = tpu.memref_slice %arg8[%dma_start3A_133, %dma_start3A_134] : memref<16x128xi32, #tpu.memory_space<vmem>> -> memref<1x128xi32, #tpu.memory_space<vmem>>
        %dma_start3A_136 = tpu.memref_squeeze %dma_start3A_135 : memref<1x128xi32, #tpu.memory_space<vmem>> -> memref<128xi32, #tpu.memory_space<vmem>>
        %dma_start3A_137 = arith.constant 0 : i32
        %dma_start3A_138 = arith.constant 0 : i32
        %dma_start3A_139 = tpu.memref_slice %arg10[%dma_start3A_137, %dma_start3A_138] : memref<10240x128xf32, #tpu.memory_space<vmem_shared>> -> memref<10240x128xf32, #tpu.memory_space<vmem_shared>>
        tpu.enqueue_indirect_dma source(%arg9 : memref<128x128xf32, #tpu.memory_space<vmem>>) target(%dma_start3A_139 : memref<10240x128xf32, #tpu.memory_space<vmem_shared>>) offsets(%dma_start3A_136 : memref<128xi32, #tpu.memory_space<vmem>>) semaphore(%arg11 : memref<!tpu.dma_semaphore, #tpu.memory_space<semaphore_mem>>) {add = true}
        %dma_wait3A = arith.constant 0 : i32
        %dma_wait3A_140 = arith.constant 0 : i32
        %dma_wait3A_141 = tpu.memref_slice %arg8[%dma_wait3A, %dma_wait3A_140] : memref<16x128xi32, #tpu.memory_space<vmem>> -> memref<1x128xi32, #tpu.memory_space<vmem>>
        %dma_wait3A_142 = tpu.memref_squeeze %dma_wait3A_141 : memref<1x128xi32, #tpu.memory_space<vmem>> -> memref<128xi32, #tpu.memory_space<vmem>>
        %dma_wait3A_143 = arith.constant 0 : i32
        %dma_wait3A_144 = arith.constant 0 : i32
        %dma_wait3A_145 = tpu.memref_slice %arg10[%dma_wait3A_143, %dma_wait3A_144] : memref<10240x128xf32, #tpu.memory_space<vmem_shared>> -> memref<10240x128xf32, #tpu.memory_space<vmem_shared>>
        tpu.wait_indirect_dma semaphore(%arg11 : memref<!tpu.dma_semaphore, #tpu.memory_space<semaphore_mem>>) src(%arg9 : memref<128x128xf32, #tpu.memory_space<vmem>>) dst(%dma_wait3A_145 : memref<10240x128xf32, #tpu.memory_space<vmem_shared>>)
        %dma_wait3A_146 = arith.constant 1 : i32
        %dma_wait3A_147 = arith.constant 0 : i32
        %dma_wait3A_148 = tpu.memref_slice %arg8[%dma_wait3A_146, %dma_wait3A_147] : memref<16x128xi32, #tpu.memory_space<vmem>> -> memref<1x128xi32, #tpu.memory_space<vmem>>
        %dma_wait3A_149 = tpu.memref_squeeze %dma_wait3A_148 : memref<1x128xi32, #tpu.memory_space<vmem>> -> memref<128xi32, #tpu.memory_space<vmem>>
        %dma_wait3A_150 = arith.constant 0 : i32
        %dma_wait3A_151 = arith.constant 0 : i32
        %dma_wait3A_152 = tpu.memref_slice %arg10[%dma_wait3A_150, %dma_wait3A_151] : memref<10240x128xf32, #tpu.memory_space<vmem_shared>> -> memref<10240x128xf32, #tpu.memory_space<vmem_shared>>
        tpu.wait_indirect_dma semaphore(%arg11 : memref<!tpu.dma_semaphore, #tpu.memory_space<semaphore_mem>>) src(%arg9 : memref<128x128xf32, #tpu.memory_space<vmem>>) dst(%dma_wait3A_152 : memref<10240x128xf32, #tpu.memory_space<vmem_shared>>)
        %dma_wait3A_153 = arith.constant 2 : i32
        %dma_wait3A_154 = arith.constant 0 : i32
        %dma_wait3A_155 = tpu.memref_slice %arg8[%dma_wait3A_153, %dma_wait3A_154] : memref<16x128xi32, #tpu.memory_space<vmem>> -> memref<1x128xi32, #tpu.memory_space<vmem>>
        %dma_wait3A_156 = tpu.memref_squeeze %dma_wait3A_155 : memref<1x128xi32, #tpu.memory_space<vmem>> -> memref<128xi32, #tpu.memory_space<vmem>>
        %dma_wait3A_157 = arith.constant 0 : i32
        %dma_wait3A_158 = arith.constant 0 : i32
        %dma_wait3A_159 = tpu.memref_slice %arg10[%dma_wait3A_157, %dma_wait3A_158] : memref<10240x128xf32, #tpu.memory_space<vmem_shared>> -> memref<10240x128xf32, #tpu.memory_space<vmem_shared>>
        tpu.wait_indirect_dma semaphore(%arg11 : memref<!tpu.dma_semaphore, #tpu.memory_space<semaphore_mem>>) src(%arg9 : memref<128x128xf32, #tpu.memory_space<vmem>>) dst(%dma_wait3A_159 : memref<10240x128xf32, #tpu.memory_space<vmem_shared>>)
        %dma_wait3A_160 = arith.constant 3 : i32
        %dma_wait3A_161 = arith.constant 0 : i32
        %dma_wait3A_162 = tpu.memref_slice %arg8[%dma_wait3A_160, %dma_wait3A_161] : memref<16x128xi32, #tpu.memory_space<vmem>> -> memref<1x128xi32, #tpu.memory_space<vmem>>
        %dma_wait3A_163 = tpu.memref_squeeze %dma_wait3A_162 : memref<1x128xi32, #tpu.memory_space<vmem>> -> memref<128xi32, #tpu.memory_space<vmem>>
        %dma_wait3A_164 = arith.constant 0 : i32
        %dma_wait3A_165 = arith.constant 0 : i32
        %dma_wait3A_166 = tpu.memref_slice %arg10[%dma_wait3A_164, %dma_wait3A_165] : memref<10240x128xf32, #tpu.memory_space<vmem_shared>> -> memref<10240x128xf32, #tpu.memory_space<vmem_shared>>
        tpu.wait_indirect_dma semaphore(%arg11 : memref<!tpu.dma_semaphore, #tpu.memory_space<semaphore_mem>>) src(%arg9 : memref<128x128xf32, #tpu.memory_space<vmem>>) dst(%dma_wait3A_166 : memref<10240x128xf32, #tpu.memory_space<vmem_shared>>)
        %dma_wait3A_167 = arith.constant 4 : i32
        %dma_wait3A_168 = arith.constant 0 : i32
        %dma_wait3A_169 = tpu.memref_slice %arg8[%dma_wait3A_167, %dma_wait3A_168] : memref<16x128xi32, #tpu.memory_space<vmem>> -> memref<1x128xi32, #tpu.memory_space<vmem>>
        %dma_wait3A_170 = tpu.memref_squeeze %dma_wait3A_169 : memref<1x128xi32, #tpu.memory_space<vmem>> -> memref<128xi32, #tpu.memory_space<vmem>>
        %dma_wait3A_171 = arith.constant 0 : i32
        %dma_wait3A_172 = arith.constant 0 : i32
        %dma_wait3A_173 = tpu.memref_slice %arg10[%dma_wait3A_171, %dma_wait3A_172] : memref<10240x128xf32, #tpu.memory_space<vmem_shared>> -> memref<10240x128xf32, #tpu.memory_space<vmem_shared>>
        tpu.wait_indirect_dma semaphore(%arg11 : memref<!tpu.dma_semaphore, #tpu.memory_space<semaphore_mem>>) src(%arg9 : memref<128x128xf32, #tpu.memory_space<vmem>>) dst(%dma_wait3A_173 : memref<10240x128xf32, #tpu.memory_space<vmem_shared>>)
        %dma_wait3A_174 = arith.constant 5 : i32
        %dma_wait3A_175 = arith.constant 0 : i32
        %dma_wait3A_176 = tpu.memref_slice %arg8[%dma_wait3A_174, %dma_wait3A_175] : memref<16x128xi32, #tpu.memory_space<vmem>> -> memref<1x128xi32, #tpu.memory_space<vmem>>
        %dma_wait3A_177 = tpu.memref_squeeze %dma_wait3A_176 : memref<1x128xi32, #tpu.memory_space<vmem>> -> memref<128xi32, #tpu.memory_space<vmem>>
        %dma_wait3A_178 = arith.constant 0 : i32
        %dma_wait3A_179 = arith.constant 0 : i32
        %dma_wait3A_180 = tpu.memref_slice %arg10[%dma_wait3A_178, %dma_wait3A_179] : memref<10240x128xf32, #tpu.memory_space<vmem_shared>> -> memref<10240x128xf32, #tpu.memory_space<vmem_shared>>
        tpu.wait_indirect_dma semaphore(%arg11 : memref<!tpu.dma_semaphore, #tpu.memory_space<semaphore_mem>>) src(%arg9 : memref<128x128xf32, #tpu.memory_space<vmem>>) dst(%dma_wait3A_180 : memref<10240x128xf32, #tpu.memory_space<vmem_shared>>)
        %dma_wait3A_181 = arith.constant 6 : i32
        %dma_wait3A_182 = arith.constant 0 : i32
        %dma_wait3A_183 = tpu.memref_slice %arg8[%dma_wait3A_181, %dma_wait3A_182] : memref<16x128xi32, #tpu.memory_space<vmem>> -> memref<1x128xi32, #tpu.memory_space<vmem>>
        %dma_wait3A_184 = tpu.memref_squeeze %dma_wait3A_183 : memref<1x128xi32, #tpu.memory_space<vmem>> -> memref<128xi32, #tpu.memory_space<vmem>>
        %dma_wait3A_185 = arith.constant 0 : i32
        %dma_wait3A_186 = arith.constant 0 : i32
        %dma_wait3A_187 = tpu.memref_slice %arg10[%dma_wait3A_185, %dma_wait3A_186] : memref<10240x128xf32, #tpu.memory_space<vmem_shared>> -> memref<10240x128xf32, #tpu.memory_space<vmem_shared>>
        tpu.wait_indirect_dma semaphore(%arg11 : memref<!tpu.dma_semaphore, #tpu.memory_space<semaphore_mem>>) src(%arg9 : memref<128x128xf32, #tpu.memory_space<vmem>>) dst(%dma_wait3A_187 : memref<10240x128xf32, #tpu.memory_space<vmem_shared>>)
        %dma_wait3A_188 = arith.constant 7 : i32
        %dma_wait3A_189 = arith.constant 0 : i32
        %dma_wait3A_190 = tpu.memref_slice %arg8[%dma_wait3A_188, %dma_wait3A_189] : memref<16x128xi32, #tpu.memory_space<vmem>> -> memref<1x128xi32, #tpu.memory_space<vmem>>
        %dma_wait3A_191 = tpu.memref_squeeze %dma_wait3A_190 : memref<1x128xi32, #tpu.memory_space<vmem>> -> memref<128xi32, #tpu.memory_space<vmem>>
        %dma_wait3A_192 = arith.constant 0 : i32
        %dma_wait3A_193 = arith.constant 0 : i32
        %dma_wait3A_194 = tpu.memref_slice %arg10[%dma_wait3A_192, %dma_wait3A_193] : memref<10240x128xf32, #tpu.memory_space<vmem_shared>> -> memref<10240x128xf32, #tpu.memory_space<vmem_shared>>
        tpu.wait_indirect_dma semaphore(%arg11 : memref<!tpu.dma_semaphore, #tpu.memory_space<semaphore_mem>>) src(%arg9 : memref<128x128xf32, #tpu.memory_space<vmem>>) dst(%dma_wait3A_194 : memref<10240x128xf32, #tpu.memory_space<vmem_shared>>)
        %dma_wait3A_195 = arith.constant 8 : i32
        %dma_wait3A_196 = arith.constant 0 : i32
        %dma_wait3A_197 = tpu.memref_slice %arg8[%dma_wait3A_195, %dma_wait3A_196] : memref<16x128xi32, #tpu.memory_space<vmem>> -> memref<1x128xi32, #tpu.memory_space<vmem>>
        %dma_wait3A_198 = tpu.memref_squeeze %dma_wait3A_197 : memref<1x128xi32, #tpu.memory_space<vmem>> -> memref<128xi32, #tpu.memory_space<vmem>>
        %dma_wait3A_199 = arith.constant 0 : i32
        %dma_wait3A_200 = arith.constant 0 : i32
        %dma_wait3A_201 = tpu.memref_slice %arg10[%dma_wait3A_199, %dma_wait3A_200] : memref<10240x128xf32, #tpu.memory_space<vmem_shared>> -> memref<10240x128xf32, #tpu.memory_space<vmem_shared>>
        tpu.wait_indirect_dma semaphore(%arg11 : memref<!tpu.dma_semaphore, #tpu.memory_space<semaphore_mem>>) src(%arg9 : memref<128x128xf32, #tpu.memory_space<vmem>>) dst(%dma_wait3A_201 : memref<10240x128xf32, #tpu.memory_space<vmem_shared>>)
        %dma_wait3A_202 = arith.constant 9 : i32
        %dma_wait3A_203 = arith.constant 0 : i32
        %dma_wait3A_204 = tpu.memref_slice %arg8[%dma_wait3A_202, %dma_wait3A_203] : memref<16x128xi32, #tpu.memory_space<vmem>> -> memref<1x128xi32, #tpu.memory_space<vmem>>
        %dma_wait3A_205 = tpu.memref_squeeze %dma_wait3A_204 : memref<1x128xi32, #tpu.memory_space<vmem>> -> memref<128xi32, #tpu.memory_space<vmem>>
        %dma_wait3A_206 = arith.constant 0 : i32
        %dma_wait3A_207 = arith.constant 0 : i32
        %dma_wait3A_208 = tpu.memref_slice %arg10[%dma_wait3A_206, %dma_wait3A_207] : memref<10240x128xf32, #tpu.memory_space<vmem_shared>> -> memref<10240x128xf32, #tpu.memory_space<vmem_shared>>
        tpu.wait_indirect_dma semaphore(%arg11 : memref<!tpu.dma_semaphore, #tpu.memory_space<semaphore_mem>>) src(%arg9 : memref<128x128xf32, #tpu.memory_space<vmem>>) dst(%dma_wait3A_208 : memref<10240x128xf32, #tpu.memory_space<vmem_shared>>)
        %dma_wait3A_209 = arith.constant 10 : i32
        %dma_wait3A_210 = arith.constant 0 : i32
        %dma_wait3A_211 = tpu.memref_slice %arg8[%dma_wait3A_209, %dma_wait3A_210] : memref<16x128xi32, #tpu.memory_space<vmem>> -> memref<1x128xi32, #tpu.memory_space<vmem>>
        %dma_wait3A_212 = tpu.memref_squeeze %dma_wait3A_211 : memref<1x128xi32, #tpu.memory_space<vmem>> -> memref<128xi32, #tpu.memory_space<vmem>>
        %dma_wait3A_213 = arith.constant 0 : i32
        %dma_wait3A_214 = arith.constant 0 : i32
        %dma_wait3A_215 = tpu.memref_slice %arg10[%dma_wait3A_213, %dma_wait3A_214] : memref<10240x128xf32, #tpu.memory_space<vmem_shared>> -> memref<10240x128xf32, #tpu.memory_space<vmem_shared>>
        tpu.wait_indirect_dma semaphore(%arg11 : memref<!tpu.dma_semaphore, #tpu.memory_space<semaphore_mem>>) src(%arg9 : memref<128x128xf32, #tpu.memory_space<vmem>>) dst(%dma_wait3A_215 : memref<10240x128xf32, #tpu.memory_space<vmem_shared>>)
        %dma_wait3A_216 = arith.constant 11 : i32
        %dma_wait3A_217 = arith.constant 0 : i32
        %dma_wait3A_218 = tpu.memref_slice %arg8[%dma_wait3A_216, %dma_wait3A_217] : memref<16x128xi32, #tpu.memory_space<vmem>> -> memref<1x128xi32, #tpu.memory_space<vmem>>
        %dma_wait3A_219 = tpu.memref_squeeze %dma_wait3A_218 : memref<1x128xi32, #tpu.memory_space<vmem>> -> memref<128xi32, #tpu.memory_space<vmem>>
        %dma_wait3A_220 = arith.constant 0 : i32
        %dma_wait3A_221 = arith.constant 0 : i32
        %dma_wait3A_222 = tpu.memref_slice %arg10[%dma_wait3A_220, %dma_wait3A_221] : memref<10240x128xf32, #tpu.memory_space<vmem_shared>> -> memref<10240x128xf32, #tpu.memory_space<vmem_shared>>
        tpu.wait_indirect_dma semaphore(%arg11 : memref<!tpu.dma_semaphore, #tpu.memory_space<semaphore_mem>>) src(%arg9 : memref<128x128xf32, #tpu.memory_space<vmem>>) dst(%dma_wait3A_222 : memref<10240x128xf32, #tpu.memory_space<vmem_shared>>)
        %dma_wait3A_223 = arith.constant 12 : i32
        %dma_wait3A_224 = arith.constant 0 : i32
        %dma_wait3A_225 = tpu.memref_slice %arg8[%dma_wait3A_223, %dma_wait3A_224] : memref<16x128xi32, #tpu.memory_space<vmem>> -> memref<1x128xi32, #tpu.memory_space<vmem>>
        %dma_wait3A_226 = tpu.memref_squeeze %dma_wait3A_225 : memref<1x128xi32, #tpu.memory_space<vmem>> -> memref<128xi32, #tpu.memory_space<vmem>>
        %dma_wait3A_227 = arith.constant 0 : i32
        %dma_wait3A_228 = arith.constant 0 : i32
        %dma_wait3A_229 = tpu.memref_slice %arg10[%dma_wait3A_227, %dma_wait3A_228] : memref<10240x128xf32, #tpu.memory_space<vmem_shared>> -> memref<10240x128xf32, #tpu.memory_space<vmem_shared>>
        tpu.wait_indirect_dma semaphore(%arg11 : memref<!tpu.dma_semaphore, #tpu.memory_space<semaphore_mem>>) src(%arg9 : memref<128x128xf32, #tpu.memory_space<vmem>>) dst(%dma_wait3A_229 : memref<10240x128xf32, #tpu.memory_space<vmem_shared>>)
        %dma_wait3A_230 = arith.constant 13 : i32
        %dma_wait3A_231 = arith.constant 0 : i32
        %dma_wait3A_232 = tpu.memref_slice %arg8[%dma_wait3A_230, %dma_wait3A_231] : memref<16x128xi32, #tpu.memory_space<vmem>> -> memref<1x128xi32, #tpu.memory_space<vmem>>
        %dma_wait3A_233 = tpu.memref_squeeze %dma_wait3A_232 : memref<1x128xi32, #tpu.memory_space<vmem>> -> memref<128xi32, #tpu.memory_space<vmem>>
        %dma_wait3A_234 = arith.constant 0 : i32
        %dma_wait3A_235 = arith.constant 0 : i32
        %dma_wait3A_236 = tpu.memref_slice %arg10[%dma_wait3A_234, %dma_wait3A_235] : memref<10240x128xf32, #tpu.memory_space<vmem_shared>> -> memref<10240x128xf32, #tpu.memory_space<vmem_shared>>
        tpu.wait_indirect_dma semaphore(%arg11 : memref<!tpu.dma_semaphore, #tpu.memory_space<semaphore_mem>>) src(%arg9 : memref<128x128xf32, #tpu.memory_space<vmem>>) dst(%dma_wait3A_236 : memref<10240x128xf32, #tpu.memory_space<vmem_shared>>)
        %dma_wait3A_237 = arith.constant 14 : i32
        %dma_wait3A_238 = arith.constant 0 : i32
        %dma_wait3A_239 = tpu.memref_slice %arg8[%dma_wait3A_237, %dma_wait3A_238] : memref<16x128xi32, #tpu.memory_space<vmem>> -> memref<1x128xi32, #tpu.memory_space<vmem>>
        %dma_wait3A_240 = tpu.memref_squeeze %dma_wait3A_239 : memref<1x128xi32, #tpu.memory_space<vmem>> -> memref<128xi32, #tpu.memory_space<vmem>>
        %dma_wait3A_241 = arith.constant 0 : i32
        %dma_wait3A_242 = arith.constant 0 : i32
        %dma_wait3A_243 = tpu.memref_slice %arg10[%dma_wait3A_241, %dma_wait3A_242] : memref<10240x128xf32, #tpu.memory_space<vmem_shared>> -> memref<10240x128xf32, #tpu.memory_space<vmem_shared>>
        tpu.wait_indirect_dma semaphore(%arg11 : memref<!tpu.dma_semaphore, #tpu.memory_space<semaphore_mem>>) src(%arg9 : memref<128x128xf32, #tpu.memory_space<vmem>>) dst(%dma_wait3A_243 : memref<10240x128xf32, #tpu.memory_space<vmem_shared>>)
        %dma_wait3A_244 = arith.constant 15 : i32
        %dma_wait3A_245 = arith.constant 0 : i32
        %dma_wait3A_246 = tpu.memref_slice %arg8[%dma_wait3A_244, %dma_wait3A_245] : memref<16x128xi32, #tpu.memory_space<vmem>> -> memref<1x128xi32, #tpu.memory_space<vmem>>
        %dma_wait3A_247 = tpu.memref_squeeze %dma_wait3A_246 : memref<1x128xi32, #tpu.memory_space<vmem>> -> memref<128xi32, #tpu.memory_space<vmem>>
        %dma_wait3A_248 = arith.constant 0 : i32
        %dma_wait3A_249 = arith.constant 0 : i32
        %dma_wait3A_250 = tpu.memref_slice %arg10[%dma_wait3A_248, %dma_wait3A_249] : memref<10240x128xf32, #tpu.memory_space<vmem_shared>> -> memref<10240x128xf32, #tpu.memory_space<vmem_shared>>
        tpu.wait_indirect_dma semaphore(%arg11 : memref<!tpu.dma_semaphore, #tpu.memory_space<semaphore_mem>>) src(%arg9 : memref<128x128xf32, #tpu.memory_space<vmem>>) dst(%dma_wait3A_250 : memref<10240x128xf32, #tpu.memory_space<vmem_shared>>)
      }
      %scan3A_23 = arith.constant 10 : i32
    } else {
    }
    %barrier3A_8 = arith.constant 0 : index
    tpu.barrier barrier_id(%barrier3A_8)
    %eq3A_9 = arith.constant 0 : i32
    %eq3A_10 = arith.cmpi eq, %arg0, %eq3A_9 : i32
    %convert_element_type3A_11 = arith.extui %eq3A_10 : i1 to i32
    %cond3A_12 = arith.constant 0 : i32
    %cond3A_13 = arith.cmpi ne, %convert_element_type3A_11, %cond3A_12 : i32
    scf.if %cond3A_13 {
      "tpu.region"() ({
        %run_scoped3A = tpu.sem_alloc : memref<!tpu.dma_semaphore, #tpu.memory_space<semaphore_mem>>
        %dma_start3A = arith.constant 0 : i32
        %dma_start3A_19 = tpu.memref_slice %arg6[%mul3A_0, %dma_start3A] : memref<10240x128xf32, #tpu.memory_space<hbm>> -> memref<640x128xf32, #tpu.memory_space<hbm>>
        %dma_start3A_20 = arith.constant 0 : i32
        %dma_start3A_21 = tpu.memref_slice %arg10[%mul3A_0, %dma_start3A_20] : memref<10240x128xf32, #tpu.memory_space<vmem_shared>> -> memref<640x128xf32, #tpu.memory_space<vmem_shared>>
        tpu.enqueue_dma source(%dma_start3A_21 : memref<640x128xf32, #tpu.memory_space<vmem_shared>>) target(%dma_start3A_19 : memref<640x128xf32, #tpu.memory_space<hbm>>) target_semaphore(%run_scoped3A : memref<!tpu.dma_semaphore, #tpu.memory_space<semaphore_mem>>)
        %dma_wait3A = arith.constant 0 : i32
        %dma_wait3A_22 = tpu.memref_slice %arg6[%mul3A_0, %dma_wait3A] : memref<10240x128xf32, #tpu.memory_space<hbm>> -> memref<640x128xf32, #tpu.memory_space<hbm>>
        %dma_wait3A_23 = arith.constant 0 : i32
        %dma_wait3A_24 = tpu.memref_slice %arg10[%mul3A_0, %dma_wait3A_23] : memref<10240x128xf32, #tpu.memory_space<vmem_shared>> -> memref<640x128xf32, #tpu.memory_space<vmem_shared>>
        tpu.wait_dma2 semaphore(%run_scoped3A : memref<!tpu.dma_semaphore, #tpu.memory_space<semaphore_mem>>) src(%dma_wait3A_24 : memref<640x128xf32, #tpu.memory_space<vmem_shared>>) dst(%dma_wait3A_22 : memref<640x128xf32, #tpu.memory_space<hbm>>)
        tpu.yield
      }) : () -> ()
    } else {
    }
    %eq3A_14 = arith.constant 1 : i32
    %eq3A_15 = arith.cmpi eq, %arg0, %eq3A_14 : i32
    %convert_element_type3A_16 = arith.extui %eq3A_15 : i1 to i32
    %cond3A_17 = arith.constant 0 : i32
    %cond3A_18 = arith.cmpi ne, %convert_element_type3A_16, %cond3A_17 : i32
    scf.if %cond3A_18 {
      "tpu.region"() ({
        %run_scoped3A = tpu.sem_alloc : memref<!tpu.dma_semaphore, #tpu.memory_space<semaphore_mem>>
        %dma_start3A = arith.constant 0 : i32
        %dma_start3A_19 = tpu.memref_slice %arg7[%mul3A_0, %dma_start3A] : memref<10240x128xf32, #tpu.memory_space<hbm>> -> memref<640x128xf32, #tpu.memory_space<hbm>>
        %dma_start3A_20 = arith.constant 0 : i32
        %dma_start3A_21 = tpu.memref_slice %arg10[%mul3A_0, %dma_start3A_20] : memref<10240x128xf32, #tpu.memory_space<vmem_shared>> -> memref<640x128xf32, #tpu.memory_space<vmem_shared>>
        tpu.enqueue_dma source(%dma_start3A_21 : memref<640x128xf32, #tpu.memory_space<vmem_shared>>) target(%dma_start3A_19 : memref<640x128xf32, #tpu.memory_space<hbm>>) target_semaphore(%run_scoped3A : memref<!tpu.dma_semaphore, #tpu.memory_space<semaphore_mem>>)
        %dma_wait3A = arith.constant 0 : i32
        %dma_wait3A_22 = tpu.memref_slice %arg7[%mul3A_0, %dma_wait3A] : memref<10240x128xf32, #tpu.memory_space<hbm>> -> memref<640x128xf32, #tpu.memory_space<hbm>>
        %dma_wait3A_23 = arith.constant 0 : i32
        %dma_wait3A_24 = tpu.memref_slice %arg10[%mul3A_0, %dma_wait3A_23] : memref<10240x128xf32, #tpu.memory_space<vmem_shared>> -> memref<640x128xf32, #tpu.memory_space<vmem_shared>>
        tpu.wait_dma2 semaphore(%run_scoped3A : memref<!tpu.dma_semaphore, #tpu.memory_space<semaphore_mem>>) src(%dma_wait3A_24 : memref<640x128xf32, #tpu.memory_space<vmem_shared>>) dst(%dma_wait3A_22 : memref<640x128xf32, #tpu.memory_space<hbm>>)
        tpu.yield
      }) : () -> ()
    } else {
    }
    return
  }
}

module attributes {stable_mosaic.version = 14 : i64} {
  func.func @_inproj_body(%arg0: i32, %arg1: memref<2048x128xf32, #tpu.memory_space<vmem>>, %arg2: memref<128x256xf32, #tpu.memory_space<vmem>>, %arg3: memref<1x256xf32, #tpu.memory_space<vmem>>, %arg4: memref<2048x128xf32, #tpu.memory_space<vmem>>, %arg5: memref<2048x128xf32, #tpu.memory_space<vmem>>) attributes {dimension_semantics = [#tpu.dimension_semantics<arbitrary>], iteration_bounds = array<i64: 5>, scalar_prefetch = 0 : i64, scratch_operands = 0 : i64, tpu.core_type = #tpu.core_type<tc>, window_params = [{transform_indices = @transform_0, window_bounds = array<i64: 2048, 128>}, {pipeline_mode = #tpu.pipeline_mode<synchronous>, transform_indices = @transform_1, window_bounds = array<i64: 128, 256>}, {pipeline_mode = #tpu.pipeline_mode<synchronous>, transform_indices = @transform_2, window_bounds = array<i64: 1, 256>}, {transform_indices = @transform_3, window_bounds = array<i64: 2048, 128>}, {transform_indices = @transform_4, window_bounds = array<i64: 2048, 128>}]} {
    %get3A = arith.constant 0 : index
    %get3A_0 = arith.constant 0 : index
    %get3A_1 = vector.load %arg1[%get3A, %get3A_0] : memref<2048x128xf32, #tpu.memory_space<vmem>>, vector<2048x128xf32>
    %get3A_2 = arith.constant 0 : index
    %get3A_3 = arith.constant 0 : index
    %get3A_4 = vector.load %arg2[%get3A_2, %get3A_3] : memref<128x256xf32, #tpu.memory_space<vmem>>, vector<128x256xf32>
    %convert_element_type3A = arith.truncf %get3A_1 : vector<2048x128xf32> to vector<2048x128xbf16>
    %convert_element_type3A_5 = arith.truncf %get3A_4 : vector<128x256xf32> to vector<128x256xbf16>
    %dot_general3A = arith.constant dense<0.000000e+00> : vector<2048x256xf32>
    %dot_general3A_6 = tpu.matmul %convert_element_type3A, %convert_element_type3A_5, %dot_general3A {dimension_numbers = #tpu.dot_dimension_numbers<[1], [0], [0], [1], [0, 0, 1, 1], [], []>, transpose_lhs_hint = false} : vector<2048x128xbf16>, vector<128x256xbf16>, vector<2048x256xf32> -> vector<2048x256xf32>
    %get3A_7 = arith.constant 0 : index
    %get3A_8 = arith.constant 0 : index
    %get3A_9 = vector.load %arg3[%get3A_7, %get3A_8] : memref<1x256xf32, #tpu.memory_space<vmem>>, vector<1x256xf32>
    %add3A = vector.broadcast %get3A_9 : vector<1x256xf32> to vector<2048x256xf32>
    %add3A_10 = arith.addf %dot_general3A_6, %add3A : vector<2048x256xf32>
    %max3A = arith.constant 0.000000e+00 : f32
    %max3A_11 = vector.broadcast %max3A : f32 to vector<2048x256xf32>
    %max3A_12 = arith.maximumf %add3A_10, %max3A_11 : vector<2048x256xf32>
    %slice3A = vector.extract_strided_slice %max3A_12 {offsets = [0, 0], sizes = [2048, 128], strides = [1, 1]} : vector<2048x256xf32> to vector<2048x128xf32>
    %swap3A = arith.constant 0 : index
    %swap3A_13 = arith.constant 0 : index
    %swap3A_14 = vector.load %arg4[%swap3A, %swap3A_13] : memref<2048x128xf32, #tpu.memory_space<vmem>>, vector<2048x128xf32>
    tpu.vector_store %arg4[%swap3A, %swap3A_13], %slice3A {strides = array<i32>} : memref<2048x128xf32, #tpu.memory_space<vmem>>, vector<2048x128xf32>,
    %slice3A_15 = vector.extract_strided_slice %max3A_12 {offsets = [0, 128], sizes = [2048, 128], strides = [1, 1]} : vector<2048x256xf32> to vector<2048x128xf32>
    %swap3A_16 = arith.constant 0 : index
    %swap3A_17 = arith.constant 0 : index
    %swap3A_18 = vector.load %arg5[%swap3A_16, %swap3A_17] : memref<2048x128xf32, #tpu.memory_space<vmem>>, vector<2048x128xf32>
    tpu.vector_store %arg5[%swap3A_16, %swap3A_17], %slice3A_15 {strides = array<i32>} : memref<2048x128xf32, #tpu.memory_space<vmem>>, vector<2048x128xf32>,
    return
  }
  func.func @transform_0(%arg0: i32) -> (i32, i32) {
    %c0_i32 = arith.constant 0 : i32
    %c0_i32_0 = arith.constant 0 : i32
    return %arg0, %c0_i32 : i32, i32
  }
  func.func @transform_1(%arg0: i32) -> (i32, i32) {
    %c0_i32 = arith.constant 0 : i32
    %c0_i32_0 = arith.constant 0 : i32
    %c0_i32_1 = arith.constant 0 : i32
    return %c0_i32, %c0_i32_0 : i32, i32
  }
  func.func @transform_2(%arg0: i32) -> (i32, i32) {
    %c0_i32 = arith.constant 0 : i32
    %c0_i32_0 = arith.constant 0 : i32
    %c0_i32_1 = arith.constant 0 : i32
    return %c0_i32, %c0_i32_0 : i32, i32
  }
  func.func @transform_3(%arg0: i32) -> (i32, i32) {
    %c0_i32 = arith.constant 0 : i32
    %c0_i32_0 = arith.constant 0 : i32
    return %arg0, %c0_i32 : i32, i32
  }
  func.func @transform_4(%arg0: i32) -> (i32, i32) {
    %c0_i32 = arith.constant 0 : i32
    %c0_i32_0 = arith.constant 0 : i32
    return %arg0, %c0_i32 : i32, i32
  }
}

module attributes {stable_mosaic.version = 14 : i64} {
  func.func @_combine_body(%arg0: i32, %arg1: memref<2048x128xf32, #tpu.memory_space<vmem>>, %arg2: memref<2048x128xf32, #tpu.memory_space<vmem>>, %arg3: memref<2048x128xf32, #tpu.memory_space<vmem>>, %arg4: memref<2048x128xf32, #tpu.memory_space<vmem>>, %arg5: memref<2048x128xf32, #tpu.memory_space<vmem>>, %arg6: memref<256x256xf32, #tpu.memory_space<vmem>>, %arg7: memref<1x256xf32, #tpu.memory_space<vmem>>, %arg8: memref<256x256xf32, #tpu.memory_space<vmem>>, %arg9: memref<1x256xf32, #tpu.memory_space<vmem>>, %arg10: memref<1x256xf32, #tpu.memory_space<vmem>>, %arg11: memref<2048x128xf32, #tpu.memory_space<vmem>>, %arg12: memref<2048x128xf32, #tpu.memory_space<vmem>>) attributes {dimension_semantics = [#tpu.dimension_semantics<arbitrary>], iteration_bounds = array<i64: 5>, scalar_prefetch = 0 : i64, scratch_operands = 0 : i64, tpu.core_type = #tpu.core_type<tc>, window_params = [{transform_indices = @transform_0, window_bounds = array<i64: 2048, 128>}, {transform_indices = @transform_1, window_bounds = array<i64: 2048, 128>}, {transform_indices = @transform_2, window_bounds = array<i64: 2048, 128>}, {transform_indices = @transform_3, window_bounds = array<i64: 2048, 128>}, {transform_indices = @transform_4, window_bounds = array<i64: 2048, 128>}, {pipeline_mode = #tpu.pipeline_mode<synchronous>, transform_indices = @transform_5, window_bounds = array<i64: 256, 256>}, {pipeline_mode = #tpu.pipeline_mode<synchronous>, transform_indices = @transform_6, window_bounds = array<i64: 1, 256>}, {pipeline_mode = #tpu.pipeline_mode<synchronous>, transform_indices = @transform_7, window_bounds = array<i64: 256, 256>}, {pipeline_mode = #tpu.pipeline_mode<synchronous>, transform_indices = @transform_8, window_bounds = array<i64: 1, 256>}, {pipeline_mode = #tpu.pipeline_mode<synchronous>, transform_indices = @transform_9, window_bounds = array<i64: 1, 256>}, {transform_indices = @transform_10, window_bounds = array<i64: 2048, 128>}, {transform_indices = @transform_11, window_bounds = array<i64: 2048, 128>}]} {
    %get3A = arith.constant 0 : index
    %get3A_0 = arith.constant 0 : index
    %get3A_1 = vector.load %arg1[%get3A, %get3A_0] : memref<2048x128xf32, #tpu.memory_space<vmem>>, vector<2048x128xf32>
    %get3A_2 = arith.constant 0 : index
    %get3A_3 = arith.constant 0 : index
    %get3A_4 = vector.load %arg2[%get3A_2, %get3A_3] : memref<2048x128xf32, #tpu.memory_space<vmem>>, vector<2048x128xf32>
    %concatenate3A = tpu.concatenate %get3A_1, %get3A_4 in 1 : vector<2048x128xf32>, vector<2048x128xf32> -> vector<2048x256xf32>
    %get3A_5 = arith.constant 0 : index
    %get3A_6 = arith.constant 0 : index
    %get3A_7 = vector.load %arg4[%get3A_5, %get3A_6] : memref<2048x128xf32, #tpu.memory_space<vmem>>, vector<2048x128xf32>
    %get3A_8 = arith.constant 0 : index
    %get3A_9 = arith.constant 0 : index
    %get3A_10 = vector.load %arg5[%get3A_8, %get3A_9] : memref<2048x128xf32, #tpu.memory_space<vmem>>, vector<2048x128xf32>
    %concatenate3A_11 = tpu.concatenate %get3A_7, %get3A_10 in 1 : vector<2048x128xf32>, vector<2048x128xf32> -> vector<2048x256xf32>
    %get3A_12 = arith.constant 0 : index
    %get3A_13 = arith.constant 0 : index
    %get3A_14 = vector.load %arg3[%get3A_12, %get3A_13] : memref<2048x128xf32, #tpu.memory_space<vmem>>, vector<2048x128xf32>
    %slice3A = vector.extract_strided_slice %get3A_14 {offsets = [0, 0], sizes = [2048, 1], strides = [1, 1]} : vector<2048x128xf32> to vector<2048x1xf32>
    %max3A = arith.constant 1.000000e+00 : f32
    %max3A_15 = vector.broadcast %max3A : f32 to vector<2048x1xf32>
    %max3A_16 = arith.maximumf %slice3A, %max3A_15 : vector<2048x1xf32>
    %div3A = vector.broadcast %max3A_16 : vector<2048x1xf32> to vector<2048x256xf32>
    %div3A_17 = arith.divf %concatenate3A, %div3A : vector<2048x256xf32>
    %get3A_18 = arith.constant 0 : index
    %get3A_19 = arith.constant 0 : index
    %get3A_20 = vector.load %arg6[%get3A_18, %get3A_19] : memref<256x256xf32, #tpu.memory_space<vmem>>, vector<256x256xf32>
    %convert_element_type3A = arith.truncf %div3A_17 : vector<2048x256xf32> to vector<2048x256xbf16>
    %convert_element_type3A_21 = arith.truncf %get3A_20 : vector<256x256xf32> to vector<256x256xbf16>
    %dot_general3A = arith.constant dense<0.000000e+00> : vector<2048x256xf32>
    %dot_general3A_22 = tpu.matmul %convert_element_type3A, %convert_element_type3A_21, %dot_general3A {dimension_numbers = #tpu.dot_dimension_numbers<[1], [0], [0], [1], [0, 0, 1, 1], [], []>, transpose_lhs_hint = false} : vector<2048x256xbf16>, vector<256x256xbf16>, vector<2048x256xf32> -> vector<2048x256xf32>
    %get3A_23 = arith.constant 0 : index
    %get3A_24 = arith.constant 0 : index
    %get3A_25 = vector.load %arg8[%get3A_23, %get3A_24] : memref<256x256xf32, #tpu.memory_space<vmem>>, vector<256x256xf32>
    %convert_element_type3A_26 = arith.truncf %concatenate3A_11 : vector<2048x256xf32> to vector<2048x256xbf16>
    %convert_element_type3A_27 = arith.truncf %get3A_25 : vector<256x256xf32> to vector<256x256xbf16>
    %dot_general3A_28 = arith.constant dense<0.000000e+00> : vector<2048x256xf32>
    %dot_general3A_29 = tpu.matmul %convert_element_type3A_26, %convert_element_type3A_27, %dot_general3A_28 {dimension_numbers = #tpu.dot_dimension_numbers<[1], [0], [0], [1], [0, 0, 1, 1], [], []>, transpose_lhs_hint = false} : vector<2048x256xbf16>, vector<256x256xbf16>, vector<2048x256xf32> -> vector<2048x256xf32>
    %add3A = arith.addf %dot_general3A_22, %dot_general3A_29 : vector<2048x256xf32>
    %get3A_30 = arith.constant 0 : index
    %get3A_31 = arith.constant 0 : index
    %get3A_32 = vector.load %arg7[%get3A_30, %get3A_31] : memref<1x256xf32, #tpu.memory_space<vmem>>, vector<1x256xf32>
    %add3A_33 = vector.broadcast %get3A_32 : vector<1x256xf32> to vector<2048x256xf32>
    %add3A_34 = arith.addf %add3A, %add3A_33 : vector<2048x256xf32>
    %reduce_sum3A = arith.constant dense<0.000000e+00> : vector<2048xf32>
    %reduce_sum3A_35 = vector.multi_reduction <add>, %add3A_34, %reduce_sum3A [1] : vector<2048x256xf32> to vector<2048xf32>
    %broadcast_in_dim3A = vector.shape_cast %reduce_sum3A_35 : vector<2048xf32> to vector<2048x1xf32>
    %div3A_36 = arith.constant 2.560000e+02 : f32
    %div3A_37 = vector.broadcast %div3A_36 : f32 to vector<2048x1xf32>
    %div3A_38 = arith.divf %broadcast_in_dim3A, %div3A_37 : vector<2048x1xf32>
    %sub3A = vector.broadcast %div3A_38 : vector<2048x1xf32> to vector<2048x256xf32>
    %sub3A_39 = arith.subf %add3A_34, %sub3A : vector<2048x256xf32>
    %sub3A_40 = vector.broadcast %div3A_38 : vector<2048x1xf32> to vector<2048x256xf32>
    %sub3A_41 = arith.subf %add3A_34, %sub3A_40 : vector<2048x256xf32>
    %mul3A = arith.mulf %sub3A_39, %sub3A_41 : vector<2048x256xf32>
    %reduce_sum3A_42 = arith.constant dense<0.000000e+00> : vector<2048xf32>
    %reduce_sum3A_43 = vector.multi_reduction <add>, %mul3A, %reduce_sum3A_42 [1] : vector<2048x256xf32> to vector<2048xf32>
    %broadcast_in_dim3A_44 = vector.shape_cast %reduce_sum3A_43 : vector<2048xf32> to vector<2048x1xf32>
    %div3A_45 = arith.constant 2.560000e+02 : f32
    %div3A_46 = vector.broadcast %div3A_45 : f32 to vector<2048x1xf32>
    %div3A_47 = arith.divf %broadcast_in_dim3A_44, %div3A_46 : vector<2048x1xf32>
    %sub3A_48 = vector.broadcast %div3A_38 : vector<2048x1xf32> to vector<2048x256xf32>
    %sub3A_49 = arith.subf %add3A_34, %sub3A_48 : vector<2048x256xf32>
    %add3A_50 = arith.constant 9.99999974E-6 : f32
    %add3A_51 = vector.broadcast %add3A_50 : f32 to vector<2048x1xf32>
    %add3A_52 = arith.addf %div3A_47, %add3A_51 : vector<2048x1xf32>
    %sqrt3A = math.sqrt %add3A_52 : vector<2048x1xf32>
    %div3A_53 = vector.broadcast %sqrt3A : vector<2048x1xf32> to vector<2048x256xf32>
    %div3A_54 = arith.divf %sub3A_49, %div3A_53 : vector<2048x256xf32>
    %get3A_55 = arith.constant 0 : index
    %get3A_56 = arith.constant 0 : index
    %get3A_57 = vector.load %arg9[%get3A_55, %get3A_56] : memref<1x256xf32, #tpu.memory_space<vmem>>, vector<1x256xf32>
    %mul3A_58 = vector.broadcast %get3A_57 : vector<1x256xf32> to vector<2048x256xf32>
    %mul3A_59 = arith.mulf %div3A_54, %mul3A_58 : vector<2048x256xf32>
    %get3A_60 = arith.constant 0 : index
    %get3A_61 = arith.constant 0 : index
    %get3A_62 = vector.load %arg10[%get3A_60, %get3A_61] : memref<1x256xf32, #tpu.memory_space<vmem>>, vector<1x256xf32>
    %add3A_63 = vector.broadcast %get3A_62 : vector<1x256xf32> to vector<2048x256xf32>
    %add3A_64 = arith.addf %mul3A_59, %add3A_63 : vector<2048x256xf32>
    %max3A_65 = arith.constant 0.000000e+00 : f32
    %max3A_66 = vector.broadcast %max3A_65 : f32 to vector<2048x256xf32>
    %max3A_67 = arith.maximumf %add3A_64, %max3A_66 : vector<2048x256xf32>
    %slice3A_68 = vector.extract_strided_slice %max3A_67 {offsets = [0, 0], sizes = [2048, 128], strides = [1, 1]} : vector<2048x256xf32> to vector<2048x128xf32>
    %swap3A = arith.constant 0 : index
    %swap3A_69 = arith.constant 0 : index
    %swap3A_70 = vector.load %arg11[%swap3A, %swap3A_69] : memref<2048x128xf32, #tpu.memory_space<vmem>>, vector<2048x128xf32>
    tpu.vector_store %arg11[%swap3A, %swap3A_69], %slice3A_68 {strides = array<i32>} : memref<2048x128xf32, #tpu.memory_space<vmem>>, vector<2048x128xf32>,
    %slice3A_71 = vector.extract_strided_slice %max3A_67 {offsets = [0, 128], sizes = [2048, 128], strides = [1, 1]} : vector<2048x256xf32> to vector<2048x128xf32>
    %swap3A_72 = arith.constant 0 : index
    %swap3A_73 = arith.constant 0 : index
    %swap3A_74 = vector.load %arg12[%swap3A_72, %swap3A_73] : memref<2048x128xf32, #tpu.memory_space<vmem>>, vector<2048x128xf32>
    tpu.vector_store %arg12[%swap3A_72, %swap3A_73], %slice3A_71 {strides = array<i32>} : memref<2048x128xf32, #tpu.memory_space<vmem>>, vector<2048x128xf32>,
    return
  }
  func.func @transform_0(%arg0: i32) -> (i32, i32) {
    %c0_i32 = arith.constant 0 : i32
    %c0_i32_0 = arith.constant 0 : i32
    return %arg0, %c0_i32 : i32, i32
  }
  func.func @transform_1(%arg0: i32) -> (i32, i32) {
    %c0_i32 = arith.constant 0 : i32
    %c0_i32_0 = arith.constant 0 : i32
    return %arg0, %c0_i32 : i32, i32
  }
  func.func @transform_2(%arg0: i32) -> (i32, i32) {
    %c0_i32 = arith.constant 0 : i32
    %c0_i32_0 = arith.constant 0 : i32
    return %arg0, %c0_i32 : i32, i32
  }
  func.func @transform_3(%arg0: i32) -> (i32, i32) {
    %c0_i32 = arith.constant 0 : i32
    %c0_i32_0 = arith.constant 0 : i32
    return %arg0, %c0_i32 : i32, i32
  }
  func.func @transform_4(%arg0: i32) -> (i32, i32) {
    %c0_i32 = arith.constant 0 : i32
    %c0_i32_0 = arith.constant 0 : i32
    return %arg0, %c0_i32 : i32, i32
  }
  func.func @transform_5(%arg0: i32) -> (i32, i32) {
    %c0_i32 = arith.constant 0 : i32
    %c0_i32_0 = arith.constant 0 : i32
    %c0_i32_1 = arith.constant 0 : i32
    return %c0_i32, %c0_i32_0 : i32, i32
  }
  func.func @transform_6(%arg0: i32) -> (i32, i32) {
    %c0_i32 = arith.constant 0 : i32
    %c0_i32_0 = arith.constant 0 : i32
    %c0_i32_1 = arith.constant 0 : i32
    return %c0_i32, %c0_i32_0 : i32, i32
  }
  func.func @transform_7(%arg0: i32) -> (i32, i32) {
    %c0_i32 = arith.constant 0 : i32
    %c0_i32_0 = arith.constant 0 : i32
    %c0_i32_1 = arith.constant 0 : i32
    return %c0_i32, %c0_i32_0 : i32, i32
  }
  func.func @transform_8(%arg0: i32) -> (i32, i32) {
    %c0_i32 = arith.constant 0 : i32
    %c0_i32_0 = arith.constant 0 : i32
    %c0_i32_1 = arith.constant 0 : i32
    return %c0_i32, %c0_i32_0 : i32, i32
  }
  func.func @transform_9(%arg0: i32) -> (i32, i32) {
    %c0_i32 = arith.constant 0 : i32
    %c0_i32_0 = arith.constant 0 : i32
    %c0_i32_1 = arith.constant 0 : i32
    return %c0_i32, %c0_i32_0 : i32, i32
  }
  func.func @transform_10(%arg0: i32) -> (i32, i32) {
    %c0_i32 = arith.constant 0 : i32
    %c0_i32_0 = arith.constant 0 : i32
    return %arg0, %c0_i32 : i32, i32
  }
  func.func @transform_11(%arg0: i32) -> (i32, i32) {
    %c0_i32 = arith.constant 0 : i32
    %c0_i32_0 = arith.constant 0 : i32
    return %arg0, %c0_i32 : i32, i32
  }
}

module attributes {stable_mosaic.version = 14 : i64} {
  func.func @_head_body(%arg0: i32, %arg1: memref<2048x128xf32, #tpu.memory_space<vmem>>, %arg2: memref<2048x128xf32, #tpu.memory_space<vmem>>, %arg3: memref<256x1xf32, #tpu.memory_space<vmem>>, %arg4: memref<1x1xf32, #tpu.memory_space<vmem>>, %arg5: memref<2048x256xf32, #tpu.memory_space<vmem>>, %arg6: memref<2048x1xf32, #tpu.memory_space<vmem>>) attributes {dimension_semantics = [#tpu.dimension_semantics<arbitrary>], iteration_bounds = array<i64: 5>, scalar_prefetch = 0 : i64, scratch_operands = 0 : i64, tpu.core_type = #tpu.core_type<tc>, window_params = [{transform_indices = @transform_0, window_bounds = array<i64: 2048, 128>}, {transform_indices = @transform_1, window_bounds = array<i64: 2048, 128>}, {pipeline_mode = #tpu.pipeline_mode<synchronous>, transform_indices = @transform_2, window_bounds = array<i64: 256, 1>}, {pipeline_mode = #tpu.pipeline_mode<synchronous>, transform_indices = @transform_3, window_bounds = array<i64: 1, 1>}, {transform_indices = @transform_4, window_bounds = array<i64: 2048, 256>}, {transform_indices = @transform_5, window_bounds = array<i64: 2048, 1>}]} {
    %get3A = arith.constant 0 : index
    %get3A_0 = arith.constant 0 : index
    %get3A_1 = vector.load %arg1[%get3A, %get3A_0] : memref<2048x128xf32, #tpu.memory_space<vmem>>, vector<2048x128xf32>
    %get3A_2 = arith.constant 0 : index
    %get3A_3 = arith.constant 0 : index
    %get3A_4 = vector.load %arg2[%get3A_2, %get3A_3] : memref<2048x128xf32, #tpu.memory_space<vmem>>, vector<2048x128xf32>
    %concatenate3A = tpu.concatenate %get3A_1, %get3A_4 in 1 : vector<2048x128xf32>, vector<2048x128xf32> -> vector<2048x256xf32>
    %swap3A = arith.constant 0 : index
    %swap3A_5 = arith.constant 0 : index
    %swap3A_6 = vector.load %arg5[%swap3A, %swap3A_5] : memref<2048x256xf32, #tpu.memory_space<vmem>>, vector<2048x256xf32>
    tpu.vector_store %arg5[%swap3A, %swap3A_5], %concatenate3A {strides = array<i32>} : memref<2048x256xf32, #tpu.memory_space<vmem>>, vector<2048x256xf32>,
    %get3A_7 = arith.constant 0 : index
    %get3A_8 = arith.constant 0 : index
    %get3A_9 = vector.load %arg3[%get3A_7, %get3A_8] : memref<256x1xf32, #tpu.memory_space<vmem>>, vector<256x1xf32>
    %reshape3A = vector.shape_cast %get3A_9 : vector<256x1xf32> to vector<1x256xf32>
    %convert_element_type3A = arith.truncf %concatenate3A : vector<2048x256xf32> to vector<2048x256xbf16>
    %convert_element_type3A_10 = arith.extf %convert_element_type3A : vector<2048x256xbf16> to vector<2048x256xf32>
    %convert_element_type3A_11 = arith.truncf %reshape3A : vector<1x256xf32> to vector<1x256xbf16>
    %convert_element_type3A_12 = arith.extf %convert_element_type3A_11 : vector<1x256xbf16> to vector<1x256xf32>
    %mul3A = vector.broadcast %convert_element_type3A_12 : vector<1x256xf32> to vector<2048x256xf32>
    %mul3A_13 = arith.mulf %convert_element_type3A_10, %mul3A : vector<2048x256xf32>
    %reduce_sum3A = arith.constant dense<0.000000e+00> : vector<2048xf32>
    %reduce_sum3A_14 = vector.multi_reduction <add>, %mul3A_13, %reduce_sum3A [1] : vector<2048x256xf32> to vector<2048xf32>
    %broadcast_in_dim3A = vector.shape_cast %reduce_sum3A_14 : vector<2048xf32> to vector<2048x1xf32>
    %get3A_15 = arith.constant 0 : index
    %get3A_16 = arith.constant 0 : index
    %get3A_17 = vector.load %arg4[%get3A_15, %get3A_16] : memref<1x1xf32, #tpu.memory_space<vmem>>, vector<1x1xf32>
    %add3A = vector.broadcast %get3A_17 : vector<1x1xf32> to vector<2048x1xf32>
    %add3A_18 = arith.addf %broadcast_in_dim3A, %add3A : vector<2048x1xf32>
    %swap3A_19 = arith.constant 0 : index
    %swap3A_20 = arith.constant 0 : index
    %swap3A_21 = vector.load %arg6[%swap3A_19, %swap3A_20] : memref<2048x1xf32, #tpu.memory_space<vmem>>, vector<2048x1xf32>
    tpu.vector_store %arg6[%swap3A_19, %swap3A_20], %add3A_18 {strides = array<i32>} : memref<2048x1xf32, #tpu.memory_space<vmem>>, vector<2048x1xf32>,
    return
  }
  func.func @transform_0(%arg0: i32) -> (i32, i32) {
    %c0_i32 = arith.constant 0 : i32
    %c0_i32_0 = arith.constant 0 : i32
    return %arg0, %c0_i32 : i32, i32
  }
  func.func @transform_1(%arg0: i32) -> (i32, i32) {
    %c0_i32 = arith.constant 0 : i32
    %c0_i32_0 = arith.constant 0 : i32
    return %arg0, %c0_i32 : i32, i32
  }
  func.func @transform_2(%arg0: i32) -> (i32, i32) {
    %c0_i32 = arith.constant 0 : i32
    %c0_i32_0 = arith.constant 0 : i32
    %c0_i32_1 = arith.constant 0 : i32
    return %c0_i32, %c0_i32_0 : i32, i32
  }
  func.func @transform_3(%arg0: i32) -> (i32, i32) {
    %c0_i32 = arith.constant 0 : i32
    %c0_i32_0 = arith.constant 0 : i32
    %c0_i32_1 = arith.constant 0 : i32
    return %c0_i32, %c0_i32_0 : i32, i32
  }
  func.func @transform_4(%arg0: i32) -> (i32, i32) {
    %c0_i32 = arith.constant 0 : i32
    %c0_i32_0 = arith.constant 0 : i32
    return %arg0, %c0_i32 : i32, i32
  }
  func.func @transform_5(%arg0: i32) -> (i32, i32) {
    %c0_i32 = arith.constant 0 : i32
    %c0_i32_0 = arith.constant 0 : i32
    return %arg0, %c0_i32 : i32, i32
  }
}

</mosaic_0001>

<sc_bundles>
// kernel: kernel.11.cloned.1.call-start
scs
__scs_entry_jumppad:
0x0: {  	(pc) =	sbr.rel $0x88, $3  }
0x1: {  	(tag) =	ssettag $0x0;
	lr =	simm.s32 $0x1  }
0x2: {  	[smem:$0x3F82] =	sst lr;
	_ =	strace $0xD0000000  }
0x3: {  	_ = 	snop  }
0x4: {  	_ = 	snop  }
0x5: {  	_ = 	snop  }
0x6: {  	_ = 	snop  }
0x7: {  	_ = 	snop  }
__scs_overlays_trampoline_lowered:
0x8: {  	[smem:$0x3F91] =	sst s0  }
0x9: {  	[smem:$0x3F92] =	sst s1  }
0xa: {  	[smem:$0x3F93] =	sst s2  }
0xb: {  	[smem:$0x3F94] =	sst s3  }
0xc: {  	[smem:$0x3F95] =	sst s4  }
0xd: {  	[smem:$0x3F96] =	sst s5  }
0xe: {  	[smem:$0x3F97] =	sst s6  }
0xf: {  	[smem:$0x3F98] =	sst s7  }
0x10: {  	[smem:$0x3F99] =	sst s8  }
0x11: {  	[smem:$0x3F9A] =	sst s9;
	s0 =	simm.s32 @!p0 $0x0  }
0x12: {  	s1 =	sld [smem:$0x3F80];
	s0 =	simm.s32 @p0 $0x1  }
0x13: {  	[smem:$0x3F9B] =	sst s0;
	s0 =	simm.s32 @!p1 $0x0  }
0x14: {  	s2 =	sld [smem:$0x3F7F];
	s0 =	simm.s32 @p1 $0x1  }
0x15: {  	[smem:$0x3F9C] =	sst s0;
	s0 =	simm.s32 @!p2 $0x0  }
0x16: {  	s3 =	sld [smem:$0x3FDB];
	s0 =	simm.s32 @p2 $0x1  }
0x17: {  	s4 =	simm.s32 $0x1BF5;
	[smem:$0x3F9E] =	sst s0  }
0x18: {  	s0 =	sld [smem:$0x3F81];
	_ =	swait.ge [sflag:s4], $0x0  }
0x19: {  	s7 =	sld [smem:$0x3F82]  }
0x1a: {  	s8 =	sadd.s32 $0xFFFFE003, lr  }
0x1b: {  	s9 =	sadd.s32 $0xFFFFFEF7, lr;
	s5 =	simm.s32 $0xFFFFFFFF;
	p2 =	slt.u32 s8, $0xFFFFF086  }
0x1c: {  	p1 =	slt.u32 s9, $0xF7A;
	s5 =	simm.s32 @!p2 $0x0  }
0x1d: {  	s5 =	simm.s32 @p1 $0x1;
	p0 =	seq.s32 s7, s2  }
0x1e: {  	s7 =	smul.u32 @!p0 $0xF7A, s2;
	p2 =	seq.s32 @!p0 s5, $0x0  }
0x1f: {  	s9 =	smul.u32 $0xF7A, s1;
	s8 =	simm.s32 @!p0 $0x1BF5;
	p2 =	por !p2, p0  }
0x20: {  	[sflag:s8] =	ssyncset.s32 @!p0 $0xFFFFF086;
	s6 =	sadd.s32 @!p0 s3, s7;
	s7 =	simm.s32 @!p0 $0x108  }
0x21: {  	s3 =	sadd.s32 s3, s9;
	s6 =	sadd.s32 @!p0 $0x88, s6;
	s7 =	simm.s32 @p2 $0x1082  }
0x22: {  	[simem:s7], [sflag:s8] =	dma.local @!p0 [hbm:s6], $0xF7A  }
0x23: {  	s9 =	sor.u32 $0xD0000000, s2;
	s6 =	simm.s32 $0x108;
	_ =	swait.ge @!p0 [sflag:s8], $0x0  }
0x24: {  	s3 =	sadd.s32 $0x88, s3;
	s6 =	simm.s32 @!p1 $0x1082;
	[sflag:s4] =	ssyncset.s32 $0xFFFFF086  }
0x25: {  	[simem:s6], [sflag:s4] =	dma.local [hbm:s3], $0xF7A  }
0x26: {  	[smem:$0x3F82] =	sst s1;
	(tag) =	ssettag s2;
	_ =	strace s9  }
0x27: {  	s1 =	sld [smem:$0x3F92]  }
0x28: {  	s2 =	sld [smem:$0x3F93]  }
0x29: {  	s4 =	sld [smem:$0x3F95]  }
0x2a: {  	p0 =	seq.s32 s5, $0x0;
	s5 =	sld [smem:$0x3F96]  }
0x2b: {  	s6 =	sld [smem:$0x3F97]  }
0x2c: {  	s7 =	sld [smem:$0x3F98]  }
0x2d: {  	s3 =	simm.s32 $0x108;
	s8 =	sld [smem:$0x3F99]  }
0x2e: {  	s3 =	simm.s32 @!p0 $0x1082;
	s9 =	sld [smem:$0x3F9A]  }
0x2f: {  	lr =	sadd.s32 s0, s3;
	s0 =	sld [smem:$0x3F91]  }
0x30: {  	s3 =	sld [smem:$0x3F94]  }
0x31: {  	[smem:$0x3F9D] =	sst s10  }
0x32: {  	s10 =	sld [smem:$0x3F9B];
	_ =	sdelay $0x3  }
0x33: {  	p0 =	seq.s32 s10, $0x1;
	s10 =	sld [smem:$0x3F9D];
	_ =	sdelay $0x3  }
0x34: {  	[smem:$0x3F9D] =	sst s10  }
0x35: {  	s10 =	sld [smem:$0x3F9C];
	_ =	sdelay $0x3  }
0x36: {  	p1 =	seq.s32 s10, $0x1;
	s10 =	sld [smem:$0x3F9D];
	_ =	sdelay $0x3  }
0x37: {  	[smem:$0x3F9D] =	sst s10  }
0x38: {  	s10 =	sld [smem:$0x3F9E]  }
0x39: {  	_ = 	snop;
	(pc) =	sbr.ind lr, $3  }
0x3a: {  	_ = 	snop  }
0x3b: {  	_ = 	snop  }
0x3c: {  	p2 =	seq.s32 s10, $0x1;
	s10 =	sld [smem:$0x3F9D]  }
0x3d: {  	_ =	shalt  }
0x3e: {  	_ =	shalt  }
0x3f: {  	_ =	shalt  }
0x40: {  	_ =	shalt  }
0x41: {  	_ =	shalt  }
0x42: {  	_ =	shalt  }
0x43: {  	_ =	shalt  }
0x44: {  	_ =	shalt  }
0x45: {  	_ =	shalt  }
0x46: {  	_ =	shalt  }
0x47: {  	_ =	shalt  }
0x48: {  	_ =	shalt  }
0x49: {  	_ =	shalt  }
0x4a: {  	_ =	shalt  }
0x4b: {  	_ =	shalt  }
0x4c: {  	_ =	shalt  }
0x4d: {  	_ =	shalt  }
0x4e: {  	_ =	shalt  }
0x4f: {  	_ =	shalt  }
0x50: {  	_ =	shalt  }
0x51: {  	_ =	shalt  }
0x52: {  	_ =	shalt  }
0x53: {  	_ =	shalt  }
0x54: {  	_ =	shalt  }
0x55: {  	_ =	shalt  }
0x56: {  	_ =	shalt  }
0x57: {  	_ =	shalt  }
0x58: {  	_ =	shalt  }
0x59: {  	_ =	shalt  }
0x5a: {  	_ =	shalt  }
0x5b: {  	_ =	shalt  }
0x5c: {  	_ =	shalt  }
0x5d: {  	_ =	shalt  }
0x5e: {  	_ =	shalt  }
0x5f: {  	_ =	shalt  }
0x60: {  	_ =	shalt  }
0x61: {  	_ =	shalt  }
0x62: {  	_ =	shalt  }
0x63: {  	_ =	shalt  }
0x64: {  	_ =	shalt  }
0x65: {  	_ =	shalt  }
0x66: {  	_ =	shalt  }
0x67: {  	_ =	shalt  }
0x68: {  	_ =	shalt  }
0x69: {  	_ =	shalt  }
0x6a: {  	_ =	shalt  }
0x6b: {  	_ =	shalt  }
0x6c: {  	_ =	shalt  }
0x6d: {  	_ =	shalt  }
0x6e: {  	_ =	shalt  }
0x6f: {  	_ =	shalt  }
0x70: {  	_ =	shalt  }
0x71: {  	_ =	shalt  }
0x72: {  	_ =	shalt  }
0x73: {  	_ =	shalt  }
0x74: {  	_ =	shalt  }
0x75: {  	_ =	shalt  }
0x76: {  	_ =	shalt  }
0x77: {  	_ =	shalt  }
0x78: {  	_ =	shalt  }
0x79: {  	_ =	shalt  }
0x7a: {  	_ =	shalt  }
0x7b: {  	_ =	shalt  }
0x7c: {  	_ =	shalt  }
0x7d: {  	_ =	shalt  }
0x7e: {  	_ =	shalt  }
0x7f: {  	_ =	shalt  }
0x80: {  	_ =	shalt  }
0x81: {  	_ =	shalt  }
0x82: {  	_ =	shalt  }
0x83: {  	_ =	shalt  }
0x84: {  	_ =	shalt  }
0x85: {  	_ =	shalt  }
0x86: {  	_ =	shalt  }
0x87: {  	_ =	shalt  }
.Lfunc_end0:
.L_simem_size_0:
called_computation_lowered:
.L_overlay_start_0:
0x88: {  	s2 =	sld [smem:$0x3FD9]  }
0x89: {  	s3 =	sld [smem:$0x3FFE];
	_ =	sdelay $0x1  }
0x8a: {  	s1 =	srdreg.scid  }
0x8b: {  	s0 =	sand.u32 $0x1, s1  }
0x8c: {  	s17 =	sshll.u32 s0, $0xA;
	s2 =	sadd.s32 s3, s2  }
0x8d: {  	s2 =	sadd.s32 s2, s17  }
0x8e: {  	[smem:$0x3FA9] =	sst s2  }
0x8f: {  	_ = 	snop  }
0x90: {  	(tm) =	ssettm $0x1  }
0x91: {  	s18 =	sld [smem:$0x3FFB];
	_ =	sdelay $0x3  }
0x92: {  	_ =	strace s18  }
0x93: {  	s2 =	sld [smem:$0x3FFC];
	_ =	sdelay $0x3  }
0x94: {  	_ =	strace s2  }
0x95: {  	s2 =	sld [smem:$0x3FFD];
	_ =	sdelay $0x3  }
0x96: {  	_ =	strace s2  }
0x97: {  	_ =	strace $0x8FFFFFFF  }
0x98: {  	s19 =	sld [smem:$0x3FDB];
	_ =	sdelay $0x1  }
0x99: {  	s20 =	simm.s32 $_scs_section_size  }
0x9a: {  	s4 =	simm.s32 $_size__tile_overlayer_lowered;
	s5 =	simm.s32 $_tile_overlayer_lowered  }
0x9b: {  	s6 =	simm.s32 $0x1BFF;
	s21 =	sshll.u32 s5, $0x1;
	s3 =	sadd.s32 s20, s19  }
0x9c: {  	s22 =	simm.s32 $0x0;
	s4 =	sshll.u32 s4, $0x1;
	s5 =	sadd.s32 s21, s3  }
0x9d: {  	[timem:s22], [sflag:s6] =	dma.local [hbm:s5], s4  }
0x9e: {  	_ =	swait.ge [sflag:s6], s4  }
0x9f: {  	s4 =	ssub.s32 $0x0, s4;
	[sflag:s6] =	ssyncset.done $0x0  }
0xa0: {  	[sflag:s6] =	ssyncadd.s32 s4;
	_ =	sdelay $0x1  }
0xa1: {  	s23 =	simm.s32 $0x1B8B  }
0xa2: {  	_ =	swait.ge [sflag:s23], $0x1  }
0xa3: {  	[sflag:s23] =	ssyncset.done $0x0  }
0xa4: {  	[sflag:s23] =	ssyncadd.s32 $0xFFFFFFFF  }
0xa5: {  	s4 =	sld [smem:$0x0]  }
0xa6: {  	s5 =	sand.u32 $0xFFFFFFFE, s1  }
0xa7: {  	p0 =	sne.s32 s1, s5  }
0xa8: {  	s5 =	sshll.u32 @p0 s5, $0xE  }
0xa9: {  	s5 =	sadd.s32 @p0 $0x11B8D, s5;
	s6 =	sshll.u32 @p0 s4, $0x11  }
0xaa: {  	s5 =	sor.u32 @p0 s6, s5  }
0xab: {  	[sflag:s5] =	ssyncadd.remote.s32 @p0 $0x1;
	_ =	sdelay $0x1  }
0xac: {  	s5 =	simm.s32 @p0 $0x1B8D  }
0xad: {  	_ =	swait.eq @p0 [sflag:s5], $0x1  }
0xae: {  	[sflag:s5] =	ssyncadd.s32 @p0 $0xFFFFFFFF  }
0xaf: {  	s6 =	sshll.u32 @!p0 s1, $0xE  }
0xb0: {  	s6 =	sor.u32 @!p0 $0x4000, s6;
	s5 =	simm.s32 @!p0 $0x1B8D  }
0xb1: {  	s4 =	sshll.u32 @!p0 s4, $0x11;
	s6 =	sadd.s32 @!p0 $0x11B8D, s6;
	_ =	swait.eq @!p0 [sflag:s5], $0x1  }
0xb2: {  	s4 =	sor.u32 @!p0 s4, s6;
	[sflag:s5] =	ssyncadd.s32 @!p0 $0xFFFFFFFF  }
0xb3: {  	s25 =	simm.s32 $0x1B8E;
	s24 =	sld [smem:$0x3FFE];
	[sflag:s4] =	ssyncadd.remote.s32 @!p0 $0x1  }
0xb4: {  	s26 =	simm.s32 $execute0_lowered;
	[smem:$0x3FD2] =	sst s25  }
0xb5: {  	s5 =	sshll.u32 s26, $0x1;
	_ =	strace $0x80000049;
	[dreg:$0x1] =	wrdreg $0xFFFFFFFF  }
0xb6: {  	s28 =	simm.s32 $_size_execute0_lowered;
	s3 =	sadd.s32 s3, s5;
	[dreg:$0x0] =	wrdreg $0x0  }
0xb7: {  	s5 =	sshll.u32 s28, $0x1;
	[dreg:$0x2] =	wrdreg s3  }
0xb8: {  	[dreg:$0x3] =	wrdreg s5  }
0xb9: {  	[dreg:$0x4] =	wrdreg $0xC0  }
0xba: {  	_ =	task [dreg:s22], $0x5FFFF  }
0xbb: {  	[dreg:$0x1] =	wrdreg $0xFFFFFFFF  }
0xbc: {  	[dreg:$0x0] =	wrdreg $0x60  }
0xbd: {  	[dreg:$0x2] =	wrdreg s24  }
0xbe: {  	[dreg:$0x3] =	wrdreg $0x48000  }
0xbf: {  	[dreg:$0x4] =	wrdreg $0x9  }
0xc0: {  	_ =	task.clear_ibuf [dreg:s22], $0x5FFFF;
	_ =	strace $0x90000049  }
0xc1: {  	s29 =	simm.s32 $0x9;
	_ =	strace $0x8000004B  }
0xc2: {  	_ =	swait.ge [sflag:s29], $0x1  }
0xc3: {  	[sflag:s29] =	ssyncadd.s32 $0xFFFFFFFF  }
0xc4: {  	_ =	strace $0x9000004B  }
0xc5: {  	_ =	sfence  }
0xc6: {  	s30 =	sld [smem:$0x0];
	_ =	sdelay $0x2  }
0xc7: {  	s31 =	sshll.u32 s1, $0xD;
	s1 =	sshrl.u32 s1, $0x2  }
0xc8: {  	s4 =	sand.u32 $0x4000, s31;
	s1 =	sadd.s32 s1, s30  }
0xc9: {  	s0 =	sor.u32 s4, s0;
	s1 =	sshll.u32 s1, $0x11  }
0xca: {  	s0 =	sor.u32 s1, s0  }
0xcb: {  	s0 =	sadd.s32 $0x8F2B, s0  }
0xcc: {  	[sflag:s0] =	ssyncadd.remote.s32 $0x1  }
0xcd: {  	_ =	sfence.sel $0xFFFF  }
0xce: {  	[dreg:$0x0] =	wrdreg $0xFFFFFFFF;
	(pc) =	sbr.abs _section_cstart, $3  }
0xcf: {  	[dreg:$0x1] =	wrdreg $0xFFFFFFFF  }
0xd0: {  	_ =	task.clear_ibuf [dreg:s22], $0x2FFFF;
	_ =	strace $0x9FFFFFFF  }
0xd1: {  	(tm) =	ssettm $0x7FFFFFFF  }
tec
execute0_lowered:
.L_overlay_start_1:
0x0: {  	(tag) =	ssettag $0x1  }
0x1: {  	s0 =	rddreg [dreg:$0x0]  }
0x2: {  	s2 =	rddreg [dreg:$0x1];
	s3 =	simm.s32 $0x0;
	s5 =	stileid.u32  }
0x3: {  	s4 =	srdreg.scid;
	s12 =	simm.s32 $0x800;
	s13 =	simm.s32 $0x2  }
0x4: {  	s16 =	simm.s32 $0x80;
	s17 =	simm.s32 $0x100;
	s18 =	simm.s32 $0x180  }
0x5: {  	s19 =	simm.s32 $0x200;
	s20 =	simm.s32 $0x280;
	s21 =	simm.s32 $0x300  }
0x6: {  	s28 =	simm.s32 $0x600;
	s29 =	simm.s32 $0x680;
	s30 =	simm.s32 $0x700  }
0x7: {  	s31 =	simm.s32 $0x780;
	[smem:$0x7FF] =	sst s3;
	s1 =	smul.u32 $0xA00, s5  }
0x8: {  	s4 =	sand.u32 $0x1, s4;
	s6 =	smul.u32 $0x50000, s5;
	s7 =	sadd.s32 $0xA6C00, s0  }
0x9: {  	s22 =	sadd.s32 $0x15D400, s0;
	_ =	strace $0x8000004A;
	[dreg:$0x3] =	wrdreg s7  }
0xa: {  	s8 =	sadd.s32 $0x185C00, s0;
	s26 =	sshll.u32 s5, $0x6;
	[dreg:$0x4] =	wrdreg s22  }
0xb: {  	s23 =	ssub.s32 $0x2, s4;
	[dreg:$0x5] =	wrdreg s8;
	s8 =	smul.u32 $0x2800, s5  }
0xc: {  	p0 =	sne.s32 s4, $0x0;
	s14 =	sor.u32 $0x1C02, s26;
	s22 =	simm.s32 $0x380  }
0xd: {  	s26 =	simm.s32 $0x580;
	s1 =	sadd.s32 s1, s0;
	s24 =	sshrl.u32 s23, $0x1  }
.Ltmp0:
0xe: {  	s6 =	sshrl.u32 s6, $0x2;
	s0 =	sadd.s32 $0x15DC00, s0;
	(pc) =	sbr.rel .LBB2_1-.Ltmp0, $4  }
0xf: {  	[dreg:$0x6] =	wrdreg s0;
	s25 =	ssub.s32 s23, s24;
	s10 =	sadd.s32 $0x149400, s1  }
0x10: {  	s6 =	sadd.s32 s6, s2;
	s11 =	sadd.s32 $0x153400, s1;
	s23 =	simm.s32 $0x400  }
0x11: {  	s24 =	simm.s32 $0x480;
	s0 =	simm.s32 $0x1;
	s1 =	simm.s32 $0x0  }
0x12: {  	s9 =	smax.u32 s25, $0x1;
	s15 =	sshrl.u32 s6, $0x3;
	s25 =	simm.s32 $0x500  }
.LBB2_7:
0x13: {  	s4 =	sadd.s32 s6, s10;
	[sflag:s0] =	ssyncadd.s32 $0xFFFFC000  }
0x14: {  	[tilespmem:s3], [sflag:$0x2] =	stream.linear.gather [hbm4b:s4+s3], $0x800, $0x38;
	[tilespmem:$0x18800] =	vst v63  }
0x15: {  	_ =	swait.ge [sflag:s13], $0x800  }
0x16: {  	[sflag:s13] =	ssyncset.done $0x0  }
0x17: {  	[sflag:s13] =	ssyncadd.s32 $0xFFFFF800  }
0x18: {  	[spmem:s2] =	stream.indirect.scatter.add.f32 [tilespmem:s12], [sflag:$0x1], $0x80, s3, s16, $0xb8;
	[tilespmem:$0x18800] =	vst v63  }
0x19: {  	_ = 	snop  }
0x1a: {  	[spmem:s2] =	stream.indirect.scatter.add.f32 [tilespmem:s12], [sflag:$0x1], $0x80, s16, s16, $0xb8;
	[tilespmem:$0x18800] =	vst v63  }
0x1b: {  	_ = 	snop  }
0x1c: {  	[spmem:s2] =	stream.indirect.scatter.add.f32 [tilespmem:s12], [sflag:$0x1], $0x80, s17, s16, $0xb8;
	[tilespmem:$0x18800] =	vst v63  }
0x1d: {  	_ = 	snop  }
0x1e: {  	[spmem:s2] =	stream.indirect.scatter.add.f32 [tilespmem:s12], [sflag:$0x1], $0x80, s18, s16, $0xb8;
	[tilespmem:$0x18800] =	vst v63  }
0x1f: {  	_ = 	snop  }
0x20: {  	[spmem:s2] =	stream.indirect.scatter.add.f32 [tilespmem:s12], [sflag:$0x1], $0x80, s19, s16, $0xb8;
	[tilespmem:$0x18800] =	vst v63  }
0x21: {  	_ = 	snop  }
0x22: {  	[spmem:s2] =	stream.indirect.scatter.add.f32 [tilespmem:s12], [sflag:$0x1], $0x80, s20, s16, $0xb8;
	[tilespmem:$0x18800] =	vst v63  }
0x23: {  	_ = 	snop  }
0x24: {  	[spmem:s2] =	stream.indirect.scatter.add.f32 [tilespmem:s12], [sflag:$0x1], $0x80, s21, s16, $0xb8;
	[tilespmem:$0x18800] =	vst v63  }
0x25: {  	_ = 	snop  }
0x26: {  	[spmem:s2] =	stream.indirect.scatter.add.f32 [tilespmem:s12], [sflag:$0x1], $0x80, s22, s16, $0xb8;
	[tilespmem:$0x18800] =	vst v63  }
0x27: {  	_ = 	snop  }
0x28: {  	[spmem:s2] =	stream.indirect.scatter.add.f32 [tilespmem:s12], [sflag:$0x1], $0x80, s23, s16, $0xb8;
	[tilespmem:$0x18800] =	vst v63  }
0x29: {  	_ = 	snop  }
0x2a: {  	[spmem:s2] =	stream.indirect.scatter.add.f32 [tilespmem:s12], [sflag:$0x1], $0x80, s24, s16, $0xb8;
	[tilespmem:$0x18800] =	vst v63  }
0x2b: {  	_ = 	snop  }
0x2c: {  	[spmem:s2] =	stream.indirect.scatter.add.f32 [tilespmem:s12], [sflag:$0x1], $0x80, s25, s16, $0xb8;
	[tilespmem:$0x18800] =	vst v63  }
0x2d: {  	_ = 	snop  }
0x2e: {  	[spmem:s2] =	stream.indirect.scatter.add.f32 [tilespmem:s12], [sflag:$0x1], $0x80, s26, s16, $0xb8;
	[tilespmem:$0x18800] =	vst v63  }
0x2f: {  	_ = 	snop  }
0x30: {  	[spmem:s2] =	stream.indirect.scatter.add.f32 [tilespmem:s12], [sflag:$0x1], $0x80, s28, s16, $0xb8;
	[tilespmem:$0x18800] =	vst v63  }
0x31: {  	_ = 	snop  }
0x32: {  	[spmem:s2] =	stream.indirect.scatter.add.f32 [tilespmem:s12], [sflag:$0x1], $0x80, s29, s16, $0xb8;
	[tilespmem:$0x18800] =	vst v63  }
0x33: {  	_ = 	snop  }
0x34: {  	[spmem:s2] =	stream.indirect.scatter.add.f32 [tilespmem:s12], [sflag:$0x1], $0x80, s30, s16, $0xb8;
	[tilespmem:$0x18800] =	vst v63  }
0x35: {  	_ = 	snop  }
0x36: {  	[spmem:s2] =	stream.indirect.scatter.add.f32 [tilespmem:s12], [sflag:$0x1], $0x80, s31, s16, $0xb8;
	[tilespmem:$0x18800] =	vst v63  }
0x37: {  	_ =	swait.ge [sflag:s0], $0x4000  }
0x38: {  	[sflag:s0] =	ssyncset.done $0x0  }
0x39: {  	[sflag:s0] =	ssyncadd.s32 $0xFFFFC000  }
0x3a: {  	_ =	swait.ge [sflag:s0], $0x4000  }
0x3b: {  	[sflag:s0] =	ssyncset.done $0x0  }
0x3c: {  	[sflag:s0] =	ssyncadd.s32 $0xFFFFC000  }
0x3d: {  	_ =	swait.ge [sflag:s0], $0x4000  }
0x3e: {  	[sflag:s0] =	ssyncset.done $0x0  }
0x3f: {  	[sflag:s0] =	ssyncadd.s32 $0xFFFFC000  }
0x40: {  	_ =	swait.ge [sflag:s0], $0x4000  }
0x41: {  	[sflag:s0] =	ssyncset.done $0x0  }
0x42: {  	[sflag:s0] =	ssyncadd.s32 $0xFFFFC000  }
0x43: {  	_ =	swait.ge [sflag:s0], $0x4000  }
0x44: {  	[sflag:s0] =	ssyncset.done $0x0  }
0x45: {  	[sflag:s0] =	ssyncadd.s32 $0xFFFFC000  }
0x46: {  	_ =	swait.ge [sflag:s0], $0x4000  }
0x47: {  	[sflag:s0] =	ssyncset.done $0x0  }
0x48: {  	[sflag:s0] =	ssyncadd.s32 $0xFFFFC000  }
0x49: {  	_ =	swait.ge [sflag:s0], $0x4000  }
0x4a: {  	[sflag:s0] =	ssyncset.done $0x0  }
0x4b: {  	[sflag:s0] =	ssyncadd.s32 $0xFFFFC000  }
0x4c: {  	_ =	swait.ge [sflag:s0], $0x4000  }
0x4d: {  	[sflag:s0] =	ssyncset.done $0x0  }
0x4e: {  	[sflag:s0] =	ssyncadd.s32 $0xFFFFC000  }
0x4f: {  	_ =	swait.ge [sflag:s0], $0x4000  }
0x50: {  	[sflag:s0] =	ssyncset.done $0x0  }
0x51: {  	[sflag:s0] =	ssyncadd.s32 $0xFFFFC000  }
0x52: {  	_ =	swait.ge [sflag:s0], $0x4000  }
0x53: {  	[sflag:s0] =	ssyncset.done $0x0  }
0x54: {  	[sflag:s0] =	ssyncadd.s32 $0xFFFFC000  }
0x55: {  	_ =	swait.ge [sflag:s0], $0x4000  }
0x56: {  	[sflag:s0] =	ssyncset.done $0x0  }
0x57: {  	[sflag:s0] =	ssyncadd.s32 $0xFFFFC000  }
0x58: {  	_ =	swait.ge [sflag:s0], $0x4000  }
0x59: {  	[sflag:s0] =	ssyncset.done $0x0  }
0x5a: {  	[sflag:s0] =	ssyncadd.s32 $0xFFFFC000  }
0x5b: {  	_ =	swait.ge [sflag:s0], $0x4000  }
0x5c: {  	[sflag:s0] =	ssyncset.done $0x0  }
0x5d: {  	[sflag:s0] =	ssyncadd.s32 $0xFFFFC000  }
0x5e: {  	_ =	swait.ge [sflag:s0], $0x4000  }
0x5f: {  	[sflag:s0] =	ssyncset.done $0x0  }
0x60: {  	[sflag:s0] =	ssyncadd.s32 $0xFFFFC000  }
0x61: {  	_ =	swait.ge [sflag:s0], $0x4000  }
0x62: {  	[sflag:s0] =	ssyncset.done $0x0  }
0x63: {  	[sflag:s0] =	ssyncadd.s32 $0xFFFFC000  }
0x64: {  	_ =	swait.ge [sflag:s0], $0x4000  }
0x65: {  	[sflag:s0] =	ssyncset.done $0x0  }
0x66: {  	s4 =	rddreg [dreg:$0x6];
	[sflag:s0] =	ssyncadd.s32 $0xFFFFC000  }
.LBB2_8:
0x67: {  	s1 =	sadd.s32 $0x1, s1  }
0x68: {  	p1 =	sne.s32 s1, s9  }
.Ltmp1:
0x69: {  	s4 =	sadd.s32 s4, s8;
	[bflag:$0x0] =	sbarrier.arrive $0xFFFF;
	(pc) =	sbr.rel @!p1 .LBB2_9-.Ltmp1, $4  }
0x6a: {  	[hbm:s4], [sflag:s14] =	dma.local [spmem:s15], $0x2800  }
0x6b: {  	_ =	swait.ge [sflag:s13], $0x2800  }
0x6c: {  	[sflag:s13] =	ssyncset.done $0x0  }
0x6d: {  	[sflag:s13] =	ssyncadd.s32 $0xFFFFD800  }
.LBB2_1:
0x6e: {  	s4 =	rddreg [dreg:$0x4]  }
0x6f: {  	[tilespmem:s12], [sflag:$0x2] =	stream.linear.gather [hbm4b:s4+s3], $0x4000, $0x38;
	[tilespmem:$0x18800] =	vst v63  }
0x70: {  	_ =	swait.ge [sflag:s13], $0x4000  }
0x71: {  	[sflag:s13] =	ssyncset.done $0x0  }
0x72: {  	s7 =	rddreg [dreg:$0x3];
	[sflag:s13] =	ssyncadd.s32 $0xFFFFC000  }
0x73: {  	[spmem:s15], [sflag:s14] =	dma.local [hbm:s7], $0x2800  }
.Ltmp2:
0x74: {  	_ =	swait.ge [sflag:s13], $0x2800;
	(pc) =	sbr.rel @p0 .LBB2_5-.Ltmp2, $3  }
0x75: {  	[sflag:s13] =	ssyncset.done $0x0  }
0x76: {  	[sflag:s13] =	ssyncadd.s32 $0xFFFFD800  }
0x77: {  	[bflag:$0x0] =	sbarrier.arrive $0xFFFF;
	_ =	sdelay $0x1  }
0x78: {  	s4 =	sadd.s32 $0x0, s11  }
0x79: {  	[tilespmem:s3], [sflag:$0x2] =	stream.linear.gather [hbm4b:s4+s3], $0x800, $0x38;
	[tilespmem:$0x18800] =	vst v63  }
0x7a: {  	_ =	swait.ge [sflag:s13], $0x800  }
0x7b: {  	[sflag:s13] =	ssyncset.done $0x0  }
0x7c: {  	[sflag:s13] =	ssyncadd.s32 $0xFFFFF800  }
0x7d: {  	[spmem:s2] =	stream.indirect.scatter.add.f32 [tilespmem:s12], [sflag:$0x1], $0x80, s3, s16, $0xb8;
	[tilespmem:$0x18800] =	vst v63  }
0x7e: {  	_ = 	snop  }
0x7f: {  	[spmem:s2] =	stream.indirect.scatter.add.f32 [tilespmem:s12], [sflag:$0x1], $0x80, s16, s16, $0xb8;
	[tilespmem:$0x18800] =	vst v63  }
0x80: {  	_ = 	snop  }
0x81: {  	[spmem:s2] =	stream.indirect.scatter.add.f32 [tilespmem:s12], [sflag:$0x1], $0x80, s17, s16, $0xb8;
	[tilespmem:$0x18800] =	vst v63  }
0x82: {  	_ = 	snop  }
0x83: {  	[spmem:s2] =	stream.indirect.scatter.add.f32 [tilespmem:s12], [sflag:$0x1], $0x80, s18, s16, $0xb8;
	[tilespmem:$0x18800] =	vst v63  }
0x84: {  	_ = 	snop  }
0x85: {  	[spmem:s2] =	stream.indirect.scatter.add.f32 [tilespmem:s12], [sflag:$0x1], $0x80, s19, s16, $0xb8;
	[tilespmem:$0x18800] =	vst v63  }
0x86: {  	_ = 	snop  }
0x87: {  	[spmem:s2] =	stream.indirect.scatter.add.f32 [tilespmem:s12], [sflag:$0x1], $0x80, s20, s16, $0xb8;
	[tilespmem:$0x18800] =	vst v63  }
0x88: {  	_ = 	snop  }
0x89: {  	[spmem:s2] =	stream.indirect.scatter.add.f32 [tilespmem:s12], [sflag:$0x1], $0x80, s21, s16, $0xb8;
	[tilespmem:$0x18800] =	vst v63  }
0x8a: {  	_ = 	snop  }
0x8b: {  	[spmem:s2] =	stream.indirect.scatter.add.f32 [tilespmem:s12], [sflag:$0x1], $0x80, s22, s16, $0xb8;
	[tilespmem:$0x18800] =	vst v63  }
0x8c: {  	_ = 	snop  }
0x8d: {  	[spmem:s2] =	stream.indirect.scatter.add.f32 [tilespmem:s12], [sflag:$0x1], $0x80, s23, s16, $0xb8;
	[tilespmem:$0x18800] =	vst v63  }
0x8e: {  	_ = 	snop  }
0x8f: {  	[spmem:s2] =	stream.indirect.scatter.add.f32 [tilespmem:s12], [sflag:$0x1], $0x80, s24, s16, $0xb8;
	[tilespmem:$0x18800] =	vst v63  }
0x90: {  	_ = 	snop  }
0x91: {  	[spmem:s2] =	stream.indirect.scatter.add.f32 [tilespmem:s12], [sflag:$0x1], $0x80, s25, s16, $0xb8;
	[tilespmem:$0x18800] =	vst v63  }
0x92: {  	_ = 	snop  }
0x93: {  	[spmem:s2] =	stream.indirect.scatter.add.f32 [tilespmem:s12], [sflag:$0x1], $0x80, s26, s16, $0xb8;
	[tilespmem:$0x18800] =	vst v63  }
0x94: {  	_ = 	snop  }
0x95: {  	[spmem:s2] =	stream.indirect.scatter.add.f32 [tilespmem:s12], [sflag:$0x1], $0x80, s28, s16, $0xb8;
	[tilespmem:$0x18800] =	vst v63  }
0x96: {  	_ = 	snop  }
0x97: {  	[spmem:s2] =	stream.indirect.scatter.add.f32 [tilespmem:s12], [sflag:$0x1], $0x80, s29, s16, $0xb8;
	[tilespmem:$0x18800] =	vst v63  }
0x98: {  	_ = 	snop  }
0x99: {  	[spmem:s2] =	stream.indirect.scatter.add.f32 [tilespmem:s12], [sflag:$0x1], $0x80, s30, s16, $0xb8;
	[tilespmem:$0x18800] =	vst v63  }
0x9a: {  	_ = 	snop  }
0x9b: {  	[spmem:s2] =	stream.indirect.scatter.add.f32 [tilespmem:s12], [sflag:$0x1], $0x80, s31, s16, $0xb8;
	[tilespmem:$0x18800] =	vst v63  }
0x9c: {  	_ =	swait.ge [sflag:s0], $0x4000  }
0x9d: {  	[sflag:s0] =	ssyncset.done $0x0  }
0x9e: {  	[sflag:s0] =	ssyncadd.s32 $0xFFFFC000  }
0x9f: {  	_ =	swait.ge [sflag:s0], $0x4000  }
0xa0: {  	[sflag:s0] =	ssyncset.done $0x0  }
0xa1: {  	[sflag:s0] =	ssyncadd.s32 $0xFFFFC000  }
0xa2: {  	_ =	swait.ge [sflag:s0], $0x4000  }
0xa3: {  	[sflag:s0] =	ssyncset.done $0x0  }
0xa4: {  	[sflag:s0] =	ssyncadd.s32 $0xFFFFC000  }
0xa5: {  	_ =	swait.ge [sflag:s0], $0x4000  }
0xa6: {  	[sflag:s0] =	ssyncset.done $0x0  }
0xa7: {  	[sflag:s0] =	ssyncadd.s32 $0xFFFFC000  }
0xa8: {  	_ =	swait.ge [sflag:s0], $0x4000  }
0xa9: {  	[sflag:s0] =	ssyncset.done $0x0  }
0xaa: {  	[sflag:s0] =	ssyncadd.s32 $0xFFFFC000  }
0xab: {  	_ =	swait.ge [sflag:s0], $0x4000  }
0xac: {  	[sflag:s0] =	ssyncset.done $0x0  }
0xad: {  	[sflag:s0] =	ssyncadd.s32 $0xFFFFC000  }
0xae: {  	_ =	swait.ge [sflag:s0], $0x4000  }
0xaf: {  	[sflag:s0] =	ssyncset.done $0x0  }
0xb0: {  	[sflag:s0] =	ssyncadd.s32 $0xFFFFC000  }
0xb1: {  	_ =	swait.ge [sflag:s0], $0x4000  }
0xb2: {  	[sflag:s0] =	ssyncset.done $0x0  }
0xb3: {  	[sflag:s0] =	ssyncadd.s32 $0xFFFFC000  }
0xb4: {  	_ =	swait.ge [sflag:s0], $0x4000  }
0xb5: {  	[sflag:s0] =	ssyncset.done $0x0  }
0xb6: {  	[sflag:s0] =	ssyncadd.s32 $0xFFFFC000  }
0xb7: {  	_ =	swait.ge [sflag:s0], $0x4000  }
0xb8: {  	[sflag:s0] =	ssyncset.done $0x0  }
0xb9: {  	[sflag:s0] =	ssyncadd.s32 $0xFFFFC000  }
0xba: {  	_ =	swait.ge [sflag:s0], $0x4000  }
0xbb: {  	[sflag:s0] =	ssyncset.done $0x0  }
0xbc: {  	[sflag:s0] =	ssyncadd.s32 $0xFFFFC000  }
0xbd: {  	_ =	swait.ge [sflag:s0], $0x4000  }
0xbe: {  	[sflag:s0] =	ssyncset.done $0x0  }
0xbf: {  	[sflag:s0] =	ssyncadd.s32 $0xFFFFC000  }
0xc0: {  	_ =	swait.ge [sflag:s0], $0x4000  }
0xc1: {  	[sflag:s0] =	ssyncset.done $0x0  }
0xc2: {  	[sflag:s0] =	ssyncadd.s32 $0xFFFFC000  }
0xc3: {  	_ =	swait.ge [sflag:s0], $0x4000  }
0xc4: {  	[sflag:s0] =	ssyncset.done $0x0  }
0xc5: {  	[sflag:s0] =	ssyncadd.s32 $0xFFFFC000  }
0xc6: {  	_ =	swait.ge [sflag:s0], $0x4000  }
0xc7: {  	[sflag:s0] =	ssyncset.done $0x0  }
0xc8: {  	[sflag:s0] =	ssyncadd.s32 $0xFFFFC000  }
0xc9: {  	_ =	swait.ge [sflag:s0], $0x4000  }
0xca: {  	s6 =	simm.s32 $0x100;
	s7 =	simm.s32 $0x200;
	[sflag:s0] =	ssyncset.done $0x0  }
.LBB2_3:
0xcb: {  	s5 =	sadd.s32 s6, s11  }
0xcc: {  	[sflag:s0] =	ssyncadd.s32 $0xFFFFC000;
	s6 =	smov.u32 s7;
	s4 =	sadd.s32 $0x100, s7  }
0xcd: {  	[tilespmem:s3], [sflag:$0x2] =	stream.linear.gather [hbm4b:s5+s3], $0x800, $0x38;
	[tilespmem:$0x18800] =	vst v63  }
0xce: {  	p1 =	seq.s32 s7, $0x900;
	_ =	swait.ge [sflag:s13], $0x800  }
0xcf: {  	[sflag:s13] =	ssyncset.done $0x0  }
0xd0: {  	[sflag:s13] =	ssyncadd.s32 $0xFFFFF800  }
0xd1: {  	[spmem:s2] =	stream.indirect.scatter.add.f32 [tilespmem:s12], [sflag:$0x1], $0x80, s3, s16, $0xb8;
	[tilespmem:$0x18800] =	vst v63  }
0xd2: {  	_ = 	snop  }
0xd3: {  	[spmem:s2] =	stream.indirect.scatter.add.f32 [tilespmem:s12], [sflag:$0x1], $0x80, s16, s16, $0xb8;
	[tilespmem:$0x18800] =	vst v63  }
0xd4: {  	_ = 	snop  }
0xd5: {  	[spmem:s2] =	stream.indirect.scatter.add.f32 [tilespmem:s12], [sflag:$0x1], $0x80, s17, s16, $0xb8;
	[tilespmem:$0x18800] =	vst v63  }
0xd6: {  	_ = 	snop  }
0xd7: {  	[spmem:s2] =	stream.indirect.scatter.add.f32 [tilespmem:s12], [sflag:$0x1], $0x80, s18, s16, $0xb8;
	[tilespmem:$0x18800] =	vst v63  }
0xd8: {  	_ = 	snop  }
0xd9: {  	[spmem:s2] =	stream.indirect.scatter.add.f32 [tilespmem:s12], [sflag:$0x1], $0x80, s19, s16, $0xb8;
	[tilespmem:$0x18800] =	vst v63  }
0xda: {  	_ = 	snop  }
0xdb: {  	[spmem:s2] =	stream.indirect.scatter.add.f32 [tilespmem:s12], [sflag:$0x1], $0x80, s20, s16, $0xb8;
	[tilespmem:$0x18800] =	vst v63  }
0xdc: {  	_ = 	snop  }
0xdd: {  	[spmem:s2] =	stream.indirect.scatter.add.f32 [tilespmem:s12], [sflag:$0x1], $0x80, s21, s16, $0xb8;
	[tilespmem:$0x18800] =	vst v63  }
0xde: {  	_ = 	snop  }
0xdf: {  	[spmem:s2] =	stream.indirect.scatter.add.f32 [tilespmem:s12], [sflag:$0x1], $0x80, s22, s16, $0xb8;
	[tilespmem:$0x18800] =	vst v63  }
0xe0: {  	_ = 	snop  }
0xe1: {  	[spmem:s2] =	stream.indirect.scatter.add.f32 [tilespmem:s12], [sflag:$0x1], $0x80, s23, s16, $0xb8;
	[tilespmem:$0x18800] =	vst v63  }
0xe2: {  	_ = 	snop  }
0xe3: {  	[spmem:s2] =	stream.indirect.scatter.add.f32 [tilespmem:s12], [sflag:$0x1], $0x80, s24, s16, $0xb8;
	[tilespmem:$0x18800] =	vst v63  }
0xe4: {  	_ = 	snop  }
0xe5: {  	[spmem:s2] =	stream.indirect.scatter.add.f32 [tilespmem:s12], [sflag:$0x1], $0x80, s25, s16, $0xb8;
	[tilespmem:$0x18800] =	vst v63  }
0xe6: {  	_ = 	snop  }
0xe7: {  	[spmem:s2] =	stream.indirect.scatter.add.f32 [tilespmem:s12], [sflag:$0x1], $0x80, s26, s16, $0xb8;
	[tilespmem:$0x18800] =	vst v63  }
0xe8: {  	_ = 	snop  }
0xe9: {  	[spmem:s2] =	stream.indirect.scatter.add.f32 [tilespmem:s12], [sflag:$0x1], $0x80, s28, s16, $0xb8;
	[tilespmem:$0x18800] =	vst v63  }
0xea: {  	_ = 	snop  }
0xeb: {  	[spmem:s2] =	stream.indirect.scatter.add.f32 [tilespmem:s12], [sflag:$0x1], $0x80, s29, s16, $0xb8;
	[tilespmem:$0x18800] =	vst v63  }
0xec: {  	_ = 	snop  }
0xed: {  	[spmem:s2] =	stream.indirect.scatter.add.f32 [tilespmem:s12], [sflag:$0x1], $0x80, s30, s16, $0xb8;
	[tilespmem:$0x18800] =	vst v63  }
0xee: {  	_ = 	snop  }
0xef: {  	[spmem:s2] =	stream.indirect.scatter.add.f32 [tilespmem:s12], [sflag:$0x1], $0x80, s31, s16, $0xb8;
	[tilespmem:$0x18800] =	vst v63  }
0xf0: {  	_ =	swait.ge [sflag:s0], $0x4000  }
0xf1: {  	[sflag:s0] =	ssyncset.done $0x0  }
0xf2: {  	[sflag:s0] =	ssyncadd.s32 $0xFFFFC000  }
0xf3: {  	_ =	swait.ge [sflag:s0], $0x4000  }
0xf4: {  	[sflag:s0] =	ssyncset.done $0x0  }
0xf5: {  	[sflag:s0] =	ssyncadd.s32 $0xFFFFC000  }
0xf6: {  	_ =	swait.ge [sflag:s0], $0x4000  }
0xf7: {  	[sflag:s0] =	ssyncset.done $0x0  }
0xf8: {  	[sflag:s0] =	ssyncadd.s32 $0xFFFFC000  }
0xf9: {  	_ =	swait.ge [sflag:s0], $0x4000  }
0xfa: {  	[sflag:s0] =	ssyncset.done $0x0  }
0xfb: {  	[sflag:s0] =	ssyncadd.s32 $0xFFFFC000  }
0xfc: {  	_ =	swait.ge [sflag:s0], $0x4000  }
0xfd: {  	[sflag:s0] =	ssyncset.done $0x0  }
0xfe: {  	[sflag:s0] =	ssyncadd.s32 $0xFFFFC000  }
0xff: {  	_ =	swait.ge [sflag:s0], $0x4000  }
0x100: {  	[sflag:s0] =	ssyncset.done $0x0  }
0x101: {  	[sflag:s0] =	ssyncadd.s32 $0xFFFFC000  }
0x102: {  	_ =	swait.ge [sflag:s0], $0x4000  }
0x103: {  	[sflag:s0] =	ssyncset.done $0x0  }
0x104: {  	[sflag:s0] =	ssyncadd.s32 $0xFFFFC000  }
0x105: {  	_ =	swait.ge [sflag:s0], $0x4000  }
0x106: {  	[sflag:s0] =	ssyncset.done $0x0  }
0x107: {  	[sflag:s0] =	ssyncadd.s32 $0xFFFFC000  }
0x108: {  	_ =	swait.ge [sflag:s0], $0x4000  }
0x109: {  	[sflag:s0] =	ssyncset.done $0x0  }
0x10a: {  	[sflag:s0] =	ssyncadd.s32 $0xFFFFC000  }
0x10b: {  	_ =	swait.ge [sflag:s0], $0x4000  }
0x10c: {  	[sflag:s0] =	ssyncset.done $0x0  }
0x10d: {  	[sflag:s0] =	ssyncadd.s32 $0xFFFFC000  }
0x10e: {  	_ =	swait.ge [sflag:s0], $0x4000  }
0x10f: {  	[sflag:s0] =	ssyncset.done $0x0  }
0x110: {  	[sflag:s0] =	ssyncadd.s32 $0xFFFFC000  }
0x111: {  	_ =	swait.ge [sflag:s0], $0x4000  }
0x112: {  	[sflag:s0] =	ssyncset.done $0x0  }
0x113: {  	[sflag:s0] =	ssyncadd.s32 $0xFFFFC000  }
0x114: {  	_ =	swait.ge [sflag:s0], $0x4000  }
0x115: {  	[sflag:s0] =	ssyncset.done $0x0  }
0x116: {  	[sflag:s0] =	ssyncadd.s32 $0xFFFFC000  }
0x117: {  	_ =	swait.ge [sflag:s0], $0x4000  }
0x118: {  	[sflag:s0] =	ssyncset.done $0x0  }
0x119: {  	[sflag:s0] =	ssyncadd.s32 $0xFFFFC000  }
.Ltmp3:
0x11a: {  	_ =	swait.ge [sflag:s0], $0x4000;
	(pc) =	sbr.rel @!p1 .LBB2_3-.Ltmp3, $4  }
0x11b: {  	[sflag:s0] =	ssyncset.done $0x0  }
0x11c: {  	[sflag:s0] =	ssyncadd.s32 $0xFFFFC000  }
0x11d: {  	_ =	swait.ge [sflag:s0], $0x4000  }
0x11e: {  	s7 =	smov.u32 s4;
	[sflag:s0] =	ssyncset.done $0x0  }
0x11f: {  	s4 =	sadd.s32 s6, s11;
	[sflag:s0] =	ssyncadd.s32 $0xFFFFC000  }
0x120: {  	[tilespmem:s3], [sflag:$0x2] =	stream.linear.gather [hbm4b:s4+s3], $0x800, $0x38;
	[tilespmem:$0x18800] =	vst v63  }
0x121: {  	_ =	swait.ge [sflag:s13], $0x800  }
0x122: {  	[sflag:s13] =	ssyncset.done $0x0  }
0x123: {  	[sflag:s13] =	ssyncadd.s32 $0xFFFFF800  }
0x124: {  	[spmem:s2] =	stream.indirect.scatter.add.f32 [tilespmem:s12], [sflag:$0x1], $0x80, s3, s16, $0xb8;
	[tilespmem:$0x18800] =	vst v63  }
0x125: {  	_ = 	snop  }
0x126: {  	[spmem:s2] =	stream.indirect.scatter.add.f32 [tilespmem:s12], [sflag:$0x1], $0x80, s16, s16, $0xb8;
	[tilespmem:$0x18800] =	vst v63  }
0x127: {  	_ = 	snop  }
0x128: {  	[spmem:s2] =	stream.indirect.scatter.add.f32 [tilespmem:s12], [sflag:$0x1], $0x80, s17, s16, $0xb8;
	[tilespmem:$0x18800] =	vst v63  }
0x129: {  	_ = 	snop  }
0x12a: {  	[spmem:s2] =	stream.indirect.scatter.add.f32 [tilespmem:s12], [sflag:$0x1], $0x80, s18, s16, $0xb8;
	[tilespmem:$0x18800] =	vst v63  }
0x12b: {  	_ = 	snop  }
0x12c: {  	[spmem:s2] =	stream.indirect.scatter.add.f32 [tilespmem:s12], [sflag:$0x1], $0x80, s19, s16, $0xb8;
	[tilespmem:$0x18800] =	vst v63  }
0x12d: {  	_ = 	snop  }
0x12e: {  	[spmem:s2] =	stream.indirect.scatter.add.f32 [tilespmem:s12], [sflag:$0x1], $0x80, s20, s16, $0xb8;
	[tilespmem:$0x18800] =	vst v63  }
0x12f: {  	_ = 	snop  }
0x130: {  	[spmem:s2] =	stream.indirect.scatter.add.f32 [tilespmem:s12], [sflag:$0x1], $0x80, s21, s16, $0xb8;
	[tilespmem:$0x18800] =	vst v63  }
0x131: {  	_ = 	snop  }
0x132: {  	[spmem:s2] =	stream.indirect.scatter.add.f32 [tilespmem:s12], [sflag:$0x1], $0x80, s22, s16, $0xb8;
	[tilespmem:$0x18800] =	vst v63  }
0x133: {  	_ = 	snop  }
0x134: {  	[spmem:s2] =	stream.indirect.scatter.add.f32 [tilespmem:s12], [sflag:$0x1], $0x80, s23, s16, $0xb8;
	[tilespmem:$0x18800] =	vst v63  }
0x135: {  	_ = 	snop  }
0x136: {  	[spmem:s2] =	stream.indirect.scatter.add.f32 [tilespmem:s12], [sflag:$0x1], $0x80, s24, s16, $0xb8;
	[tilespmem:$0x18800] =	vst v63  }
0x137: {  	_ = 	snop  }
0x138: {  	[spmem:s2] =	stream.indirect.scatter.add.f32 [tilespmem:s12], [sflag:$0x1], $0x80, s25, s16, $0xb8;
	[tilespmem:$0x18800] =	vst v63  }
0x139: {  	_ = 	snop  }
0x13a: {  	[spmem:s2] =	stream.indirect.scatter.add.f32 [tilespmem:s12], [sflag:$0x1], $0x80, s26, s16, $0xb8;
	[tilespmem:$0x18800] =	vst v63  }
0x13b: {  	_ = 	snop  }
0x13c: {  	[spmem:s2] =	stream.indirect.scatter.add.f32 [tilespmem:s12], [sflag:$0x1], $0x80, s28, s16, $0xb8;
	[tilespmem:$0x18800] =	vst v63  }
0x13d: {  	_ = 	snop  }
0x13e: {  	[spmem:s2] =	stream.indirect.scatter.add.f32 [tilespmem:s12], [sflag:$0x1], $0x80, s29, s16, $0xb8;
	[tilespmem:$0x18800] =	vst v63  }
0x13f: {  	_ = 	snop  }
0x140: {  	[spmem:s2] =	stream.indirect.scatter.add.f32 [tilespmem:s12], [sflag:$0x1], $0x80, s30, s16, $0xb8;
	[tilespmem:$0x18800] =	vst v63  }
0x141: {  	_ = 	snop  }
0x142: {  	[spmem:s2] =	stream.indirect.scatter.add.f32 [tilespmem:s12], [sflag:$0x1], $0x80, s31, s16, $0xb8;
	[tilespmem:$0x18800] =	vst v63  }
0x143: {  	_ =	swait.ge [sflag:s0], $0x4000  }
0x144: {  	[sflag:s0] =	ssyncset.done $0x0  }
0x145: {  	[sflag:s0] =	ssyncadd.s32 $0xFFFFC000  }
0x146: {  	_ =	swait.ge [sflag:s0], $0x4000  }
0x147: {  	[sflag:s0] =	ssyncset.done $0x0  }
0x148: {  	[sflag:s0] =	ssyncadd.s32 $0xFFFFC000  }
0x149: {  	_ =	swait.ge [sflag:s0], $0x4000  }
0x14a: {  	[sflag:s0] =	ssyncset.done $0x0  }
0x14b: {  	[sflag:s0] =	ssyncadd.s32 $0xFFFFC000  }
0x14c: {  	_ =	swait.ge [sflag:s0], $0x4000  }
0x14d: {  	[sflag:s0] =	ssyncset.done $0x0  }
0x14e: {  	[sflag:s0] =	ssyncadd.s32 $0xFFFFC000  }
0x14f: {  	_ =	swait.ge [sflag:s0], $0x4000  }
0x150: {  	[sflag:s0] =	ssyncset.done $0x0  }
0x151: {  	[sflag:s0] =	ssyncadd.s32 $0xFFFFC000  }
0x152: {  	_ =	swait.ge [sflag:s0], $0x4000  }
0x153: {  	[sflag:s0] =	ssyncset.done $0x0  }
0x154: {  	[sflag:s0] =	ssyncadd.s32 $0xFFFFC000  }
0x155: {  	_ =	swait.ge [sflag:s0], $0x4000  }
0x156: {  	[sflag:s0] =	ssyncset.done $0x0  }
0x157: {  	[sflag:s0] =	ssyncadd.s32 $0xFFFFC000  }
0x158: {  	_ =	swait.ge [sflag:s0], $0x4000  }
0x159: {  	[sflag:s0] =	ssyncset.done $0x0  }
0x15a: {  	[sflag:s0] =	ssyncadd.s32 $0xFFFFC000  }
0x15b: {  	_ =	swait.ge [sflag:s0], $0x4000  }
0x15c: {  	[sflag:s0] =	ssyncset.done $0x0  }
0x15d: {  	[sflag:s0] =	ssyncadd.s32 $0xFFFFC000  }
0x15e: {  	_ =	swait.ge [sflag:s0], $0x4000  }
0x15f: {  	[sflag:s0] =	ssyncset.done $0x0  }
0x160: {  	[sflag:s0] =	ssyncadd.s32 $0xFFFFC000  }
0x161: {  	_ =	swait.ge [sflag:s0], $0x4000  }
0x162: {  	[sflag:s0] =	ssyncset.done $0x0  }
0x163: {  	[sflag:s0] =	ssyncadd.s32 $0xFFFFC000  }
0x164: {  	_ =	swait.ge [sflag:s0], $0x4000  }
0x165: {  	[sflag:s0] =	ssyncset.done $0x0  }
0x166: {  	[sflag:s0] =	ssyncadd.s32 $0xFFFFC000  }
0x167: {  	_ =	swait.ge [sflag:s0], $0x4000  }
0x168: {  	[sflag:s0] =	ssyncset.done $0x0  }
0x169: {  	[sflag:s0] =	ssyncadd.s32 $0xFFFFC000  }
0x16a: {  	_ =	swait.ge [sflag:s0], $0x4000  }
0x16b: {  	[sflag:s0] =	ssyncset.done $0x0  }
0x16c: {  	[sflag:s0] =	ssyncadd.s32 $0xFFFFC000  }
0x16d: {  	_ =	swait.ge [sflag:s0], $0x4000  }
.Ltmp4:
0x16e: {  	[sflag:s0] =	ssyncset.done $0x0;
	(pc) =	sbr.rel .LBB2_8-.Ltmp4, $4  }
0x16f: {  	[sflag:s0] =	ssyncadd.s32 $0xFFFFC000  }
0x170: {  	_ =	swait.ge [sflag:s0], $0x4000  }
0x171: {  	[sflag:s0] =	ssyncset.done $0x0  }
0x172: {  	s4 =	rddreg [dreg:$0x5];
	[sflag:s0] =	ssyncadd.s32 $0xFFFFC000  }
.LBB2_5:
0x173: {  	s4 =	sadd.s32 $0x0, s10  }
0x174: {  	[tilespmem:s3], [sflag:$0x2] =	stream.linear.gather [hbm4b:s4+s3], $0x800, $0x38;
	[tilespmem:$0x18800] =	vst v63  }
0x175: {  	_ =	swait.ge [sflag:s13], $0x800  }
0x176: {  	[sflag:s13] =	ssyncset.done $0x0  }
0x177: {  	[sflag:s13] =	ssyncadd.s32 $0xFFFFF800  }
0x178: {  	[spmem:s2] =	stream.indirect.scatter.add.f32 [tilespmem:s12], [sflag:$0x1], $0x80, s3, s16, $0xb8;
	[tilespmem:$0x18800] =	vst v63  }
0x179: {  	_ = 	snop  }
0x17a: {  	[spmem:s2] =	stream.indirect.scatter.add.f32 [tilespmem:s12], [sflag:$0x1], $0x80, s16, s16, $0xb8;
	[tilespmem:$0x18800] =	vst v63  }
0x17b: {  	_ = 	snop  }
0x17c: {  	[spmem:s2] =	stream.indirect.scatter.add.f32 [tilespmem:s12], [sflag:$0x1], $0x80, s17, s16, $0xb8;
	[tilespmem:$0x18800] =	vst v63  }
0x17d: {  	_ = 	snop  }
0x17e: {  	[spmem:s2] =	stream.indirect.scatter.add.f32 [tilespmem:s12], [sflag:$0x1], $0x80, s18, s16, $0xb8;
	[tilespmem:$0x18800] =	vst v63  }
0x17f: {  	_ = 	snop  }
0x180: {  	[spmem:s2] =	stream.indirect.scatter.add.f32 [tilespmem:s12], [sflag:$0x1], $0x80, s19, s16, $0xb8;
	[tilespmem:$0x18800] =	vst v63  }
0x181: {  	_ = 	snop  }
0x182: {  	[spmem:s2] =	stream.indirect.scatter.add.f32 [tilespmem:s12], [sflag:$0x1], $0x80, s20, s16, $0xb8;
	[tilespmem:$0x18800] =	vst v63  }
0x183: {  	_ = 	snop  }
0x184: {  	[spmem:s2] =	stream.indirect.scatter.add.f32 [tilespmem:s12], [sflag:$0x1], $0x80, s21, s16, $0xb8;
	[tilespmem:$0x18800] =	vst v63  }
0x185: {  	_ = 	snop  }
0x186: {  	[spmem:s2] =	stream.indirect.scatter.add.f32 [tilespmem:s12], [sflag:$0x1], $0x80, s22, s16, $0xb8;
	[tilespmem:$0x18800] =	vst v63  }
0x187: {  	_ = 	snop  }
0x188: {  	[spmem:s2] =	stream.indirect.scatter.add.f32 [tilespmem:s12], [sflag:$0x1], $0x80, s23, s16, $0xb8;
	[tilespmem:$0x18800] =	vst v63  }
0x189: {  	_ = 	snop  }
0x18a: {  	[spmem:s2] =	stream.indirect.scatter.add.f32 [tilespmem:s12], [sflag:$0x1], $0x80, s24, s16, $0xb8;
	[tilespmem:$0x18800] =	vst v63  }
0x18b: {  	_ = 	snop  }
0x18c: {  	[spmem:s2] =	stream.indirect.scatter.add.f32 [tilespmem:s12], [sflag:$0x1], $0x80, s25, s16, $0xb8;
	[tilespmem:$0x18800] =	vst v63  }
0x18d: {  	_ = 	snop  }
0x18e: {  	[spmem:s2] =	stream.indirect.scatter.add.f32 [tilespmem:s12], [sflag:$0x1], $0x80, s26, s16, $0xb8;
	[tilespmem:$0x18800] =	vst v63  }
0x18f: {  	_ = 	snop  }
0x190: {  	[spmem:s2] =	stream.indirect.scatter.add.f32 [tilespmem:s12], [sflag:$0x1], $0x80, s28, s16, $0xb8;
	[tilespmem:$0x18800] =	vst v63  }
0x191: {  	_ = 	snop  }
0x192: {  	[spmem:s2] =	stream.indirect.scatter.add.f32 [tilespmem:s12], [sflag:$0x1], $0x80, s29, s16, $0xb8;
	[tilespmem:$0x18800] =	vst v63  }
0x193: {  	_ = 	snop  }
0x194: {  	[spmem:s2] =	stream.indirect.scatter.add.f32 [tilespmem:s12], [sflag:$0x1], $0x80, s30, s16, $0xb8;
	[tilespmem:$0x18800] =	vst v63  }
0x195: {  	_ = 	snop  }
0x196: {  	[spmem:s2] =	stream.indirect.scatter.add.f32 [tilespmem:s12], [sflag:$0x1], $0x80, s31, s16, $0xb8;
	[tilespmem:$0x18800] =	vst v63  }
0x197: {  	_ =	swait.ge [sflag:s0], $0x4000  }
0x198: {  	[sflag:s0] =	ssyncset.done $0x0  }
0x199: {  	[sflag:s0] =	ssyncadd.s32 $0xFFFFC000  }
0x19a: {  	_ =	swait.ge [sflag:s0], $0x4000  }
0x19b: {  	[sflag:s0] =	ssyncset.done $0x0  }
0x19c: {  	[sflag:s0] =	ssyncadd.s32 $0xFFFFC000  }
0x19d: {  	_ =	swait.ge [sflag:s0], $0x4000  }
0x19e: {  	[sflag:s0] =	ssyncset.done $0x0  }
0x19f: {  	[sflag:s0] =	ssyncadd.s32 $0xFFFFC000  }
0x1a0: {  	_ =	swait.ge [sflag:s0], $0x4000  }
0x1a1: {  	[sflag:s0] =	ssyncset.done $0x0  }
0x1a2: {  	[sflag:s0] =	ssyncadd.s32 $0xFFFFC000  }
0x1a3: {  	_ =	swait.ge [sflag:s0], $0x4000  }
0x1a4: {  	[sflag:s0] =	ssyncset.done $0x0  }
0x1a5: {  	[sflag:s0] =	ssyncadd.s32 $0xFFFFC000  }
0x1a6: {  	_ =	swait.ge [sflag:s0], $0x4000  }
0x1a7: {  	[sflag:s0] =	ssyncset.done $0x0  }
0x1a8: {  	[sflag:s0] =	ssyncadd.s32 $0xFFFFC000  }
0x1a9: {  	_ =	swait.ge [sflag:s0], $0x4000  }
0x1aa: {  	[sflag:s0] =	ssyncset.done $0x0  }
0x1ab: {  	[sflag:s0] =	ssyncadd.s32 $0xFFFFC000  }
0x1ac: {  	_ =	swait.ge [sflag:s0], $0x4000  }
0x1ad: {  	[sflag:s0] =	ssyncset.done $0x0  }
0x1ae: {  	[sflag:s0] =	ssyncadd.s32 $0xFFFFC000  }
0x1af: {  	_ =	swait.ge [sflag:s0], $0x4000  }
0x1b0: {  	[sflag:s0] =	ssyncset.done $0x0  }
0x1b1: {  	[sflag:s0] =	ssyncadd.s32 $0xFFFFC000  }
0x1b2: {  	_ =	swait.ge [sflag:s0], $0x4000  }
0x1b3: {  	[sflag:s0] =	ssyncset.done $0x0  }
0x1b4: {  	[sflag:s0] =	ssyncadd.s32 $0xFFFFC000  }
0x1b5: {  	_ =	swait.ge [sflag:s0], $0x4000  }
0x1b6: {  	[sflag:s0] =	ssyncset.done $0x0  }
0x1b7: {  	[sflag:s0] =	ssyncadd.s32 $0xFFFFC000  }
0x1b8: {  	_ =	swait.ge [sflag:s0], $0x4000  }
0x1b9: {  	[sflag:s0] =	ssyncset.done $0x0  }
0x1ba: {  	[sflag:s0] =	ssyncadd.s32 $0xFFFFC000  }
0x1bb: {  	_ =	swait.ge [sflag:s0], $0x4000  }
0x1bc: {  	[sflag:s0] =	ssyncset.done $0x0  }
0x1bd: {  	[sflag:s0] =	ssyncadd.s32 $0xFFFFC000  }
0x1be: {  	_ =	swait.ge [sflag:s0], $0x4000  }
0x1bf: {  	[sflag:s0] =	ssyncset.done $0x0  }
0x1c0: {  	[sflag:s0] =	ssyncadd.s32 $0xFFFFC000  }
0x1c1: {  	_ =	swait.ge [sflag:s0], $0x4000  }
0x1c2: {  	[sflag:s0] =	ssyncset.done $0x0  }
0x1c3: {  	[sflag:s0] =	ssyncadd.s32 $0xFFFFC000  }
0x1c4: {  	_ =	swait.ge [sflag:s0], $0x4000  }
0x1c5: {  	s6 =	simm.s32 $0x100;
	s4 =	simm.s32 $0x200;
	[sflag:s0] =	ssyncset.done $0x0  }
.LBB2_6:
0x1c6: {  	s5 =	sadd.s32 s6, s10  }
0x1c7: {  	[sflag:s0] =	ssyncadd.s32 $0xFFFFC000;
	s6 =	smov.u32 s4;
	s7 =	sadd.s32 $0x100, s4  }
0x1c8: {  	[tilespmem:s3], [sflag:$0x2] =	stream.linear.gather [hbm4b:s5+s3], $0x800, $0x38;
	[tilespmem:$0x18800] =	vst v63  }
0x1c9: {  	p1 =	sne.s32 s4, $0x900;
	_ =	swait.ge [sflag:s13], $0x800  }
0x1ca: {  	[sflag:s13] =	ssyncset.done $0x0  }
0x1cb: {  	[sflag:s13] =	ssyncadd.s32 $0xFFFFF800  }
0x1cc: {  	[spmem:s2] =	stream.indirect.scatter.add.f32 [tilespmem:s12], [sflag:$0x1], $0x80, s3, s16, $0xb8;
	[tilespmem:$0x18800] =	vst v63  }
0x1cd: {  	_ = 	snop  }
0x1ce: {  	[spmem:s2] =	stream.indirect.scatter.add.f32 [tilespmem:s12], [sflag:$0x1], $0x80, s16, s16, $0xb8;
	[tilespmem:$0x18800] =	vst v63  }
0x1cf: {  	_ = 	snop  }
0x1d0: {  	[spmem:s2] =	stream.indirect.scatter.add.f32 [tilespmem:s12], [sflag:$0x1], $0x80, s17, s16, $0xb8;
	[tilespmem:$0x18800] =	vst v63  }
0x1d1: {  	_ = 	snop  }
0x1d2: {  	[spmem:s2] =	stream.indirect.scatter.add.f32 [tilespmem:s12], [sflag:$0x1], $0x80, s18, s16, $0xb8;
	[tilespmem:$0x18800] =	vst v63  }
0x1d3: {  	_ = 	snop  }
0x1d4: {  	[spmem:s2] =	stream.indirect.scatter.add.f32 [tilespmem:s12], [sflag:$0x1], $0x80, s19, s16, $0xb8;
	[tilespmem:$0x18800] =	vst v63  }
0x1d5: {  	_ = 	snop  }
0x1d6: {  	[spmem:s2] =	stream.indirect.scatter.add.f32 [tilespmem:s12], [sflag:$0x1], $0x80, s20, s16, $0xb8;
	[tilespmem:$0x18800] =	vst v63  }
0x1d7: {  	_ = 	snop  }
0x1d8: {  	[spmem:s2] =	stream.indirect.scatter.add.f32 [tilespmem:s12], [sflag:$0x1], $0x80, s21, s16, $0xb8;
	[tilespmem:$0x18800] =	vst v63  }
0x1d9: {  	_ = 	snop  }
0x1da: {  	[spmem:s2] =	stream.indirect.scatter.add.f32 [tilespmem:s12], [sflag:$0x1], $0x80, s22, s16, $0xb8;
	[tilespmem:$0x18800] =	vst v63  }
0x1db: {  	_ = 	snop  }
0x1dc: {  	[spmem:s2] =	stream.indirect.scatter.add.f32 [tilespmem:s12], [sflag:$0x1], $0x80, s23, s16, $0xb8;
	[tilespmem:$0x18800] =	vst v63  }
0x1dd: {  	_ = 	snop  }
0x1de: {  	[spmem:s2] =	stream.indirect.scatter.add.f32 [tilespmem:s12], [sflag:$0x1], $0x80, s24, s16, $0xb8;
	[tilespmem:$0x18800] =	vst v63  }
0x1df: {  	_ = 	snop  }
0x1e0: {  	[spmem:s2] =	stream.indirect.scatter.add.f32 [tilespmem:s12], [sflag:$0x1], $0x80, s25, s16, $0xb8;
	[tilespmem:$0x18800] =	vst v63  }
0x1e1: {  	_ = 	snop  }
0x1e2: {  	[spmem:s2] =	stream.indirect.scatter.add.f32 [tilespmem:s12], [sflag:$0x1], $0x80, s26, s16, $0xb8;
	[tilespmem:$0x18800] =	vst v63  }
0x1e3: {  	_ = 	snop  }
0x1e4: {  	[spmem:s2] =	stream.indirect.scatter.add.f32 [tilespmem:s12], [sflag:$0x1], $0x80, s28, s16, $0xb8;
	[tilespmem:$0x18800] =	vst v63  }
0x1e5: {  	_ = 	snop  }
0x1e6: {  	[spmem:s2] =	stream.indirect.scatter.add.f32 [tilespmem:s12], [sflag:$0x1], $0x80, s29, s16, $0xb8;
	[tilespmem:$0x18800] =	vst v63  }
0x1e7: {  	_ = 	snop  }
0x1e8: {  	[spmem:s2] =	stream.indirect.scatter.add.f32 [tilespmem:s12], [sflag:$0x1], $0x80, s30, s16, $0xb8;
	[tilespmem:$0x18800] =	vst v63  }
0x1e9: {  	_ = 	snop  }
0x1ea: {  	[spmem:s2] =	stream.indirect.scatter.add.f32 [tilespmem:s12], [sflag:$0x1], $0x80, s31, s16, $0xb8;
	[tilespmem:$0x18800] =	vst v63  }
0x1eb: {  	_ =	swait.ge [sflag:s0], $0x4000  }
0x1ec: {  	[sflag:s0] =	ssyncset.done $0x0  }
0x1ed: {  	[sflag:s0] =	ssyncadd.s32 $0xFFFFC000  }
0x1ee: {  	_ =	swait.ge [sflag:s0], $0x4000  }
0x1ef: {  	[sflag:s0] =	ssyncset.done $0x0  }
0x1f0: {  	[sflag:s0] =	ssyncadd.s32 $0xFFFFC000  }
0x1f1: {  	_ =	swait.ge [sflag:s0], $0x4000  }
0x1f2: {  	[sflag:s0] =	ssyncset.done $0x0  }
0x1f3: {  	[sflag:s0] =	ssyncadd.s32 $0xFFFFC000  }
0x1f4: {  	_ =	swait.ge [sflag:s0], $0x4000  }
0x1f5: {  	[sflag:s0] =	ssyncset.done $0x0  }
0x1f6: {  	[sflag:s0] =	ssyncadd.s32 $0xFFFFC000  }
0x1f7: {  	_ =	swait.ge [sflag:s0], $0x4000  }
0x1f8: {  	[sflag:s0] =	ssyncset.done $0x0  }
0x1f9: {  	[sflag:s0] =	ssyncadd.s32 $0xFFFFC000  }
0x1fa: {  	_ =	swait.ge [sflag:s0], $0x4000  }
0x1fb: {  	[sflag:s0] =	ssyncset.done $0x0  }
0x1fc: {  	[sflag:s0] =	ssyncadd.s32 $0xFFFFC000  }
0x1fd: {  	_ =	swait.ge [sflag:s0], $0x4000  }
0x1fe: {  	[sflag:s0] =	ssyncset.done $0x0  }
0x1ff: {  	[sflag:s0] =	ssyncadd.s32 $0xFFFFC000  }
0x200: {  	_ =	swait.ge [sflag:s0], $0x4000  }
0x201: {  	[sflag:s0] =	ssyncset.done $0x0  }
0x202: {  	[sflag:s0] =	ssyncadd.s32 $0xFFFFC000  }
0x203: {  	_ =	swait.ge [sflag:s0], $0x4000  }
0x204: {  	[sflag:s0] =	ssyncset.done $0x0  }
0x205: {  	[sflag:s0] =	ssyncadd.s32 $0xFFFFC000  }
0x206: {  	_ =	swait.ge [sflag:s0], $0x4000  }
0x207: {  	[sflag:s0] =	ssyncset.done $0x0  }
0x208: {  	[sflag:s0] =	ssyncadd.s32 $0xFFFFC000  }
0x209: {  	_ =	swait.ge [sflag:s0], $0x4000  }
0x20a: {  	[sflag:s0] =	ssyncset.done $0x0  }
0x20b: {  	[sflag:s0] =	ssyncadd.s32 $0xFFFFC000  }
0x20c: {  	_ =	swait.ge [sflag:s0], $0x4000  }
0x20d: {  	[sflag:s0] =	ssyncset.done $0x0  }
0x20e: {  	[sflag:s0] =	ssyncadd.s32 $0xFFFFC000  }
0x20f: {  	_ =	swait.ge [sflag:s0], $0x4000  }
0x210: {  	[sflag:s0] =	ssyncset.done $0x0  }
0x211: {  	[sflag:s0] =	ssyncadd.s32 $0xFFFFC000  }
0x212: {  	_ =	swait.ge [sflag:s0], $0x4000  }
0x213: {  	[sflag:s0] =	ssyncset.done $0x0  }
0x214: {  	[sflag:s0] =	ssyncadd.s32 $0xFFFFC000  }
.Ltmp5:
0x215: {  	_ =	swait.ge [sflag:s0], $0x4000;
	(pc) =	sbr.rel @p1 .LBB2_6-.Ltmp5, $4  }
0x216: {  	[sflag:s0] =	ssyncset.done $0x0  }
0x217: {  	[sflag:s0] =	ssyncadd.s32 $0xFFFFC000  }
0x218: {  	_ =	swait.ge [sflag:s0], $0x4000  }
0x219: {  	s4 =	smov.u32 s7;
	[sflag:s0] =	ssyncset.done $0x0  }
.Ltmp6:
0x21a: {  	_ = 	snop;
	(pc) =	sbr.rel .LBB2_7-.Ltmp6, $1  }
0x21b: {  	_ =	sdelay $0x3  }
.LBB2_9:
0x21c: {  	_ =	sfence.sel $0x180000  }
0x21d: {  	[bflag:$0x0] =	sbarrier.arrive $0xFFFF  }
0x21e: {  	_ =	strace $0x9000004A  }
0x21f: {  	s0 =	stileid.u32;
	[bflag:$0x2] =	sbarrier.arrive $0xFFFF  }
0x220: {  	p0 =	sne.s32 s0, $0x0;
	s0 =	rddreg [dreg:$0x2]  }
0x221: {  	s0 =	sadd.s32 @!p0 $0x100000, s0  }
0x222: {  	[sflag:s0] =	ssyncadd.tile.s32 @!p0 $0x1;
	_ =	shalt  }
.Lfunc_end2:
_tile_overlayer_lowered:
.L_overlay_start_2:
0x223: {  	(tag) =	ssettag $0x2  }
0x224: {  	s0 =	rddreg [dreg:$0x0];
	s2 =	stileid.u32  }
0x225: {  	s1 =	rddreg [dreg:$0x1];
	p0 =	sne.s32 s2, $0x0  }
0x226: {  	s3 =	rddreg [dreg:$0x2];
	[bflag:$0x3] =	sbarrier.arrive $0xFFFF;
	s2 =	simm.s32 @!p0 $0x1C02  }
0x227: {  	[timem:s3], [sflag:s2] =	dma.local @!p0 [hbm:s0], s1  }
0x228: {  	s0 =	simm.s32 @!p0 $0x2  }
0x229: {  	_ =	swait.ge @!p0 [sflag:s0], s1  }
0x22a: {  	s1 =	ssub.s32 @!p0 $0x0, s1;
	[sflag:s0] =	ssyncset.done @!p0 $0x0  }
0x22b: {  	[sflag:s0] =	ssyncadd.s32 @!p0 s1  }
0x22c: {  	[bflag:$0x3] =	sbarrier.arrive $0xFFFF  }
0x22d: {  	_ =	shalt  }

// kernel: kernel.14.cloned.1.call-start
scs
__scs_entry_jumppad:
0x0: {  	(pc) =	sbr.rel $0x88, $3  }
0x1: {  	(tag) =	ssettag $0x0;
	lr =	simm.s32 $0x1  }
0x2: {  	[smem:$0x3F82] =	sst lr;
	_ =	strace $0xD0000000  }
0x3: {  	_ = 	snop  }
0x4: {  	_ = 	snop  }
0x5: {  	_ = 	snop  }
0x6: {  	_ = 	snop  }
0x7: {  	_ = 	snop  }
__scs_overlays_trampoline_lowered:
0x8: {  	[smem:$0x3F91] =	sst s0  }
0x9: {  	[smem:$0x3F92] =	sst s1  }
0xa: {  	[smem:$0x3F93] =	sst s2  }
0xb: {  	[smem:$0x3F94] =	sst s3  }
0xc: {  	[smem:$0x3F95] =	sst s4  }
0xd: {  	[smem:$0x3F96] =	sst s5  }
0xe: {  	[smem:$0x3F97] =	sst s6  }
0xf: {  	[smem:$0x3F98] =	sst s7  }
0x10: {  	[smem:$0x3F99] =	sst s8  }
0x11: {  	[smem:$0x3F9A] =	sst s9;
	s0 =	simm.s32 @!p0 $0x0  }
0x12: {  	s1 =	sld [smem:$0x3F80];
	s0 =	simm.s32 @p0 $0x1  }
0x13: {  	[smem:$0x3F9B] =	sst s0;
	s0 =	simm.s32 @!p1 $0x0  }
0x14: {  	s2 =	sld [smem:$0x3F7F];
	s0 =	simm.s32 @p1 $0x1  }
0x15: {  	[smem:$0x3F9C] =	sst s0;
	s0 =	simm.s32 @!p2 $0x0  }
0x16: {  	s3 =	sld [smem:$0x3FDB];
	s0 =	simm.s32 @p2 $0x1  }
0x17: {  	s4 =	simm.s32 $0x1BF5;
	[smem:$0x3F9E] =	sst s0  }
0x18: {  	s0 =	sld [smem:$0x3F81];
	_ =	swait.ge [sflag:s4], $0x0  }
0x19: {  	s7 =	sld [smem:$0x3F82]  }
0x1a: {  	s8 =	sadd.s32 $0xFFFFE003, lr  }
0x1b: {  	s9 =	sadd.s32 $0xFFFFFEF7, lr;
	s5 =	simm.s32 $0xFFFFFFFF;
	p2 =	slt.u32 s8, $0xFFFFF086  }
0x1c: {  	p1 =	slt.u32 s9, $0xF7A;
	s5 =	simm.s32 @!p2 $0x0  }
0x1d: {  	s5 =	simm.s32 @p1 $0x1;
	p0 =	seq.s32 s7, s2  }
0x1e: {  	s7 =	smul.u32 @!p0 $0xF7A, s2;
	p2 =	seq.s32 @!p0 s5, $0x0  }
0x1f: {  	s9 =	smul.u32 $0xF7A, s1;
	s8 =	simm.s32 @!p0 $0x1BF5;
	p2 =	por !p2, p0  }
0x20: {  	[sflag:s8] =	ssyncset.s32 @!p0 $0xFFFFF086;
	s6 =	sadd.s32 @!p0 s3, s7;
	s7 =	simm.s32 @!p0 $0x108  }
0x21: {  	s3 =	sadd.s32 s3, s9;
	s6 =	sadd.s32 @!p0 $0x88, s6;
	s7 =	simm.s32 @p2 $0x1082  }
0x22: {  	[simem:s7], [sflag:s8] =	dma.local @!p0 [hbm:s6], $0xF7A  }
0x23: {  	s9 =	sor.u32 $0xD0000000, s2;
	s6 =	simm.s32 $0x108;
	_ =	swait.ge @!p0 [sflag:s8], $0x0  }
0x24: {  	s3 =	sadd.s32 $0x88, s3;
	s6 =	simm.s32 @!p1 $0x1082;
	[sflag:s4] =	ssyncset.s32 $0xFFFFF086  }
0x25: {  	[simem:s6], [sflag:s4] =	dma.local [hbm:s3], $0xF7A  }
0x26: {  	[smem:$0x3F82] =	sst s1;
	(tag) =	ssettag s2;
	_ =	strace s9  }
0x27: {  	s1 =	sld [smem:$0x3F92]  }
0x28: {  	s2 =	sld [smem:$0x3F93]  }
0x29: {  	s4 =	sld [smem:$0x3F95]  }
0x2a: {  	p0 =	seq.s32 s5, $0x0;
	s5 =	sld [smem:$0x3F96]  }
0x2b: {  	s6 =	sld [smem:$0x3F97]  }
0x2c: {  	s7 =	sld [smem:$0x3F98]  }
0x2d: {  	s3 =	simm.s32 $0x108;
	s8 =	sld [smem:$0x3F99]  }
0x2e: {  	s3 =	simm.s32 @!p0 $0x1082;
	s9 =	sld [smem:$0x3F9A]  }
0x2f: {  	lr =	sadd.s32 s0, s3;
	s0 =	sld [smem:$0x3F91]  }
0x30: {  	s3 =	sld [smem:$0x3F94]  }
0x31: {  	[smem:$0x3F9D] =	sst s10  }
0x32: {  	s10 =	sld [smem:$0x3F9B];
	_ =	sdelay $0x3  }
0x33: {  	p0 =	seq.s32 s10, $0x1;
	s10 =	sld [smem:$0x3F9D];
	_ =	sdelay $0x3  }
0x34: {  	[smem:$0x3F9D] =	sst s10  }
0x35: {  	s10 =	sld [smem:$0x3F9C];
	_ =	sdelay $0x3  }
0x36: {  	p1 =	seq.s32 s10, $0x1;
	s10 =	sld [smem:$0x3F9D];
	_ =	sdelay $0x3  }
0x37: {  	[smem:$0x3F9D] =	sst s10  }
0x38: {  	s10 =	sld [smem:$0x3F9E]  }
0x39: {  	_ = 	snop;
	(pc) =	sbr.ind lr, $3  }
0x3a: {  	_ = 	snop  }
0x3b: {  	_ = 	snop  }
0x3c: {  	p2 =	seq.s32 s10, $0x1;
	s10 =	sld [smem:$0x3F9D]  }
0x3d: {  	_ =	shalt  }
0x3e: {  	_ =	shalt  }
0x3f: {  	_ =	shalt  }
0x40: {  	_ =	shalt  }
0x41: {  	_ =	shalt  }
0x42: {  	_ =	shalt  }
0x43: {  	_ =	shalt  }
0x44: {  	_ =	shalt  }
0x45: {  	_ =	shalt  }
0x46: {  	_ =	shalt  }
0x47: {  	_ =	shalt  }
0x48: {  	_ =	shalt  }
0x49: {  	_ =	shalt  }
0x4a: {  	_ =	shalt  }
0x4b: {  	_ =	shalt  }
0x4c: {  	_ =	shalt  }
0x4d: {  	_ =	shalt  }
0x4e: {  	_ =	shalt  }
0x4f: {  	_ =	shalt  }
0x50: {  	_ =	shalt  }
0x51: {  	_ =	shalt  }
0x52: {  	_ =	shalt  }
0x53: {  	_ =	shalt  }
0x54: {  	_ =	shalt  }
0x55: {  	_ =	shalt  }
0x56: {  	_ =	shalt  }
0x57: {  	_ =	shalt  }
0x58: {  	_ =	shalt  }
0x59: {  	_ =	shalt  }
0x5a: {  	_ =	shalt  }
0x5b: {  	_ =	shalt  }
0x5c: {  	_ =	shalt  }
0x5d: {  	_ =	shalt  }
0x5e: {  	_ =	shalt  }
0x5f: {  	_ =	shalt  }
0x60: {  	_ =	shalt  }
0x61: {  	_ =	shalt  }
0x62: {  	_ =	shalt  }
0x63: {  	_ =	shalt  }
0x64: {  	_ =	shalt  }
0x65: {  	_ =	shalt  }
0x66: {  	_ =	shalt  }
0x67: {  	_ =	shalt  }
0x68: {  	_ =	shalt  }
0x69: {  	_ =	shalt  }
0x6a: {  	_ =	shalt  }
0x6b: {  	_ =	shalt  }
0x6c: {  	_ =	shalt  }
0x6d: {  	_ =	shalt  }
0x6e: {  	_ =	shalt  }
0x6f: {  	_ =	shalt  }
0x70: {  	_ =	shalt  }
0x71: {  	_ =	shalt  }
0x72: {  	_ =	shalt  }
0x73: {  	_ =	shalt  }
0x74: {  	_ =	shalt  }
0x75: {  	_ =	shalt  }
0x76: {  	_ =	shalt  }
0x77: {  	_ =	shalt  }
0x78: {  	_ =	shalt  }
0x79: {  	_ =	shalt  }
0x7a: {  	_ =	shalt  }
0x7b: {  	_ =	shalt  }
0x7c: {  	_ =	shalt  }
0x7d: {  	_ =	shalt  }
0x7e: {  	_ =	shalt  }
0x7f: {  	_ =	shalt  }
0x80: {  	_ =	shalt  }
0x81: {  	_ =	shalt  }
0x82: {  	_ =	shalt  }
0x83: {  	_ =	shalt  }
0x84: {  	_ =	shalt  }
0x85: {  	_ =	shalt  }
0x86: {  	_ =	shalt  }
0x87: {  	_ =	shalt  }
.Lfunc_end0:
.L_simem_size_0:
called_computation.1_lowered:
.L_overlay_start_0:
0x88: {  	s2 =	sld [smem:$0x3FD9]  }
0x89: {  	s3 =	sld [smem:$0x3FFE];
	_ =	sdelay $0x1  }
0x8a: {  	s1 =	srdreg.scid  }
0x8b: {  	s0 =	sand.u32 $0x1, s1  }
0x8c: {  	s14 =	sshll.u32 s0, $0xA;
	s2 =	sadd.s32 s3, s2  }
0x8d: {  	s2 =	sadd.s32 s2, s14  }
0x8e: {  	[smem:$0x3FA9] =	sst s2  }
0x8f: {  	_ = 	snop  }
0x90: {  	s2 =	sld [smem:$0x3FD0];
	_ =	sdelay $0x2  }
0x91: {  	s15 =	simm.s32 $0xB;
	s4 =	simm.s32 $0x10  }
0x92: {  	[smem:s4], [sflag:s15] =	dma.local [hbm:s2], $0x1  }
0x93: {  	_ =	swait.eq [sflag:s15], $0x1  }
0x94: {  	[sflag:s15] =	ssyncset.done $0x0  }
0x95: {  	[sflag:s15] =	ssyncadd.s32 $0xFFFFFFFF  }
0x96: {  	s16 =	sld [smem:$0x10];
	(tm) =	ssettm $0x1  }
0x97: {  	s17 =	sld [smem:$0x3FFB];
	_ =	sdelay $0x3  }
0x98: {  	_ =	strace s17  }
0x99: {  	s3 =	sld [smem:$0x3FFC];
	_ =	sdelay $0x3  }
0x9a: {  	_ =	strace s3  }
0x9b: {  	s3 =	sld [smem:$0x3FFD];
	_ =	sdelay $0x3  }
0x9c: {  	_ =	strace s3  }
0x9d: {  	_ =	strace $0x8FFFFFFF  }
0x9e: {  	s18 =	sld [smem:$0x3FDB];
	_ =	sdelay $0x1  }
0x9f: {  	s19 =	simm.s32 $_scs_section_size  }
0xa0: {  	s5 =	simm.s32 $_size__tile_overlayer_lowered;
	s6 =	simm.s32 $_tile_overlayer_lowered  }
0xa1: {  	s22 =	simm.s32 $0x1BFF;
	s21 =	sshll.u32 s6, $0x1;
	s3 =	sadd.s32 s19, s18  }
0xa2: {  	s7 =	simm.s32 $0x0;
	s20 =	sshll.u32 s5, $0x1;
	s5 =	sadd.s32 s21, s3  }
0xa3: {  	[timem:s7], [sflag:s22] =	dma.local [hbm:s5], s20  }
0xa4: {  	_ =	swait.ge [sflag:s22], s20  }
0xa5: {  	s4 =	ssub.s32 $0x0, s20;
	[sflag:s22] =	ssyncset.done $0x0  }
0xa6: {  	[sflag:s22] =	ssyncadd.s32 s4;
	_ =	sdelay $0x1  }
0xa7: {  	s23 =	simm.s32 $0x1B8B  }
0xa8: {  	_ =	swait.ge [sflag:s23], $0x1  }
0xa9: {  	[sflag:s23] =	ssyncset.done $0x0  }
0xaa: {  	s25 =	simm.s32 $0x1B8E;
	s24 =	sld [smem:$0x3FFE];
	[sflag:s23] =	ssyncadd.s32 $0xFFFFFFFF  }
0xab: {  	s26 =	simm.s32 $execute0_lowered;
	[smem:$0x3FD2] =	sst s25  }
0xac: {  	s5 =	sshll.u32 s26, $0x1;
	_ =	strace $0x80000046;
	[dreg:$0x1] =	wrdreg $0xFFFFFFFF  }
0xad: {  	s28 =	simm.s32 $_size_execute0_lowered;
	s3 =	sadd.s32 s3, s5;
	[dreg:$0x0] =	wrdreg $0x0  }
0xae: {  	s5 =	sshll.u32 s28, $0x1;
	[dreg:$0x2] =	wrdreg s3  }
0xaf: {  	[dreg:$0x3] =	wrdreg s5  }
0xb0: {  	[dreg:$0x4] =	wrdreg $0xC0  }
0xb1: {  	_ =	task [dreg:s7], $0x5FFFF  }
0xb2: {  	[dreg:$0x1] =	wrdreg $0xFFFFFFFF  }
0xb3: {  	[dreg:$0x0] =	wrdreg $0x60  }
0xb4: {  	[dreg:$0x2] =	wrdreg s16  }
0xb5: {  	[dreg:$0x3] =	wrdreg s24  }
0xb6: {  	[dreg:$0x4] =	wrdreg $0x82000  }
0xb7: {  	[dreg:$0x5] =	wrdreg $0xA  }
0xb8: {  	_ =	task.clear_ibuf [dreg:s7], $0x6FFFF;
	_ =	strace $0x90000046  }
0xb9: {  	s29 =	simm.s32 $0xA;
	_ =	strace $0x80000048  }
0xba: {  	_ =	swait.ge [sflag:s29], $0x1  }
0xbb: {  	[sflag:s29] =	ssyncadd.s32 $0xFFFFFFFF  }
0xbc: {  	_ =	strace $0x90000048  }
0xbd: {  	_ =	sfence  }
0xbe: {  	s30 =	sld [smem:$0x0];
	_ =	sdelay $0x2  }
0xbf: {  	s31 =	sshll.u32 s1, $0xD;
	s1 =	sshrl.u32 s1, $0x2  }
0xc0: {  	s3 =	sand.u32 $0x4000, s31;
	s1 =	sadd.s32 s1, s30  }
0xc1: {  	s0 =	sor.u32 s3, s0;
	s1 =	sshll.u32 s1, $0x11  }
0xc2: {  	s0 =	sor.u32 s1, s0  }
0xc3: {  	s0 =	sadd.s32 $0x8F2B, s0  }
0xc4: {  	[sflag:s0] =	ssyncadd.remote.s32 $0x1  }
0xc5: {  	_ =	sfence.sel $0xFFFF  }
0xc6: {  	[dreg:$0x0] =	wrdreg $0xFFFFFFFF;
	(pc) =	sbr.abs _section_cstart, $3  }
0xc7: {  	[dreg:$0x1] =	wrdreg $0xFFFFFFFF  }
0xc8: {  	_ =	task.clear_ibuf [dreg:s7], $0x2FFFF;
	_ =	strace $0x9FFFFFFF  }
0xc9: {  	(tm) =	ssettm $0x7FFFFFFF  }
tec
execute0_lowered:
.L_overlay_start_1:
0x0: {  	(tag) =	ssettag $0x1  }
0x1: {  	s1 =	rddreg [dreg:$0x0]  }
0x2: {  	s12 =	rddreg [dreg:$0x1]  }
0x3: {  	s2 =	rddreg [dreg:$0x2]  }
0x4: {  	s0 =	rddreg [dreg:$0x3];
	s3 =	simm.s32 $0x0  }
0x5: {  	s4 =	stileid.u32;
	s9 =	srdreg.scid;
	s21 =	simm.s32 $0x80  }
0x6: {  	s22 =	simm.s32 $0x200;
	s23 =	simm.s32 $0x100;
	s24 =	simm.s32 $0x4200  }
0x7: {  	s25 =	simm.s32 $0x1;
	s26 =	simm.s32 $0x180;
	s28 =	simm.s32 $0x0  }
0x8: {  	[smem:$0x7FF] =	sst s3;
	s5 =	sadd.s32 $0x57800, s12;
	s6 =	sadd.s32 $0x7800, s12  }
0x9: {  	s7 =	sadd.s32 $0x2F800, s12;
	s13 =	sshll.u32 s4, $0x6;
	s8 =	sadd.s32 $0xA6C00, s12  }
0xa: {  	s19 =	sand.u32 $0x1, s9;
	s9 =	sadd.s32 $0xA9400, s12;
	s15 =	smul.u32 $0x50000, s4  }
0xb: {  	s10 =	sadd.s32 $0xD1400, s12;
	s11 =	sadd.s32 $0xF9400, s12;
	s31 =	ssub.s32 $0x4F1, s4  }
0xc: {  	_ =	strace $0x80000047;
	s18 =	sadd.s32 s13, s12;
	s14 =	ssub.s32 $0x2, s19  }
.Ltmp0:
0xd: {  	s12 =	sadd.s32 $0x121400, s12;
	s13 =	sor.u32 $0x1C02, s13;
	(pc) =	sbr.rel .LBB2_1-.Ltmp0, $4  }
0xe: {  	p0 =	sne.s32 s19, $0x0;
	s16 =	sshrl.u32 s14, $0x1;
	s30 =	sshrl.u32 s15, $0x2  }
0xf: {  	s15 =	smul.u32 $0x2800, s4;
	s17 =	sadd.s32 $0x7F800, s18;
	s18 =	sadd.s32 $0x93200, s18  }
0x10: {  	s16 =	ssub.s32 s14, s16;
	s20 =	sadd.s32 s30, s2;
	s14 =	sshrl.u32 s31, $0x4  }
0x11: {  	s16 =	smax.u32 s16, $0x1;
	s19 =	sshrl.u32 s20, $0x3;
	s20 =	simm.s32 $0x2  }
.LBB2_14:
0x12: {  	[sflag:s20] =	ssyncadd.s32 $0xFFFFC000;
	s29 =	smov.u32 s12  }
.LBB2_15:
0x13: {  	s28 =	sadd.s32 $0x1, s28  }
0x14: {  	p1 =	sne.s32 s28, s16  }
.Ltmp1:
0x15: {  	s29 =	sadd.s32 s29, s15;
	[bflag:$0x0] =	sbarrier.arrive $0xFFFF;
	(pc) =	sbr.rel @!p1 .LBB2_16-.Ltmp1, $4  }
0x16: {  	[hbm:s29], [sflag:s13] =	dma.local [spmem:s19], $0x2800  }
0x17: {  	_ =	swait.ge [sflag:s20], $0x2800  }
0x18: {  	[sflag:s20] =	ssyncset.done $0x0  }
0x19: {  	[sflag:s20] =	ssyncadd.s32 $0xFFFFD800  }
.LBB2_1:
0x1a: {  	[spmem:s19], [sflag:s13] =	dma.local [hbm:s8], $0x2800  }
.Ltmp2:
0x1b: {  	_ =	swait.ge [sflag:s20], $0x2800;
	(pc) =	sbr.rel @p0 .LBB2_5-.Ltmp2, $3  }
0x1c: {  	[sflag:s20] =	ssyncset.done $0x0  }
0x1d: {  	[sflag:s20] =	ssyncadd.s32 $0xFFFFD800  }
0x1e: {  	[bflag:$0x0] =	sbarrier.arrive $0xFFFF;
	_ =	sdelay $0x1  }
0x1f: {  	[tilespmem:s3], [sflag:$0x2] =	stream.linear.gather [hbm4b:s17+s3], $0x200, $0x38;
	[tilespmem:$0x1C200] =	vst v63  }
0x20: {  	_ =	swait.ge [sflag:s20], $0x200  }
0x21: {  	[sflag:s20] =	ssyncset.done $0x0  }
0x22: {  	[sflag:s20] =	ssyncadd.s32 $0xFFFFFE00  }
0x23: {  	[tilespmem:s22], [sflag:$0x1] =	stream.indirect.gather [hbm4b:s1+s21], $0x80, s3, s21, $0xb8;
	[tilespmem:$0x1C200] =	vst v63  }
0x24: {  	_ = 	snop  }
0x25: {  	[tilespmem:s24], [sflag:$0x1] =	stream.indirect.gather [hbm4b:s1+s21], $0x80, s23, s21, $0xb8;
	[tilespmem:$0x1C200] =	vst v63  }
0x26: {  	_ =	swait.ge [sflag:s25], $0x4000  }
0x27: {  	[sflag:s25] =	ssyncset.done $0x0  }
0x28: {  	[sflag:s25] =	ssyncadd.s32 $0xFFFFC000  }
0x29: {  	_ =	swait.ge [sflag:s25], $0x4000  }
0x2a: {  	[sflag:s25] =	ssyncset.done $0x0  }
0x2b: {  	[sflag:s25] =	ssyncadd.s32 $0xFFFFC000  }
0x2c: {  	[spmem:s2] =	stream.indirect.scatter.add.f32 [tilespmem:s22], [sflag:$0x2], $0x80, s21, s21, $0xb8;
	[tilespmem:$0x1C200] =	vst v63  }
0x2d: {  	p1 =	seq.s32 s14, $0x1;
	_ =	swait.ge [sflag:s20], $0x4000  }
.Ltmp3:
0x2e: {  	[sflag:s20] =	ssyncset.done $0x0;
	(pc) =	sbr.rel @p1 .LBB2_4-.Ltmp3, $4  }
0x2f: {  	[sflag:s20] =	ssyncadd.s32 $0xFFFFC000  }
0x30: {  	[spmem:s2] =	stream.indirect.scatter.add.f32 [tilespmem:s24], [sflag:$0x2], $0x80, s26, s21, $0xb8;
	[tilespmem:$0x1C200] =	vst v63  }
0x31: {  	_ =	swait.ge [sflag:s20], $0x4000  }
0x32: {  	s29 =	sadd.s32 $0xFFFFFFFF, s14;
	s30 =	smov.u32 s17;
	[sflag:s20] =	ssyncset.done $0x0  }
.LBB2_3:
0x33: {  	p1 =	seq.s32 s29, $0x1;
	[sflag:s20] =	ssyncadd.s32 $0xFFFFC000;
	s30 =	sadd.s32 $0x400, s30  }
0x34: {  	[tilespmem:s3], [sflag:$0x2] =	stream.linear.gather [hbm4b:s30+s3], $0x200, $0x38;
	[tilespmem:$0x1C200] =	vst v63  }
0x35: {  	s29 =	sadd.s32 $0xFFFFFFFF, s29;
	_ =	swait.ge [sflag:s20], $0x200  }
0x36: {  	[sflag:s20] =	ssyncset.done $0x0  }
0x37: {  	[sflag:s20] =	ssyncadd.s32 $0xFFFFFE00  }
0x38: {  	[tilespmem:s22], [sflag:$0x1] =	stream.indirect.gather [hbm4b:s1+s21], $0x80, s3, s21, $0xb8;
	[tilespmem:$0x1C200] =	vst v63  }
0x39: {  	_ = 	snop  }
0x3a: {  	[tilespmem:s24], [sflag:$0x1] =	stream.indirect.gather [hbm4b:s1+s21], $0x80, s23, s21, $0xb8;
	[tilespmem:$0x1C200] =	vst v63  }
0x3b: {  	_ =	swait.ge [sflag:s25], $0x4000  }
0x3c: {  	[sflag:s25] =	ssyncset.done $0x0  }
0x3d: {  	[sflag:s25] =	ssyncadd.s32 $0xFFFFC000  }
0x3e: {  	_ =	swait.ge [sflag:s25], $0x4000  }
0x3f: {  	[sflag:s25] =	ssyncset.done $0x0  }
0x40: {  	[sflag:s25] =	ssyncadd.s32 $0xFFFFC000  }
0x41: {  	[spmem:s2] =	stream.indirect.scatter.add.f32 [tilespmem:s22], [sflag:$0x2], $0x80, s21, s21, $0xb8;
	[tilespmem:$0x1C200] =	vst v63  }
0x42: {  	_ =	swait.ge [sflag:s20], $0x4000  }
.Ltmp4:
0x43: {  	[sflag:s20] =	ssyncset.done $0x0;
	(pc) =	sbr.rel @!p1 .LBB2_3-.Ltmp4, $4  }
0x44: {  	[sflag:s20] =	ssyncadd.s32 $0xFFFFC000  }
0x45: {  	[spmem:s2] =	stream.indirect.scatter.add.f32 [tilespmem:s24], [sflag:$0x2], $0x80, s26, s21, $0xb8;
	[tilespmem:$0x1C200] =	vst v63  }
0x46: {  	_ =	swait.ge [sflag:s20], $0x4000  }
0x47: {  	[sflag:s20] =	ssyncset.done $0x0  }
.LBB2_4:
.Ltmp5:
0x48: {  	(pc) =	sbr.rel .LBB2_8-.Ltmp5, $2  }
0x49: {  	_ =	sdelay $0x2  }
0x4a: {  	[sflag:s20] =	ssyncadd.s32 $0xFFFFC000;
	s29 =	smov.u32 s9  }
.LBB2_5:
0x4b: {  	[tilespmem:s3], [sflag:$0x2] =	stream.linear.gather [hbm4b:s17+s3], $0x200, $0x38;
	[tilespmem:$0x1C200] =	vst v63  }
0x4c: {  	_ =	swait.ge [sflag:s20], $0x200  }
0x4d: {  	[sflag:s20] =	ssyncset.done $0x0  }
0x4e: {  	[sflag:s20] =	ssyncadd.s32 $0xFFFFFE00  }
0x4f: {  	[tilespmem:s22], [sflag:$0x1] =	stream.indirect.gather [hbm4b:s5+s21], $0x80, s3, s21, $0xb8;
	[tilespmem:$0x1C200] =	vst v63  }
0x50: {  	_ = 	snop  }
0x51: {  	[tilespmem:s24], [sflag:$0x1] =	stream.indirect.gather [hbm4b:s5+s21], $0x80, s23, s21, $0xb8;
	[tilespmem:$0x1C200] =	vst v63  }
0x52: {  	_ =	swait.ge [sflag:s25], $0x4000  }
0x53: {  	[sflag:s25] =	ssyncset.done $0x0  }
0x54: {  	[sflag:s25] =	ssyncadd.s32 $0xFFFFC000  }
0x55: {  	_ =	swait.ge [sflag:s25], $0x4000  }
0x56: {  	[sflag:s25] =	ssyncset.done $0x0  }
0x57: {  	[sflag:s25] =	ssyncadd.s32 $0xFFFFC000  }
0x58: {  	[spmem:s2] =	stream.indirect.scatter.add.f32 [tilespmem:s22], [sflag:$0x2], $0x80, s21, s21, $0xb8;
	[tilespmem:$0x1C200] =	vst v63  }
0x59: {  	p1 =	sne.s32 s14, $0x1;
	_ =	swait.ge [sflag:s20], $0x4000  }
.Ltmp6:
0x5a: {  	[sflag:s20] =	ssyncset.done $0x0;
	(pc) =	sbr.rel @!p1 .LBB2_7-.Ltmp6, $4  }
0x5b: {  	[sflag:s20] =	ssyncadd.s32 $0xFFFFC000  }
0x5c: {  	[spmem:s2] =	stream.indirect.scatter.add.f32 [tilespmem:s24], [sflag:$0x2], $0x80, s26, s21, $0xb8;
	[tilespmem:$0x1C200] =	vst v63  }
0x5d: {  	_ =	swait.ge [sflag:s20], $0x4000  }
0x5e: {  	s29 =	sadd.s32 $0xFFFFFFFF, s14;
	s30 =	smov.u32 s17;
	[sflag:s20] =	ssyncset.done $0x0  }
.LBB2_6:
0x5f: {  	p1 =	sne.s32 s29, $0x1;
	[sflag:s20] =	ssyncadd.s32 $0xFFFFC000;
	s30 =	sadd.s32 $0x400, s30  }
0x60: {  	[tilespmem:s3], [sflag:$0x2] =	stream.linear.gather [hbm4b:s30+s3], $0x200, $0x38;
	[tilespmem:$0x1C200] =	vst v63  }
0x61: {  	s29 =	sadd.s32 $0xFFFFFFFF, s29;
	_ =	swait.ge [sflag:s20], $0x200  }
0x62: {  	[sflag:s20] =	ssyncset.done $0x0  }
0x63: {  	[sflag:s20] =	ssyncadd.s32 $0xFFFFFE00  }
0x64: {  	[tilespmem:s22], [sflag:$0x1] =	stream.indirect.gather [hbm4b:s5+s21], $0x80, s3, s21, $0xb8;
	[tilespmem:$0x1C200] =	vst v63  }
0x65: {  	_ = 	snop  }
0x66: {  	[tilespmem:s24], [sflag:$0x1] =	stream.indirect.gather [hbm4b:s5+s21], $0x80, s23, s21, $0xb8;
	[tilespmem:$0x1C200] =	vst v63  }
0x67: {  	_ =	swait.ge [sflag:s25], $0x4000  }
0x68: {  	[sflag:s25] =	ssyncset.done $0x0  }
0x69: {  	[sflag:s25] =	ssyncadd.s32 $0xFFFFC000  }
0x6a: {  	_ =	swait.ge [sflag:s25], $0x4000  }
0x6b: {  	[sflag:s25] =	ssyncset.done $0x0  }
0x6c: {  	[sflag:s25] =	ssyncadd.s32 $0xFFFFC000  }
0x6d: {  	[spmem:s2] =	stream.indirect.scatter.add.f32 [tilespmem:s22], [sflag:$0x2], $0x80, s21, s21, $0xb8;
	[tilespmem:$0x1C200] =	vst v63  }
0x6e: {  	_ =	swait.ge [sflag:s20], $0x4000  }
.Ltmp7:
0x6f: {  	[sflag:s20] =	ssyncset.done $0x0;
	(pc) =	sbr.rel @p1 .LBB2_6-.Ltmp7, $4  }
0x70: {  	[sflag:s20] =	ssyncadd.s32 $0xFFFFC000  }
0x71: {  	[spmem:s2] =	stream.indirect.scatter.add.f32 [tilespmem:s24], [sflag:$0x2], $0x80, s26, s21, $0xb8;
	[tilespmem:$0x1C200] =	vst v63  }
0x72: {  	_ =	swait.ge [sflag:s20], $0x4000  }
0x73: {  	[sflag:s20] =	ssyncset.done $0x0  }
.LBB2_7:
0x74: {  	[sflag:s20] =	ssyncadd.s32 $0xFFFFC000;
	s29 =	smov.u32 s10  }
.LBB2_8:
0x75: {  	s29 =	sadd.s32 s29, s15;
	[bflag:$0x0] =	sbarrier.arrive $0xFFFF  }
0x76: {  	[hbm:s29], [sflag:s13] =	dma.local [spmem:s19], $0x2800  }
0x77: {  	_ =	swait.ge [sflag:s20], $0x2800  }
0x78: {  	[sflag:s20] =	ssyncset.done $0x0  }
0x79: {  	[sflag:s20] =	ssyncadd.s32 $0xFFFFD800  }
0x7a: {  	[spmem:s19], [sflag:s13] =	dma.local [hbm:s8], $0x2800  }
.Ltmp8:
0x7b: {  	_ =	swait.ge [sflag:s20], $0x2800;
	(pc) =	sbr.rel @p0 .LBB2_12-.Ltmp8, $3  }
0x7c: {  	[sflag:s20] =	ssyncset.done $0x0  }
0x7d: {  	[sflag:s20] =	ssyncadd.s32 $0xFFFFD800  }
0x7e: {  	[bflag:$0x0] =	sbarrier.arrive $0xFFFF;
	_ =	sdelay $0x1  }
0x7f: {  	[tilespmem:s3], [sflag:$0x2] =	stream.linear.gather [hbm4b:s18+s3], $0x200, $0x38;
	[tilespmem:$0x1C200] =	vst v63  }
0x80: {  	_ =	swait.ge [sflag:s20], $0x200  }
0x81: {  	[sflag:s20] =	ssyncset.done $0x0  }
0x82: {  	[sflag:s20] =	ssyncadd.s32 $0xFFFFFE00  }
0x83: {  	[tilespmem:s22], [sflag:$0x1] =	stream.indirect.gather [hbm4b:s6+s21], $0x80, s3, s21, $0xb8;
	[tilespmem:$0x1C200] =	vst v63  }
0x84: {  	_ = 	snop  }
0x85: {  	[tilespmem:s24], [sflag:$0x1] =	stream.indirect.gather [hbm4b:s6+s21], $0x80, s23, s21, $0xb8;
	[tilespmem:$0x1C200] =	vst v63  }
0x86: {  	_ =	swait.ge [sflag:s25], $0x4000  }
0x87: {  	[sflag:s25] =	ssyncset.done $0x0  }
0x88: {  	[sflag:s25] =	ssyncadd.s32 $0xFFFFC000  }
0x89: {  	_ =	swait.ge [sflag:s25], $0x4000  }
0x8a: {  	[sflag:s25] =	ssyncset.done $0x0  }
0x8b: {  	[sflag:s25] =	ssyncadd.s32 $0xFFFFC000  }
0x8c: {  	[spmem:s2] =	stream.indirect.scatter.add.f32 [tilespmem:s22], [sflag:$0x2], $0x80, s21, s21, $0xb8;
	[tilespmem:$0x1C200] =	vst v63  }
0x8d: {  	p1 =	seq.s32 s14, $0x1;
	_ =	swait.ge [sflag:s20], $0x4000  }
.Ltmp9:
0x8e: {  	[sflag:s20] =	ssyncset.done $0x0;
	(pc) =	sbr.rel @p1 .LBB2_11-.Ltmp9, $4  }
0x8f: {  	[sflag:s20] =	ssyncadd.s32 $0xFFFFC000  }
0x90: {  	[spmem:s2] =	stream.indirect.scatter.add.f32 [tilespmem:s24], [sflag:$0x2], $0x80, s26, s21, $0xb8;
	[tilespmem:$0x1C200] =	vst v63  }
0x91: {  	_ =	swait.ge [sflag:s20], $0x4000  }
0x92: {  	s29 =	sadd.s32 $0xFFFFFFFF, s14;
	s30 =	smov.u32 s18;
	[sflag:s20] =	ssyncset.done $0x0  }
.LBB2_10:
0x93: {  	p1 =	seq.s32 s29, $0x1;
	[sflag:s20] =	ssyncadd.s32 $0xFFFFC000;
	s30 =	sadd.s32 $0x400, s30  }
0x94: {  	[tilespmem:s3], [sflag:$0x2] =	stream.linear.gather [hbm4b:s30+s3], $0x200, $0x38;
	[tilespmem:$0x1C200] =	vst v63  }
0x95: {  	s29 =	sadd.s32 $0xFFFFFFFF, s29;
	_ =	swait.ge [sflag:s20], $0x200  }
0x96: {  	[sflag:s20] =	ssyncset.done $0x0  }
0x97: {  	[sflag:s20] =	ssyncadd.s32 $0xFFFFFE00  }
0x98: {  	[tilespmem:s22], [sflag:$0x1] =	stream.indirect.gather [hbm4b:s6+s21], $0x80, s3, s21, $0xb8;
	[tilespmem:$0x1C200] =	vst v63  }
0x99: {  	_ = 	snop  }
0x9a: {  	[tilespmem:s24], [sflag:$0x1] =	stream.indirect.gather [hbm4b:s6+s21], $0x80, s23, s21, $0xb8;
	[tilespmem:$0x1C200] =	vst v63  }
0x9b: {  	_ =	swait.ge [sflag:s25], $0x4000  }
0x9c: {  	[sflag:s25] =	ssyncset.done $0x0  }
0x9d: {  	[sflag:s25] =	ssyncadd.s32 $0xFFFFC000  }
0x9e: {  	_ =	swait.ge [sflag:s25], $0x4000  }
0x9f: {  	[sflag:s25] =	ssyncset.done $0x0  }
0xa0: {  	[sflag:s25] =	ssyncadd.s32 $0xFFFFC000  }
0xa1: {  	[spmem:s2] =	stream.indirect.scatter.add.f32 [tilespmem:s22], [sflag:$0x2], $0x80, s21, s21, $0xb8;
	[tilespmem:$0x1C200] =	vst v63  }
0xa2: {  	_ =	swait.ge [sflag:s20], $0x4000  }
.Ltmp10:
0xa3: {  	[sflag:s20] =	ssyncset.done $0x0;
	(pc) =	sbr.rel @!p1 .LBB2_10-.Ltmp10, $4  }
0xa4: {  	[sflag:s20] =	ssyncadd.s32 $0xFFFFC000  }
0xa5: {  	[spmem:s2] =	stream.indirect.scatter.add.f32 [tilespmem:s24], [sflag:$0x2], $0x80, s26, s21, $0xb8;
	[tilespmem:$0x1C200] =	vst v63  }
0xa6: {  	_ =	swait.ge [sflag:s20], $0x4000  }
0xa7: {  	[sflag:s20] =	ssyncset.done $0x0  }
.LBB2_11:
.Ltmp11:
0xa8: {  	(pc) =	sbr.rel .LBB2_15-.Ltmp11, $2  }
0xa9: {  	_ =	sdelay $0x2  }
0xaa: {  	[sflag:s20] =	ssyncadd.s32 $0xFFFFC000;
	s29 =	smov.u32 s11  }
.LBB2_12:
0xab: {  	[tilespmem:s3], [sflag:$0x2] =	stream.linear.gather [hbm4b:s18+s3], $0x200, $0x38;
	[tilespmem:$0x1C200] =	vst v63  }
0xac: {  	_ =	swait.ge [sflag:s20], $0x200  }
0xad: {  	[sflag:s20] =	ssyncset.done $0x0  }
0xae: {  	[sflag:s20] =	ssyncadd.s32 $0xFFFFFE00  }
0xaf: {  	[tilespmem:s22], [sflag:$0x1] =	stream.indirect.gather [hbm4b:s7+s21], $0x80, s3, s21, $0xb8;
	[tilespmem:$0x1C200] =	vst v63  }
0xb0: {  	_ = 	snop  }
0xb1: {  	[tilespmem:s24], [sflag:$0x1] =	stream.indirect.gather [hbm4b:s7+s21], $0x80, s23, s21, $0xb8;
	[tilespmem:$0x1C200] =	vst v63  }
0xb2: {  	_ =	swait.ge [sflag:s25], $0x4000  }
0xb3: {  	[sflag:s25] =	ssyncset.done $0x0  }
0xb4: {  	[sflag:s25] =	ssyncadd.s32 $0xFFFFC000  }
0xb5: {  	_ =	swait.ge [sflag:s25], $0x4000  }
0xb6: {  	[sflag:s25] =	ssyncset.done $0x0  }
0xb7: {  	[sflag:s25] =	ssyncadd.s32 $0xFFFFC000  }
0xb8: {  	[spmem:s2] =	stream.indirect.scatter.add.f32 [tilespmem:s22], [sflag:$0x2], $0x80, s21, s21, $0xb8;
	[tilespmem:$0x1C200] =	vst v63  }
0xb9: {  	p1 =	sne.s32 s14, $0x1;
	_ =	swait.ge [sflag:s20], $0x4000  }
.Ltmp12:
0xba: {  	[sflag:s20] =	ssyncset.done $0x0;
	(pc) =	sbr.rel @!p1 .LBB2_14-.Ltmp12, $4  }
0xbb: {  	[sflag:s20] =	ssyncadd.s32 $0xFFFFC000  }
0xbc: {  	[spmem:s2] =	stream.indirect.scatter.add.f32 [tilespmem:s24], [sflag:$0x2], $0x80, s26, s21, $0xb8;
	[tilespmem:$0x1C200] =	vst v63  }
0xbd: {  	_ =	swait.ge [sflag:s20], $0x4000  }
0xbe: {  	s29 =	sadd.s32 $0xFFFFFFFF, s14;
	s30 =	smov.u32 s18;
	[sflag:s20] =	ssyncset.done $0x0  }
.LBB2_13:
0xbf: {  	p1 =	sne.s32 s29, $0x1;
	[sflag:s20] =	ssyncadd.s32 $0xFFFFC000;
	s30 =	sadd.s32 $0x400, s30  }
0xc0: {  	[tilespmem:s3], [sflag:$0x2] =	stream.linear.gather [hbm4b:s30+s3], $0x200, $0x38;
	[tilespmem:$0x1C200] =	vst v63  }
0xc1: {  	s29 =	sadd.s32 $0xFFFFFFFF, s29;
	_ =	swait.ge [sflag:s20], $0x200  }
0xc2: {  	[sflag:s20] =	ssyncset.done $0x0  }
0xc3: {  	[sflag:s20] =	ssyncadd.s32 $0xFFFFFE00  }
0xc4: {  	[tilespmem:s22], [sflag:$0x1] =	stream.indirect.gather [hbm4b:s7+s21], $0x80, s3, s21, $0xb8;
	[tilespmem:$0x1C200] =	vst v63  }
0xc5: {  	_ = 	snop  }
0xc6: {  	[tilespmem:s24], [sflag:$0x1] =	stream.indirect.gather [hbm4b:s7+s21], $0x80, s23, s21, $0xb8;
	[tilespmem:$0x1C200] =	vst v63  }
0xc7: {  	_ =	swait.ge [sflag:s25], $0x4000  }
0xc8: {  	[sflag:s25] =	ssyncset.done $0x0  }
0xc9: {  	[sflag:s25] =	ssyncadd.s32 $0xFFFFC000  }
0xca: {  	_ =	swait.ge [sflag:s25], $0x4000  }
0xcb: {  	[sflag:s25] =	ssyncset.done $0x0  }
0xcc: {  	[sflag:s25] =	ssyncadd.s32 $0xFFFFC000  }
0xcd: {  	[spmem:s2] =	stream.indirect.scatter.add.f32 [tilespmem:s22], [sflag:$0x2], $0x80, s21, s21, $0xb8;
	[tilespmem:$0x1C200] =	vst v63  }
0xce: {  	_ =	swait.ge [sflag:s20], $0x4000  }
.Ltmp13:
0xcf: {  	[sflag:s20] =	ssyncset.done $0x0;
	(pc) =	sbr.rel @p1 .LBB2_13-.Ltmp13, $4  }
0xd0: {  	[sflag:s20] =	ssyncadd.s32 $0xFFFFC000  }
0xd1: {  	[spmem:s2] =	stream.indirect.scatter.add.f32 [tilespmem:s24], [sflag:$0x2], $0x80, s26, s21, $0xb8;
	[tilespmem:$0x1C200] =	vst v63  }
0xd2: {  	_ =	swait.ge [sflag:s20], $0x4000  }
0xd3: {  	[sflag:s20] =	ssyncset.done $0x0  }
.Ltmp14:
0xd4: {  	_ = 	snop;
	(pc) =	sbr.rel .LBB2_14-.Ltmp14, $1  }
0xd5: {  	_ =	sdelay $0x3  }
.LBB2_16:
0xd6: {  	_ =	sfence.sel $0x180000  }
0xd7: {  	[bflag:$0x0] =	sbarrier.arrive $0xFFFF  }
0xd8: {  	p0 =	sne.s32 s4, $0x0;
	_ =	strace $0x90000047  }
0xd9: {  	s0 =	sadd.s32 @!p0 $0x100000, s0;
	[bflag:$0x2] =	sbarrier.arrive $0xFFFF  }
0xda: {  	[sflag:s0] =	ssyncadd.tile.s32 @!p0 $0x1;
	_ =	shalt  }
.Lfunc_end2:
_tile_overlayer_lowered:
.L_overlay_start_2:
0xdb: {  	(tag) =	ssettag $0x2  }
0xdc: {  	s0 =	rddreg [dreg:$0x0];
	s2 =	stileid.u32  }
0xdd: {  	s1 =	rddreg [dreg:$0x1];
	p0 =	sne.s32 s2, $0x0  }
0xde: {  	s3 =	rddreg [dreg:$0x2];
	[bflag:$0x3] =	sbarrier.arrive $0xFFFF;
	s2 =	simm.s32 @!p0 $0x1C02  }
0xdf: {  	[timem:s3], [sflag:s2] =	dma.local @!p0 [hbm:s0], s1  }
0xe0: {  	s0 =	simm.s32 @!p0 $0x2  }
0xe1: {  	_ =	swait.ge @!p0 [sflag:s0], s1  }
0xe2: {  	s1 =	ssub.s32 @!p0 $0x0, s1;
	[sflag:s0] =	ssyncset.done @!p0 $0x0  }
0xe3: {  	[sflag:s0] =	ssyncadd.s32 @!p0 s1  }
0xe4: {  	[bflag:$0x3] =	sbarrier.arrive $0xFFFF  }
0xe5: {  	_ =	shalt  }

// kernel: kernel.17.cloned.1.call-start
scs
__scs_entry_jumppad:
0x0: {  	(pc) =	sbr.rel $0x88, $3  }
0x1: {  	(tag) =	ssettag $0x0;
	lr =	simm.s32 $0x1  }
0x2: {  	[smem:$0x3F82] =	sst lr;
	_ =	strace $0xD0000000  }
0x3: {  	_ = 	snop  }
0x4: {  	_ = 	snop  }
0x5: {  	_ = 	snop  }
0x6: {  	_ = 	snop  }
0x7: {  	_ = 	snop  }
__scs_overlays_trampoline_lowered:
0x8: {  	[smem:$0x3F91] =	sst s0  }
0x9: {  	[smem:$0x3F92] =	sst s1  }
0xa: {  	[smem:$0x3F93] =	sst s2  }
0xb: {  	[smem:$0x3F94] =	sst s3  }
0xc: {  	[smem:$0x3F95] =	sst s4  }
0xd: {  	[smem:$0x3F96] =	sst s5  }
0xe: {  	[smem:$0x3F97] =	sst s6  }
0xf: {  	[smem:$0x3F98] =	sst s7  }
0x10: {  	[smem:$0x3F99] =	sst s8  }
0x11: {  	[smem:$0x3F9A] =	sst s9;
	s0 =	simm.s32 @!p0 $0x0  }
0x12: {  	s1 =	sld [smem:$0x3F80];
	s0 =	simm.s32 @p0 $0x1  }
0x13: {  	[smem:$0x3F9B] =	sst s0;
	s0 =	simm.s32 @!p1 $0x0  }
0x14: {  	s2 =	sld [smem:$0x3F7F];
	s0 =	simm.s32 @p1 $0x1  }
0x15: {  	[smem:$0x3F9C] =	sst s0;
	s0 =	simm.s32 @!p2 $0x0  }
0x16: {  	s3 =	sld [smem:$0x3FDB];
	s0 =	simm.s32 @p2 $0x1  }
0x17: {  	s4 =	simm.s32 $0x1BF5;
	[smem:$0x3F9E] =	sst s0  }
0x18: {  	s0 =	sld [smem:$0x3F81];
	_ =	swait.ge [sflag:s4], $0x0  }
0x19: {  	s7 =	sld [smem:$0x3F82]  }
0x1a: {  	s8 =	sadd.s32 $0xFFFFE003, lr  }
0x1b: {  	s9 =	sadd.s32 $0xFFFFFEF7, lr;
	s5 =	simm.s32 $0xFFFFFFFF;
	p2 =	slt.u32 s8, $0xFFFFF086  }
0x1c: {  	p1 =	slt.u32 s9, $0xF7A;
	s5 =	simm.s32 @!p2 $0x0  }
0x1d: {  	s5 =	simm.s32 @p1 $0x1;
	p0 =	seq.s32 s7, s2  }
0x1e: {  	s7 =	smul.u32 @!p0 $0xF7A, s2;
	p2 =	seq.s32 @!p0 s5, $0x0  }
0x1f: {  	s9 =	smul.u32 $0xF7A, s1;
	s8 =	simm.s32 @!p0 $0x1BF5;
	p2 =	por !p2, p0  }
0x20: {  	[sflag:s8] =	ssyncset.s32 @!p0 $0xFFFFF086;
	s6 =	sadd.s32 @!p0 s3, s7;
	s7 =	simm.s32 @!p0 $0x108  }
0x21: {  	s3 =	sadd.s32 s3, s9;
	s6 =	sadd.s32 @!p0 $0x88, s6;
	s7 =	simm.s32 @p2 $0x1082  }
0x22: {  	[simem:s7], [sflag:s8] =	dma.local @!p0 [hbm:s6], $0xF7A  }
0x23: {  	s9 =	sor.u32 $0xD0000000, s2;
	s6 =	simm.s32 $0x108;
	_ =	swait.ge @!p0 [sflag:s8], $0x0  }
0x24: {  	s3 =	sadd.s32 $0x88, s3;
	s6 =	simm.s32 @!p1 $0x1082;
	[sflag:s4] =	ssyncset.s32 $0xFFFFF086  }
0x25: {  	[simem:s6], [sflag:s4] =	dma.local [hbm:s3], $0xF7A  }
0x26: {  	[smem:$0x3F82] =	sst s1;
	(tag) =	ssettag s2;
	_ =	strace s9  }
0x27: {  	s1 =	sld [smem:$0x3F92]  }
0x28: {  	s2 =	sld [smem:$0x3F93]  }
0x29: {  	s4 =	sld [smem:$0x3F95]  }
0x2a: {  	p0 =	seq.s32 s5, $0x0;
	s5 =	sld [smem:$0x3F96]  }
0x2b: {  	s6 =	sld [smem:$0x3F97]  }
0x2c: {  	s7 =	sld [smem:$0x3F98]  }
0x2d: {  	s3 =	simm.s32 $0x108;
	s8 =	sld [smem:$0x3F99]  }
0x2e: {  	s3 =	simm.s32 @!p0 $0x1082;
	s9 =	sld [smem:$0x3F9A]  }
0x2f: {  	lr =	sadd.s32 s0, s3;
	s0 =	sld [smem:$0x3F91]  }
0x30: {  	s3 =	sld [smem:$0x3F94]  }
0x31: {  	[smem:$0x3F9D] =	sst s10  }
0x32: {  	s10 =	sld [smem:$0x3F9B];
	_ =	sdelay $0x3  }
0x33: {  	p0 =	seq.s32 s10, $0x1;
	s10 =	sld [smem:$0x3F9D];
	_ =	sdelay $0x3  }
0x34: {  	[smem:$0x3F9D] =	sst s10  }
0x35: {  	s10 =	sld [smem:$0x3F9C];
	_ =	sdelay $0x3  }
0x36: {  	p1 =	seq.s32 s10, $0x1;
	s10 =	sld [smem:$0x3F9D];
	_ =	sdelay $0x3  }
0x37: {  	[smem:$0x3F9D] =	sst s10  }
0x38: {  	s10 =	sld [smem:$0x3F9E]  }
0x39: {  	_ = 	snop;
	(pc) =	sbr.ind lr, $3  }
0x3a: {  	_ = 	snop  }
0x3b: {  	_ = 	snop  }
0x3c: {  	p2 =	seq.s32 s10, $0x1;
	s10 =	sld [smem:$0x3F9D]  }
0x3d: {  	_ =	shalt  }
0x3e: {  	_ =	shalt  }
0x3f: {  	_ =	shalt  }
0x40: {  	_ =	shalt  }
0x41: {  	_ =	shalt  }
0x42: {  	_ =	shalt  }
0x43: {  	_ =	shalt  }
0x44: {  	_ =	shalt  }
0x45: {  	_ =	shalt  }
0x46: {  	_ =	shalt  }
0x47: {  	_ =	shalt  }
0x48: {  	_ =	shalt  }
0x49: {  	_ =	shalt  }
0x4a: {  	_ =	shalt  }
0x4b: {  	_ =	shalt  }
0x4c: {  	_ =	shalt  }
0x4d: {  	_ =	shalt  }
0x4e: {  	_ =	shalt  }
0x4f: {  	_ =	shalt  }
0x50: {  	_ =	shalt  }
0x51: {  	_ =	shalt  }
0x52: {  	_ =	shalt  }
0x53: {  	_ =	shalt  }
0x54: {  	_ =	shalt  }
0x55: {  	_ =	shalt  }
0x56: {  	_ =	shalt  }
0x57: {  	_ =	shalt  }
0x58: {  	_ =	shalt  }
0x59: {  	_ =	shalt  }
0x5a: {  	_ =	shalt  }
0x5b: {  	_ =	shalt  }
0x5c: {  	_ =	shalt  }
0x5d: {  	_ =	shalt  }
0x5e: {  	_ =	shalt  }
0x5f: {  	_ =	shalt  }
0x60: {  	_ =	shalt  }
0x61: {  	_ =	shalt  }
0x62: {  	_ =	shalt  }
0x63: {  	_ =	shalt  }
0x64: {  	_ =	shalt  }
0x65: {  	_ =	shalt  }
0x66: {  	_ =	shalt  }
0x67: {  	_ =	shalt  }
0x68: {  	_ =	shalt  }
0x69: {  	_ =	shalt  }
0x6a: {  	_ =	shalt  }
0x6b: {  	_ =	shalt  }
0x6c: {  	_ =	shalt  }
0x6d: {  	_ =	shalt  }
0x6e: {  	_ =	shalt  }
0x6f: {  	_ =	shalt  }
0x70: {  	_ =	shalt  }
0x71: {  	_ =	shalt  }
0x72: {  	_ =	shalt  }
0x73: {  	_ =	shalt  }
0x74: {  	_ =	shalt  }
0x75: {  	_ =	shalt  }
0x76: {  	_ =	shalt  }
0x77: {  	_ =	shalt  }
0x78: {  	_ =	shalt  }
0x79: {  	_ =	shalt  }
0x7a: {  	_ =	shalt  }
0x7b: {  	_ =	shalt  }
0x7c: {  	_ =	shalt  }
0x7d: {  	_ =	shalt  }
0x7e: {  	_ =	shalt  }
0x7f: {  	_ =	shalt  }
0x80: {  	_ =	shalt  }
0x81: {  	_ =	shalt  }
0x82: {  	_ =	shalt  }
0x83: {  	_ =	shalt  }
0x84: {  	_ =	shalt  }
0x85: {  	_ =	shalt  }
0x86: {  	_ =	shalt  }
0x87: {  	_ =	shalt  }
.Lfunc_end0:
.L_simem_size_0:
called_computation.2_lowered:
.L_overlay_start_0:
0x88: {  	s2 =	sld [smem:$0x3FD9]  }
0x89: {  	s3 =	sld [smem:$0x3FFE];
	_ =	sdelay $0x1  }
0x8a: {  	s1 =	srdreg.scid  }
0x8b: {  	s0 =	sand.u32 $0x1, s1  }
0x8c: {  	s14 =	sshll.u32 s0, $0xA;
	s2 =	sadd.s32 s3, s2  }
0x8d: {  	s2 =	sadd.s32 s2, s14  }
0x8e: {  	[smem:$0x3FA9] =	sst s2  }
0x8f: {  	_ = 	snop  }
0x90: {  	s2 =	sld [smem:$0x3FD0];
	_ =	sdelay $0x2  }
0x91: {  	s15 =	simm.s32 $0xB;
	s4 =	simm.s32 $0x10  }
0x92: {  	[smem:s4], [sflag:s15] =	dma.local [hbm:s2], $0x1  }
0x93: {  	_ =	swait.eq [sflag:s15], $0x1  }
0x94: {  	[sflag:s15] =	ssyncset.done $0x0  }
0x95: {  	[sflag:s15] =	ssyncadd.s32 $0xFFFFFFFF  }
0x96: {  	s16 =	sld [smem:$0x10];
	(tm) =	ssettm $0x1  }
0x97: {  	s17 =	sld [smem:$0x3FFB];
	_ =	sdelay $0x3  }
0x98: {  	_ =	strace s17  }
0x99: {  	s3 =	sld [smem:$0x3FFC];
	_ =	sdelay $0x3  }
0x9a: {  	_ =	strace s3  }
0x9b: {  	s3 =	sld [smem:$0x3FFD];
	_ =	sdelay $0x3  }
0x9c: {  	_ =	strace s3  }
0x9d: {  	_ =	strace $0x8FFFFFFF  }
0x9e: {  	s18 =	sld [smem:$0x3FDB];
	_ =	sdelay $0x1  }
0x9f: {  	s19 =	simm.s32 $_scs_section_size  }
0xa0: {  	s5 =	simm.s32 $_size__tile_overlayer_lowered;
	s6 =	simm.s32 $_tile_overlayer_lowered  }
0xa1: {  	s22 =	simm.s32 $0x1BFF;
	s21 =	sshll.u32 s6, $0x1;
	s3 =	sadd.s32 s19, s18  }
0xa2: {  	s7 =	simm.s32 $0x0;
	s20 =	sshll.u32 s5, $0x1;
	s5 =	sadd.s32 s21, s3  }
0xa3: {  	[timem:s7], [sflag:s22] =	dma.local [hbm:s5], s20  }
0xa4: {  	_ =	swait.ge [sflag:s22], s20  }
0xa5: {  	s4 =	ssub.s32 $0x0, s20;
	[sflag:s22] =	ssyncset.done $0x0  }
0xa6: {  	[sflag:s22] =	ssyncadd.s32 s4;
	_ =	sdelay $0x1  }
0xa7: {  	s23 =	simm.s32 $0x1B8B  }
0xa8: {  	_ =	swait.ge [sflag:s23], $0x1  }
0xa9: {  	[sflag:s23] =	ssyncset.done $0x0  }
0xaa: {  	s25 =	simm.s32 $0x1B8E;
	s24 =	sld [smem:$0x3FFE];
	[sflag:s23] =	ssyncadd.s32 $0xFFFFFFFF  }
0xab: {  	s26 =	simm.s32 $execute0_lowered;
	[smem:$0x3FD2] =	sst s25  }
0xac: {  	s5 =	sshll.u32 s26, $0x1;
	_ =	strace $0x8000004C;
	[dreg:$0x1] =	wrdreg $0xFFFFFFFF  }
0xad: {  	s28 =	simm.s32 $_size_execute0_lowered;
	s3 =	sadd.s32 s3, s5;
	[dreg:$0x0] =	wrdreg $0x0  }
0xae: {  	s5 =	sshll.u32 s28, $0x1;
	[dreg:$0x2] =	wrdreg s3  }
0xaf: {  	[dreg:$0x3] =	wrdreg s5  }
0xb0: {  	[dreg:$0x4] =	wrdreg $0xC0  }
0xb1: {  	_ =	task [dreg:s7], $0x5FFFF  }
0xb2: {  	[dreg:$0x1] =	wrdreg $0xFFFFFFFF  }
0xb3: {  	[dreg:$0x0] =	wrdreg $0x60  }
0xb4: {  	[dreg:$0x2] =	wrdreg s16  }
0xb5: {  	[dreg:$0x3] =	wrdreg s24  }
0xb6: {  	[dreg:$0x4] =	wrdreg $0x82000  }
0xb7: {  	[dreg:$0x5] =	wrdreg $0x9  }
0xb8: {  	_ =	task.clear_ibuf [dreg:s7], $0x6FFFF;
	_ =	strace $0x9000004C  }
0xb9: {  	s29 =	simm.s32 $0x9;
	_ =	strace $0x8000004E  }
0xba: {  	_ =	swait.ge [sflag:s29], $0x1  }
0xbb: {  	[sflag:s29] =	ssyncadd.s32 $0xFFFFFFFF  }
0xbc: {  	_ =	strace $0x9000004E  }
0xbd: {  	_ =	sfence  }
0xbe: {  	s30 =	sld [smem:$0x0];
	_ =	sdelay $0x2  }
0xbf: {  	s31 =	sshll.u32 s1, $0xD;
	s1 =	sshrl.u32 s1, $0x2  }
0xc0: {  	s3 =	sand.u32 $0x4000, s31;
	s1 =	sadd.s32 s1, s30  }
0xc1: {  	s0 =	sor.u32 s3, s0;
	s1 =	sshll.u32 s1, $0x11  }
0xc2: {  	s0 =	sor.u32 s1, s0  }
0xc3: {  	s0 =	sadd.s32 $0x8F2B, s0  }
0xc4: {  	[sflag:s0] =	ssyncadd.remote.s32 $0x1  }
0xc5: {  	_ =	sfence.sel $0xFFFF  }
0xc6: {  	[dreg:$0x0] =	wrdreg $0xFFFFFFFF;
	(pc) =	sbr.abs _section_cstart, $3  }
0xc7: {  	[dreg:$0x1] =	wrdreg $0xFFFFFFFF  }
0xc8: {  	_ =	task.clear_ibuf [dreg:s7], $0x2FFFF;
	_ =	strace $0x9FFFFFFF  }
0xc9: {  	(tm) =	ssettm $0x7FFFFFFF  }
tec
execute0_lowered:
.L_overlay_start_1:
0x0: {  	(tag) =	ssettag $0x1  }
0x1: {  	s1 =	rddreg [dreg:$0x0]  }
0x2: {  	s12 =	rddreg [dreg:$0x1]  }
0x3: {  	s2 =	rddreg [dreg:$0x2]  }
0x4: {  	s0 =	rddreg [dreg:$0x3];
	s3 =	simm.s32 $0x0  }
0x5: {  	s4 =	stileid.u32;
	s9 =	srdreg.scid;
	s21 =	simm.s32 $0x80  }
0x6: {  	s22 =	simm.s32 $0x200;
	s23 =	simm.s32 $0x100;
	s24 =	simm.s32 $0x4200  }
0x7: {  	s25 =	simm.s32 $0x1;
	s26 =	simm.s32 $0x180;
	s28 =	simm.s32 $0x0  }
0x8: {  	[smem:$0x7FF] =	sst s3;
	s5 =	sadd.s32 $0x57800, s12;
	s6 =	sadd.s32 $0x7800, s12  }
0x9: {  	s7 =	sadd.s32 $0x2F800, s12;
	s13 =	sshll.u32 s4, $0x6;
	s8 =	sadd.s32 $0xA6C00, s12  }
0xa: {  	s19 =	sand.u32 $0x1, s9;
	s9 =	sadd.s32 $0xF9400, s12;
	s15 =	smul.u32 $0x50000, s4  }
0xb: {  	s10 =	sadd.s32 $0x121400, s12;
	s11 =	sadd.s32 $0xA9400, s12;
	s31 =	ssub.s32 $0x4F1, s4  }
0xc: {  	_ =	strace $0x8000004D;
	s18 =	sadd.s32 s13, s12;
	s14 =	ssub.s32 $0x2, s19  }
.Ltmp0:
0xd: {  	s12 =	sadd.s32 $0xD1400, s12;
	s13 =	sor.u32 $0x1C02, s13;
	(pc) =	sbr.rel .LBB2_1-.Ltmp0, $4  }
0xe: {  	p0 =	sne.s32 s19, $0x0;
	s16 =	sshrl.u32 s14, $0x1;
	s30 =	sshrl.u32 s15, $0x2  }
0xf: {  	s15 =	smul.u32 $0x2800, s4;
	s17 =	sadd.s32 $0x7F800, s18;
	s18 =	sadd.s32 $0x93200, s18  }
0x10: {  	s16 =	ssub.s32 s14, s16;
	s20 =	sadd.s32 s30, s2;
	s14 =	sshrl.u32 s31, $0x4  }
0x11: {  	s16 =	smax.u32 s16, $0x1;
	s19 =	sshrl.u32 s20, $0x3;
	s20 =	simm.s32 $0x2  }
.LBB2_14:
0x12: {  	[sflag:s20] =	ssyncadd.s32 $0xFFFFC000;
	s29 =	smov.u32 s12  }
.LBB2_15:
0x13: {  	s28 =	sadd.s32 $0x1, s28  }
0x14: {  	p1 =	sne.s32 s28, s16  }
.Ltmp1:
0x15: {  	s29 =	sadd.s32 s29, s15;
	[bflag:$0x0] =	sbarrier.arrive $0xFFFF;
	(pc) =	sbr.rel @!p1 .LBB2_16-.Ltmp1, $4  }
0x16: {  	[hbm:s29], [sflag:s13] =	dma.local [spmem:s19], $0x2800  }
0x17: {  	_ =	swait.ge [sflag:s20], $0x2800  }
0x18: {  	[sflag:s20] =	ssyncset.done $0x0  }
0x19: {  	[sflag:s20] =	ssyncadd.s32 $0xFFFFD800  }
.LBB2_1:
0x1a: {  	[spmem:s19], [sflag:s13] =	dma.local [hbm:s8], $0x2800  }
.Ltmp2:
0x1b: {  	_ =	swait.ge [sflag:s20], $0x2800;
	(pc) =	sbr.rel @p0 .LBB2_5-.Ltmp2, $3  }
0x1c: {  	[sflag:s20] =	ssyncset.done $0x0  }
0x1d: {  	[sflag:s20] =	ssyncadd.s32 $0xFFFFD800  }
0x1e: {  	[bflag:$0x0] =	sbarrier.arrive $0xFFFF;
	_ =	sdelay $0x1  }
0x1f: {  	[tilespmem:s3], [sflag:$0x2] =	stream.linear.gather [hbm4b:s17+s3], $0x200, $0x38;
	[tilespmem:$0x1C200] =	vst v63  }
0x20: {  	_ =	swait.ge [sflag:s20], $0x200  }
0x21: {  	[sflag:s20] =	ssyncset.done $0x0  }
0x22: {  	[sflag:s20] =	ssyncadd.s32 $0xFFFFFE00  }
0x23: {  	[tilespmem:s22], [sflag:$0x1] =	stream.indirect.gather [hbm4b:s1+s21], $0x80, s3, s21, $0xb8;
	[tilespmem:$0x1C200] =	vst v63  }
0x24: {  	_ = 	snop  }
0x25: {  	[tilespmem:s24], [sflag:$0x1] =	stream.indirect.gather [hbm4b:s1+s21], $0x80, s23, s21, $0xb8;
	[tilespmem:$0x1C200] =	vst v63  }
0x26: {  	_ =	swait.ge [sflag:s25], $0x4000  }
0x27: {  	[sflag:s25] =	ssyncset.done $0x0  }
0x28: {  	[sflag:s25] =	ssyncadd.s32 $0xFFFFC000  }
0x29: {  	_ =	swait.ge [sflag:s25], $0x4000  }
0x2a: {  	[sflag:s25] =	ssyncset.done $0x0  }
0x2b: {  	[sflag:s25] =	ssyncadd.s32 $0xFFFFC000  }
0x2c: {  	[spmem:s2] =	stream.indirect.scatter.add.f32 [tilespmem:s22], [sflag:$0x2], $0x80, s21, s21, $0xb8;
	[tilespmem:$0x1C200] =	vst v63  }
0x2d: {  	p1 =	seq.s32 s14, $0x1;
	_ =	swait.ge [sflag:s20], $0x4000  }
.Ltmp3:
0x2e: {  	[sflag:s20] =	ssyncset.done $0x0;
	(pc) =	sbr.rel @p1 .LBB2_4-.Ltmp3, $4  }
0x2f: {  	[sflag:s20] =	ssyncadd.s32 $0xFFFFC000  }
0x30: {  	[spmem:s2] =	stream.indirect.scatter.add.f32 [tilespmem:s24], [sflag:$0x2], $0x80, s26, s21, $0xb8;
	[tilespmem:$0x1C200] =	vst v63  }
0x31: {  	_ =	swait.ge [sflag:s20], $0x4000  }
0x32: {  	s29 =	sadd.s32 $0xFFFFFFFF, s14;
	s30 =	smov.u32 s17;
	[sflag:s20] =	ssyncset.done $0x0  }
.LBB2_3:
0x33: {  	p1 =	seq.s32 s29, $0x1;
	[sflag:s20] =	ssyncadd.s32 $0xFFFFC000;
	s30 =	sadd.s32 $0x400, s30  }
0x34: {  	[tilespmem:s3], [sflag:$0x2] =	stream.linear.gather [hbm4b:s30+s3], $0x200, $0x38;
	[tilespmem:$0x1C200] =	vst v63  }
0x35: {  	s29 =	sadd.s32 $0xFFFFFFFF, s29;
	_ =	swait.ge [sflag:s20], $0x200  }
0x36: {  	[sflag:s20] =	ssyncset.done $0x0  }
0x37: {  	[sflag:s20] =	ssyncadd.s32 $0xFFFFFE00  }
0x38: {  	[tilespmem:s22], [sflag:$0x1] =	stream.indirect.gather [hbm4b:s1+s21], $0x80, s3, s21, $0xb8;
	[tilespmem:$0x1C200] =	vst v63  }
0x39: {  	_ = 	snop  }
0x3a: {  	[tilespmem:s24], [sflag:$0x1] =	stream.indirect.gather [hbm4b:s1+s21], $0x80, s23, s21, $0xb8;
	[tilespmem:$0x1C200] =	vst v63  }
0x3b: {  	_ =	swait.ge [sflag:s25], $0x4000  }
0x3c: {  	[sflag:s25] =	ssyncset.done $0x0  }
0x3d: {  	[sflag:s25] =	ssyncadd.s32 $0xFFFFC000  }
0x3e: {  	_ =	swait.ge [sflag:s25], $0x4000  }
0x3f: {  	[sflag:s25] =	ssyncset.done $0x0  }
0x40: {  	[sflag:s25] =	ssyncadd.s32 $0xFFFFC000  }
0x41: {  	[spmem:s2] =	stream.indirect.scatter.add.f32 [tilespmem:s22], [sflag:$0x2], $0x80, s21, s21, $0xb8;
	[tilespmem:$0x1C200] =	vst v63  }
0x42: {  	_ =	swait.ge [sflag:s20], $0x4000  }
.Ltmp4:
0x43: {  	[sflag:s20] =	ssyncset.done $0x0;
	(pc) =	sbr.rel @!p1 .LBB2_3-.Ltmp4, $4  }
0x44: {  	[sflag:s20] =	ssyncadd.s32 $0xFFFFC000  }
0x45: {  	[spmem:s2] =	stream.indirect.scatter.add.f32 [tilespmem:s24], [sflag:$0x2], $0x80, s26, s21, $0xb8;
	[tilespmem:$0x1C200] =	vst v63  }
0x46: {  	_ =	swait.ge [sflag:s20], $0x4000  }
0x47: {  	[sflag:s20] =	ssyncset.done $0x0  }
.LBB2_4:
.Ltmp5:
0x48: {  	(pc) =	sbr.rel .LBB2_8-.Ltmp5, $2  }
0x49: {  	_ =	sdelay $0x2  }
0x4a: {  	[sflag:s20] =	ssyncadd.s32 $0xFFFFC000;
	s29 =	smov.u32 s9  }
.LBB2_5:
0x4b: {  	[tilespmem:s3], [sflag:$0x2] =	stream.linear.gather [hbm4b:s17+s3], $0x200, $0x38;
	[tilespmem:$0x1C200] =	vst v63  }
0x4c: {  	_ =	swait.ge [sflag:s20], $0x200  }
0x4d: {  	[sflag:s20] =	ssyncset.done $0x0  }
0x4e: {  	[sflag:s20] =	ssyncadd.s32 $0xFFFFFE00  }
0x4f: {  	[tilespmem:s22], [sflag:$0x1] =	stream.indirect.gather [hbm4b:s5+s21], $0x80, s3, s21, $0xb8;
	[tilespmem:$0x1C200] =	vst v63  }
0x50: {  	_ = 	snop  }
0x51: {  	[tilespmem:s24], [sflag:$0x1] =	stream.indirect.gather [hbm4b:s5+s21], $0x80, s23, s21, $0xb8;
	[tilespmem:$0x1C200] =	vst v63  }
0x52: {  	_ =	swait.ge [sflag:s25], $0x4000  }
0x53: {  	[sflag:s25] =	ssyncset.done $0x0  }
0x54: {  	[sflag:s25] =	ssyncadd.s32 $0xFFFFC000  }
0x55: {  	_ =	swait.ge [sflag:s25], $0x4000  }
0x56: {  	[sflag:s25] =	ssyncset.done $0x0  }
0x57: {  	[sflag:s25] =	ssyncadd.s32 $0xFFFFC000  }
0x58: {  	[spmem:s2] =	stream.indirect.scatter.add.f32 [tilespmem:s22], [sflag:$0x2], $0x80, s21, s21, $0xb8;
	[tilespmem:$0x1C200] =	vst v63  }
0x59: {  	p1 =	sne.s32 s14, $0x1;
	_ =	swait.ge [sflag:s20], $0x4000  }
.Ltmp6:
0x5a: {  	[sflag:s20] =	ssyncset.done $0x0;
	(pc) =	sbr.rel @!p1 .LBB2_7-.Ltmp6, $4  }
0x5b: {  	[sflag:s20] =	ssyncadd.s32 $0xFFFFC000  }
0x5c: {  	[spmem:s2] =	stream.indirect.scatter.add.f32 [tilespmem:s24], [sflag:$0x2], $0x80, s26, s21, $0xb8;
	[tilespmem:$0x1C200] =	vst v63  }
0x5d: {  	_ =	swait.ge [sflag:s20], $0x4000  }
0x5e: {  	s29 =	sadd.s32 $0xFFFFFFFF, s14;
	s30 =	smov.u32 s17;
	[sflag:s20] =	ssyncset.done $0x0  }
.LBB2_6:
0x5f: {  	p1 =	sne.s32 s29, $0x1;
	[sflag:s20] =	ssyncadd.s32 $0xFFFFC000;
	s30 =	sadd.s32 $0x400, s30  }
0x60: {  	[tilespmem:s3], [sflag:$0x2] =	stream.linear.gather [hbm4b:s30+s3], $0x200, $0x38;
	[tilespmem:$0x1C200] =	vst v63  }
0x61: {  	s29 =	sadd.s32 $0xFFFFFFFF, s29;
	_ =	swait.ge [sflag:s20], $0x200  }
0x62: {  	[sflag:s20] =	ssyncset.done $0x0  }
0x63: {  	[sflag:s20] =	ssyncadd.s32 $0xFFFFFE00  }
0x64: {  	[tilespmem:s22], [sflag:$0x1] =	stream.indirect.gather [hbm4b:s5+s21], $0x80, s3, s21, $0xb8;
	[tilespmem:$0x1C200] =	vst v63  }
0x65: {  	_ = 	snop  }
0x66: {  	[tilespmem:s24], [sflag:$0x1] =	stream.indirect.gather [hbm4b:s5+s21], $0x80, s23, s21, $0xb8;
	[tilespmem:$0x1C200] =	vst v63  }
0x67: {  	_ =	swait.ge [sflag:s25], $0x4000  }
0x68: {  	[sflag:s25] =	ssyncset.done $0x0  }
0x69: {  	[sflag:s25] =	ssyncadd.s32 $0xFFFFC000  }
0x6a: {  	_ =	swait.ge [sflag:s25], $0x4000  }
0x6b: {  	[sflag:s25] =	ssyncset.done $0x0  }
0x6c: {  	[sflag:s25] =	ssyncadd.s32 $0xFFFFC000  }
0x6d: {  	[spmem:s2] =	stream.indirect.scatter.add.f32 [tilespmem:s22], [sflag:$0x2], $0x80, s21, s21, $0xb8;
	[tilespmem:$0x1C200] =	vst v63  }
0x6e: {  	_ =	swait.ge [sflag:s20], $0x4000  }
.Ltmp7:
0x6f: {  	[sflag:s20] =	ssyncset.done $0x0;
	(pc) =	sbr.rel @p1 .LBB2_6-.Ltmp7, $4  }
0x70: {  	[sflag:s20] =	ssyncadd.s32 $0xFFFFC000  }
0x71: {  	[spmem:s2] =	stream.indirect.scatter.add.f32 [tilespmem:s24], [sflag:$0x2], $0x80, s26, s21, $0xb8;
	[tilespmem:$0x1C200] =	vst v63  }
0x72: {  	_ =	swait.ge [sflag:s20], $0x4000  }
0x73: {  	[sflag:s20] =	ssyncset.done $0x0  }
.LBB2_7:
0x74: {  	[sflag:s20] =	ssyncadd.s32 $0xFFFFC000;
	s29 =	smov.u32 s10  }
.LBB2_8:
0x75: {  	s29 =	sadd.s32 s29, s15;
	[bflag:$0x0] =	sbarrier.arrive $0xFFFF  }
0x76: {  	[hbm:s29], [sflag:s13] =	dma.local [spmem:s19], $0x2800  }
0x77: {  	_ =	swait.ge [sflag:s20], $0x2800  }
0x78: {  	[sflag:s20] =	ssyncset.done $0x0  }
0x79: {  	[sflag:s20] =	ssyncadd.s32 $0xFFFFD800  }
0x7a: {  	[spmem:s19], [sflag:s13] =	dma.local [hbm:s8], $0x2800  }
.Ltmp8:
0x7b: {  	_ =	swait.ge [sflag:s20], $0x2800;
	(pc) =	sbr.rel @p0 .LBB2_12-.Ltmp8, $3  }
0x7c: {  	[sflag:s20] =	ssyncset.done $0x0  }
0x7d: {  	[sflag:s20] =	ssyncadd.s32 $0xFFFFD800  }
0x7e: {  	[bflag:$0x0] =	sbarrier.arrive $0xFFFF;
	_ =	sdelay $0x1  }
0x7f: {  	[tilespmem:s3], [sflag:$0x2] =	stream.linear.gather [hbm4b:s18+s3], $0x200, $0x38;
	[tilespmem:$0x1C200] =	vst v63  }
0x80: {  	_ =	swait.ge [sflag:s20], $0x200  }
0x81: {  	[sflag:s20] =	ssyncset.done $0x0  }
0x82: {  	[sflag:s20] =	ssyncadd.s32 $0xFFFFFE00  }
0x83: {  	[tilespmem:s22], [sflag:$0x1] =	stream.indirect.gather [hbm4b:s6+s21], $0x80, s3, s21, $0xb8;
	[tilespmem:$0x1C200] =	vst v63  }
0x84: {  	_ = 	snop  }
0x85: {  	[tilespmem:s24], [sflag:$0x1] =	stream.indirect.gather [hbm4b:s6+s21], $0x80, s23, s21, $0xb8;
	[tilespmem:$0x1C200] =	vst v63  }
0x86: {  	_ =	swait.ge [sflag:s25], $0x4000  }
0x87: {  	[sflag:s25] =	ssyncset.done $0x0  }
0x88: {  	[sflag:s25] =	ssyncadd.s32 $0xFFFFC000  }
0x89: {  	_ =	swait.ge [sflag:s25], $0x4000  }
0x8a: {  	[sflag:s25] =	ssyncset.done $0x0  }
0x8b: {  	[sflag:s25] =	ssyncadd.s32 $0xFFFFC000  }
0x8c: {  	[spmem:s2] =	stream.indirect.scatter.add.f32 [tilespmem:s22], [sflag:$0x2], $0x80, s21, s21, $0xb8;
	[tilespmem:$0x1C200] =	vst v63  }
0x8d: {  	p1 =	seq.s32 s14, $0x1;
	_ =	swait.ge [sflag:s20], $0x4000  }
.Ltmp9:
0x8e: {  	[sflag:s20] =	ssyncset.done $0x0;
	(pc) =	sbr.rel @p1 .LBB2_11-.Ltmp9, $4  }
0x8f: {  	[sflag:s20] =	ssyncadd.s32 $0xFFFFC000  }
0x90: {  	[spmem:s2] =	stream.indirect.scatter.add.f32 [tilespmem:s24], [sflag:$0x2], $0x80, s26, s21, $0xb8;
	[tilespmem:$0x1C200] =	vst v63  }
0x91: {  	_ =	swait.ge [sflag:s20], $0x4000  }
0x92: {  	s29 =	sadd.s32 $0xFFFFFFFF, s14;
	s30 =	smov.u32 s18;
	[sflag:s20] =	ssyncset.done $0x0  }
.LBB2_10:
0x93: {  	p1 =	seq.s32 s29, $0x1;
	[sflag:s20] =	ssyncadd.s32 $0xFFFFC000;
	s30 =	sadd.s32 $0x400, s30  }
0x94: {  	[tilespmem:s3], [sflag:$0x2] =	stream.linear.gather [hbm4b:s30+s3], $0x200, $0x38;
	[tilespmem:$0x1C200] =	vst v63  }
0x95: {  	s29 =	sadd.s32 $0xFFFFFFFF, s29;
	_ =	swait.ge [sflag:s20], $0x200  }
0x96: {  	[sflag:s20] =	ssyncset.done $0x0  }
0x97: {  	[sflag:s20] =	ssyncadd.s32 $0xFFFFFE00  }
0x98: {  	[tilespmem:s22], [sflag:$0x1] =	stream.indirect.gather [hbm4b:s6+s21], $0x80, s3, s21, $0xb8;
	[tilespmem:$0x1C200] =	vst v63  }
0x99: {  	_ = 	snop  }
0x9a: {  	[tilespmem:s24], [sflag:$0x1] =	stream.indirect.gather [hbm4b:s6+s21], $0x80, s23, s21, $0xb8;
	[tilespmem:$0x1C200] =	vst v63  }
0x9b: {  	_ =	swait.ge [sflag:s25], $0x4000  }
0x9c: {  	[sflag:s25] =	ssyncset.done $0x0  }
0x9d: {  	[sflag:s25] =	ssyncadd.s32 $0xFFFFC000  }
0x9e: {  	_ =	swait.ge [sflag:s25], $0x4000  }
0x9f: {  	[sflag:s25] =	ssyncset.done $0x0  }
0xa0: {  	[sflag:s25] =	ssyncadd.s32 $0xFFFFC000  }
0xa1: {  	[spmem:s2] =	stream.indirect.scatter.add.f32 [tilespmem:s22], [sflag:$0x2], $0x80, s21, s21, $0xb8;
	[tilespmem:$0x1C200] =	vst v63  }
0xa2: {  	_ =	swait.ge [sflag:s20], $0x4000  }
.Ltmp10:
0xa3: {  	[sflag:s20] =	ssyncset.done $0x0;
	(pc) =	sbr.rel @!p1 .LBB2_10-.Ltmp10, $4  }
0xa4: {  	[sflag:s20] =	ssyncadd.s32 $0xFFFFC000  }
0xa5: {  	[spmem:s2] =	stream.indirect.scatter.add.f32 [tilespmem:s24], [sflag:$0x2], $0x80, s26, s21, $0xb8;
	[tilespmem:$0x1C200] =	vst v63  }
0xa6: {  	_ =	swait.ge [sflag:s20], $0x4000  }
0xa7: {  	[sflag:s20] =	ssyncset.done $0x0  }
.LBB2_11:
.Ltmp11:
0xa8: {  	(pc) =	sbr.rel .LBB2_15-.Ltmp11, $2  }
0xa9: {  	_ =	sdelay $0x2  }
0xaa: {  	[sflag:s20] =	ssyncadd.s32 $0xFFFFC000;
	s29 =	smov.u32 s11  }
.LBB2_12:
0xab: {  	[tilespmem:s3], [sflag:$0x2] =	stream.linear.gather [hbm4b:s18+s3], $0x200, $0x38;
	[tilespmem:$0x1C200] =	vst v63  }
0xac: {  	_ =	swait.ge [sflag:s20], $0x200  }
0xad: {  	[sflag:s20] =	ssyncset.done $0x0  }
0xae: {  	[sflag:s20] =	ssyncadd.s32 $0xFFFFFE00  }
0xaf: {  	[tilespmem:s22], [sflag:$0x1] =	stream.indirect.gather [hbm4b:s7+s21], $0x80, s3, s21, $0xb8;
	[tilespmem:$0x1C200] =	vst v63  }
0xb0: {  	_ = 	snop  }
0xb1: {  	[tilespmem:s24], [sflag:$0x1] =	stream.indirect.gather [hbm4b:s7+s21], $0x80, s23, s21, $0xb8;
	[tilespmem:$0x1C200] =	vst v63  }
0xb2: {  	_ =	swait.ge [sflag:s25], $0x4000  }
0xb3: {  	[sflag:s25] =	ssyncset.done $0x0  }
0xb4: {  	[sflag:s25] =	ssyncadd.s32 $0xFFFFC000  }
0xb5: {  	_ =	swait.ge [sflag:s25], $0x4000  }
0xb6: {  	[sflag:s25] =	ssyncset.done $0x0  }
0xb7: {  	[sflag:s25] =	ssyncadd.s32 $0xFFFFC000  }
0xb8: {  	[spmem:s2] =	stream.indirect.scatter.add.f32 [tilespmem:s22], [sflag:$0x2], $0x80, s21, s21, $0xb8;
	[tilespmem:$0x1C200] =	vst v63  }
0xb9: {  	p1 =	sne.s32 s14, $0x1;
	_ =	swait.ge [sflag:s20], $0x4000  }
.Ltmp12:
0xba: {  	[sflag:s20] =	ssyncset.done $0x0;
	(pc) =	sbr.rel @!p1 .LBB2_14-.Ltmp12, $4  }
0xbb: {  	[sflag:s20] =	ssyncadd.s32 $0xFFFFC000  }
0xbc: {  	[spmem:s2] =	stream.indirect.scatter.add.f32 [tilespmem:s24], [sflag:$0x2], $0x80, s26, s21, $0xb8;
	[tilespmem:$0x1C200] =	vst v63  }
0xbd: {  	_ =	swait.ge [sflag:s20], $0x4000  }
0xbe: {  	s29 =	sadd.s32 $0xFFFFFFFF, s14;
	s30 =	smov.u32 s18;
	[sflag:s20] =	ssyncset.done $0x0  }
.LBB2_13:
0xbf: {  	p1 =	sne.s32 s29, $0x1;
	[sflag:s20] =	ssyncadd.s32 $0xFFFFC000;
	s30 =	sadd.s32 $0x400, s30  }
0xc0: {  	[tilespmem:s3], [sflag:$0x2] =	stream.linear.gather [hbm4b:s30+s3], $0x200, $0x38;
	[tilespmem:$0x1C200] =	vst v63  }
0xc1: {  	s29 =	sadd.s32 $0xFFFFFFFF, s29;
	_ =	swait.ge [sflag:s20], $0x200  }
0xc2: {  	[sflag:s20] =	ssyncset.done $0x0  }
0xc3: {  	[sflag:s20] =	ssyncadd.s32 $0xFFFFFE00  }
0xc4: {  	[tilespmem:s22], [sflag:$0x1] =	stream.indirect.gather [hbm4b:s7+s21], $0x80, s3, s21, $0xb8;
	[tilespmem:$0x1C200] =	vst v63  }
0xc5: {  	_ = 	snop  }
0xc6: {  	[tilespmem:s24], [sflag:$0x1] =	stream.indirect.gather [hbm4b:s7+s21], $0x80, s23, s21, $0xb8;
	[tilespmem:$0x1C200] =	vst v63  }
0xc7: {  	_ =	swait.ge [sflag:s25], $0x4000  }
0xc8: {  	[sflag:s25] =	ssyncset.done $0x0  }
0xc9: {  	[sflag:s25] =	ssyncadd.s32 $0xFFFFC000  }
0xca: {  	_ =	swait.ge [sflag:s25], $0x4000  }
0xcb: {  	[sflag:s25] =	ssyncset.done $0x0  }
0xcc: {  	[sflag:s25] =	ssyncadd.s32 $0xFFFFC000  }
0xcd: {  	[spmem:s2] =	stream.indirect.scatter.add.f32 [tilespmem:s22], [sflag:$0x2], $0x80, s21, s21, $0xb8;
	[tilespmem:$0x1C200] =	vst v63  }
0xce: {  	_ =	swait.ge [sflag:s20], $0x4000  }
.Ltmp13:
0xcf: {  	[sflag:s20] =	ssyncset.done $0x0;
	(pc) =	sbr.rel @p1 .LBB2_13-.Ltmp13, $4  }
0xd0: {  	[sflag:s20] =	ssyncadd.s32 $0xFFFFC000  }
0xd1: {  	[spmem:s2] =	stream.indirect.scatter.add.f32 [tilespmem:s24], [sflag:$0x2], $0x80, s26, s21, $0xb8;
	[tilespmem:$0x1C200] =	vst v63  }
0xd2: {  	_ =	swait.ge [sflag:s20], $0x4000  }
0xd3: {  	[sflag:s20] =	ssyncset.done $0x0  }
.Ltmp14:
0xd4: {  	_ = 	snop;
	(pc) =	sbr.rel .LBB2_14-.Ltmp14, $1  }
0xd5: {  	_ =	sdelay $0x3  }
.LBB2_16:
0xd6: {  	_ =	sfence.sel $0x180000  }
0xd7: {  	[bflag:$0x0] =	sbarrier.arrive $0xFFFF  }
0xd8: {  	p0 =	sne.s32 s4, $0x0;
	_ =	strace $0x9000004D  }
0xd9: {  	s0 =	sadd.s32 @!p0 $0x100000, s0;
	[bflag:$0x2] =	sbarrier.arrive $0xFFFF  }
0xda: {  	[sflag:s0] =	ssyncadd.tile.s32 @!p0 $0x1;
	_ =	shalt  }
.Lfunc_end2:
_tile_overlayer_lowered:
.L_overlay_start_2:
0xdb: {  	(tag) =	ssettag $0x2  }
0xdc: {  	s0 =	rddreg [dreg:$0x0];
	s2 =	stileid.u32  }
0xdd: {  	s1 =	rddreg [dreg:$0x1];
	p0 =	sne.s32 s2, $0x0  }
0xde: {  	s3 =	rddreg [dreg:$0x2];
	[bflag:$0x3] =	sbarrier.arrive $0xFFFF;
	s2 =	simm.s32 @!p0 $0x1C02  }
0xdf: {  	[timem:s3], [sflag:s2] =	dma.local @!p0 [hbm:s0], s1  }
0xe0: {  	s0 =	simm.s32 @!p0 $0x2  }
0xe1: {  	_ =	swait.ge @!p0 [sflag:s0], s1  }
0xe2: {  	s1 =	ssub.s32 @!p0 $0x0, s1;
	[sflag:s0] =	ssyncset.done @!p0 $0x0  }
0xe3: {  	[sflag:s0] =	ssyncadd.s32 @!p0 s1  }
0xe4: {  	[bflag:$0x3] =	sbarrier.arrive $0xFFFF  }
0xe5: {  	_ =	shalt  }

</sc_bundles>
